<compile_context>
chip_gen: v7x
topology: tpu7x:2x2x1
jax: 0.10.2.dev20260603
libtpu: 0.0.44.dev20260713+nightly
codegen_flags: <defaults>
</compile_context>

<pallas_src>
import functools

import jax
import jax.numpy as jnp
from jax import lax
from jax.experimental import pallas as pl
from jax.experimental.pallas import tpu as pltpu
from jax.experimental.pallas import tpu_sc as plsc

NC = 2
NS = 16
NW = NC * NS
L = 16

B = 131072
D = 64
N = 1000000

B_PER_W = B // NW
R = N // NW
SPAD = 31264
ICH = 4096
N_ICH = B // ICH
CAP = 8192
CB = 128
NBUF = 8
NB_FULL = R // CB
TAIL = R - NB_FULL * CB

_mesh = plsc.VectorSubcoreMesh(
    core_axis_name="c", subcore_axis_name="s", num_cores=NC, num_subcores=NS
)

_params = pltpu.CompilerParams(
    use_tc_tiling_on_sc=False, needs_layout_passes=False
)

_i32 = jnp.int32
_f32 = jnp.float32


@functools.partial(
    pl.kernel,
    out_type=jax.ShapeDtypeStruct((N, D), _f32),
    mesh=_mesh,
    compiler_params=_params,
    scratch_types=[
        pltpu.VMEM((SPAD,), _i32),
        pltpu.VMEM((ICH,), _i32),
        pltpu.VMEM((CAP,), _i32),
        pltpu.VMEM((CAP,), _i32),
    ]
    + [pltpu.VMEM((CB, D), _f32) for _ in range(NBUF)]
    + [
        pltpu.SemaphoreType.DMA,
        pltpu.SemaphoreType.DMA,
    ],
)
def _sc_scatter(mem, idx, val, new_mem,
                stamp, idx_v, pos_list, row_list,
                b0, b1, b2, b3, b4, b5, b6, b7,
                isem, osem):
    cbs = (b0, b1, b2, b3, b4, b5, b6, b7)
    wid = lax.axis_index("s") * NC + lax.axis_index("c")
    lo = wid * R
    lanes = lax.iota(_i32, L)
    neg1 = jnp.full((L,), -1, _i32)

    def init_body(j, _):
        stamp[pl.ds(j * L, L)] = neg1
        return 0
    lax.fori_loop(0, SPAD // L, init_body, 0)

    def scan_chunk(c, _):
        @pl.when(c >= 1)
        def _():
            for s in range(NBUF):
                b = NBUF * (c - 1) + s

                @pl.when(b < NB_FULL)
                def _():
                    off = lo + b * CB
                    pltpu.make_async_copy(
                        cbs[s], new_mem.at[pl.ds(off, CB)], osem
                    ).wait()

        for s in range(NBUF):
            b = NBUF * c + s

            @pl.when(b < NB_FULL)
            def _():
                off = lo + b * CB
                pltpu.async_copy(mem.at[pl.ds(off, CB)], cbs[s], isem)

        pltpu.sync_copy(idx.at[pl.ds(c * ICH, ICH)], idx_v)

        def scan_vreg(j, _):
            for u in range(4):
                v = idx_v[pl.ds((j * 4 + u) * L, L)]
                local = v - lo
                pos = (c * ICH + (j * 4 + u) * L) + lanes
                own = (local >= 0) & (local < R)
                _, lastocc = plsc.scan_count(v, mask=own)
                m = own & lastocc
                plsc.store_scatter(stamp, [local], pos, mask=m)
            return 0

        lax.fori_loop(0, ICH // L // 4, scan_vreg, 0)

        for s in range(NBUF):
            b = NBUF * c + s

            @pl.when(b < NB_FULL)
            def _():
                off = lo + b * CB
                pltpu.make_async_copy(
                    mem.at[pl.ds(off, CB)], cbs[s], isem
                ).wait()
                pltpu.async_copy(cbs[s], new_mem.at[pl.ds(off, CB)], osem)
        return 0

    lax.fori_loop(0, N_ICH, scan_chunk, 0)
    for s in range(NBUF):
        b = NBUF * (N_ICH - 1) + s

        @pl.when(b < NB_FULL)
        def _():
            off = lo + b * CB
            pltpu.make_async_copy(
                cbs[s], new_mem.at[pl.ds(off, CB)], osem
            ).wait()
    t_off = lo + NB_FULL * CB
    pltpu.sync_copy(mem.at[pl.ds(t_off, TAIL)], b0.at[pl.ds(0, TAIL)])
    pltpu.sync_copy(b0.at[pl.ds(0, TAIL)], new_mem.at[pl.ds(t_off, TAIL)])

    def extract(j, cursor):
        s = stamp[pl.ds(j * L, L)]
        m = s >= 0
        cnt = jnp.sum(m.astype(_i32))
        cur = jnp.minimum(cursor, CAP - L)
        rows = (lo + j * L) + lanes
        plsc.store_compressed(pos_list.at[pl.ds(cur, L)], s, mask=m)
        plsc.store_compressed(row_list.at[pl.ds(cur, L)], rows, mask=m)
        return cursor + cnt

    count = lax.fori_loop(0, SPAD // L, extract, jnp.asarray(0, _i32))
    count = jnp.minimum(count, CAP)

    w0 = pos_list[pl.ds(0, L)]
    r0 = row_list[pl.ds(0, L)]
    p0 = jnp.sum(jnp.where(lanes == 0, w0, 0))
    q0 = jnp.sum(jnp.where(lanes == 0, r0, 0))
    padp = jnp.full((L,), 1, _i32) * p0
    padq = jnp.full((L,), 1, _i32) * q0

    nblocks = (count + CB - 1) // CB
    cend = nblocks * CB
    j0 = (count // L) * L

    def pad_body(t, _):
        base = t * L
        keep = (base + lanes) < count
        wp = jnp.where(keep, pos_list[pl.ds(base, L)], padp)
        rp = jnp.where(keep, row_list[pl.ds(base, L)], padq)
        pos_list[pl.ds(base, L)] = wp
        row_list[pl.ds(base, L)] = rp
        return 0

    lax.fori_loop(j0 // L, cend // L, pad_body, 0)

    def move_group(g, _):
        for s in range(NBUF):
            b = NBUF * g + s

            @pl.when(b < nblocks)
            def _():
                pltpu.async_copy(
                    val.at[pos_list.at[pl.ds(b * CB, CB)]], cbs[s], isem
                )
        for s in range(NBUF):
            b = NBUF * g + s

            @pl.when(b < nblocks)
            def _():
                pltpu.make_async_copy(
                    val.at[pos_list.at[pl.ds(b * CB, CB)]], cbs[s], isem
                ).wait()
                pltpu.async_copy(
                    cbs[s], new_mem.at[row_list.at[pl.ds(b * CB, CB)]], osem
                )
        for s in range(NBUF):
            b = NBUF * g + s

            @pl.when(b < nblocks)
            def _():
                pltpu.make_async_copy(
                    cbs[s], new_mem.at[row_list.at[pl.ds(b * CB, CB)]], osem
                ).wait()
        return 0

    lax.fori_loop(0, (nblocks + NBUF - 1) // NBUF, move_group, 0)


@functools.partial(
    pl.kernel,
    out_type=jax.ShapeDtypeStruct((B, D), _f32),
    mesh=_mesh,
    compiler_params=_params,
    scratch_types=[
        pltpu.VMEM((B_PER_W,), _i32),
    ]
    + [pltpu.VMEM((CB, D), _f32) for _ in range(NBUF)]
    + [
        pltpu.SemaphoreType.DMA,
        pltpu.SemaphoreType.DMA,
    ],
)
def _sc_gather(mem, idx, pulled,
               idx_v, b0, b1, b2, b3, b4, b5, b6, b7, isem, osem):
    cbs = (b0, b1, b2, b3, b4, b5, b6, b7)
    wid = lax.axis_index("s") * NC + lax.axis_index("c")
    base = wid * B_PER_W
    pltpu.sync_copy(idx.at[pl.ds(base, B_PER_W)], idx_v)
    for g in range(B_PER_W // (NBUF * CB)):
        for s in range(NBUF):
            k = (NBUF * g + s) * CB
            pltpu.async_copy(mem.at[idx_v.at[pl.ds(k, CB)]], cbs[s], isem)
        for s in range(NBUF):
            k = (NBUF * g + s) * CB
            pltpu.make_async_copy(
                mem.at[idx_v.at[pl.ds(k, CB)]], cbs[s], isem
            ).wait()
            pltpu.async_copy(cbs[s], pulled.at[pl.ds(base + k, CB)], osem)
        for s in range(NBUF):
            k = (NBUF * g + s) * CB
            pltpu.make_async_copy(
                cbs[s], pulled.at[pl.ds(base + k, CB)], osem
            ).wait()


def kernel(mem, idx, val):
    new_mem = _sc_scatter(mem, idx, val)
    pulled = _sc_gather(mem, idx)
    return pulled, new_mem

# --- scband reference (transcript-rebuilt; emitter-appended) ---
"""Pipeline reference for scband-async-iopool-23227183137167 (READ-ONLY COPY).

The authoritative reference and input builder live on the scoring server;
editing this copy changes nothing except your own understanding.
"""

import jax, jax.numpy as jnp
import numpy as np

# Functional model of AsyncIOPool from pyg_autoscale.
# The module itself is an async I/O staging pool whose semantics are:
#   read_async(src, offset, count, index, cuda_buf, cpu_buf): gather rows src[index] into a
#     fixed-size buffer (a pull of embedding rows from a big host-resident table).
#   write_async(src, offset, count, dst): scatter-overwrite buffer rows back into the big table.
# We model one pull + one push round-trip on a pool buffer of shape
# [buffer_size=131072, embedding_dim=64] against a memory of 1,000,000 rows.

POOL_SIZE = 4
BUFFER_SIZE = 131072
EMBEDDING_DIM = 64
NUM_ROWS = 1000000


def setup_inputs(seed: int = 0) -> dict:
    key = jax.random.key(seed)
    k1, k2, k3 = jax.random.split(key, 3)
    mem = jax.random.normal(k1, (NUM_ROWS, EMBEDDING_DIM), dtype=jnp.float32)
    idx = jax.random.randint(k2, (BUFFER_SIZE,), 0, NUM_ROWS, dtype=jnp.int32)
    val = jax.random.normal(k3, (BUFFER_SIZE, EMBEDDING_DIM), dtype=jnp.float32)
    return {"mem": mem, "idx": idx, "val": val}


def reference(mem, idx, val):
    # async_pull -> synchronize_pull: gather rows from the big memory into the pool buffer
    pulled = jnp.take(mem, idx, axis=0)
    # async_push -> synchronize_push: scatter-overwrite buffer contents back into memory
    new_mem = mem.at[idx].set(val)
    return pulled, new_mem

if __name__ == "__main__":
    import jax
    _d = setup_inputs()
    print(jax.jit(kernel)(*tuple(_d.values())))

</pallas_src>

<mosaic_0001>
#map = affine_map<(d0, d1) -> (0, 0)>
#map1 = affine_map<(d0, d1) -> (0)>
module attributes {stable_mosaic.version = 14 : i64} {
  func.func @_sc_gather(%arg0: i32, %arg1: i32, %arg2: memref<1000000x64xf32, #tpu.memory_space<hbm>>, %arg3: memref<131072xi32, #tpu.memory_space<hbm>>, %arg4: memref<131072x64xf32, #tpu.memory_space<hbm>>, %arg5: memref<4096xi32, #tpu.memory_space<vmem>>, %arg6: memref<128x64xf32, #tpu.memory_space<vmem>>, %arg7: memref<128x64xf32, #tpu.memory_space<vmem>>, %arg8: memref<128x64xf32, #tpu.memory_space<vmem>>, %arg9: memref<128x64xf32, #tpu.memory_space<vmem>>, %arg10: memref<128x64xf32, #tpu.memory_space<vmem>>, %arg11: memref<128x64xf32, #tpu.memory_space<vmem>>, %arg12: memref<128x64xf32, #tpu.memory_space<vmem>>, %arg13: memref<128x64xf32, #tpu.memory_space<vmem>>, %arg14: memref<!tpu.dma_semaphore, #tpu.memory_space<semaphore_mem>>, %arg15: memref<!tpu.dma_semaphore, #tpu.memory_space<semaphore_mem>>) attributes {dimension_semantics = [#tpu.dimension_semantics<core_parallel>, #tpu.dimension_semantics<subcore_parallel>], iteration_bounds = array<i64: 2, 16>, scalar_prefetch = 0 : i64, scratch_operands = 11 : i64, tpu.core_type = #tpu.core_type<sc_vector_subcore>, window_params = [{transform_indices = #map}, {transform_indices = #map1}, {transform_indices = #map}]} {
    %mul3A = arith.constant 2 : i32
    %mul3A_0 = arith.muli %arg1, %mul3A : i32
    %add3A = arith.addi %mul3A_0, %arg0 : i32
    %mul3A_1 = arith.constant 4096 : i32
    %mul3A_2 = arith.muli %add3A, %mul3A_1 : i32
    "tpu.region"() ({
      %run_scoped3A = tpu.sem_alloc : memref<!tpu.dma_semaphore, #tpu.memory_space<semaphore_mem>>
      %dma_start3A_705 = tpu.memref_slice %arg3[%mul3A_2] : memref<131072xi32, #tpu.memory_space<hbm>> -> memref<4096xi32, #tpu.memory_space<hbm>>
      %dma_start3A_706 = tpu.memref_slice %arg3[%mul3A_2] : memref<131072xi32, #tpu.memory_space<hbm>> -> memref<4096xi32, #tpu.memory_space<hbm>>
      tpu.enqueue_dma source(%dma_start3A_706 : memref<4096xi32, #tpu.memory_space<hbm>>) target(%arg5 : memref<4096xi32, #tpu.memory_space<vmem>>) target_semaphore(%run_scoped3A : memref<!tpu.dma_semaphore, #tpu.memory_space<semaphore_mem>>)
      %dma_wait3A_707 = tpu.memref_slice %arg3[%mul3A_2] : memref<131072xi32, #tpu.memory_space<hbm>> -> memref<4096xi32, #tpu.memory_space<hbm>>
      %dma_wait3A_708 = tpu.memref_slice %arg3[%mul3A_2] : memref<131072xi32, #tpu.memory_space<hbm>> -> memref<4096xi32, #tpu.memory_space<hbm>>
      tpu.wait_dma2 semaphore(%run_scoped3A : memref<!tpu.dma_semaphore, #tpu.memory_space<semaphore_mem>>) src(%dma_wait3A_708 : memref<4096xi32, #tpu.memory_space<hbm>>) dst(%arg5 : memref<4096xi32, #tpu.memory_space<vmem>>)
      tpu.yield
    }) : () -> ()
    %dma_start3A = arith.constant 0 : i32
    %dma_start3A_3 = tpu.memref_slice %arg5[%dma_start3A] : memref<4096xi32, #tpu.memory_space<vmem>> -> memref<128xi32, #tpu.memory_space<vmem>>
    %dma_start3A_4 = arith.constant 0 : i32
    %dma_start3A_5 = arith.constant 0 : i32
    %dma_start3A_6 = tpu.memref_slice %arg2[%dma_start3A_4, %dma_start3A_5] : memref<1000000x64xf32, #tpu.memory_space<hbm>> -> memref<1000000x64xf32, #tpu.memory_space<hbm>>
    tpu.enqueue_indirect_dma source(%dma_start3A_6 : memref<1000000x64xf32, #tpu.memory_space<hbm>>) target(%arg6 : memref<128x64xf32, #tpu.memory_space<vmem>>) offsets(%dma_start3A_3 : memref<128xi32, #tpu.memory_space<vmem>>) semaphore(%arg14 : memref<!tpu.dma_semaphore, #tpu.memory_space<semaphore_mem>>)
    %dma_start3A_7 = arith.constant 128 : i32
    %dma_start3A_8 = tpu.memref_slice %arg5[%dma_start3A_7] : memref<4096xi32, #tpu.memory_space<vmem>> -> memref<128xi32, #tpu.memory_space<vmem>>
    %dma_start3A_9 = arith.constant 0 : i32
    %dma_start3A_10 = arith.constant 0 : i32
    %dma_start3A_11 = tpu.memref_slice %arg2[%dma_start3A_9, %dma_start3A_10] : memref<1000000x64xf32, #tpu.memory_space<hbm>> -> memref<1000000x64xf32, #tpu.memory_space<hbm>>
    tpu.enqueue_indirect_dma source(%dma_start3A_11 : memref<1000000x64xf32, #tpu.memory_space<hbm>>) target(%arg7 : memref<128x64xf32, #tpu.memory_space<vmem>>) offsets(%dma_start3A_8 : memref<128xi32, #tpu.memory_space<vmem>>) semaphore(%arg14 : memref<!tpu.dma_semaphore, #tpu.memory_space<semaphore_mem>>)
    %dma_start3A_12 = arith.constant 256 : i32
    %dma_start3A_13 = tpu.memref_slice %arg5[%dma_start3A_12] : memref<4096xi32, #tpu.memory_space<vmem>> -> memref<128xi32, #tpu.memory_space<vmem>>
    %dma_start3A_14 = arith.constant 0 : i32
    %dma_start3A_15 = arith.constant 0 : i32
    %dma_start3A_16 = tpu.memref_slice %arg2[%dma_start3A_14, %dma_start3A_15] : memref<1000000x64xf32, #tpu.memory_space<hbm>> -> memref<1000000x64xf32, #tpu.memory_space<hbm>>
    tpu.enqueue_indirect_dma source(%dma_start3A_16 : memref<1000000x64xf32, #tpu.memory_space<hbm>>) target(%arg8 : memref<128x64xf32, #tpu.memory_space<vmem>>) offsets(%dma_start3A_13 : memref<128xi32, #tpu.memory_space<vmem>>) semaphore(%arg14 : memref<!tpu.dma_semaphore, #tpu.memory_space<semaphore_mem>>)
    %dma_start3A_17 = arith.constant 384 : i32
    %dma_start3A_18 = tpu.memref_slice %arg5[%dma_start3A_17] : memref<4096xi32, #tpu.memory_space<vmem>> -> memref<128xi32, #tpu.memory_space<vmem>>
    %dma_start3A_19 = arith.constant 0 : i32
    %dma_start3A_20 = arith.constant 0 : i32
    %dma_start3A_21 = tpu.memref_slice %arg2[%dma_start3A_19, %dma_start3A_20] : memref<1000000x64xf32, #tpu.memory_space<hbm>> -> memref<1000000x64xf32, #tpu.memory_space<hbm>>
    tpu.enqueue_indirect_dma source(%dma_start3A_21 : memref<1000000x64xf32, #tpu.memory_space<hbm>>) target(%arg9 : memref<128x64xf32, #tpu.memory_space<vmem>>) offsets(%dma_start3A_18 : memref<128xi32, #tpu.memory_space<vmem>>) semaphore(%arg14 : memref<!tpu.dma_semaphore, #tpu.memory_space<semaphore_mem>>)
    %dma_start3A_22 = arith.constant 512 : i32
    %dma_start3A_23 = tpu.memref_slice %arg5[%dma_start3A_22] : memref<4096xi32, #tpu.memory_space<vmem>> -> memref<128xi32, #tpu.memory_space<vmem>>
    %dma_start3A_24 = arith.constant 0 : i32
    %dma_start3A_25 = arith.constant 0 : i32
    %dma_start3A_26 = tpu.memref_slice %arg2[%dma_start3A_24, %dma_start3A_25] : memref<1000000x64xf32, #tpu.memory_space<hbm>> -> memref<1000000x64xf32, #tpu.memory_space<hbm>>
    tpu.enqueue_indirect_dma source(%dma_start3A_26 : memref<1000000x64xf32, #tpu.memory_space<hbm>>) target(%arg10 : memref<128x64xf32, #tpu.memory_space<vmem>>) offsets(%dma_start3A_23 : memref<128xi32, #tpu.memory_space<vmem>>) semaphore(%arg14 : memref<!tpu.dma_semaphore, #tpu.memory_space<semaphore_mem>>)
    %dma_start3A_27 = arith.constant 640 : i32
    %dma_start3A_28 = tpu.memref_slice %arg5[%dma_start3A_27] : memref<4096xi32, #tpu.memory_space<vmem>> -> memref<128xi32, #tpu.memory_space<vmem>>
    %dma_start3A_29 = arith.constant 0 : i32
    %dma_start3A_30 = arith.constant 0 : i32
    %dma_start3A_31 = tpu.memref_slice %arg2[%dma_start3A_29, %dma_start3A_30] : memref<1000000x64xf32, #tpu.memory_space<hbm>> -> memref<1000000x64xf32, #tpu.memory_space<hbm>>
    tpu.enqueue_indirect_dma source(%dma_start3A_31 : memref<1000000x64xf32, #tpu.memory_space<hbm>>) target(%arg11 : memref<128x64xf32, #tpu.memory_space<vmem>>) offsets(%dma_start3A_28 : memref<128xi32, #tpu.memory_space<vmem>>) semaphore(%arg14 : memref<!tpu.dma_semaphore, #tpu.memory_space<semaphore_mem>>)
    %dma_start3A_32 = arith.constant 768 : i32
    %dma_start3A_33 = tpu.memref_slice %arg5[%dma_start3A_32] : memref<4096xi32, #tpu.memory_space<vmem>> -> memref<128xi32, #tpu.memory_space<vmem>>
    %dma_start3A_34 = arith.constant 0 : i32
    %dma_start3A_35 = arith.constant 0 : i32
    %dma_start3A_36 = tpu.memref_slice %arg2[%dma_start3A_34, %dma_start3A_35] : memref<1000000x64xf32, #tpu.memory_space<hbm>> -> memref<1000000x64xf32, #tpu.memory_space<hbm>>
    tpu.enqueue_indirect_dma source(%dma_start3A_36 : memref<1000000x64xf32, #tpu.memory_space<hbm>>) target(%arg12 : memref<128x64xf32, #tpu.memory_space<vmem>>) offsets(%dma_start3A_33 : memref<128xi32, #tpu.memory_space<vmem>>) semaphore(%arg14 : memref<!tpu.dma_semaphore, #tpu.memory_space<semaphore_mem>>)
    %dma_start3A_37 = arith.constant 896 : i32
    %dma_start3A_38 = tpu.memref_slice %arg5[%dma_start3A_37] : memref<4096xi32, #tpu.memory_space<vmem>> -> memref<128xi32, #tpu.memory_space<vmem>>
    %dma_start3A_39 = arith.constant 0 : i32
    %dma_start3A_40 = arith.constant 0 : i32
    %dma_start3A_41 = tpu.memref_slice %arg2[%dma_start3A_39, %dma_start3A_40] : memref<1000000x64xf32, #tpu.memory_space<hbm>> -> memref<1000000x64xf32, #tpu.memory_space<hbm>>
    tpu.enqueue_indirect_dma source(%dma_start3A_41 : memref<1000000x64xf32, #tpu.memory_space<hbm>>) target(%arg13 : memref<128x64xf32, #tpu.memory_space<vmem>>) offsets(%dma_start3A_38 : memref<128xi32, #tpu.memory_space<vmem>>) semaphore(%arg14 : memref<!tpu.dma_semaphore, #tpu.memory_space<semaphore_mem>>)
    %dma_wait3A = arith.constant 0 : i32
    %dma_wait3A_42 = tpu.memref_slice %arg5[%dma_wait3A] : memref<4096xi32, #tpu.memory_space<vmem>> -> memref<128xi32, #tpu.memory_space<vmem>>
    %dma_wait3A_43 = arith.constant 0 : i32
    %dma_wait3A_44 = arith.constant 0 : i32
    %dma_wait3A_45 = tpu.memref_slice %arg2[%dma_wait3A_43, %dma_wait3A_44] : memref<1000000x64xf32, #tpu.memory_space<hbm>> -> memref<1000000x64xf32, #tpu.memory_space<hbm>>
    tpu.wait_indirect_dma semaphore(%arg14 : memref<!tpu.dma_semaphore, #tpu.memory_space<semaphore_mem>>) src(%dma_wait3A_45 : memref<1000000x64xf32, #tpu.memory_space<hbm>>) dst(%arg6 : memref<128x64xf32, #tpu.memory_space<vmem>>)
    %add3A_46 = arith.constant 0 : i32
    %add3A_47 = arith.addi %mul3A_2, %add3A_46 : i32
    %dma_start3A_48 = arith.constant 0 : i32
    %dma_start3A_49 = tpu.memref_slice %arg4[%add3A_47, %dma_start3A_48] : memref<131072x64xf32, #tpu.memory_space<hbm>> -> memref<128x64xf32, #tpu.memory_space<hbm>>
    %dma_start3A_50 = arith.constant 0 : i32
    %dma_start3A_51 = tpu.memref_slice %arg4[%add3A_47, %dma_start3A_50] : memref<131072x64xf32, #tpu.memory_space<hbm>> -> memref<128x64xf32, #tpu.memory_space<hbm>>
    tpu.enqueue_dma source(%arg6 : memref<128x64xf32, #tpu.memory_space<vmem>>) target(%dma_start3A_51 : memref<128x64xf32, #tpu.memory_space<hbm>>) target_semaphore(%arg15 : memref<!tpu.dma_semaphore, #tpu.memory_space<semaphore_mem>>)
    %dma_wait3A_52 = arith.constant 128 : i32
    %dma_wait3A_53 = tpu.memref_slice %arg5[%dma_wait3A_52] : memref<4096xi32, #tpu.memory_space<vmem>> -> memref<128xi32, #tpu.memory_space<vmem>>
    %dma_wait3A_54 = arith.constant 0 : i32
    %dma_wait3A_55 = arith.constant 0 : i32
    %dma_wait3A_56 = tpu.memref_slice %arg2[%dma_wait3A_54, %dma_wait3A_55] : memref<1000000x64xf32, #tpu.memory_space<hbm>> -> memref<1000000x64xf32, #tpu.memory_space<hbm>>
    tpu.wait_indirect_dma semaphore(%arg14 : memref<!tpu.dma_semaphore, #tpu.memory_space<semaphore_mem>>) src(%dma_wait3A_56 : memref<1000000x64xf32, #tpu.memory_space<hbm>>) dst(%arg7 : memref<128x64xf32, #tpu.memory_space<vmem>>)
    %add3A_57 = arith.constant 128 : i32
    %add3A_58 = arith.addi %mul3A_2, %add3A_57 : i32
    %dma_start3A_59 = arith.constant 0 : i32
    %dma_start3A_60 = tpu.memref_slice %arg4[%add3A_58, %dma_start3A_59] : memref<131072x64xf32, #tpu.memory_space<hbm>> -> memref<128x64xf32, #tpu.memory_space<hbm>>
    %dma_start3A_61 = arith.constant 0 : i32
    %dma_start3A_62 = tpu.memref_slice %arg4[%add3A_58, %dma_start3A_61] : memref<131072x64xf32, #tpu.memory_space<hbm>> -> memref<128x64xf32, #tpu.memory_space<hbm>>
    tpu.enqueue_dma source(%arg7 : memref<128x64xf32, #tpu.memory_space<vmem>>) target(%dma_start3A_62 : memref<128x64xf32, #tpu.memory_space<hbm>>) target_semaphore(%arg15 : memref<!tpu.dma_semaphore, #tpu.memory_space<semaphore_mem>>)
    %dma_wait3A_63 = arith.constant 256 : i32
    %dma_wait3A_64 = tpu.memref_slice %arg5[%dma_wait3A_63] : memref<4096xi32, #tpu.memory_space<vmem>> -> memref<128xi32, #tpu.memory_space<vmem>>
    %dma_wait3A_65 = arith.constant 0 : i32
    %dma_wait3A_66 = arith.constant 0 : i32
    %dma_wait3A_67 = tpu.memref_slice %arg2[%dma_wait3A_65, %dma_wait3A_66] : memref<1000000x64xf32, #tpu.memory_space<hbm>> -> memref<1000000x64xf32, #tpu.memory_space<hbm>>
    tpu.wait_indirect_dma semaphore(%arg14 : memref<!tpu.dma_semaphore, #tpu.memory_space<semaphore_mem>>) src(%dma_wait3A_67 : memref<1000000x64xf32, #tpu.memory_space<hbm>>) dst(%arg8 : memref<128x64xf32, #tpu.memory_space<vmem>>)
    %add3A_68 = arith.constant 256 : i32
    %add3A_69 = arith.addi %mul3A_2, %add3A_68 : i32
    %dma_start3A_70 = arith.constant 0 : i32
    %dma_start3A_71 = tpu.memref_slice %arg4[%add3A_69, %dma_start3A_70] : memref<131072x64xf32, #tpu.memory_space<hbm>> -> memref<128x64xf32, #tpu.memory_space<hbm>>
    %dma_start3A_72 = arith.constant 0 : i32
    %dma_start3A_73 = tpu.memref_slice %arg4[%add3A_69, %dma_start3A_72] : memref<131072x64xf32, #tpu.memory_space<hbm>> -> memref<128x64xf32, #tpu.memory_space<hbm>>
    tpu.enqueue_dma source(%arg8 : memref<128x64xf32, #tpu.memory_space<vmem>>) target(%dma_start3A_73 : memref<128x64xf32, #tpu.memory_space<hbm>>) target_semaphore(%arg15 : memref<!tpu.dma_semaphore, #tpu.memory_space<semaphore_mem>>)
    %dma_wait3A_74 = arith.constant 384 : i32
    %dma_wait3A_75 = tpu.memref_slice %arg5[%dma_wait3A_74] : memref<4096xi32, #tpu.memory_space<vmem>> -> memref<128xi32, #tpu.memory_space<vmem>>
    %dma_wait3A_76 = arith.constant 0 : i32
    %dma_wait3A_77 = arith.constant 0 : i32
    %dma_wait3A_78 = tpu.memref_slice %arg2[%dma_wait3A_76, %dma_wait3A_77] : memref<1000000x64xf32, #tpu.memory_space<hbm>> -> memref<1000000x64xf32, #tpu.memory_space<hbm>>
    tpu.wait_indirect_dma semaphore(%arg14 : memref<!tpu.dma_semaphore, #tpu.memory_space<semaphore_mem>>) src(%dma_wait3A_78 : memref<1000000x64xf32, #tpu.memory_space<hbm>>) dst(%arg9 : memref<128x64xf32, #tpu.memory_space<vmem>>)
    %add3A_79 = arith.constant 384 : i32
    %add3A_80 = arith.addi %mul3A_2, %add3A_79 : i32
    %dma_start3A_81 = arith.constant 0 : i32
    %dma_start3A_82 = tpu.memref_slice %arg4[%add3A_80, %dma_start3A_81] : memref<131072x64xf32, #tpu.memory_space<hbm>> -> memref<128x64xf32, #tpu.memory_space<hbm>>
    %dma_start3A_83 = arith.constant 0 : i32
    %dma_start3A_84 = tpu.memref_slice %arg4[%add3A_80, %dma_start3A_83] : memref<131072x64xf32, #tpu.memory_space<hbm>> -> memref<128x64xf32, #tpu.memory_space<hbm>>
    tpu.enqueue_dma source(%arg9 : memref<128x64xf32, #tpu.memory_space<vmem>>) target(%dma_start3A_84 : memref<128x64xf32, #tpu.memory_space<hbm>>) target_semaphore(%arg15 : memref<!tpu.dma_semaphore, #tpu.memory_space<semaphore_mem>>)
    %dma_wait3A_85 = arith.constant 512 : i32
    %dma_wait3A_86 = tpu.memref_slice %arg5[%dma_wait3A_85] : memref<4096xi32, #tpu.memory_space<vmem>> -> memref<128xi32, #tpu.memory_space<vmem>>
    %dma_wait3A_87 = arith.constant 0 : i32
    %dma_wait3A_88 = arith.constant 0 : i32
    %dma_wait3A_89 = tpu.memref_slice %arg2[%dma_wait3A_87, %dma_wait3A_88] : memref<1000000x64xf32, #tpu.memory_space<hbm>> -> memref<1000000x64xf32, #tpu.memory_space<hbm>>
    tpu.wait_indirect_dma semaphore(%arg14 : memref<!tpu.dma_semaphore, #tpu.memory_space<semaphore_mem>>) src(%dma_wait3A_89 : memref<1000000x64xf32, #tpu.memory_space<hbm>>) dst(%arg10 : memref<128x64xf32, #tpu.memory_space<vmem>>)
    %add3A_90 = arith.constant 512 : i32
    %add3A_91 = arith.addi %mul3A_2, %add3A_90 : i32
    %dma_start3A_92 = arith.constant 0 : i32
    %dma_start3A_93 = tpu.memref_slice %arg4[%add3A_91, %dma_start3A_92] : memref<131072x64xf32, #tpu.memory_space<hbm>> -> memref<128x64xf32, #tpu.memory_space<hbm>>
    %dma_start3A_94 = arith.constant 0 : i32
    %dma_start3A_95 = tpu.memref_slice %arg4[%add3A_91, %dma_start3A_94] : memref<131072x64xf32, #tpu.memory_space<hbm>> -> memref<128x64xf32, #tpu.memory_space<hbm>>
    tpu.enqueue_dma source(%arg10 : memref<128x64xf32, #tpu.memory_space<vmem>>) target(%dma_start3A_95 : memref<128x64xf32, #tpu.memory_space<hbm>>) target_semaphore(%arg15 : memref<!tpu.dma_semaphore, #tpu.memory_space<semaphore_mem>>)
    %dma_wait3A_96 = arith.constant 640 : i32
    %dma_wait3A_97 = tpu.memref_slice %arg5[%dma_wait3A_96] : memref<4096xi32, #tpu.memory_space<vmem>> -> memref<128xi32, #tpu.memory_space<vmem>>
    %dma_wait3A_98 = arith.constant 0 : i32
    %dma_wait3A_99 = arith.constant 0 : i32
    %dma_wait3A_100 = tpu.memref_slice %arg2[%dma_wait3A_98, %dma_wait3A_99] : memref<1000000x64xf32, #tpu.memory_space<hbm>> -> memref<1000000x64xf32, #tpu.memory_space<hbm>>
    tpu.wait_indirect_dma semaphore(%arg14 : memref<!tpu.dma_semaphore, #tpu.memory_space<semaphore_mem>>) src(%dma_wait3A_100 : memref<1000000x64xf32, #tpu.memory_space<hbm>>) dst(%arg11 : memref<128x64xf32, #tpu.memory_space<vmem>>)
    %add3A_101 = arith.constant 640 : i32
    %add3A_102 = arith.addi %mul3A_2, %add3A_101 : i32
    %dma_start3A_103 = arith.constant 0 : i32
    %dma_start3A_104 = tpu.memref_slice %arg4[%add3A_102, %dma_start3A_103] : memref<131072x64xf32, #tpu.memory_space<hbm>> -> memref<128x64xf32, #tpu.memory_space<hbm>>
    %dma_start3A_105 = arith.constant 0 : i32
    %dma_start3A_106 = tpu.memref_slice %arg4[%add3A_102, %dma_start3A_105] : memref<131072x64xf32, #tpu.memory_space<hbm>> -> memref<128x64xf32, #tpu.memory_space<hbm>>
    tpu.enqueue_dma source(%arg11 : memref<128x64xf32, #tpu.memory_space<vmem>>) target(%dma_start3A_106 : memref<128x64xf32, #tpu.memory_space<hbm>>) target_semaphore(%arg15 : memref<!tpu.dma_semaphore, #tpu.memory_space<semaphore_mem>>)
    %dma_wait3A_107 = arith.constant 768 : i32
    %dma_wait3A_108 = tpu.memref_slice %arg5[%dma_wait3A_107] : memref<4096xi32, #tpu.memory_space<vmem>> -> memref<128xi32, #tpu.memory_space<vmem>>
    %dma_wait3A_109 = arith.constant 0 : i32
    %dma_wait3A_110 = arith.constant 0 : i32
    %dma_wait3A_111 = tpu.memref_slice %arg2[%dma_wait3A_109, %dma_wait3A_110] : memref<1000000x64xf32, #tpu.memory_space<hbm>> -> memref<1000000x64xf32, #tpu.memory_space<hbm>>
    tpu.wait_indirect_dma semaphore(%arg14 : memref<!tpu.dma_semaphore, #tpu.memory_space<semaphore_mem>>) src(%dma_wait3A_111 : memref<1000000x64xf32, #tpu.memory_space<hbm>>) dst(%arg12 : memref<128x64xf32, #tpu.memory_space<vmem>>)
    %add3A_112 = arith.constant 768 : i32
    %add3A_113 = arith.addi %mul3A_2, %add3A_112 : i32
    %dma_start3A_114 = arith.constant 0 : i32
    %dma_start3A_115 = tpu.memref_slice %arg4[%add3A_113, %dma_start3A_114] : memref<131072x64xf32, #tpu.memory_space<hbm>> -> memref<128x64xf32, #tpu.memory_space<hbm>>
    %dma_start3A_116 = arith.constant 0 : i32
    %dma_start3A_117 = tpu.memref_slice %arg4[%add3A_113, %dma_start3A_116] : memref<131072x64xf32, #tpu.memory_space<hbm>> -> memref<128x64xf32, #tpu.memory_space<hbm>>
    tpu.enqueue_dma source(%arg12 : memref<128x64xf32, #tpu.memory_space<vmem>>) target(%dma_start3A_117 : memref<128x64xf32, #tpu.memory_space<hbm>>) target_semaphore(%arg15 : memref<!tpu.dma_semaphore, #tpu.memory_space<semaphore_mem>>)
    %dma_wait3A_118 = arith.constant 896 : i32
    %dma_wait3A_119 = tpu.memref_slice %arg5[%dma_wait3A_118] : memref<4096xi32, #tpu.memory_space<vmem>> -> memref<128xi32, #tpu.memory_space<vmem>>
    %dma_wait3A_120 = arith.constant 0 : i32
    %dma_wait3A_121 = arith.constant 0 : i32
    %dma_wait3A_122 = tpu.memref_slice %arg2[%dma_wait3A_120, %dma_wait3A_121] : memref<1000000x64xf32, #tpu.memory_space<hbm>> -> memref<1000000x64xf32, #tpu.memory_space<hbm>>
    tpu.wait_indirect_dma semaphore(%arg14 : memref<!tpu.dma_semaphore, #tpu.memory_space<semaphore_mem>>) src(%dma_wait3A_122 : memref<1000000x64xf32, #tpu.memory_space<hbm>>) dst(%arg13 : memref<128x64xf32, #tpu.memory_space<vmem>>)
    %add3A_123 = arith.constant 896 : i32
    %add3A_124 = arith.addi %mul3A_2, %add3A_123 : i32
    %dma_start3A_125 = arith.constant 0 : i32
    %dma_start3A_126 = tpu.memref_slice %arg4[%add3A_124, %dma_start3A_125] : memref<131072x64xf32, #tpu.memory_space<hbm>> -> memref<128x64xf32, #tpu.memory_space<hbm>>
    %dma_start3A_127 = arith.constant 0 : i32
    %dma_start3A_128 = tpu.memref_slice %arg4[%add3A_124, %dma_start3A_127] : memref<131072x64xf32, #tpu.memory_space<hbm>> -> memref<128x64xf32, #tpu.memory_space<hbm>>
    tpu.enqueue_dma source(%arg13 : memref<128x64xf32, #tpu.memory_space<vmem>>) target(%dma_start3A_128 : memref<128x64xf32, #tpu.memory_space<hbm>>) target_semaphore(%arg15 : memref<!tpu.dma_semaphore, #tpu.memory_space<semaphore_mem>>)
    %add3A_129 = arith.constant 0 : i32
    %add3A_130 = arith.addi %mul3A_2, %add3A_129 : i32
    %dma_wait3A_131 = arith.constant 0 : i32
    %dma_wait3A_132 = tpu.memref_slice %arg4[%add3A_130, %dma_wait3A_131] : memref<131072x64xf32, #tpu.memory_space<hbm>> -> memref<128x64xf32, #tpu.memory_space<hbm>>
    %dma_wait3A_133 = arith.constant 0 : i32
    %dma_wait3A_134 = tpu.memref_slice %arg4[%add3A_130, %dma_wait3A_133] : memref<131072x64xf32, #tpu.memory_space<hbm>> -> memref<128x64xf32, #tpu.memory_space<hbm>>
    tpu.wait_dma2 semaphore(%arg15 : memref<!tpu.dma_semaphore, #tpu.memory_space<semaphore_mem>>) src(%arg6 : memref<128x64xf32, #tpu.memory_space<vmem>>) dst(%dma_wait3A_134 : memref<128x64xf32, #tpu.memory_space<hbm>>)
    %add3A_135 = arith.constant 128 : i32
    %add3A_136 = arith.addi %mul3A_2, %add3A_135 : i32
    %dma_wait3A_137 = arith.constant 0 : i32
    %dma_wait3A_138 = tpu.memref_slice %arg4[%add3A_136, %dma_wait3A_137] : memref<131072x64xf32, #tpu.memory_space<hbm>> -> memref<128x64xf32, #tpu.memory_space<hbm>>
    %dma_wait3A_139 = arith.constant 0 : i32
    %dma_wait3A_140 = tpu.memref_slice %arg4[%add3A_136, %dma_wait3A_139] : memref<131072x64xf32, #tpu.memory_space<hbm>> -> memref<128x64xf32, #tpu.memory_space<hbm>>
    tpu.wait_dma2 semaphore(%arg15 : memref<!tpu.dma_semaphore, #tpu.memory_space<semaphore_mem>>) src(%arg7 : memref<128x64xf32, #tpu.memory_space<vmem>>) dst(%dma_wait3A_140 : memref<128x64xf32, #tpu.memory_space<hbm>>)
    %add3A_141 = arith.constant 256 : i32
    %add3A_142 = arith.addi %mul3A_2, %add3A_141 : i32
    %dma_wait3A_143 = arith.constant 0 : i32
    %dma_wait3A_144 = tpu.memref_slice %arg4[%add3A_142, %dma_wait3A_143] : memref<131072x64xf32, #tpu.memory_space<hbm>> -> memref<128x64xf32, #tpu.memory_space<hbm>>
    %dma_wait3A_145 = arith.constant 0 : i32
    %dma_wait3A_146 = tpu.memref_slice %arg4[%add3A_142, %dma_wait3A_145] : memref<131072x64xf32, #tpu.memory_space<hbm>> -> memref<128x64xf32, #tpu.memory_space<hbm>>
    tpu.wait_dma2 semaphore(%arg15 : memref<!tpu.dma_semaphore, #tpu.memory_space<semaphore_mem>>) src(%arg8 : memref<128x64xf32, #tpu.memory_space<vmem>>) dst(%dma_wait3A_146 : memref<128x64xf32, #tpu.memory_space<hbm>>)
    %add3A_147 = arith.constant 384 : i32
    %add3A_148 = arith.addi %mul3A_2, %add3A_147 : i32
    %dma_wait3A_149 = arith.constant 0 : i32
    %dma_wait3A_150 = tpu.memref_slice %arg4[%add3A_148, %dma_wait3A_149] : memref<131072x64xf32, #tpu.memory_space<hbm>> -> memref<128x64xf32, #tpu.memory_space<hbm>>
    %dma_wait3A_151 = arith.constant 0 : i32
    %dma_wait3A_152 = tpu.memref_slice %arg4[%add3A_148, %dma_wait3A_151] : memref<131072x64xf32, #tpu.memory_space<hbm>> -> memref<128x64xf32, #tpu.memory_space<hbm>>
    tpu.wait_dma2 semaphore(%arg15 : memref<!tpu.dma_semaphore, #tpu.memory_space<semaphore_mem>>) src(%arg9 : memref<128x64xf32, #tpu.memory_space<vmem>>) dst(%dma_wait3A_152 : memref<128x64xf32, #tpu.memory_space<hbm>>)
    %add3A_153 = arith.constant 512 : i32
    %add3A_154 = arith.addi %mul3A_2, %add3A_153 : i32
    %dma_wait3A_155 = arith.constant 0 : i32
    %dma_wait3A_156 = tpu.memref_slice %arg4[%add3A_154, %dma_wait3A_155] : memref<131072x64xf32, #tpu.memory_space<hbm>> -> memref<128x64xf32, #tpu.memory_space<hbm>>
    %dma_wait3A_157 = arith.constant 0 : i32
    %dma_wait3A_158 = tpu.memref_slice %arg4[%add3A_154, %dma_wait3A_157] : memref<131072x64xf32, #tpu.memory_space<hbm>> -> memref<128x64xf32, #tpu.memory_space<hbm>>
    tpu.wait_dma2 semaphore(%arg15 : memref<!tpu.dma_semaphore, #tpu.memory_space<semaphore_mem>>) src(%arg10 : memref<128x64xf32, #tpu.memory_space<vmem>>) dst(%dma_wait3A_158 : memref<128x64xf32, #tpu.memory_space<hbm>>)
    %add3A_159 = arith.constant 640 : i32
    %add3A_160 = arith.addi %mul3A_2, %add3A_159 : i32
    %dma_wait3A_161 = arith.constant 0 : i32
    %dma_wait3A_162 = tpu.memref_slice %arg4[%add3A_160, %dma_wait3A_161] : memref<131072x64xf32, #tpu.memory_space<hbm>> -> memref<128x64xf32, #tpu.memory_space<hbm>>
    %dma_wait3A_163 = arith.constant 0 : i32
    %dma_wait3A_164 = tpu.memref_slice %arg4[%add3A_160, %dma_wait3A_163] : memref<131072x64xf32, #tpu.memory_space<hbm>> -> memref<128x64xf32, #tpu.memory_space<hbm>>
    tpu.wait_dma2 semaphore(%arg15 : memref<!tpu.dma_semaphore, #tpu.memory_space<semaphore_mem>>) src(%arg11 : memref<128x64xf32, #tpu.memory_space<vmem>>) dst(%dma_wait3A_164 : memref<128x64xf32, #tpu.memory_space<hbm>>)
    %add3A_165 = arith.constant 768 : i32
    %add3A_166 = arith.addi %mul3A_2, %add3A_165 : i32
    %dma_wait3A_167 = arith.constant 0 : i32
    %dma_wait3A_168 = tpu.memref_slice %arg4[%add3A_166, %dma_wait3A_167] : memref<131072x64xf32, #tpu.memory_space<hbm>> -> memref<128x64xf32, #tpu.memory_space<hbm>>
    %dma_wait3A_169 = arith.constant 0 : i32
    %dma_wait3A_170 = tpu.memref_slice %arg4[%add3A_166, %dma_wait3A_169] : memref<131072x64xf32, #tpu.memory_space<hbm>> -> memref<128x64xf32, #tpu.memory_space<hbm>>
    tpu.wait_dma2 semaphore(%arg15 : memref<!tpu.dma_semaphore, #tpu.memory_space<semaphore_mem>>) src(%arg12 : memref<128x64xf32, #tpu.memory_space<vmem>>) dst(%dma_wait3A_170 : memref<128x64xf32, #tpu.memory_space<hbm>>)
    %add3A_171 = arith.constant 896 : i32
    %add3A_172 = arith.addi %mul3A_2, %add3A_171 : i32
    %dma_wait3A_173 = arith.constant 0 : i32
    %dma_wait3A_174 = tpu.memref_slice %arg4[%add3A_172, %dma_wait3A_173] : memref<131072x64xf32, #tpu.memory_space<hbm>> -> memref<128x64xf32, #tpu.memory_space<hbm>>
    %dma_wait3A_175 = arith.constant 0 : i32
    %dma_wait3A_176 = tpu.memref_slice %arg4[%add3A_172, %dma_wait3A_175] : memref<131072x64xf32, #tpu.memory_space<hbm>> -> memref<128x64xf32, #tpu.memory_space<hbm>>
    tpu.wait_dma2 semaphore(%arg15 : memref<!tpu.dma_semaphore, #tpu.memory_space<semaphore_mem>>) src(%arg13 : memref<128x64xf32, #tpu.memory_space<vmem>>) dst(%dma_wait3A_176 : memref<128x64xf32, #tpu.memory_space<hbm>>)
    %dma_start3A_177 = arith.constant 1024 : i32
    %dma_start3A_178 = tpu.memref_slice %arg5[%dma_start3A_177] : memref<4096xi32, #tpu.memory_space<vmem>> -> memref<128xi32, #tpu.memory_space<vmem>>
    %dma_start3A_179 = arith.constant 0 : i32
    %dma_start3A_180 = arith.constant 0 : i32
    %dma_start3A_181 = tpu.memref_slice %arg2[%dma_start3A_179, %dma_start3A_180] : memref<1000000x64xf32, #tpu.memory_space<hbm>> -> memref<1000000x64xf32, #tpu.memory_space<hbm>>
    tpu.enqueue_indirect_dma source(%dma_start3A_181 : memref<1000000x64xf32, #tpu.memory_space<hbm>>) target(%arg6 : memref<128x64xf32, #tpu.memory_space<vmem>>) offsets(%dma_start3A_178 : memref<128xi32, #tpu.memory_space<vmem>>) semaphore(%arg14 : memref<!tpu.dma_semaphore, #tpu.memory_space<semaphore_mem>>)
    %dma_start3A_182 = arith.constant 1152 : i32
    %dma_start3A_183 = tpu.memref_slice %arg5[%dma_start3A_182] : memref<4096xi32, #tpu.memory_space<vmem>> -> memref<128xi32, #tpu.memory_space<vmem>>
    %dma_start3A_184 = arith.constant 0 : i32
    %dma_start3A_185 = arith.constant 0 : i32
    %dma_start3A_186 = tpu.memref_slice %arg2[%dma_start3A_184, %dma_start3A_185] : memref<1000000x64xf32, #tpu.memory_space<hbm>> -> memref<1000000x64xf32, #tpu.memory_space<hbm>>
    tpu.enqueue_indirect_dma source(%dma_start3A_186 : memref<1000000x64xf32, #tpu.memory_space<hbm>>) target(%arg7 : memref<128x64xf32, #tpu.memory_space<vmem>>) offsets(%dma_start3A_183 : memref<128xi32, #tpu.memory_space<vmem>>) semaphore(%arg14 : memref<!tpu.dma_semaphore, #tpu.memory_space<semaphore_mem>>)
    %dma_start3A_187 = arith.constant 1280 : i32
    %dma_start3A_188 = tpu.memref_slice %arg5[%dma_start3A_187] : memref<4096xi32, #tpu.memory_space<vmem>> -> memref<128xi32, #tpu.memory_space<vmem>>
    %dma_start3A_189 = arith.constant 0 : i32
    %dma_start3A_190 = arith.constant 0 : i32
    %dma_start3A_191 = tpu.memref_slice %arg2[%dma_start3A_189, %dma_start3A_190] : memref<1000000x64xf32, #tpu.memory_space<hbm>> -> memref<1000000x64xf32, #tpu.memory_space<hbm>>
    tpu.enqueue_indirect_dma source(%dma_start3A_191 : memref<1000000x64xf32, #tpu.memory_space<hbm>>) target(%arg8 : memref<128x64xf32, #tpu.memory_space<vmem>>) offsets(%dma_start3A_188 : memref<128xi32, #tpu.memory_space<vmem>>) semaphore(%arg14 : memref<!tpu.dma_semaphore, #tpu.memory_space<semaphore_mem>>)
    %dma_start3A_192 = arith.constant 1408 : i32
    %dma_start3A_193 = tpu.memref_slice %arg5[%dma_start3A_192] : memref<4096xi32, #tpu.memory_space<vmem>> -> memref<128xi32, #tpu.memory_space<vmem>>
    %dma_start3A_194 = arith.constant 0 : i32
    %dma_start3A_195 = arith.constant 0 : i32
    %dma_start3A_196 = tpu.memref_slice %arg2[%dma_start3A_194, %dma_start3A_195] : memref<1000000x64xf32, #tpu.memory_space<hbm>> -> memref<1000000x64xf32, #tpu.memory_space<hbm>>
    tpu.enqueue_indirect_dma source(%dma_start3A_196 : memref<1000000x64xf32, #tpu.memory_space<hbm>>) target(%arg9 : memref<128x64xf32, #tpu.memory_space<vmem>>) offsets(%dma_start3A_193 : memref<128xi32, #tpu.memory_space<vmem>>) semaphore(%arg14 : memref<!tpu.dma_semaphore, #tpu.memory_space<semaphore_mem>>)
    %dma_start3A_197 = arith.constant 1536 : i32
    %dma_start3A_198 = tpu.memref_slice %arg5[%dma_start3A_197] : memref<4096xi32, #tpu.memory_space<vmem>> -> memref<128xi32, #tpu.memory_space<vmem>>
    %dma_start3A_199 = arith.constant 0 : i32
    %dma_start3A_200 = arith.constant 0 : i32
    %dma_start3A_201 = tpu.memref_slice %arg2[%dma_start3A_199, %dma_start3A_200] : memref<1000000x64xf32, #tpu.memory_space<hbm>> -> memref<1000000x64xf32, #tpu.memory_space<hbm>>
    tpu.enqueue_indirect_dma source(%dma_start3A_201 : memref<1000000x64xf32, #tpu.memory_space<hbm>>) target(%arg10 : memref<128x64xf32, #tpu.memory_space<vmem>>) offsets(%dma_start3A_198 : memref<128xi32, #tpu.memory_space<vmem>>) semaphore(%arg14 : memref<!tpu.dma_semaphore, #tpu.memory_space<semaphore_mem>>)
    %dma_start3A_202 = arith.constant 1664 : i32
    %dma_start3A_203 = tpu.memref_slice %arg5[%dma_start3A_202] : memref<4096xi32, #tpu.memory_space<vmem>> -> memref<128xi32, #tpu.memory_space<vmem>>
    %dma_start3A_204 = arith.constant 0 : i32
    %dma_start3A_205 = arith.constant 0 : i32
    %dma_start3A_206 = tpu.memref_slice %arg2[%dma_start3A_204, %dma_start3A_205] : memref<1000000x64xf32, #tpu.memory_space<hbm>> -> memref<1000000x64xf32, #tpu.memory_space<hbm>>
    tpu.enqueue_indirect_dma source(%dma_start3A_206 : memref<1000000x64xf32, #tpu.memory_space<hbm>>) target(%arg11 : memref<128x64xf32, #tpu.memory_space<vmem>>) offsets(%dma_start3A_203 : memref<128xi32, #tpu.memory_space<vmem>>) semaphore(%arg14 : memref<!tpu.dma_semaphore, #tpu.memory_space<semaphore_mem>>)
    %dma_start3A_207 = arith.constant 1792 : i32
    %dma_start3A_208 = tpu.memref_slice %arg5[%dma_start3A_207] : memref<4096xi32, #tpu.memory_space<vmem>> -> memref<128xi32, #tpu.memory_space<vmem>>
    %dma_start3A_209 = arith.constant 0 : i32
    %dma_start3A_210 = arith.constant 0 : i32
    %dma_start3A_211 = tpu.memref_slice %arg2[%dma_start3A_209, %dma_start3A_210] : memref<1000000x64xf32, #tpu.memory_space<hbm>> -> memref<1000000x64xf32, #tpu.memory_space<hbm>>
    tpu.enqueue_indirect_dma source(%dma_start3A_211 : memref<1000000x64xf32, #tpu.memory_space<hbm>>) target(%arg12 : memref<128x64xf32, #tpu.memory_space<vmem>>) offsets(%dma_start3A_208 : memref<128xi32, #tpu.memory_space<vmem>>) semaphore(%arg14 : memref<!tpu.dma_semaphore, #tpu.memory_space<semaphore_mem>>)
    %dma_start3A_212 = arith.constant 1920 : i32
    %dma_start3A_213 = tpu.memref_slice %arg5[%dma_start3A_212] : memref<4096xi32, #tpu.memory_space<vmem>> -> memref<128xi32, #tpu.memory_space<vmem>>
    %dma_start3A_214 = arith.constant 0 : i32
    %dma_start3A_215 = arith.constant 0 : i32
    %dma_start3A_216 = tpu.memref_slice %arg2[%dma_start3A_214, %dma_start3A_215] : memref<1000000x64xf32, #tpu.memory_space<hbm>> -> memref<1000000x64xf32, #tpu.memory_space<hbm>>
    tpu.enqueue_indirect_dma source(%dma_start3A_216 : memref<1000000x64xf32, #tpu.memory_space<hbm>>) target(%arg13 : memref<128x64xf32, #tpu.memory_space<vmem>>) offsets(%dma_start3A_213 : memref<128xi32, #tpu.memory_space<vmem>>) semaphore(%arg14 : memref<!tpu.dma_semaphore, #tpu.memory_space<semaphore_mem>>)
    %dma_wait3A_217 = arith.constant 1024 : i32
    %dma_wait3A_218 = tpu.memref_slice %arg5[%dma_wait3A_217] : memref<4096xi32, #tpu.memory_space<vmem>> -> memref<128xi32, #tpu.memory_space<vmem>>
    %dma_wait3A_219 = arith.constant 0 : i32
    %dma_wait3A_220 = arith.constant 0 : i32
    %dma_wait3A_221 = tpu.memref_slice %arg2[%dma_wait3A_219, %dma_wait3A_220] : memref<1000000x64xf32, #tpu.memory_space<hbm>> -> memref<1000000x64xf32, #tpu.memory_space<hbm>>
    tpu.wait_indirect_dma semaphore(%arg14 : memref<!tpu.dma_semaphore, #tpu.memory_space<semaphore_mem>>) src(%dma_wait3A_221 : memref<1000000x64xf32, #tpu.memory_space<hbm>>) dst(%arg6 : memref<128x64xf32, #tpu.memory_space<vmem>>)
    %add3A_222 = arith.constant 1024 : i32
    %add3A_223 = arith.addi %mul3A_2, %add3A_222 : i32
    %dma_start3A_224 = arith.constant 0 : i32
    %dma_start3A_225 = tpu.memref_slice %arg4[%add3A_223, %dma_start3A_224] : memref<131072x64xf32, #tpu.memory_space<hbm>> -> memref<128x64xf32, #tpu.memory_space<hbm>>
    %dma_start3A_226 = arith.constant 0 : i32
    %dma_start3A_227 = tpu.memref_slice %arg4[%add3A_223, %dma_start3A_226] : memref<131072x64xf32, #tpu.memory_space<hbm>> -> memref<128x64xf32, #tpu.memory_space<hbm>>
    tpu.enqueue_dma source(%arg6 : memref<128x64xf32, #tpu.memory_space<vmem>>) target(%dma_start3A_227 : memref<128x64xf32, #tpu.memory_space<hbm>>) target_semaphore(%arg15 : memref<!tpu.dma_semaphore, #tpu.memory_space<semaphore_mem>>)
    %dma_wait3A_228 = arith.constant 1152 : i32
    %dma_wait3A_229 = tpu.memref_slice %arg5[%dma_wait3A_228] : memref<4096xi32, #tpu.memory_space<vmem>> -> memref<128xi32, #tpu.memory_space<vmem>>
    %dma_wait3A_230 = arith.constant 0 : i32
    %dma_wait3A_231 = arith.constant 0 : i32
    %dma_wait3A_232 = tpu.memref_slice %arg2[%dma_wait3A_230, %dma_wait3A_231] : memref<1000000x64xf32, #tpu.memory_space<hbm>> -> memref<1000000x64xf32, #tpu.memory_space<hbm>>
    tpu.wait_indirect_dma semaphore(%arg14 : memref<!tpu.dma_semaphore, #tpu.memory_space<semaphore_mem>>) src(%dma_wait3A_232 : memref<1000000x64xf32, #tpu.memory_space<hbm>>) dst(%arg7 : memref<128x64xf32, #tpu.memory_space<vmem>>)
    %add3A_233 = arith.constant 1152 : i32
    %add3A_234 = arith.addi %mul3A_2, %add3A_233 : i32
    %dma_start3A_235 = arith.constant 0 : i32
    %dma_start3A_236 = tpu.memref_slice %arg4[%add3A_234, %dma_start3A_235] : memref<131072x64xf32, #tpu.memory_space<hbm>> -> memref<128x64xf32, #tpu.memory_space<hbm>>
    %dma_start3A_237 = arith.constant 0 : i32
    %dma_start3A_238 = tpu.memref_slice %arg4[%add3A_234, %dma_start3A_237] : memref<131072x64xf32, #tpu.memory_space<hbm>> -> memref<128x64xf32, #tpu.memory_space<hbm>>
    tpu.enqueue_dma source(%arg7 : memref<128x64xf32, #tpu.memory_space<vmem>>) target(%dma_start3A_238 : memref<128x64xf32, #tpu.memory_space<hbm>>) target_semaphore(%arg15 : memref<!tpu.dma_semaphore, #tpu.memory_space<semaphore_mem>>)
    %dma_wait3A_239 = arith.constant 1280 : i32
    %dma_wait3A_240 = tpu.memref_slice %arg5[%dma_wait3A_239] : memref<4096xi32, #tpu.memory_space<vmem>> -> memref<128xi32, #tpu.memory_space<vmem>>
    %dma_wait3A_241 = arith.constant 0 : i32
    %dma_wait3A_242 = arith.constant 0 : i32
    %dma_wait3A_243 = tpu.memref_slice %arg2[%dma_wait3A_241, %dma_wait3A_242] : memref<1000000x64xf32, #tpu.memory_space<hbm>> -> memref<1000000x64xf32, #tpu.memory_space<hbm>>
    tpu.wait_indirect_dma semaphore(%arg14 : memref<!tpu.dma_semaphore, #tpu.memory_space<semaphore_mem>>) src(%dma_wait3A_243 : memref<1000000x64xf32, #tpu.memory_space<hbm>>) dst(%arg8 : memref<128x64xf32, #tpu.memory_space<vmem>>)
    %add3A_244 = arith.constant 1280 : i32
    %add3A_245 = arith.addi %mul3A_2, %add3A_244 : i32
    %dma_start3A_246 = arith.constant 0 : i32
    %dma_start3A_247 = tpu.memref_slice %arg4[%add3A_245, %dma_start3A_246] : memref<131072x64xf32, #tpu.memory_space<hbm>> -> memref<128x64xf32, #tpu.memory_space<hbm>>
    %dma_start3A_248 = arith.constant 0 : i32
    %dma_start3A_249 = tpu.memref_slice %arg4[%add3A_245, %dma_start3A_248] : memref<131072x64xf32, #tpu.memory_space<hbm>> -> memref<128x64xf32, #tpu.memory_space<hbm>>
    tpu.enqueue_dma source(%arg8 : memref<128x64xf32, #tpu.memory_space<vmem>>) target(%dma_start3A_249 : memref<128x64xf32, #tpu.memory_space<hbm>>) target_semaphore(%arg15 : memref<!tpu.dma_semaphore, #tpu.memory_space<semaphore_mem>>)
    %dma_wait3A_250 = arith.constant 1408 : i32
    %dma_wait3A_251 = tpu.memref_slice %arg5[%dma_wait3A_250] : memref<4096xi32, #tpu.memory_space<vmem>> -> memref<128xi32, #tpu.memory_space<vmem>>
    %dma_wait3A_252 = arith.constant 0 : i32
    %dma_wait3A_253 = arith.constant 0 : i32
    %dma_wait3A_254 = tpu.memref_slice %arg2[%dma_wait3A_252, %dma_wait3A_253] : memref<1000000x64xf32, #tpu.memory_space<hbm>> -> memref<1000000x64xf32, #tpu.memory_space<hbm>>
    tpu.wait_indirect_dma semaphore(%arg14 : memref<!tpu.dma_semaphore, #tpu.memory_space<semaphore_mem>>) src(%dma_wait3A_254 : memref<1000000x64xf32, #tpu.memory_space<hbm>>) dst(%arg9 : memref<128x64xf32, #tpu.memory_space<vmem>>)
    %add3A_255 = arith.constant 1408 : i32
    %add3A_256 = arith.addi %mul3A_2, %add3A_255 : i32
    %dma_start3A_257 = arith.constant 0 : i32
    %dma_start3A_258 = tpu.memref_slice %arg4[%add3A_256, %dma_start3A_257] : memref<131072x64xf32, #tpu.memory_space<hbm>> -> memref<128x64xf32, #tpu.memory_space<hbm>>
    %dma_start3A_259 = arith.constant 0 : i32
    %dma_start3A_260 = tpu.memref_slice %arg4[%add3A_256, %dma_start3A_259] : memref<131072x64xf32, #tpu.memory_space<hbm>> -> memref<128x64xf32, #tpu.memory_space<hbm>>
    tpu.enqueue_dma source(%arg9 : memref<128x64xf32, #tpu.memory_space<vmem>>) target(%dma_start3A_260 : memref<128x64xf32, #tpu.memory_space<hbm>>) target_semaphore(%arg15 : memref<!tpu.dma_semaphore, #tpu.memory_space<semaphore_mem>>)
    %dma_wait3A_261 = arith.constant 1536 : i32
    %dma_wait3A_262 = tpu.memref_slice %arg5[%dma_wait3A_261] : memref<4096xi32, #tpu.memory_space<vmem>> -> memref<128xi32, #tpu.memory_space<vmem>>
    %dma_wait3A_263 = arith.constant 0 : i32
    %dma_wait3A_264 = arith.constant 0 : i32
    %dma_wait3A_265 = tpu.memref_slice %arg2[%dma_wait3A_263, %dma_wait3A_264] : memref<1000000x64xf32, #tpu.memory_space<hbm>> -> memref<1000000x64xf32, #tpu.memory_space<hbm>>
    tpu.wait_indirect_dma semaphore(%arg14 : memref<!tpu.dma_semaphore, #tpu.memory_space<semaphore_mem>>) src(%dma_wait3A_265 : memref<1000000x64xf32, #tpu.memory_space<hbm>>) dst(%arg10 : memref<128x64xf32, #tpu.memory_space<vmem>>)
    %add3A_266 = arith.constant 1536 : i32
    %add3A_267 = arith.addi %mul3A_2, %add3A_266 : i32
    %dma_start3A_268 = arith.constant 0 : i32
    %dma_start3A_269 = tpu.memref_slice %arg4[%add3A_267, %dma_start3A_268] : memref<131072x64xf32, #tpu.memory_space<hbm>> -> memref<128x64xf32, #tpu.memory_space<hbm>>
    %dma_start3A_270 = arith.constant 0 : i32
    %dma_start3A_271 = tpu.memref_slice %arg4[%add3A_267, %dma_start3A_270] : memref<131072x64xf32, #tpu.memory_space<hbm>> -> memref<128x64xf32, #tpu.memory_space<hbm>>
    tpu.enqueue_dma source(%arg10 : memref<128x64xf32, #tpu.memory_space<vmem>>) target(%dma_start3A_271 : memref<128x64xf32, #tpu.memory_space<hbm>>) target_semaphore(%arg15 : memref<!tpu.dma_semaphore, #tpu.memory_space<semaphore_mem>>)
    %dma_wait3A_272 = arith.constant 1664 : i32
    %dma_wait3A_273 = tpu.memref_slice %arg5[%dma_wait3A_272] : memref<4096xi32, #tpu.memory_space<vmem>> -> memref<128xi32, #tpu.memory_space<vmem>>
    %dma_wait3A_274 = arith.constant 0 : i32
    %dma_wait3A_275 = arith.constant 0 : i32
    %dma_wait3A_276 = tpu.memref_slice %arg2[%dma_wait3A_274, %dma_wait3A_275] : memref<1000000x64xf32, #tpu.memory_space<hbm>> -> memref<1000000x64xf32, #tpu.memory_space<hbm>>
    tpu.wait_indirect_dma semaphore(%arg14 : memref<!tpu.dma_semaphore, #tpu.memory_space<semaphore_mem>>) src(%dma_wait3A_276 : memref<1000000x64xf32, #tpu.memory_space<hbm>>) dst(%arg11 : memref<128x64xf32, #tpu.memory_space<vmem>>)
    %add3A_277 = arith.constant 1664 : i32
    %add3A_278 = arith.addi %mul3A_2, %add3A_277 : i32
    %dma_start3A_279 = arith.constant 0 : i32
    %dma_start3A_280 = tpu.memref_slice %arg4[%add3A_278, %dma_start3A_279] : memref<131072x64xf32, #tpu.memory_space<hbm>> -> memref<128x64xf32, #tpu.memory_space<hbm>>
    %dma_start3A_281 = arith.constant 0 : i32
    %dma_start3A_282 = tpu.memref_slice %arg4[%add3A_278, %dma_start3A_281] : memref<131072x64xf32, #tpu.memory_space<hbm>> -> memref<128x64xf32, #tpu.memory_space<hbm>>
    tpu.enqueue_dma source(%arg11 : memref<128x64xf32, #tpu.memory_space<vmem>>) target(%dma_start3A_282 : memref<128x64xf32, #tpu.memory_space<hbm>>) target_semaphore(%arg15 : memref<!tpu.dma_semaphore, #tpu.memory_space<semaphore_mem>>)
    %dma_wait3A_283 = arith.constant 1792 : i32
    %dma_wait3A_284 = tpu.memref_slice %arg5[%dma_wait3A_283] : memref<4096xi32, #tpu.memory_space<vmem>> -> memref<128xi32, #tpu.memory_space<vmem>>
    %dma_wait3A_285 = arith.constant 0 : i32
    %dma_wait3A_286 = arith.constant 0 : i32
    %dma_wait3A_287 = tpu.memref_slice %arg2[%dma_wait3A_285, %dma_wait3A_286] : memref<1000000x64xf32, #tpu.memory_space<hbm>> -> memref<1000000x64xf32, #tpu.memory_space<hbm>>
    tpu.wait_indirect_dma semaphore(%arg14 : memref<!tpu.dma_semaphore, #tpu.memory_space<semaphore_mem>>) src(%dma_wait3A_287 : memref<1000000x64xf32, #tpu.memory_space<hbm>>) dst(%arg12 : memref<128x64xf32, #tpu.memory_space<vmem>>)
    %add3A_288 = arith.constant 1792 : i32
    %add3A_289 = arith.addi %mul3A_2, %add3A_288 : i32
    %dma_start3A_290 = arith.constant 0 : i32
    %dma_start3A_291 = tpu.memref_slice %arg4[%add3A_289, %dma_start3A_290] : memref<131072x64xf32, #tpu.memory_space<hbm>> -> memref<128x64xf32, #tpu.memory_space<hbm>>
    %dma_start3A_292 = arith.constant 0 : i32
    %dma_start3A_293 = tpu.memref_slice %arg4[%add3A_289, %dma_start3A_292] : memref<131072x64xf32, #tpu.memory_space<hbm>> -> memref<128x64xf32, #tpu.memory_space<hbm>>
    tpu.enqueue_dma source(%arg12 : memref<128x64xf32, #tpu.memory_space<vmem>>) target(%dma_start3A_293 : memref<128x64xf32, #tpu.memory_space<hbm>>) target_semaphore(%arg15 : memref<!tpu.dma_semaphore, #tpu.memory_space<semaphore_mem>>)
    %dma_wait3A_294 = arith.constant 1920 : i32
    %dma_wait3A_295 = tpu.memref_slice %arg5[%dma_wait3A_294] : memref<4096xi32, #tpu.memory_space<vmem>> -> memref<128xi32, #tpu.memory_space<vmem>>
    %dma_wait3A_296 = arith.constant 0 : i32
    %dma_wait3A_297 = arith.constant 0 : i32
    %dma_wait3A_298 = tpu.memref_slice %arg2[%dma_wait3A_296, %dma_wait3A_297] : memref<1000000x64xf32, #tpu.memory_space<hbm>> -> memref<1000000x64xf32, #tpu.memory_space<hbm>>
    tpu.wait_indirect_dma semaphore(%arg14 : memref<!tpu.dma_semaphore, #tpu.memory_space<semaphore_mem>>) src(%dma_wait3A_298 : memref<1000000x64xf32, #tpu.memory_space<hbm>>) dst(%arg13 : memref<128x64xf32, #tpu.memory_space<vmem>>)
    %add3A_299 = arith.constant 1920 : i32
    %add3A_300 = arith.addi %mul3A_2, %add3A_299 : i32
    %dma_start3A_301 = arith.constant 0 : i32
    %dma_start3A_302 = tpu.memref_slice %arg4[%add3A_300, %dma_start3A_301] : memref<131072x64xf32, #tpu.memory_space<hbm>> -> memref<128x64xf32, #tpu.memory_space<hbm>>
    %dma_start3A_303 = arith.constant 0 : i32
    %dma_start3A_304 = tpu.memref_slice %arg4[%add3A_300, %dma_start3A_303] : memref<131072x64xf32, #tpu.memory_space<hbm>> -> memref<128x64xf32, #tpu.memory_space<hbm>>
    tpu.enqueue_dma source(%arg13 : memref<128x64xf32, #tpu.memory_space<vmem>>) target(%dma_start3A_304 : memref<128x64xf32, #tpu.memory_space<hbm>>) target_semaphore(%arg15 : memref<!tpu.dma_semaphore, #tpu.memory_space<semaphore_mem>>)
    %add3A_305 = arith.constant 1024 : i32
    %add3A_306 = arith.addi %mul3A_2, %add3A_305 : i32
    %dma_wait3A_307 = arith.constant 0 : i32
    %dma_wait3A_308 = tpu.memref_slice %arg4[%add3A_306, %dma_wait3A_307] : memref<131072x64xf32, #tpu.memory_space<hbm>> -> memref<128x64xf32, #tpu.memory_space<hbm>>
    %dma_wait3A_309 = arith.constant 0 : i32
    %dma_wait3A_310 = tpu.memref_slice %arg4[%add3A_306, %dma_wait3A_309] : memref<131072x64xf32, #tpu.memory_space<hbm>> -> memref<128x64xf32, #tpu.memory_space<hbm>>
    tpu.wait_dma2 semaphore(%arg15 : memref<!tpu.dma_semaphore, #tpu.memory_space<semaphore_mem>>) src(%arg6 : memref<128x64xf32, #tpu.memory_space<vmem>>) dst(%dma_wait3A_310 : memref<128x64xf32, #tpu.memory_space<hbm>>)
    %add3A_311 = arith.constant 1152 : i32
    %add3A_312 = arith.addi %mul3A_2, %add3A_311 : i32
    %dma_wait3A_313 = arith.constant 0 : i32
    %dma_wait3A_314 = tpu.memref_slice %arg4[%add3A_312, %dma_wait3A_313] : memref<131072x64xf32, #tpu.memory_space<hbm>> -> memref<128x64xf32, #tpu.memory_space<hbm>>
    %dma_wait3A_315 = arith.constant 0 : i32
    %dma_wait3A_316 = tpu.memref_slice %arg4[%add3A_312, %dma_wait3A_315] : memref<131072x64xf32, #tpu.memory_space<hbm>> -> memref<128x64xf32, #tpu.memory_space<hbm>>
    tpu.wait_dma2 semaphore(%arg15 : memref<!tpu.dma_semaphore, #tpu.memory_space<semaphore_mem>>) src(%arg7 : memref<128x64xf32, #tpu.memory_space<vmem>>) dst(%dma_wait3A_316 : memref<128x64xf32, #tpu.memory_space<hbm>>)
    %add3A_317 = arith.constant 1280 : i32
    %add3A_318 = arith.addi %mul3A_2, %add3A_317 : i32
    %dma_wait3A_319 = arith.constant 0 : i32
    %dma_wait3A_320 = tpu.memref_slice %arg4[%add3A_318, %dma_wait3A_319] : memref<131072x64xf32, #tpu.memory_space<hbm>> -> memref<128x64xf32, #tpu.memory_space<hbm>>
    %dma_wait3A_321 = arith.constant 0 : i32
    %dma_wait3A_322 = tpu.memref_slice %arg4[%add3A_318, %dma_wait3A_321] : memref<131072x64xf32, #tpu.memory_space<hbm>> -> memref<128x64xf32, #tpu.memory_space<hbm>>
    tpu.wait_dma2 semaphore(%arg15 : memref<!tpu.dma_semaphore, #tpu.memory_space<semaphore_mem>>) src(%arg8 : memref<128x64xf32, #tpu.memory_space<vmem>>) dst(%dma_wait3A_322 : memref<128x64xf32, #tpu.memory_space<hbm>>)
    %add3A_323 = arith.constant 1408 : i32
    %add3A_324 = arith.addi %mul3A_2, %add3A_323 : i32
    %dma_wait3A_325 = arith.constant 0 : i32
    %dma_wait3A_326 = tpu.memref_slice %arg4[%add3A_324, %dma_wait3A_325] : memref<131072x64xf32, #tpu.memory_space<hbm>> -> memref<128x64xf32, #tpu.memory_space<hbm>>
    %dma_wait3A_327 = arith.constant 0 : i32
    %dma_wait3A_328 = tpu.memref_slice %arg4[%add3A_324, %dma_wait3A_327] : memref<131072x64xf32, #tpu.memory_space<hbm>> -> memref<128x64xf32, #tpu.memory_space<hbm>>
    tpu.wait_dma2 semaphore(%arg15 : memref<!tpu.dma_semaphore, #tpu.memory_space<semaphore_mem>>) src(%arg9 : memref<128x64xf32, #tpu.memory_space<vmem>>) dst(%dma_wait3A_328 : memref<128x64xf32, #tpu.memory_space<hbm>>)
    %add3A_329 = arith.constant 1536 : i32
    %add3A_330 = arith.addi %mul3A_2, %add3A_329 : i32
    %dma_wait3A_331 = arith.constant 0 : i32
    %dma_wait3A_332 = tpu.memref_slice %arg4[%add3A_330, %dma_wait3A_331] : memref<131072x64xf32, #tpu.memory_space<hbm>> -> memref<128x64xf32, #tpu.memory_space<hbm>>
    %dma_wait3A_333 = arith.constant 0 : i32
    %dma_wait3A_334 = tpu.memref_slice %arg4[%add3A_330, %dma_wait3A_333] : memref<131072x64xf32, #tpu.memory_space<hbm>> -> memref<128x64xf32, #tpu.memory_space<hbm>>
    tpu.wait_dma2 semaphore(%arg15 : memref<!tpu.dma_semaphore, #tpu.memory_space<semaphore_mem>>) src(%arg10 : memref<128x64xf32, #tpu.memory_space<vmem>>) dst(%dma_wait3A_334 : memref<128x64xf32, #tpu.memory_space<hbm>>)
    %add3A_335 = arith.constant 1664 : i32
    %add3A_336 = arith.addi %mul3A_2, %add3A_335 : i32
    %dma_wait3A_337 = arith.constant 0 : i32
    %dma_wait3A_338 = tpu.memref_slice %arg4[%add3A_336, %dma_wait3A_337] : memref<131072x64xf32, #tpu.memory_space<hbm>> -> memref<128x64xf32, #tpu.memory_space<hbm>>
    %dma_wait3A_339 = arith.constant 0 : i32
    %dma_wait3A_340 = tpu.memref_slice %arg4[%add3A_336, %dma_wait3A_339] : memref<131072x64xf32, #tpu.memory_space<hbm>> -> memref<128x64xf32, #tpu.memory_space<hbm>>
    tpu.wait_dma2 semaphore(%arg15 : memref<!tpu.dma_semaphore, #tpu.memory_space<semaphore_mem>>) src(%arg11 : memref<128x64xf32, #tpu.memory_space<vmem>>) dst(%dma_wait3A_340 : memref<128x64xf32, #tpu.memory_space<hbm>>)
    %add3A_341 = arith.constant 1792 : i32
    %add3A_342 = arith.addi %mul3A_2, %add3A_341 : i32
    %dma_wait3A_343 = arith.constant 0 : i32
    %dma_wait3A_344 = tpu.memref_slice %arg4[%add3A_342, %dma_wait3A_343] : memref<131072x64xf32, #tpu.memory_space<hbm>> -> memref<128x64xf32, #tpu.memory_space<hbm>>
    %dma_wait3A_345 = arith.constant 0 : i32
    %dma_wait3A_346 = tpu.memref_slice %arg4[%add3A_342, %dma_wait3A_345] : memref<131072x64xf32, #tpu.memory_space<hbm>> -> memref<128x64xf32, #tpu.memory_space<hbm>>
    tpu.wait_dma2 semaphore(%arg15 : memref<!tpu.dma_semaphore, #tpu.memory_space<semaphore_mem>>) src(%arg12 : memref<128x64xf32, #tpu.memory_space<vmem>>) dst(%dma_wait3A_346 : memref<128x64xf32, #tpu.memory_space<hbm>>)
    %add3A_347 = arith.constant 1920 : i32
    %add3A_348 = arith.addi %mul3A_2, %add3A_347 : i32
    %dma_wait3A_349 = arith.constant 0 : i32
    %dma_wait3A_350 = tpu.memref_slice %arg4[%add3A_348, %dma_wait3A_349] : memref<131072x64xf32, #tpu.memory_space<hbm>> -> memref<128x64xf32, #tpu.memory_space<hbm>>
    %dma_wait3A_351 = arith.constant 0 : i32
    %dma_wait3A_352 = tpu.memref_slice %arg4[%add3A_348, %dma_wait3A_351] : memref<131072x64xf32, #tpu.memory_space<hbm>> -> memref<128x64xf32, #tpu.memory_space<hbm>>
    tpu.wait_dma2 semaphore(%arg15 : memref<!tpu.dma_semaphore, #tpu.memory_space<semaphore_mem>>) src(%arg13 : memref<128x64xf32, #tpu.memory_space<vmem>>) dst(%dma_wait3A_352 : memref<128x64xf32, #tpu.memory_space<hbm>>)
    %dma_start3A_353 = arith.constant 2048 : i32
    %dma_start3A_354 = tpu.memref_slice %arg5[%dma_start3A_353] : memref<4096xi32, #tpu.memory_space<vmem>> -> memref<128xi32, #tpu.memory_space<vmem>>
    %dma_start3A_355 = arith.constant 0 : i32
    %dma_start3A_356 = arith.constant 0 : i32
    %dma_start3A_357 = tpu.memref_slice %arg2[%dma_start3A_355, %dma_start3A_356] : memref<1000000x64xf32, #tpu.memory_space<hbm>> -> memref<1000000x64xf32, #tpu.memory_space<hbm>>
    tpu.enqueue_indirect_dma source(%dma_start3A_357 : memref<1000000x64xf32, #tpu.memory_space<hbm>>) target(%arg6 : memref<128x64xf32, #tpu.memory_space<vmem>>) offsets(%dma_start3A_354 : memref<128xi32, #tpu.memory_space<vmem>>) semaphore(%arg14 : memref<!tpu.dma_semaphore, #tpu.memory_space<semaphore_mem>>)
    %dma_start3A_358 = arith.constant 2176 : i32
    %dma_start3A_359 = tpu.memref_slice %arg5[%dma_start3A_358] : memref<4096xi32, #tpu.memory_space<vmem>> -> memref<128xi32, #tpu.memory_space<vmem>>
    %dma_start3A_360 = arith.constant 0 : i32
    %dma_start3A_361 = arith.constant 0 : i32
    %dma_start3A_362 = tpu.memref_slice %arg2[%dma_start3A_360, %dma_start3A_361] : memref<1000000x64xf32, #tpu.memory_space<hbm>> -> memref<1000000x64xf32, #tpu.memory_space<hbm>>
    tpu.enqueue_indirect_dma source(%dma_start3A_362 : memref<1000000x64xf32, #tpu.memory_space<hbm>>) target(%arg7 : memref<128x64xf32, #tpu.memory_space<vmem>>) offsets(%dma_start3A_359 : memref<128xi32, #tpu.memory_space<vmem>>) semaphore(%arg14 : memref<!tpu.dma_semaphore, #tpu.memory_space<semaphore_mem>>)
    %dma_start3A_363 = arith.constant 2304 : i32
    %dma_start3A_364 = tpu.memref_slice %arg5[%dma_start3A_363] : memref<4096xi32, #tpu.memory_space<vmem>> -> memref<128xi32, #tpu.memory_space<vmem>>
    %dma_start3A_365 = arith.constant 0 : i32
    %dma_start3A_366 = arith.constant 0 : i32
    %dma_start3A_367 = tpu.memref_slice %arg2[%dma_start3A_365, %dma_start3A_366] : memref<1000000x64xf32, #tpu.memory_space<hbm>> -> memref<1000000x64xf32, #tpu.memory_space<hbm>>
    tpu.enqueue_indirect_dma source(%dma_start3A_367 : memref<1000000x64xf32, #tpu.memory_space<hbm>>) target(%arg8 : memref<128x64xf32, #tpu.memory_space<vmem>>) offsets(%dma_start3A_364 : memref<128xi32, #tpu.memory_space<vmem>>) semaphore(%arg14 : memref<!tpu.dma_semaphore, #tpu.memory_space<semaphore_mem>>)
    %dma_start3A_368 = arith.constant 2432 : i32
    %dma_start3A_369 = tpu.memref_slice %arg5[%dma_start3A_368] : memref<4096xi32, #tpu.memory_space<vmem>> -> memref<128xi32, #tpu.memory_space<vmem>>
    %dma_start3A_370 = arith.constant 0 : i32
    %dma_start3A_371 = arith.constant 0 : i32
    %dma_start3A_372 = tpu.memref_slice %arg2[%dma_start3A_370, %dma_start3A_371] : memref<1000000x64xf32, #tpu.memory_space<hbm>> -> memref<1000000x64xf32, #tpu.memory_space<hbm>>
    tpu.enqueue_indirect_dma source(%dma_start3A_372 : memref<1000000x64xf32, #tpu.memory_space<hbm>>) target(%arg9 : memref<128x64xf32, #tpu.memory_space<vmem>>) offsets(%dma_start3A_369 : memref<128xi32, #tpu.memory_space<vmem>>) semaphore(%arg14 : memref<!tpu.dma_semaphore, #tpu.memory_space<semaphore_mem>>)
    %dma_start3A_373 = arith.constant 2560 : i32
    %dma_start3A_374 = tpu.memref_slice %arg5[%dma_start3A_373] : memref<4096xi32, #tpu.memory_space<vmem>> -> memref<128xi32, #tpu.memory_space<vmem>>
    %dma_start3A_375 = arith.constant 0 : i32
    %dma_start3A_376 = arith.constant 0 : i32
    %dma_start3A_377 = tpu.memref_slice %arg2[%dma_start3A_375, %dma_start3A_376] : memref<1000000x64xf32, #tpu.memory_space<hbm>> -> memref<1000000x64xf32, #tpu.memory_space<hbm>>
    tpu.enqueue_indirect_dma source(%dma_start3A_377 : memref<1000000x64xf32, #tpu.memory_space<hbm>>) target(%arg10 : memref<128x64xf32, #tpu.memory_space<vmem>>) offsets(%dma_start3A_374 : memref<128xi32, #tpu.memory_space<vmem>>) semaphore(%arg14 : memref<!tpu.dma_semaphore, #tpu.memory_space<semaphore_mem>>)
    %dma_start3A_378 = arith.constant 2688 : i32
    %dma_start3A_379 = tpu.memref_slice %arg5[%dma_start3A_378] : memref<4096xi32, #tpu.memory_space<vmem>> -> memref<128xi32, #tpu.memory_space<vmem>>
    %dma_start3A_380 = arith.constant 0 : i32
    %dma_start3A_381 = arith.constant 0 : i32
    %dma_start3A_382 = tpu.memref_slice %arg2[%dma_start3A_380, %dma_start3A_381] : memref<1000000x64xf32, #tpu.memory_space<hbm>> -> memref<1000000x64xf32, #tpu.memory_space<hbm>>
    tpu.enqueue_indirect_dma source(%dma_start3A_382 : memref<1000000x64xf32, #tpu.memory_space<hbm>>) target(%arg11 : memref<128x64xf32, #tpu.memory_space<vmem>>) offsets(%dma_start3A_379 : memref<128xi32, #tpu.memory_space<vmem>>) semaphore(%arg14 : memref<!tpu.dma_semaphore, #tpu.memory_space<semaphore_mem>>)
    %dma_start3A_383 = arith.constant 2816 : i32
    %dma_start3A_384 = tpu.memref_slice %arg5[%dma_start3A_383] : memref<4096xi32, #tpu.memory_space<vmem>> -> memref<128xi32, #tpu.memory_space<vmem>>
    %dma_start3A_385 = arith.constant 0 : i32
    %dma_start3A_386 = arith.constant 0 : i32
    %dma_start3A_387 = tpu.memref_slice %arg2[%dma_start3A_385, %dma_start3A_386] : memref<1000000x64xf32, #tpu.memory_space<hbm>> -> memref<1000000x64xf32, #tpu.memory_space<hbm>>
    tpu.enqueue_indirect_dma source(%dma_start3A_387 : memref<1000000x64xf32, #tpu.memory_space<hbm>>) target(%arg12 : memref<128x64xf32, #tpu.memory_space<vmem>>) offsets(%dma_start3A_384 : memref<128xi32, #tpu.memory_space<vmem>>) semaphore(%arg14 : memref<!tpu.dma_semaphore, #tpu.memory_space<semaphore_mem>>)
    %dma_start3A_388 = arith.constant 2944 : i32
    %dma_start3A_389 = tpu.memref_slice %arg5[%dma_start3A_388] : memref<4096xi32, #tpu.memory_space<vmem>> -> memref<128xi32, #tpu.memory_space<vmem>>
    %dma_start3A_390 = arith.constant 0 : i32
    %dma_start3A_391 = arith.constant 0 : i32
    %dma_start3A_392 = tpu.memref_slice %arg2[%dma_start3A_390, %dma_start3A_391] : memref<1000000x64xf32, #tpu.memory_space<hbm>> -> memref<1000000x64xf32, #tpu.memory_space<hbm>>
    tpu.enqueue_indirect_dma source(%dma_start3A_392 : memref<1000000x64xf32, #tpu.memory_space<hbm>>) target(%arg13 : memref<128x64xf32, #tpu.memory_space<vmem>>) offsets(%dma_start3A_389 : memref<128xi32, #tpu.memory_space<vmem>>) semaphore(%arg14 : memref<!tpu.dma_semaphore, #tpu.memory_space<semaphore_mem>>)
    %dma_wait3A_393 = arith.constant 2048 : i32
    %dma_wait3A_394 = tpu.memref_slice %arg5[%dma_wait3A_393] : memref<4096xi32, #tpu.memory_space<vmem>> -> memref<128xi32, #tpu.memory_space<vmem>>
    %dma_wait3A_395 = arith.constant 0 : i32
    %dma_wait3A_396 = arith.constant 0 : i32
    %dma_wait3A_397 = tpu.memref_slice %arg2[%dma_wait3A_395, %dma_wait3A_396] : memref<1000000x64xf32, #tpu.memory_space<hbm>> -> memref<1000000x64xf32, #tpu.memory_space<hbm>>
    tpu.wait_indirect_dma semaphore(%arg14 : memref<!tpu.dma_semaphore, #tpu.memory_space<semaphore_mem>>) src(%dma_wait3A_397 : memref<1000000x64xf32, #tpu.memory_space<hbm>>) dst(%arg6 : memref<128x64xf32, #tpu.memory_space<vmem>>)
    %add3A_398 = arith.constant 2048 : i32
    %add3A_399 = arith.addi %mul3A_2, %add3A_398 : i32
    %dma_start3A_400 = arith.constant 0 : i32
    %dma_start3A_401 = tpu.memref_slice %arg4[%add3A_399, %dma_start3A_400] : memref<131072x64xf32, #tpu.memory_space<hbm>> -> memref<128x64xf32, #tpu.memory_space<hbm>>
    %dma_start3A_402 = arith.constant 0 : i32
    %dma_start3A_403 = tpu.memref_slice %arg4[%add3A_399, %dma_start3A_402] : memref<131072x64xf32, #tpu.memory_space<hbm>> -> memref<128x64xf32, #tpu.memory_space<hbm>>
    tpu.enqueue_dma source(%arg6 : memref<128x64xf32, #tpu.memory_space<vmem>>) target(%dma_start3A_403 : memref<128x64xf32, #tpu.memory_space<hbm>>) target_semaphore(%arg15 : memref<!tpu.dma_semaphore, #tpu.memory_space<semaphore_mem>>)
    %dma_wait3A_404 = arith.constant 2176 : i32
    %dma_wait3A_405 = tpu.memref_slice %arg5[%dma_wait3A_404] : memref<4096xi32, #tpu.memory_space<vmem>> -> memref<128xi32, #tpu.memory_space<vmem>>
    %dma_wait3A_406 = arith.constant 0 : i32
    %dma_wait3A_407 = arith.constant 0 : i32
    %dma_wait3A_408 = tpu.memref_slice %arg2[%dma_wait3A_406, %dma_wait3A_407] : memref<1000000x64xf32, #tpu.memory_space<hbm>> -> memref<1000000x64xf32, #tpu.memory_space<hbm>>
    tpu.wait_indirect_dma semaphore(%arg14 : memref<!tpu.dma_semaphore, #tpu.memory_space<semaphore_mem>>) src(%dma_wait3A_408 : memref<1000000x64xf32, #tpu.memory_space<hbm>>) dst(%arg7 : memref<128x64xf32, #tpu.memory_space<vmem>>)
    %add3A_409 = arith.constant 2176 : i32
    %add3A_410 = arith.addi %mul3A_2, %add3A_409 : i32
    %dma_start3A_411 = arith.constant 0 : i32
    %dma_start3A_412 = tpu.memref_slice %arg4[%add3A_410, %dma_start3A_411] : memref<131072x64xf32, #tpu.memory_space<hbm>> -> memref<128x64xf32, #tpu.memory_space<hbm>>
    %dma_start3A_413 = arith.constant 0 : i32
    %dma_start3A_414 = tpu.memref_slice %arg4[%add3A_410, %dma_start3A_413] : memref<131072x64xf32, #tpu.memory_space<hbm>> -> memref<128x64xf32, #tpu.memory_space<hbm>>
    tpu.enqueue_dma source(%arg7 : memref<128x64xf32, #tpu.memory_space<vmem>>) target(%dma_start3A_414 : memref<128x64xf32, #tpu.memory_space<hbm>>) target_semaphore(%arg15 : memref<!tpu.dma_semaphore, #tpu.memory_space<semaphore_mem>>)
    %dma_wait3A_415 = arith.constant 2304 : i32
    %dma_wait3A_416 = tpu.memref_slice %arg5[%dma_wait3A_415] : memref<4096xi32, #tpu.memory_space<vmem>> -> memref<128xi32, #tpu.memory_space<vmem>>
    %dma_wait3A_417 = arith.constant 0 : i32
    %dma_wait3A_418 = arith.constant 0 : i32
    %dma_wait3A_419 = tpu.memref_slice %arg2[%dma_wait3A_417, %dma_wait3A_418] : memref<1000000x64xf32, #tpu.memory_space<hbm>> -> memref<1000000x64xf32, #tpu.memory_space<hbm>>
    tpu.wait_indirect_dma semaphore(%arg14 : memref<!tpu.dma_semaphore, #tpu.memory_space<semaphore_mem>>) src(%dma_wait3A_419 : memref<1000000x64xf32, #tpu.memory_space<hbm>>) dst(%arg8 : memref<128x64xf32, #tpu.memory_space<vmem>>)
    %add3A_420 = arith.constant 2304 : i32
    %add3A_421 = arith.addi %mul3A_2, %add3A_420 : i32
    %dma_start3A_422 = arith.constant 0 : i32
    %dma_start3A_423 = tpu.memref_slice %arg4[%add3A_421, %dma_start3A_422] : memref<131072x64xf32, #tpu.memory_space<hbm>> -> memref<128x64xf32, #tpu.memory_space<hbm>>
    %dma_start3A_424 = arith.constant 0 : i32
    %dma_start3A_425 = tpu.memref_slice %arg4[%add3A_421, %dma_start3A_424] : memref<131072x64xf32, #tpu.memory_space<hbm>> -> memref<128x64xf32, #tpu.memory_space<hbm>>
    tpu.enqueue_dma source(%arg8 : memref<128x64xf32, #tpu.memory_space<vmem>>) target(%dma_start3A_425 : memref<128x64xf32, #tpu.memory_space<hbm>>) target_semaphore(%arg15 : memref<!tpu.dma_semaphore, #tpu.memory_space<semaphore_mem>>)
    %dma_wait3A_426 = arith.constant 2432 : i32
    %dma_wait3A_427 = tpu.memref_slice %arg5[%dma_wait3A_426] : memref<4096xi32, #tpu.memory_space<vmem>> -> memref<128xi32, #tpu.memory_space<vmem>>
    %dma_wait3A_428 = arith.constant 0 : i32
    %dma_wait3A_429 = arith.constant 0 : i32
    %dma_wait3A_430 = tpu.memref_slice %arg2[%dma_wait3A_428, %dma_wait3A_429] : memref<1000000x64xf32, #tpu.memory_space<hbm>> -> memref<1000000x64xf32, #tpu.memory_space<hbm>>
    tpu.wait_indirect_dma semaphore(%arg14 : memref<!tpu.dma_semaphore, #tpu.memory_space<semaphore_mem>>) src(%dma_wait3A_430 : memref<1000000x64xf32, #tpu.memory_space<hbm>>) dst(%arg9 : memref<128x64xf32, #tpu.memory_space<vmem>>)
    %add3A_431 = arith.constant 2432 : i32
    %add3A_432 = arith.addi %mul3A_2, %add3A_431 : i32
    %dma_start3A_433 = arith.constant 0 : i32
    %dma_start3A_434 = tpu.memref_slice %arg4[%add3A_432, %dma_start3A_433] : memref<131072x64xf32, #tpu.memory_space<hbm>> -> memref<128x64xf32, #tpu.memory_space<hbm>>
    %dma_start3A_435 = arith.constant 0 : i32
    %dma_start3A_436 = tpu.memref_slice %arg4[%add3A_432, %dma_start3A_435] : memref<131072x64xf32, #tpu.memory_space<hbm>> -> memref<128x64xf32, #tpu.memory_space<hbm>>
    tpu.enqueue_dma source(%arg9 : memref<128x64xf32, #tpu.memory_space<vmem>>) target(%dma_start3A_436 : memref<128x64xf32, #tpu.memory_space<hbm>>) target_semaphore(%arg15 : memref<!tpu.dma_semaphore, #tpu.memory_space<semaphore_mem>>)
    %dma_wait3A_437 = arith.constant 2560 : i32
    %dma_wait3A_438 = tpu.memref_slice %arg5[%dma_wait3A_437] : memref<4096xi32, #tpu.memory_space<vmem>> -> memref<128xi32, #tpu.memory_space<vmem>>
    %dma_wait3A_439 = arith.constant 0 : i32
    %dma_wait3A_440 = arith.constant 0 : i32
    %dma_wait3A_441 = tpu.memref_slice %arg2[%dma_wait3A_439, %dma_wait3A_440] : memref<1000000x64xf32, #tpu.memory_space<hbm>> -> memref<1000000x64xf32, #tpu.memory_space<hbm>>
    tpu.wait_indirect_dma semaphore(%arg14 : memref<!tpu.dma_semaphore, #tpu.memory_space<semaphore_mem>>) src(%dma_wait3A_441 : memref<1000000x64xf32, #tpu.memory_space<hbm>>) dst(%arg10 : memref<128x64xf32, #tpu.memory_space<vmem>>)
    %add3A_442 = arith.constant 2560 : i32
    %add3A_443 = arith.addi %mul3A_2, %add3A_442 : i32
    %dma_start3A_444 = arith.constant 0 : i32
    %dma_start3A_445 = tpu.memref_slice %arg4[%add3A_443, %dma_start3A_444] : memref<131072x64xf32, #tpu.memory_space<hbm>> -> memref<128x64xf32, #tpu.memory_space<hbm>>
    %dma_start3A_446 = arith.constant 0 : i32
    %dma_start3A_447 = tpu.memref_slice %arg4[%add3A_443, %dma_start3A_446] : memref<131072x64xf32, #tpu.memory_space<hbm>> -> memref<128x64xf32, #tpu.memory_space<hbm>>
    tpu.enqueue_dma source(%arg10 : memref<128x64xf32, #tpu.memory_space<vmem>>) target(%dma_start3A_447 : memref<128x64xf32, #tpu.memory_space<hbm>>) target_semaphore(%arg15 : memref<!tpu.dma_semaphore, #tpu.memory_space<semaphore_mem>>)
    %dma_wait3A_448 = arith.constant 2688 : i32
    %dma_wait3A_449 = tpu.memref_slice %arg5[%dma_wait3A_448] : memref<4096xi32, #tpu.memory_space<vmem>> -> memref<128xi32, #tpu.memory_space<vmem>>
    %dma_wait3A_450 = arith.constant 0 : i32
    %dma_wait3A_451 = arith.constant 0 : i32
    %dma_wait3A_452 = tpu.memref_slice %arg2[%dma_wait3A_450, %dma_wait3A_451] : memref<1000000x64xf32, #tpu.memory_space<hbm>> -> memref<1000000x64xf32, #tpu.memory_space<hbm>>
    tpu.wait_indirect_dma semaphore(%arg14 : memref<!tpu.dma_semaphore, #tpu.memory_space<semaphore_mem>>) src(%dma_wait3A_452 : memref<1000000x64xf32, #tpu.memory_space<hbm>>) dst(%arg11 : memref<128x64xf32, #tpu.memory_space<vmem>>)
    %add3A_453 = arith.constant 2688 : i32
    %add3A_454 = arith.addi %mul3A_2, %add3A_453 : i32
    %dma_start3A_455 = arith.constant 0 : i32
    %dma_start3A_456 = tpu.memref_slice %arg4[%add3A_454, %dma_start3A_455] : memref<131072x64xf32, #tpu.memory_space<hbm>> -> memref<128x64xf32, #tpu.memory_space<hbm>>
    %dma_start3A_457 = arith.constant 0 : i32
    %dma_start3A_458 = tpu.memref_slice %arg4[%add3A_454, %dma_start3A_457] : memref<131072x64xf32, #tpu.memory_space<hbm>> -> memref<128x64xf32, #tpu.memory_space<hbm>>
    tpu.enqueue_dma source(%arg11 : memref<128x64xf32, #tpu.memory_space<vmem>>) target(%dma_start3A_458 : memref<128x64xf32, #tpu.memory_space<hbm>>) target_semaphore(%arg15 : memref<!tpu.dma_semaphore, #tpu.memory_space<semaphore_mem>>)
    %dma_wait3A_459 = arith.constant 2816 : i32
    %dma_wait3A_460 = tpu.memref_slice %arg5[%dma_wait3A_459] : memref<4096xi32, #tpu.memory_space<vmem>> -> memref<128xi32, #tpu.memory_space<vmem>>
    %dma_wait3A_461 = arith.constant 0 : i32
    %dma_wait3A_462 = arith.constant 0 : i32
    %dma_wait3A_463 = tpu.memref_slice %arg2[%dma_wait3A_461, %dma_wait3A_462] : memref<1000000x64xf32, #tpu.memory_space<hbm>> -> memref<1000000x64xf32, #tpu.memory_space<hbm>>
    tpu.wait_indirect_dma semaphore(%arg14 : memref<!tpu.dma_semaphore, #tpu.memory_space<semaphore_mem>>) src(%dma_wait3A_463 : memref<1000000x64xf32, #tpu.memory_space<hbm>>) dst(%arg12 : memref<128x64xf32, #tpu.memory_space<vmem>>)
    %add3A_464 = arith.constant 2816 : i32
    %add3A_465 = arith.addi %mul3A_2, %add3A_464 : i32
    %dma_start3A_466 = arith.constant 0 : i32
    %dma_start3A_467 = tpu.memref_slice %arg4[%add3A_465, %dma_start3A_466] : memref<131072x64xf32, #tpu.memory_space<hbm>> -> memref<128x64xf32, #tpu.memory_space<hbm>>
    %dma_start3A_468 = arith.constant 0 : i32
    %dma_start3A_469 = tpu.memref_slice %arg4[%add3A_465, %dma_start3A_468] : memref<131072x64xf32, #tpu.memory_space<hbm>> -> memref<128x64xf32, #tpu.memory_space<hbm>>
    tpu.enqueue_dma source(%arg12 : memref<128x64xf32, #tpu.memory_space<vmem>>) target(%dma_start3A_469 : memref<128x64xf32, #tpu.memory_space<hbm>>) target_semaphore(%arg15 : memref<!tpu.dma_semaphore, #tpu.memory_space<semaphore_mem>>)
    %dma_wait3A_470 = arith.constant 2944 : i32
    %dma_wait3A_471 = tpu.memref_slice %arg5[%dma_wait3A_470] : memref<4096xi32, #tpu.memory_space<vmem>> -> memref<128xi32, #tpu.memory_space<vmem>>
    %dma_wait3A_472 = arith.constant 0 : i32
    %dma_wait3A_473 = arith.constant 0 : i32
    %dma_wait3A_474 = tpu.memref_slice %arg2[%dma_wait3A_472, %dma_wait3A_473] : memref<1000000x64xf32, #tpu.memory_space<hbm>> -> memref<1000000x64xf32, #tpu.memory_space<hbm>>
    tpu.wait_indirect_dma semaphore(%arg14 : memref<!tpu.dma_semaphore, #tpu.memory_space<semaphore_mem>>) src(%dma_wait3A_474 : memref<1000000x64xf32, #tpu.memory_space<hbm>>) dst(%arg13 : memref<128x64xf32, #tpu.memory_space<vmem>>)
    %add3A_475 = arith.constant 2944 : i32
    %add3A_476 = arith.addi %mul3A_2, %add3A_475 : i32
    %dma_start3A_477 = arith.constant 0 : i32
    %dma_start3A_478 = tpu.memref_slice %arg4[%add3A_476, %dma_start3A_477] : memref<131072x64xf32, #tpu.memory_space<hbm>> -> memref<128x64xf32, #tpu.memory_space<hbm>>
    %dma_start3A_479 = arith.constant 0 : i32
    %dma_start3A_480 = tpu.memref_slice %arg4[%add3A_476, %dma_start3A_479] : memref<131072x64xf32, #tpu.memory_space<hbm>> -> memref<128x64xf32, #tpu.memory_space<hbm>>
    tpu.enqueue_dma source(%arg13 : memref<128x64xf32, #tpu.memory_space<vmem>>) target(%dma_start3A_480 : memref<128x64xf32, #tpu.memory_space<hbm>>) target_semaphore(%arg15 : memref<!tpu.dma_semaphore, #tpu.memory_space<semaphore_mem>>)
    %add3A_481 = arith.constant 2048 : i32
    %add3A_482 = arith.addi %mul3A_2, %add3A_481 : i32
    %dma_wait3A_483 = arith.constant 0 : i32
    %dma_wait3A_484 = tpu.memref_slice %arg4[%add3A_482, %dma_wait3A_483] : memref<131072x64xf32, #tpu.memory_space<hbm>> -> memref<128x64xf32, #tpu.memory_space<hbm>>
    %dma_wait3A_485 = arith.constant 0 : i32
    %dma_wait3A_486 = tpu.memref_slice %arg4[%add3A_482, %dma_wait3A_485] : memref<131072x64xf32, #tpu.memory_space<hbm>> -> memref<128x64xf32, #tpu.memory_space<hbm>>
    tpu.wait_dma2 semaphore(%arg15 : memref<!tpu.dma_semaphore, #tpu.memory_space<semaphore_mem>>) src(%arg6 : memref<128x64xf32, #tpu.memory_space<vmem>>) dst(%dma_wait3A_486 : memref<128x64xf32, #tpu.memory_space<hbm>>)
    %add3A_487 = arith.constant 2176 : i32
    %add3A_488 = arith.addi %mul3A_2, %add3A_487 : i32
    %dma_wait3A_489 = arith.constant 0 : i32
    %dma_wait3A_490 = tpu.memref_slice %arg4[%add3A_488, %dma_wait3A_489] : memref<131072x64xf32, #tpu.memory_space<hbm>> -> memref<128x64xf32, #tpu.memory_space<hbm>>
    %dma_wait3A_491 = arith.constant 0 : i32
    %dma_wait3A_492 = tpu.memref_slice %arg4[%add3A_488, %dma_wait3A_491] : memref<131072x64xf32, #tpu.memory_space<hbm>> -> memref<128x64xf32, #tpu.memory_space<hbm>>
    tpu.wait_dma2 semaphore(%arg15 : memref<!tpu.dma_semaphore, #tpu.memory_space<semaphore_mem>>) src(%arg7 : memref<128x64xf32, #tpu.memory_space<vmem>>) dst(%dma_wait3A_492 : memref<128x64xf32, #tpu.memory_space<hbm>>)
    %add3A_493 = arith.constant 2304 : i32
    %add3A_494 = arith.addi %mul3A_2, %add3A_493 : i32
    %dma_wait3A_495 = arith.constant 0 : i32
    %dma_wait3A_496 = tpu.memref_slice %arg4[%add3A_494, %dma_wait3A_495] : memref<131072x64xf32, #tpu.memory_space<hbm>> -> memref<128x64xf32, #tpu.memory_space<hbm>>
    %dma_wait3A_497 = arith.constant 0 : i32
    %dma_wait3A_498 = tpu.memref_slice %arg4[%add3A_494, %dma_wait3A_497] : memref<131072x64xf32, #tpu.memory_space<hbm>> -> memref<128x64xf32, #tpu.memory_space<hbm>>
    tpu.wait_dma2 semaphore(%arg15 : memref<!tpu.dma_semaphore, #tpu.memory_space<semaphore_mem>>) src(%arg8 : memref<128x64xf32, #tpu.memory_space<vmem>>) dst(%dma_wait3A_498 : memref<128x64xf32, #tpu.memory_space<hbm>>)
    %add3A_499 = arith.constant 2432 : i32
    %add3A_500 = arith.addi %mul3A_2, %add3A_499 : i32
    %dma_wait3A_501 = arith.constant 0 : i32
    %dma_wait3A_502 = tpu.memref_slice %arg4[%add3A_500, %dma_wait3A_501] : memref<131072x64xf32, #tpu.memory_space<hbm>> -> memref<128x64xf32, #tpu.memory_space<hbm>>
    %dma_wait3A_503 = arith.constant 0 : i32
    %dma_wait3A_504 = tpu.memref_slice %arg4[%add3A_500, %dma_wait3A_503] : memref<131072x64xf32, #tpu.memory_space<hbm>> -> memref<128x64xf32, #tpu.memory_space<hbm>>
    tpu.wait_dma2 semaphore(%arg15 : memref<!tpu.dma_semaphore, #tpu.memory_space<semaphore_mem>>) src(%arg9 : memref<128x64xf32, #tpu.memory_space<vmem>>) dst(%dma_wait3A_504 : memref<128x64xf32, #tpu.memory_space<hbm>>)
    %add3A_505 = arith.constant 2560 : i32
    %add3A_506 = arith.addi %mul3A_2, %add3A_505 : i32
    %dma_wait3A_507 = arith.constant 0 : i32
    %dma_wait3A_508 = tpu.memref_slice %arg4[%add3A_506, %dma_wait3A_507] : memref<131072x64xf32, #tpu.memory_space<hbm>> -> memref<128x64xf32, #tpu.memory_space<hbm>>
    %dma_wait3A_509 = arith.constant 0 : i32
    %dma_wait3A_510 = tpu.memref_slice %arg4[%add3A_506, %dma_wait3A_509] : memref<131072x64xf32, #tpu.memory_space<hbm>> -> memref<128x64xf32, #tpu.memory_space<hbm>>
    tpu.wait_dma2 semaphore(%arg15 : memref<!tpu.dma_semaphore, #tpu.memory_space<semaphore_mem>>) src(%arg10 : memref<128x64xf32, #tpu.memory_space<vmem>>) dst(%dma_wait3A_510 : memref<128x64xf32, #tpu.memory_space<hbm>>)
    %add3A_511 = arith.constant 2688 : i32
    %add3A_512 = arith.addi %mul3A_2, %add3A_511 : i32
    %dma_wait3A_513 = arith.constant 0 : i32
    %dma_wait3A_514 = tpu.memref_slice %arg4[%add3A_512, %dma_wait3A_513] : memref<131072x64xf32, #tpu.memory_space<hbm>> -> memref<128x64xf32, #tpu.memory_space<hbm>>
    %dma_wait3A_515 = arith.constant 0 : i32
    %dma_wait3A_516 = tpu.memref_slice %arg4[%add3A_512, %dma_wait3A_515] : memref<131072x64xf32, #tpu.memory_space<hbm>> -> memref<128x64xf32, #tpu.memory_space<hbm>>
    tpu.wait_dma2 semaphore(%arg15 : memref<!tpu.dma_semaphore, #tpu.memory_space<semaphore_mem>>) src(%arg11 : memref<128x64xf32, #tpu.memory_space<vmem>>) dst(%dma_wait3A_516 : memref<128x64xf32, #tpu.memory_space<hbm>>)
    %add3A_517 = arith.constant 2816 : i32
    %add3A_518 = arith.addi %mul3A_2, %add3A_517 : i32
    %dma_wait3A_519 = arith.constant 0 : i32
    %dma_wait3A_520 = tpu.memref_slice %arg4[%add3A_518, %dma_wait3A_519] : memref<131072x64xf32, #tpu.memory_space<hbm>> -> memref<128x64xf32, #tpu.memory_space<hbm>>
    %dma_wait3A_521 = arith.constant 0 : i32
    %dma_wait3A_522 = tpu.memref_slice %arg4[%add3A_518, %dma_wait3A_521] : memref<131072x64xf32, #tpu.memory_space<hbm>> -> memref<128x64xf32, #tpu.memory_space<hbm>>
    tpu.wait_dma2 semaphore(%arg15 : memref<!tpu.dma_semaphore, #tpu.memory_space<semaphore_mem>>) src(%arg12 : memref<128x64xf32, #tpu.memory_space<vmem>>) dst(%dma_wait3A_522 : memref<128x64xf32, #tpu.memory_space<hbm>>)
    %add3A_523 = arith.constant 2944 : i32
    %add3A_524 = arith.addi %mul3A_2, %add3A_523 : i32
    %dma_wait3A_525 = arith.constant 0 : i32
    %dma_wait3A_526 = tpu.memref_slice %arg4[%add3A_524, %dma_wait3A_525] : memref<131072x64xf32, #tpu.memory_space<hbm>> -> memref<128x64xf32, #tpu.memory_space<hbm>>
    %dma_wait3A_527 = arith.constant 0 : i32
    %dma_wait3A_528 = tpu.memref_slice %arg4[%add3A_524, %dma_wait3A_527] : memref<131072x64xf32, #tpu.memory_space<hbm>> -> memref<128x64xf32, #tpu.memory_space<hbm>>
    tpu.wait_dma2 semaphore(%arg15 : memref<!tpu.dma_semaphore, #tpu.memory_space<semaphore_mem>>) src(%arg13 : memref<128x64xf32, #tpu.memory_space<vmem>>) dst(%dma_wait3A_528 : memref<128x64xf32, #tpu.memory_space<hbm>>)
    %dma_start3A_529 = arith.constant 3072 : i32
    %dma_start3A_530 = tpu.memref_slice %arg5[%dma_start3A_529] : memref<4096xi32, #tpu.memory_space<vmem>> -> memref<128xi32, #tpu.memory_space<vmem>>
    %dma_start3A_531 = arith.constant 0 : i32
    %dma_start3A_532 = arith.constant 0 : i32
    %dma_start3A_533 = tpu.memref_slice %arg2[%dma_start3A_531, %dma_start3A_532] : memref<1000000x64xf32, #tpu.memory_space<hbm>> -> memref<1000000x64xf32, #tpu.memory_space<hbm>>
    tpu.enqueue_indirect_dma source(%dma_start3A_533 : memref<1000000x64xf32, #tpu.memory_space<hbm>>) target(%arg6 : memref<128x64xf32, #tpu.memory_space<vmem>>) offsets(%dma_start3A_530 : memref<128xi32, #tpu.memory_space<vmem>>) semaphore(%arg14 : memref<!tpu.dma_semaphore, #tpu.memory_space<semaphore_mem>>)
    %dma_start3A_534 = arith.constant 3200 : i32
    %dma_start3A_535 = tpu.memref_slice %arg5[%dma_start3A_534] : memref<4096xi32, #tpu.memory_space<vmem>> -> memref<128xi32, #tpu.memory_space<vmem>>
    %dma_start3A_536 = arith.constant 0 : i32
    %dma_start3A_537 = arith.constant 0 : i32
    %dma_start3A_538 = tpu.memref_slice %arg2[%dma_start3A_536, %dma_start3A_537] : memref<1000000x64xf32, #tpu.memory_space<hbm>> -> memref<1000000x64xf32, #tpu.memory_space<hbm>>
    tpu.enqueue_indirect_dma source(%dma_start3A_538 : memref<1000000x64xf32, #tpu.memory_space<hbm>>) target(%arg7 : memref<128x64xf32, #tpu.memory_space<vmem>>) offsets(%dma_start3A_535 : memref<128xi32, #tpu.memory_space<vmem>>) semaphore(%arg14 : memref<!tpu.dma_semaphore, #tpu.memory_space<semaphore_mem>>)
    %dma_start3A_539 = arith.constant 3328 : i32
    %dma_start3A_540 = tpu.memref_slice %arg5[%dma_start3A_539] : memref<4096xi32, #tpu.memory_space<vmem>> -> memref<128xi32, #tpu.memory_space<vmem>>
    %dma_start3A_541 = arith.constant 0 : i32
    %dma_start3A_542 = arith.constant 0 : i32
    %dma_start3A_543 = tpu.memref_slice %arg2[%dma_start3A_541, %dma_start3A_542] : memref<1000000x64xf32, #tpu.memory_space<hbm>> -> memref<1000000x64xf32, #tpu.memory_space<hbm>>
    tpu.enqueue_indirect_dma source(%dma_start3A_543 : memref<1000000x64xf32, #tpu.memory_space<hbm>>) target(%arg8 : memref<128x64xf32, #tpu.memory_space<vmem>>) offsets(%dma_start3A_540 : memref<128xi32, #tpu.memory_space<vmem>>) semaphore(%arg14 : memref<!tpu.dma_semaphore, #tpu.memory_space<semaphore_mem>>)
    %dma_start3A_544 = arith.constant 3456 : i32
    %dma_start3A_545 = tpu.memref_slice %arg5[%dma_start3A_544] : memref<4096xi32, #tpu.memory_space<vmem>> -> memref<128xi32, #tpu.memory_space<vmem>>
    %dma_start3A_546 = arith.constant 0 : i32
    %dma_start3A_547 = arith.constant 0 : i32
    %dma_start3A_548 = tpu.memref_slice %arg2[%dma_start3A_546, %dma_start3A_547] : memref<1000000x64xf32, #tpu.memory_space<hbm>> -> memref<1000000x64xf32, #tpu.memory_space<hbm>>
    tpu.enqueue_indirect_dma source(%dma_start3A_548 : memref<1000000x64xf32, #tpu.memory_space<hbm>>) target(%arg9 : memref<128x64xf32, #tpu.memory_space<vmem>>) offsets(%dma_start3A_545 : memref<128xi32, #tpu.memory_space<vmem>>) semaphore(%arg14 : memref<!tpu.dma_semaphore, #tpu.memory_space<semaphore_mem>>)
    %dma_start3A_549 = arith.constant 3584 : i32
    %dma_start3A_550 = tpu.memref_slice %arg5[%dma_start3A_549] : memref<4096xi32, #tpu.memory_space<vmem>> -> memref<128xi32, #tpu.memory_space<vmem>>
    %dma_start3A_551 = arith.constant 0 : i32
    %dma_start3A_552 = arith.constant 0 : i32
    %dma_start3A_553 = tpu.memref_slice %arg2[%dma_start3A_551, %dma_start3A_552] : memref<1000000x64xf32, #tpu.memory_space<hbm>> -> memref<1000000x64xf32, #tpu.memory_space<hbm>>
    tpu.enqueue_indirect_dma source(%dma_start3A_553 : memref<1000000x64xf32, #tpu.memory_space<hbm>>) target(%arg10 : memref<128x64xf32, #tpu.memory_space<vmem>>) offsets(%dma_start3A_550 : memref<128xi32, #tpu.memory_space<vmem>>) semaphore(%arg14 : memref<!tpu.dma_semaphore, #tpu.memory_space<semaphore_mem>>)
    %dma_start3A_554 = arith.constant 3712 : i32
    %dma_start3A_555 = tpu.memref_slice %arg5[%dma_start3A_554] : memref<4096xi32, #tpu.memory_space<vmem>> -> memref<128xi32, #tpu.memory_space<vmem>>
    %dma_start3A_556 = arith.constant 0 : i32
    %dma_start3A_557 = arith.constant 0 : i32
    %dma_start3A_558 = tpu.memref_slice %arg2[%dma_start3A_556, %dma_start3A_557] : memref<1000000x64xf32, #tpu.memory_space<hbm>> -> memref<1000000x64xf32, #tpu.memory_space<hbm>>
    tpu.enqueue_indirect_dma source(%dma_start3A_558 : memref<1000000x64xf32, #tpu.memory_space<hbm>>) target(%arg11 : memref<128x64xf32, #tpu.memory_space<vmem>>) offsets(%dma_start3A_555 : memref<128xi32, #tpu.memory_space<vmem>>) semaphore(%arg14 : memref<!tpu.dma_semaphore, #tpu.memory_space<semaphore_mem>>)
    %dma_start3A_559 = arith.constant 3840 : i32
    %dma_start3A_560 = tpu.memref_slice %arg5[%dma_start3A_559] : memref<4096xi32, #tpu.memory_space<vmem>> -> memref<128xi32, #tpu.memory_space<vmem>>
    %dma_start3A_561 = arith.constant 0 : i32
    %dma_start3A_562 = arith.constant 0 : i32
    %dma_start3A_563 = tpu.memref_slice %arg2[%dma_start3A_561, %dma_start3A_562] : memref<1000000x64xf32, #tpu.memory_space<hbm>> -> memref<1000000x64xf32, #tpu.memory_space<hbm>>
    tpu.enqueue_indirect_dma source(%dma_start3A_563 : memref<1000000x64xf32, #tpu.memory_space<hbm>>) target(%arg12 : memref<128x64xf32, #tpu.memory_space<vmem>>) offsets(%dma_start3A_560 : memref<128xi32, #tpu.memory_space<vmem>>) semaphore(%arg14 : memref<!tpu.dma_semaphore, #tpu.memory_space<semaphore_mem>>)
    %dma_start3A_564 = arith.constant 3968 : i32
    %dma_start3A_565 = tpu.memref_slice %arg5[%dma_start3A_564] : memref<4096xi32, #tpu.memory_space<vmem>> -> memref<128xi32, #tpu.memory_space<vmem>>
    %dma_start3A_566 = arith.constant 0 : i32
    %dma_start3A_567 = arith.constant 0 : i32
    %dma_start3A_568 = tpu.memref_slice %arg2[%dma_start3A_566, %dma_start3A_567] : memref<1000000x64xf32, #tpu.memory_space<hbm>> -> memref<1000000x64xf32, #tpu.memory_space<hbm>>
    tpu.enqueue_indirect_dma source(%dma_start3A_568 : memref<1000000x64xf32, #tpu.memory_space<hbm>>) target(%arg13 : memref<128x64xf32, #tpu.memory_space<vmem>>) offsets(%dma_start3A_565 : memref<128xi32, #tpu.memory_space<vmem>>) semaphore(%arg14 : memref<!tpu.dma_semaphore, #tpu.memory_space<semaphore_mem>>)
    %dma_wait3A_569 = arith.constant 3072 : i32
    %dma_wait3A_570 = tpu.memref_slice %arg5[%dma_wait3A_569] : memref<4096xi32, #tpu.memory_space<vmem>> -> memref<128xi32, #tpu.memory_space<vmem>>
    %dma_wait3A_571 = arith.constant 0 : i32
    %dma_wait3A_572 = arith.constant 0 : i32
    %dma_wait3A_573 = tpu.memref_slice %arg2[%dma_wait3A_571, %dma_wait3A_572] : memref<1000000x64xf32, #tpu.memory_space<hbm>> -> memref<1000000x64xf32, #tpu.memory_space<hbm>>
    tpu.wait_indirect_dma semaphore(%arg14 : memref<!tpu.dma_semaphore, #tpu.memory_space<semaphore_mem>>) src(%dma_wait3A_573 : memref<1000000x64xf32, #tpu.memory_space<hbm>>) dst(%arg6 : memref<128x64xf32, #tpu.memory_space<vmem>>)
    %add3A_574 = arith.constant 3072 : i32
    %add3A_575 = arith.addi %mul3A_2, %add3A_574 : i32
    %dma_start3A_576 = arith.constant 0 : i32
    %dma_start3A_577 = tpu.memref_slice %arg4[%add3A_575, %dma_start3A_576] : memref<131072x64xf32, #tpu.memory_space<hbm>> -> memref<128x64xf32, #tpu.memory_space<hbm>>
    %dma_start3A_578 = arith.constant 0 : i32
    %dma_start3A_579 = tpu.memref_slice %arg4[%add3A_575, %dma_start3A_578] : memref<131072x64xf32, #tpu.memory_space<hbm>> -> memref<128x64xf32, #tpu.memory_space<hbm>>
    tpu.enqueue_dma source(%arg6 : memref<128x64xf32, #tpu.memory_space<vmem>>) target(%dma_start3A_579 : memref<128x64xf32, #tpu.memory_space<hbm>>) target_semaphore(%arg15 : memref<!tpu.dma_semaphore, #tpu.memory_space<semaphore_mem>>)
    %dma_wait3A_580 = arith.constant 3200 : i32
    %dma_wait3A_581 = tpu.memref_slice %arg5[%dma_wait3A_580] : memref<4096xi32, #tpu.memory_space<vmem>> -> memref<128xi32, #tpu.memory_space<vmem>>
    %dma_wait3A_582 = arith.constant 0 : i32
    %dma_wait3A_583 = arith.constant 0 : i32
    %dma_wait3A_584 = tpu.memref_slice %arg2[%dma_wait3A_582, %dma_wait3A_583] : memref<1000000x64xf32, #tpu.memory_space<hbm>> -> memref<1000000x64xf32, #tpu.memory_space<hbm>>
    tpu.wait_indirect_dma semaphore(%arg14 : memref<!tpu.dma_semaphore, #tpu.memory_space<semaphore_mem>>) src(%dma_wait3A_584 : memref<1000000x64xf32, #tpu.memory_space<hbm>>) dst(%arg7 : memref<128x64xf32, #tpu.memory_space<vmem>>)
    %add3A_585 = arith.constant 3200 : i32
    %add3A_586 = arith.addi %mul3A_2, %add3A_585 : i32
    %dma_start3A_587 = arith.constant 0 : i32
    %dma_start3A_588 = tpu.memref_slice %arg4[%add3A_586, %dma_start3A_587] : memref<131072x64xf32, #tpu.memory_space<hbm>> -> memref<128x64xf32, #tpu.memory_space<hbm>>
    %dma_start3A_589 = arith.constant 0 : i32
    %dma_start3A_590 = tpu.memref_slice %arg4[%add3A_586, %dma_start3A_589] : memref<131072x64xf32, #tpu.memory_space<hbm>> -> memref<128x64xf32, #tpu.memory_space<hbm>>
    tpu.enqueue_dma source(%arg7 : memref<128x64xf32, #tpu.memory_space<vmem>>) target(%dma_start3A_590 : memref<128x64xf32, #tpu.memory_space<hbm>>) target_semaphore(%arg15 : memref<!tpu.dma_semaphore, #tpu.memory_space<semaphore_mem>>)
    %dma_wait3A_591 = arith.constant 3328 : i32
    %dma_wait3A_592 = tpu.memref_slice %arg5[%dma_wait3A_591] : memref<4096xi32, #tpu.memory_space<vmem>> -> memref<128xi32, #tpu.memory_space<vmem>>
    %dma_wait3A_593 = arith.constant 0 : i32
    %dma_wait3A_594 = arith.constant 0 : i32
    %dma_wait3A_595 = tpu.memref_slice %arg2[%dma_wait3A_593, %dma_wait3A_594] : memref<1000000x64xf32, #tpu.memory_space<hbm>> -> memref<1000000x64xf32, #tpu.memory_space<hbm>>
    tpu.wait_indirect_dma semaphore(%arg14 : memref<!tpu.dma_semaphore, #tpu.memory_space<semaphore_mem>>) src(%dma_wait3A_595 : memref<1000000x64xf32, #tpu.memory_space<hbm>>) dst(%arg8 : memref<128x64xf32, #tpu.memory_space<vmem>>)
    %add3A_596 = arith.constant 3328 : i32
    %add3A_597 = arith.addi %mul3A_2, %add3A_596 : i32
    %dma_start3A_598 = arith.constant 0 : i32
    %dma_start3A_599 = tpu.memref_slice %arg4[%add3A_597, %dma_start3A_598] : memref<131072x64xf32, #tpu.memory_space<hbm>> -> memref<128x64xf32, #tpu.memory_space<hbm>>
    %dma_start3A_600 = arith.constant 0 : i32
    %dma_start3A_601 = tpu.memref_slice %arg4[%add3A_597, %dma_start3A_600] : memref<131072x64xf32, #tpu.memory_space<hbm>> -> memref<128x64xf32, #tpu.memory_space<hbm>>
    tpu.enqueue_dma source(%arg8 : memref<128x64xf32, #tpu.memory_space<vmem>>) target(%dma_start3A_601 : memref<128x64xf32, #tpu.memory_space<hbm>>) target_semaphore(%arg15 : memref<!tpu.dma_semaphore, #tpu.memory_space<semaphore_mem>>)
    %dma_wait3A_602 = arith.constant 3456 : i32
    %dma_wait3A_603 = tpu.memref_slice %arg5[%dma_wait3A_602] : memref<4096xi32, #tpu.memory_space<vmem>> -> memref<128xi32, #tpu.memory_space<vmem>>
    %dma_wait3A_604 = arith.constant 0 : i32
    %dma_wait3A_605 = arith.constant 0 : i32
    %dma_wait3A_606 = tpu.memref_slice %arg2[%dma_wait3A_604, %dma_wait3A_605] : memref<1000000x64xf32, #tpu.memory_space<hbm>> -> memref<1000000x64xf32, #tpu.memory_space<hbm>>
    tpu.wait_indirect_dma semaphore(%arg14 : memref<!tpu.dma_semaphore, #tpu.memory_space<semaphore_mem>>) src(%dma_wait3A_606 : memref<1000000x64xf32, #tpu.memory_space<hbm>>) dst(%arg9 : memref<128x64xf32, #tpu.memory_space<vmem>>)
    %add3A_607 = arith.constant 3456 : i32
    %add3A_608 = arith.addi %mul3A_2, %add3A_607 : i32
    %dma_start3A_609 = arith.constant 0 : i32
    %dma_start3A_610 = tpu.memref_slice %arg4[%add3A_608, %dma_start3A_609] : memref<131072x64xf32, #tpu.memory_space<hbm>> -> memref<128x64xf32, #tpu.memory_space<hbm>>
    %dma_start3A_611 = arith.constant 0 : i32
    %dma_start3A_612 = tpu.memref_slice %arg4[%add3A_608, %dma_start3A_611] : memref<131072x64xf32, #tpu.memory_space<hbm>> -> memref<128x64xf32, #tpu.memory_space<hbm>>
    tpu.enqueue_dma source(%arg9 : memref<128x64xf32, #tpu.memory_space<vmem>>) target(%dma_start3A_612 : memref<128x64xf32, #tpu.memory_space<hbm>>) target_semaphore(%arg15 : memref<!tpu.dma_semaphore, #tpu.memory_space<semaphore_mem>>)
    %dma_wait3A_613 = arith.constant 3584 : i32
    %dma_wait3A_614 = tpu.memref_slice %arg5[%dma_wait3A_613] : memref<4096xi32, #tpu.memory_space<vmem>> -> memref<128xi32, #tpu.memory_space<vmem>>
    %dma_wait3A_615 = arith.constant 0 : i32
    %dma_wait3A_616 = arith.constant 0 : i32
    %dma_wait3A_617 = tpu.memref_slice %arg2[%dma_wait3A_615, %dma_wait3A_616] : memref<1000000x64xf32, #tpu.memory_space<hbm>> -> memref<1000000x64xf32, #tpu.memory_space<hbm>>
    tpu.wait_indirect_dma semaphore(%arg14 : memref<!tpu.dma_semaphore, #tpu.memory_space<semaphore_mem>>) src(%dma_wait3A_617 : memref<1000000x64xf32, #tpu.memory_space<hbm>>) dst(%arg10 : memref<128x64xf32, #tpu.memory_space<vmem>>)
    %add3A_618 = arith.constant 3584 : i32
    %add3A_619 = arith.addi %mul3A_2, %add3A_618 : i32
    %dma_start3A_620 = arith.constant 0 : i32
    %dma_start3A_621 = tpu.memref_slice %arg4[%add3A_619, %dma_start3A_620] : memref<131072x64xf32, #tpu.memory_space<hbm>> -> memref<128x64xf32, #tpu.memory_space<hbm>>
    %dma_start3A_622 = arith.constant 0 : i32
    %dma_start3A_623 = tpu.memref_slice %arg4[%add3A_619, %dma_start3A_622] : memref<131072x64xf32, #tpu.memory_space<hbm>> -> memref<128x64xf32, #tpu.memory_space<hbm>>
    tpu.enqueue_dma source(%arg10 : memref<128x64xf32, #tpu.memory_space<vmem>>) target(%dma_start3A_623 : memref<128x64xf32, #tpu.memory_space<hbm>>) target_semaphore(%arg15 : memref<!tpu.dma_semaphore, #tpu.memory_space<semaphore_mem>>)
    %dma_wait3A_624 = arith.constant 3712 : i32
    %dma_wait3A_625 = tpu.memref_slice %arg5[%dma_wait3A_624] : memref<4096xi32, #tpu.memory_space<vmem>> -> memref<128xi32, #tpu.memory_space<vmem>>
    %dma_wait3A_626 = arith.constant 0 : i32
    %dma_wait3A_627 = arith.constant 0 : i32
    %dma_wait3A_628 = tpu.memref_slice %arg2[%dma_wait3A_626, %dma_wait3A_627] : memref<1000000x64xf32, #tpu.memory_space<hbm>> -> memref<1000000x64xf32, #tpu.memory_space<hbm>>
    tpu.wait_indirect_dma semaphore(%arg14 : memref<!tpu.dma_semaphore, #tpu.memory_space<semaphore_mem>>) src(%dma_wait3A_628 : memref<1000000x64xf32, #tpu.memory_space<hbm>>) dst(%arg11 : memref<128x64xf32, #tpu.memory_space<vmem>>)
    %add3A_629 = arith.constant 3712 : i32
    %add3A_630 = arith.addi %mul3A_2, %add3A_629 : i32
    %dma_start3A_631 = arith.constant 0 : i32
    %dma_start3A_632 = tpu.memref_slice %arg4[%add3A_630, %dma_start3A_631] : memref<131072x64xf32, #tpu.memory_space<hbm>> -> memref<128x64xf32, #tpu.memory_space<hbm>>
    %dma_start3A_633 = arith.constant 0 : i32
    %dma_start3A_634 = tpu.memref_slice %arg4[%add3A_630, %dma_start3A_633] : memref<131072x64xf32, #tpu.memory_space<hbm>> -> memref<128x64xf32, #tpu.memory_space<hbm>>
    tpu.enqueue_dma source(%arg11 : memref<128x64xf32, #tpu.memory_space<vmem>>) target(%dma_start3A_634 : memref<128x64xf32, #tpu.memory_space<hbm>>) target_semaphore(%arg15 : memref<!tpu.dma_semaphore, #tpu.memory_space<semaphore_mem>>)
    %dma_wait3A_635 = arith.constant 3840 : i32
    %dma_wait3A_636 = tpu.memref_slice %arg5[%dma_wait3A_635] : memref<4096xi32, #tpu.memory_space<vmem>> -> memref<128xi32, #tpu.memory_space<vmem>>
    %dma_wait3A_637 = arith.constant 0 : i32
    %dma_wait3A_638 = arith.constant 0 : i32
    %dma_wait3A_639 = tpu.memref_slice %arg2[%dma_wait3A_637, %dma_wait3A_638] : memref<1000000x64xf32, #tpu.memory_space<hbm>> -> memref<1000000x64xf32, #tpu.memory_space<hbm>>
    tpu.wait_indirect_dma semaphore(%arg14 : memref<!tpu.dma_semaphore, #tpu.memory_space<semaphore_mem>>) src(%dma_wait3A_639 : memref<1000000x64xf32, #tpu.memory_space<hbm>>) dst(%arg12 : memref<128x64xf32, #tpu.memory_space<vmem>>)
    %add3A_640 = arith.constant 3840 : i32
    %add3A_641 = arith.addi %mul3A_2, %add3A_640 : i32
    %dma_start3A_642 = arith.constant 0 : i32
    %dma_start3A_643 = tpu.memref_slice %arg4[%add3A_641, %dma_start3A_642] : memref<131072x64xf32, #tpu.memory_space<hbm>> -> memref<128x64xf32, #tpu.memory_space<hbm>>
    %dma_start3A_644 = arith.constant 0 : i32
    %dma_start3A_645 = tpu.memref_slice %arg4[%add3A_641, %dma_start3A_644] : memref<131072x64xf32, #tpu.memory_space<hbm>> -> memref<128x64xf32, #tpu.memory_space<hbm>>
    tpu.enqueue_dma source(%arg12 : memref<128x64xf32, #tpu.memory_space<vmem>>) target(%dma_start3A_645 : memref<128x64xf32, #tpu.memory_space<hbm>>) target_semaphore(%arg15 : memref<!tpu.dma_semaphore, #tpu.memory_space<semaphore_mem>>)
    %dma_wait3A_646 = arith.constant 3968 : i32
    %dma_wait3A_647 = tpu.memref_slice %arg5[%dma_wait3A_646] : memref<4096xi32, #tpu.memory_space<vmem>> -> memref<128xi32, #tpu.memory_space<vmem>>
    %dma_wait3A_648 = arith.constant 0 : i32
    %dma_wait3A_649 = arith.constant 0 : i32
    %dma_wait3A_650 = tpu.memref_slice %arg2[%dma_wait3A_648, %dma_wait3A_649] : memref<1000000x64xf32, #tpu.memory_space<hbm>> -> memref<1000000x64xf32, #tpu.memory_space<hbm>>
    tpu.wait_indirect_dma semaphore(%arg14 : memref<!tpu.dma_semaphore, #tpu.memory_space<semaphore_mem>>) src(%dma_wait3A_650 : memref<1000000x64xf32, #tpu.memory_space<hbm>>) dst(%arg13 : memref<128x64xf32, #tpu.memory_space<vmem>>)
    %add3A_651 = arith.constant 3968 : i32
    %add3A_652 = arith.addi %mul3A_2, %add3A_651 : i32
    %dma_start3A_653 = arith.constant 0 : i32
    %dma_start3A_654 = tpu.memref_slice %arg4[%add3A_652, %dma_start3A_653] : memref<131072x64xf32, #tpu.memory_space<hbm>> -> memref<128x64xf32, #tpu.memory_space<hbm>>
    %dma_start3A_655 = arith.constant 0 : i32
    %dma_start3A_656 = tpu.memref_slice %arg4[%add3A_652, %dma_start3A_655] : memref<131072x64xf32, #tpu.memory_space<hbm>> -> memref<128x64xf32, #tpu.memory_space<hbm>>
    tpu.enqueue_dma source(%arg13 : memref<128x64xf32, #tpu.memory_space<vmem>>) target(%dma_start3A_656 : memref<128x64xf32, #tpu.memory_space<hbm>>) target_semaphore(%arg15 : memref<!tpu.dma_semaphore, #tpu.memory_space<semaphore_mem>>)
    %add3A_657 = arith.constant 3072 : i32
    %add3A_658 = arith.addi %mul3A_2, %add3A_657 : i32
    %dma_wait3A_659 = arith.constant 0 : i32
    %dma_wait3A_660 = tpu.memref_slice %arg4[%add3A_658, %dma_wait3A_659] : memref<131072x64xf32, #tpu.memory_space<hbm>> -> memref<128x64xf32, #tpu.memory_space<hbm>>
    %dma_wait3A_661 = arith.constant 0 : i32
    %dma_wait3A_662 = tpu.memref_slice %arg4[%add3A_658, %dma_wait3A_661] : memref<131072x64xf32, #tpu.memory_space<hbm>> -> memref<128x64xf32, #tpu.memory_space<hbm>>
    tpu.wait_dma2 semaphore(%arg15 : memref<!tpu.dma_semaphore, #tpu.memory_space<semaphore_mem>>) src(%arg6 : memref<128x64xf32, #tpu.memory_space<vmem>>) dst(%dma_wait3A_662 : memref<128x64xf32, #tpu.memory_space<hbm>>)
    %add3A_663 = arith.constant 3200 : i32
    %add3A_664 = arith.addi %mul3A_2, %add3A_663 : i32
    %dma_wait3A_665 = arith.constant 0 : i32
    %dma_wait3A_666 = tpu.memref_slice %arg4[%add3A_664, %dma_wait3A_665] : memref<131072x64xf32, #tpu.memory_space<hbm>> -> memref<128x64xf32, #tpu.memory_space<hbm>>
    %dma_wait3A_667 = arith.constant 0 : i32
    %dma_wait3A_668 = tpu.memref_slice %arg4[%add3A_664, %dma_wait3A_667] : memref<131072x64xf32, #tpu.memory_space<hbm>> -> memref<128x64xf32, #tpu.memory_space<hbm>>
    tpu.wait_dma2 semaphore(%arg15 : memref<!tpu.dma_semaphore, #tpu.memory_space<semaphore_mem>>) src(%arg7 : memref<128x64xf32, #tpu.memory_space<vmem>>) dst(%dma_wait3A_668 : memref<128x64xf32, #tpu.memory_space<hbm>>)
    %add3A_669 = arith.constant 3328 : i32
    %add3A_670 = arith.addi %mul3A_2, %add3A_669 : i32
    %dma_wait3A_671 = arith.constant 0 : i32
    %dma_wait3A_672 = tpu.memref_slice %arg4[%add3A_670, %dma_wait3A_671] : memref<131072x64xf32, #tpu.memory_space<hbm>> -> memref<128x64xf32, #tpu.memory_space<hbm>>
    %dma_wait3A_673 = arith.constant 0 : i32
    %dma_wait3A_674 = tpu.memref_slice %arg4[%add3A_670, %dma_wait3A_673] : memref<131072x64xf32, #tpu.memory_space<hbm>> -> memref<128x64xf32, #tpu.memory_space<hbm>>
    tpu.wait_dma2 semaphore(%arg15 : memref<!tpu.dma_semaphore, #tpu.memory_space<semaphore_mem>>) src(%arg8 : memref<128x64xf32, #tpu.memory_space<vmem>>) dst(%dma_wait3A_674 : memref<128x64xf32, #tpu.memory_space<hbm>>)
    %add3A_675 = arith.constant 3456 : i32
    %add3A_676 = arith.addi %mul3A_2, %add3A_675 : i32
    %dma_wait3A_677 = arith.constant 0 : i32
    %dma_wait3A_678 = tpu.memref_slice %arg4[%add3A_676, %dma_wait3A_677] : memref<131072x64xf32, #tpu.memory_space<hbm>> -> memref<128x64xf32, #tpu.memory_space<hbm>>
    %dma_wait3A_679 = arith.constant 0 : i32
    %dma_wait3A_680 = tpu.memref_slice %arg4[%add3A_676, %dma_wait3A_679] : memref<131072x64xf32, #tpu.memory_space<hbm>> -> memref<128x64xf32, #tpu.memory_space<hbm>>
    tpu.wait_dma2 semaphore(%arg15 : memref<!tpu.dma_semaphore, #tpu.memory_space<semaphore_mem>>) src(%arg9 : memref<128x64xf32, #tpu.memory_space<vmem>>) dst(%dma_wait3A_680 : memref<128x64xf32, #tpu.memory_space<hbm>>)
    %add3A_681 = arith.constant 3584 : i32
    %add3A_682 = arith.addi %mul3A_2, %add3A_681 : i32
    %dma_wait3A_683 = arith.constant 0 : i32
    %dma_wait3A_684 = tpu.memref_slice %arg4[%add3A_682, %dma_wait3A_683] : memref<131072x64xf32, #tpu.memory_space<hbm>> -> memref<128x64xf32, #tpu.memory_space<hbm>>
    %dma_wait3A_685 = arith.constant 0 : i32
    %dma_wait3A_686 = tpu.memref_slice %arg4[%add3A_682, %dma_wait3A_685] : memref<131072x64xf32, #tpu.memory_space<hbm>> -> memref<128x64xf32, #tpu.memory_space<hbm>>
    tpu.wait_dma2 semaphore(%arg15 : memref<!tpu.dma_semaphore, #tpu.memory_space<semaphore_mem>>) src(%arg10 : memref<128x64xf32, #tpu.memory_space<vmem>>) dst(%dma_wait3A_686 : memref<128x64xf32, #tpu.memory_space<hbm>>)
    %add3A_687 = arith.constant 3712 : i32
    %add3A_688 = arith.addi %mul3A_2, %add3A_687 : i32
    %dma_wait3A_689 = arith.constant 0 : i32
    %dma_wait3A_690 = tpu.memref_slice %arg4[%add3A_688, %dma_wait3A_689] : memref<131072x64xf32, #tpu.memory_space<hbm>> -> memref<128x64xf32, #tpu.memory_space<hbm>>
    %dma_wait3A_691 = arith.constant 0 : i32
    %dma_wait3A_692 = tpu.memref_slice %arg4[%add3A_688, %dma_wait3A_691] : memref<131072x64xf32, #tpu.memory_space<hbm>> -> memref<128x64xf32, #tpu.memory_space<hbm>>
    tpu.wait_dma2 semaphore(%arg15 : memref<!tpu.dma_semaphore, #tpu.memory_space<semaphore_mem>>) src(%arg11 : memref<128x64xf32, #tpu.memory_space<vmem>>) dst(%dma_wait3A_692 : memref<128x64xf32, #tpu.memory_space<hbm>>)
    %add3A_693 = arith.constant 3840 : i32
    %add3A_694 = arith.addi %mul3A_2, %add3A_693 : i32
    %dma_wait3A_695 = arith.constant 0 : i32
    %dma_wait3A_696 = tpu.memref_slice %arg4[%add3A_694, %dma_wait3A_695] : memref<131072x64xf32, #tpu.memory_space<hbm>> -> memref<128x64xf32, #tpu.memory_space<hbm>>
    %dma_wait3A_697 = arith.constant 0 : i32
    %dma_wait3A_698 = tpu.memref_slice %arg4[%add3A_694, %dma_wait3A_697] : memref<131072x64xf32, #tpu.memory_space<hbm>> -> memref<128x64xf32, #tpu.memory_space<hbm>>
    tpu.wait_dma2 semaphore(%arg15 : memref<!tpu.dma_semaphore, #tpu.memory_space<semaphore_mem>>) src(%arg12 : memref<128x64xf32, #tpu.memory_space<vmem>>) dst(%dma_wait3A_698 : memref<128x64xf32, #tpu.memory_space<hbm>>)
    %add3A_699 = arith.constant 3968 : i32
    %add3A_700 = arith.addi %mul3A_2, %add3A_699 : i32
    %dma_wait3A_701 = arith.constant 0 : i32
    %dma_wait3A_702 = tpu.memref_slice %arg4[%add3A_700, %dma_wait3A_701] : memref<131072x64xf32, #tpu.memory_space<hbm>> -> memref<128x64xf32, #tpu.memory_space<hbm>>
    %dma_wait3A_703 = arith.constant 0 : i32
    %dma_wait3A_704 = tpu.memref_slice %arg4[%add3A_700, %dma_wait3A_703] : memref<131072x64xf32, #tpu.memory_space<hbm>> -> memref<128x64xf32, #tpu.memory_space<hbm>>
    tpu.wait_dma2 semaphore(%arg15 : memref<!tpu.dma_semaphore, #tpu.memory_space<semaphore_mem>>) src(%arg13 : memref<128x64xf32, #tpu.memory_space<vmem>>) dst(%dma_wait3A_704 : memref<128x64xf32, #tpu.memory_space<hbm>>)
    return
  }
}

#map = affine_map<(d0, d1) -> (0, 0)>
#map1 = affine_map<(d0, d1) -> (0)>
module attributes {stable_mosaic.version = 14 : i64} {
  func.func @_sc_scatter(%arg0: i32, %arg1: i32, %arg2: memref<1000000x64xf32, #tpu.memory_space<hbm>>, %arg3: memref<131072xi32, #tpu.memory_space<hbm>>, %arg4: memref<131072x64xf32, #tpu.memory_space<hbm>>, %arg5: memref<1000000x64xf32, #tpu.memory_space<hbm>>, %arg6: memref<31264xi32, #tpu.memory_space<vmem>>, %arg7: memref<4096xi32, #tpu.memory_space<vmem>>, %arg8: memref<8192xi32, #tpu.memory_space<vmem>>, %arg9: memref<8192xi32, #tpu.memory_space<vmem>>, %arg10: memref<128x64xf32, #tpu.memory_space<vmem>>, %arg11: memref<128x64xf32, #tpu.memory_space<vmem>>, %arg12: memref<128x64xf32, #tpu.memory_space<vmem>>, %arg13: memref<128x64xf32, #tpu.memory_space<vmem>>, %arg14: memref<128x64xf32, #tpu.memory_space<vmem>>, %arg15: memref<128x64xf32, #tpu.memory_space<vmem>>, %arg16: memref<128x64xf32, #tpu.memory_space<vmem>>, %arg17: memref<128x64xf32, #tpu.memory_space<vmem>>, %arg18: memref<!tpu.dma_semaphore, #tpu.memory_space<semaphore_mem>>, %arg19: memref<!tpu.dma_semaphore, #tpu.memory_space<semaphore_mem>>) attributes {dimension_semantics = [#tpu.dimension_semantics<core_parallel>, #tpu.dimension_semantics<subcore_parallel>], iteration_bounds = array<i64: 2, 16>, scalar_prefetch = 0 : i64, scratch_operands = 14 : i64, tpu.core_type = #tpu.core_type<sc_vector_subcore>, window_params = [{transform_indices = #map}, {transform_indices = #map1}, {transform_indices = #map}, {transform_indices = #map}]} {
    %mul3A = arith.constant 2 : i32
    %mul3A_0 = arith.muli %arg1, %mul3A : i32
    %add3A = arith.addi %mul3A_0, %arg0 : i32
    %mul3A_1 = arith.constant 31250 : i32
    %mul3A_2 = arith.muli %add3A, %mul3A_1 : i32
    %iota3A = tpu.iota {dimensions = array<i32: 0>} : vector<16xi32>
    %broadcast_in_dim3A = arith.constant -1 : i32
    %broadcast_in_dim3A_3 = vector.broadcast %broadcast_in_dim3A : i32 to vector<16xi32>
    %scan3A = arith.constant 0 : i32
    %scan3A_4 = arith.constant 0 : i32
    %scan3A_5 = arith.constant 1954 : i32
    %scan3A_6 = arith.addi %scan3A_4, %scan3A_5 : i32
    %scan3A_7 = arith.constant 1 : i32
    %scan3A_8 = scf.for %scan3A_202 = %scan3A_4 to %scan3A_6 step %scan3A_7 iter_args(%scan3A_203 = %scan3A) -> (i32)  : i32 {
      %mul3A_204 = arith.constant 16 : i32
      %mul3A_205 = arith.muli %scan3A_202, %mul3A_204 : i32
      %swap3A = arith.index_cast %mul3A_205 : i32 to index
      %swap3A_206 = tpu.vector_load %arg6[%swap3A] {strides = array<i32>} : memref<31264xi32, #tpu.memory_space<vmem>>, vector<16xi32>,
      tpu.vector_store %arg6[%swap3A], %broadcast_in_dim3A_3 {strides = array<i32>} : memref<31264xi32, #tpu.memory_space<vmem>>, vector<16xi32>,
      %scan3A_207 = arith.constant 0 : i32
      scf.yield %scan3A_207 : i32
    }
    %scan3A_9 = arith.constant 1954 : i32
    %scan3A_10 = arith.constant 0 : i32
    %scan3A_11 = arith.constant 0 : i32
    %scan3A_12 = arith.constant 32 : i32
    %scan3A_13 = arith.addi %scan3A_11, %scan3A_12 : i32
    %scan3A_14 = arith.constant 1 : i32
    %scan3A_15 = scf.for %scan3A_202 = %scan3A_11 to %scan3A_13 step %scan3A_14 iter_args(%scan3A_203 = %scan3A_10) -> (i32)  : i32 {
      %ge3A = arith.constant 1 : i32
      %ge3A_204 = arith.cmpi sge, %scan3A_202, %ge3A : i32
      %convert_element_type3A = arith.extui %ge3A_204 : i1 to i32
      %cond3A = arith.constant 0 : i32
      %cond3A_205 = arith.cmpi ne, %convert_element_type3A, %cond3A : i32
      scf.if %cond3A_205 {
        %sub3A_359 = arith.constant 1 : i32
        %sub3A_360 = arith.subi %scan3A_202, %sub3A_359 : i32
        %mul3A_361 = arith.constant 8 : i32
        %mul3A_362 = arith.muli %mul3A_361, %sub3A_360 : i32
        %add3A_363 = arith.constant 0 : i32
        %add3A_364 = arith.addi %mul3A_362, %add3A_363 : i32
        %lt3A_365 = arith.constant 244 : i32
        %lt3A_366 = arith.cmpi slt, %add3A_364, %lt3A_365 : i32
        %convert_element_type3A_367 = arith.extui %lt3A_366 : i1 to i32
        %cond3A_368 = arith.constant 0 : i32
        %cond3A_369 = arith.cmpi ne, %convert_element_type3A_367, %cond3A_368 : i32
        scf.if %cond3A_369 {
          %mul3A_447 = arith.constant 128 : i32
          %mul3A_448 = arith.muli %add3A_364, %mul3A_447 : i32
          %add3A_449 = arith.addi %mul3A_2, %mul3A_448 : i32
          %dma_wait3A = arith.constant 0 : i32
          %dma_wait3A_450 = tpu.memref_slice %arg5[%add3A_449, %dma_wait3A] : memref<1000000x64xf32, #tpu.memory_space<hbm>> -> memref<128x64xf32, #tpu.memory_space<hbm>>
          %dma_wait3A_451 = arith.constant 0 : i32
          %dma_wait3A_452 = tpu.memref_slice %arg5[%add3A_449, %dma_wait3A_451] : memref<1000000x64xf32, #tpu.memory_space<hbm>> -> memref<128x64xf32, #tpu.memory_space<hbm>>
          tpu.wait_dma2 semaphore(%arg19 : memref<!tpu.dma_semaphore, #tpu.memory_space<semaphore_mem>>) src(%arg10 : memref<128x64xf32, #tpu.memory_space<vmem>>) dst(%dma_wait3A_452 : memref<128x64xf32, #tpu.memory_space<hbm>>)
        } else {
        }
        %sub3A_370 = arith.constant 1 : i32
        %sub3A_371 = arith.subi %scan3A_202, %sub3A_370 : i32
        %mul3A_372 = arith.constant 8 : i32
        %mul3A_373 = arith.muli %mul3A_372, %sub3A_371 : i32
        %add3A_374 = arith.constant 1 : i32
        %add3A_375 = arith.addi %mul3A_373, %add3A_374 : i32
        %lt3A_376 = arith.constant 244 : i32
        %lt3A_377 = arith.cmpi slt, %add3A_375, %lt3A_376 : i32
        %convert_element_type3A_378 = arith.extui %lt3A_377 : i1 to i32
        %cond3A_379 = arith.constant 0 : i32
        %cond3A_380 = arith.cmpi ne, %convert_element_type3A_378, %cond3A_379 : i32
        scf.if %cond3A_380 {
          %mul3A_447 = arith.constant 128 : i32
          %mul3A_448 = arith.muli %add3A_375, %mul3A_447 : i32
          %add3A_449 = arith.addi %mul3A_2, %mul3A_448 : i32
          %dma_wait3A = arith.constant 0 : i32
          %dma_wait3A_450 = tpu.memref_slice %arg5[%add3A_449, %dma_wait3A] : memref<1000000x64xf32, #tpu.memory_space<hbm>> -> memref<128x64xf32, #tpu.memory_space<hbm>>
          %dma_wait3A_451 = arith.constant 0 : i32
          %dma_wait3A_452 = tpu.memref_slice %arg5[%add3A_449, %dma_wait3A_451] : memref<1000000x64xf32, #tpu.memory_space<hbm>> -> memref<128x64xf32, #tpu.memory_space<hbm>>
          tpu.wait_dma2 semaphore(%arg19 : memref<!tpu.dma_semaphore, #tpu.memory_space<semaphore_mem>>) src(%arg11 : memref<128x64xf32, #tpu.memory_space<vmem>>) dst(%dma_wait3A_452 : memref<128x64xf32, #tpu.memory_space<hbm>>)
        } else {
        }
        %sub3A_381 = arith.constant 1 : i32
        %sub3A_382 = arith.subi %scan3A_202, %sub3A_381 : i32
        %mul3A_383 = arith.constant 8 : i32
        %mul3A_384 = arith.muli %mul3A_383, %sub3A_382 : i32
        %add3A_385 = arith.constant 2 : i32
        %add3A_386 = arith.addi %mul3A_384, %add3A_385 : i32
        %lt3A_387 = arith.constant 244 : i32
        %lt3A_388 = arith.cmpi slt, %add3A_386, %lt3A_387 : i32
        %convert_element_type3A_389 = arith.extui %lt3A_388 : i1 to i32
        %cond3A_390 = arith.constant 0 : i32
        %cond3A_391 = arith.cmpi ne, %convert_element_type3A_389, %cond3A_390 : i32
        scf.if %cond3A_391 {
          %mul3A_447 = arith.constant 128 : i32
          %mul3A_448 = arith.muli %add3A_386, %mul3A_447 : i32
          %add3A_449 = arith.addi %mul3A_2, %mul3A_448 : i32
          %dma_wait3A = arith.constant 0 : i32
          %dma_wait3A_450 = tpu.memref_slice %arg5[%add3A_449, %dma_wait3A] : memref<1000000x64xf32, #tpu.memory_space<hbm>> -> memref<128x64xf32, #tpu.memory_space<hbm>>
          %dma_wait3A_451 = arith.constant 0 : i32
          %dma_wait3A_452 = tpu.memref_slice %arg5[%add3A_449, %dma_wait3A_451] : memref<1000000x64xf32, #tpu.memory_space<hbm>> -> memref<128x64xf32, #tpu.memory_space<hbm>>
          tpu.wait_dma2 semaphore(%arg19 : memref<!tpu.dma_semaphore, #tpu.memory_space<semaphore_mem>>) src(%arg12 : memref<128x64xf32, #tpu.memory_space<vmem>>) dst(%dma_wait3A_452 : memref<128x64xf32, #tpu.memory_space<hbm>>)
        } else {
        }
        %sub3A_392 = arith.constant 1 : i32
        %sub3A_393 = arith.subi %scan3A_202, %sub3A_392 : i32
        %mul3A_394 = arith.constant 8 : i32
        %mul3A_395 = arith.muli %mul3A_394, %sub3A_393 : i32
        %add3A_396 = arith.constant 3 : i32
        %add3A_397 = arith.addi %mul3A_395, %add3A_396 : i32
        %lt3A_398 = arith.constant 244 : i32
        %lt3A_399 = arith.cmpi slt, %add3A_397, %lt3A_398 : i32
        %convert_element_type3A_400 = arith.extui %lt3A_399 : i1 to i32
        %cond3A_401 = arith.constant 0 : i32
        %cond3A_402 = arith.cmpi ne, %convert_element_type3A_400, %cond3A_401 : i32
        scf.if %cond3A_402 {
          %mul3A_447 = arith.constant 128 : i32
          %mul3A_448 = arith.muli %add3A_397, %mul3A_447 : i32
          %add3A_449 = arith.addi %mul3A_2, %mul3A_448 : i32
          %dma_wait3A = arith.constant 0 : i32
          %dma_wait3A_450 = tpu.memref_slice %arg5[%add3A_449, %dma_wait3A] : memref<1000000x64xf32, #tpu.memory_space<hbm>> -> memref<128x64xf32, #tpu.memory_space<hbm>>
          %dma_wait3A_451 = arith.constant 0 : i32
          %dma_wait3A_452 = tpu.memref_slice %arg5[%add3A_449, %dma_wait3A_451] : memref<1000000x64xf32, #tpu.memory_space<hbm>> -> memref<128x64xf32, #tpu.memory_space<hbm>>
          tpu.wait_dma2 semaphore(%arg19 : memref<!tpu.dma_semaphore, #tpu.memory_space<semaphore_mem>>) src(%arg13 : memref<128x64xf32, #tpu.memory_space<vmem>>) dst(%dma_wait3A_452 : memref<128x64xf32, #tpu.memory_space<hbm>>)
        } else {
        }
        %sub3A_403 = arith.constant 1 : i32
        %sub3A_404 = arith.subi %scan3A_202, %sub3A_403 : i32
        %mul3A_405 = arith.constant 8 : i32
        %mul3A_406 = arith.muli %mul3A_405, %sub3A_404 : i32
        %add3A_407 = arith.constant 4 : i32
        %add3A_408 = arith.addi %mul3A_406, %add3A_407 : i32
        %lt3A_409 = arith.constant 244 : i32
        %lt3A_410 = arith.cmpi slt, %add3A_408, %lt3A_409 : i32
        %convert_element_type3A_411 = arith.extui %lt3A_410 : i1 to i32
        %cond3A_412 = arith.constant 0 : i32
        %cond3A_413 = arith.cmpi ne, %convert_element_type3A_411, %cond3A_412 : i32
        scf.if %cond3A_413 {
          %mul3A_447 = arith.constant 128 : i32
          %mul3A_448 = arith.muli %add3A_408, %mul3A_447 : i32
          %add3A_449 = arith.addi %mul3A_2, %mul3A_448 : i32
          %dma_wait3A = arith.constant 0 : i32
          %dma_wait3A_450 = tpu.memref_slice %arg5[%add3A_449, %dma_wait3A] : memref<1000000x64xf32, #tpu.memory_space<hbm>> -> memref<128x64xf32, #tpu.memory_space<hbm>>
          %dma_wait3A_451 = arith.constant 0 : i32
          %dma_wait3A_452 = tpu.memref_slice %arg5[%add3A_449, %dma_wait3A_451] : memref<1000000x64xf32, #tpu.memory_space<hbm>> -> memref<128x64xf32, #tpu.memory_space<hbm>>
          tpu.wait_dma2 semaphore(%arg19 : memref<!tpu.dma_semaphore, #tpu.memory_space<semaphore_mem>>) src(%arg14 : memref<128x64xf32, #tpu.memory_space<vmem>>) dst(%dma_wait3A_452 : memref<128x64xf32, #tpu.memory_space<hbm>>)
        } else {
        }
        %sub3A_414 = arith.constant 1 : i32
        %sub3A_415 = arith.subi %scan3A_202, %sub3A_414 : i32
        %mul3A_416 = arith.constant 8 : i32
        %mul3A_417 = arith.muli %mul3A_416, %sub3A_415 : i32
        %add3A_418 = arith.constant 5 : i32
        %add3A_419 = arith.addi %mul3A_417, %add3A_418 : i32
        %lt3A_420 = arith.constant 244 : i32
        %lt3A_421 = arith.cmpi slt, %add3A_419, %lt3A_420 : i32
        %convert_element_type3A_422 = arith.extui %lt3A_421 : i1 to i32
        %cond3A_423 = arith.constant 0 : i32
        %cond3A_424 = arith.cmpi ne, %convert_element_type3A_422, %cond3A_423 : i32
        scf.if %cond3A_424 {
          %mul3A_447 = arith.constant 128 : i32
          %mul3A_448 = arith.muli %add3A_419, %mul3A_447 : i32
          %add3A_449 = arith.addi %mul3A_2, %mul3A_448 : i32
          %dma_wait3A = arith.constant 0 : i32
          %dma_wait3A_450 = tpu.memref_slice %arg5[%add3A_449, %dma_wait3A] : memref<1000000x64xf32, #tpu.memory_space<hbm>> -> memref<128x64xf32, #tpu.memory_space<hbm>>
          %dma_wait3A_451 = arith.constant 0 : i32
          %dma_wait3A_452 = tpu.memref_slice %arg5[%add3A_449, %dma_wait3A_451] : memref<1000000x64xf32, #tpu.memory_space<hbm>> -> memref<128x64xf32, #tpu.memory_space<hbm>>
          tpu.wait_dma2 semaphore(%arg19 : memref<!tpu.dma_semaphore, #tpu.memory_space<semaphore_mem>>) src(%arg15 : memref<128x64xf32, #tpu.memory_space<vmem>>) dst(%dma_wait3A_452 : memref<128x64xf32, #tpu.memory_space<hbm>>)
        } else {
        }
        %sub3A_425 = arith.constant 1 : i32
        %sub3A_426 = arith.subi %scan3A_202, %sub3A_425 : i32
        %mul3A_427 = arith.constant 8 : i32
        %mul3A_428 = arith.muli %mul3A_427, %sub3A_426 : i32
        %add3A_429 = arith.constant 6 : i32
        %add3A_430 = arith.addi %mul3A_428, %add3A_429 : i32
        %lt3A_431 = arith.constant 244 : i32
        %lt3A_432 = arith.cmpi slt, %add3A_430, %lt3A_431 : i32
        %convert_element_type3A_433 = arith.extui %lt3A_432 : i1 to i32
        %cond3A_434 = arith.constant 0 : i32
        %cond3A_435 = arith.cmpi ne, %convert_element_type3A_433, %cond3A_434 : i32
        scf.if %cond3A_435 {
          %mul3A_447 = arith.constant 128 : i32
          %mul3A_448 = arith.muli %add3A_430, %mul3A_447 : i32
          %add3A_449 = arith.addi %mul3A_2, %mul3A_448 : i32
          %dma_wait3A = arith.constant 0 : i32
          %dma_wait3A_450 = tpu.memref_slice %arg5[%add3A_449, %dma_wait3A] : memref<1000000x64xf32, #tpu.memory_space<hbm>> -> memref<128x64xf32, #tpu.memory_space<hbm>>
          %dma_wait3A_451 = arith.constant 0 : i32
          %dma_wait3A_452 = tpu.memref_slice %arg5[%add3A_449, %dma_wait3A_451] : memref<1000000x64xf32, #tpu.memory_space<hbm>> -> memref<128x64xf32, #tpu.memory_space<hbm>>
          tpu.wait_dma2 semaphore(%arg19 : memref<!tpu.dma_semaphore, #tpu.memory_space<semaphore_mem>>) src(%arg16 : memref<128x64xf32, #tpu.memory_space<vmem>>) dst(%dma_wait3A_452 : memref<128x64xf32, #tpu.memory_space<hbm>>)
        } else {
        }
        %sub3A_436 = arith.constant 1 : i32
        %sub3A_437 = arith.subi %scan3A_202, %sub3A_436 : i32
        %mul3A_438 = arith.constant 8 : i32
        %mul3A_439 = arith.muli %mul3A_438, %sub3A_437 : i32
        %add3A_440 = arith.constant 7 : i32
        %add3A_441 = arith.addi %mul3A_439, %add3A_440 : i32
        %lt3A_442 = arith.constant 244 : i32
        %lt3A_443 = arith.cmpi slt, %add3A_441, %lt3A_442 : i32
        %convert_element_type3A_444 = arith.extui %lt3A_443 : i1 to i32
        %cond3A_445 = arith.constant 0 : i32
        %cond3A_446 = arith.cmpi ne, %convert_element_type3A_444, %cond3A_445 : i32
        scf.if %cond3A_446 {
          %mul3A_447 = arith.constant 128 : i32
          %mul3A_448 = arith.muli %add3A_441, %mul3A_447 : i32
          %add3A_449 = arith.addi %mul3A_2, %mul3A_448 : i32
          %dma_wait3A = arith.constant 0 : i32
          %dma_wait3A_450 = tpu.memref_slice %arg5[%add3A_449, %dma_wait3A] : memref<1000000x64xf32, #tpu.memory_space<hbm>> -> memref<128x64xf32, #tpu.memory_space<hbm>>
          %dma_wait3A_451 = arith.constant 0 : i32
          %dma_wait3A_452 = tpu.memref_slice %arg5[%add3A_449, %dma_wait3A_451] : memref<1000000x64xf32, #tpu.memory_space<hbm>> -> memref<128x64xf32, #tpu.memory_space<hbm>>
          tpu.wait_dma2 semaphore(%arg19 : memref<!tpu.dma_semaphore, #tpu.memory_space<semaphore_mem>>) src(%arg17 : memref<128x64xf32, #tpu.memory_space<vmem>>) dst(%dma_wait3A_452 : memref<128x64xf32, #tpu.memory_space<hbm>>)
        } else {
        }
      } else {
      }
      %mul3A_206 = arith.constant 8 : i32
      %mul3A_207 = arith.muli %mul3A_206, %scan3A_202 : i32
      %add3A_208 = arith.constant 0 : i32
      %add3A_209 = arith.addi %mul3A_207, %add3A_208 : i32
      %lt3A = arith.constant 244 : i32
      %lt3A_210 = arith.cmpi slt, %add3A_209, %lt3A : i32
      %convert_element_type3A_211 = arith.extui %lt3A_210 : i1 to i32
      %cond3A_212 = arith.constant 0 : i32
      %cond3A_213 = arith.cmpi ne, %convert_element_type3A_211, %cond3A_212 : i32
      scf.if %cond3A_213 {
        %mul3A_359 = arith.constant 128 : i32
        %mul3A_360 = arith.muli %add3A_209, %mul3A_359 : i32
        %add3A_361 = arith.addi %mul3A_2, %mul3A_360 : i32
        %dma_start3A = arith.constant 0 : i32
        %dma_start3A_362 = tpu.memref_slice %arg2[%add3A_361, %dma_start3A] : memref<1000000x64xf32, #tpu.memory_space<hbm>> -> memref<128x64xf32, #tpu.memory_space<hbm>>
        %dma_start3A_363 = arith.constant 0 : i32
        %dma_start3A_364 = tpu.memref_slice %arg2[%add3A_361, %dma_start3A_363] : memref<1000000x64xf32, #tpu.memory_space<hbm>> -> memref<128x64xf32, #tpu.memory_space<hbm>>
        tpu.enqueue_dma source(%dma_start3A_364 : memref<128x64xf32, #tpu.memory_space<hbm>>) target(%arg10 : memref<128x64xf32, #tpu.memory_space<vmem>>) target_semaphore(%arg18 : memref<!tpu.dma_semaphore, #tpu.memory_space<semaphore_mem>>)
      } else {
      }
      %mul3A_214 = arith.constant 8 : i32
      %mul3A_215 = arith.muli %mul3A_214, %scan3A_202 : i32
      %add3A_216 = arith.constant 1 : i32
      %add3A_217 = arith.addi %mul3A_215, %add3A_216 : i32
      %lt3A_218 = arith.constant 244 : i32
      %lt3A_219 = arith.cmpi slt, %add3A_217, %lt3A_218 : i32
      %convert_element_type3A_220 = arith.extui %lt3A_219 : i1 to i32
      %cond3A_221 = arith.constant 0 : i32
      %cond3A_222 = arith.cmpi ne, %convert_element_type3A_220, %cond3A_221 : i32
      scf.if %cond3A_222 {
        %mul3A_359 = arith.constant 128 : i32
        %mul3A_360 = arith.muli %add3A_217, %mul3A_359 : i32
        %add3A_361 = arith.addi %mul3A_2, %mul3A_360 : i32
        %dma_start3A = arith.constant 0 : i32
        %dma_start3A_362 = tpu.memref_slice %arg2[%add3A_361, %dma_start3A] : memref<1000000x64xf32, #tpu.memory_space<hbm>> -> memref<128x64xf32, #tpu.memory_space<hbm>>
        %dma_start3A_363 = arith.constant 0 : i32
        %dma_start3A_364 = tpu.memref_slice %arg2[%add3A_361, %dma_start3A_363] : memref<1000000x64xf32, #tpu.memory_space<hbm>> -> memref<128x64xf32, #tpu.memory_space<hbm>>
        tpu.enqueue_dma source(%dma_start3A_364 : memref<128x64xf32, #tpu.memory_space<hbm>>) target(%arg11 : memref<128x64xf32, #tpu.memory_space<vmem>>) target_semaphore(%arg18 : memref<!tpu.dma_semaphore, #tpu.memory_space<semaphore_mem>>)
      } else {
      }
      %mul3A_223 = arith.constant 8 : i32
      %mul3A_224 = arith.muli %mul3A_223, %scan3A_202 : i32
      %add3A_225 = arith.constant 2 : i32
      %add3A_226 = arith.addi %mul3A_224, %add3A_225 : i32
      %lt3A_227 = arith.constant 244 : i32
      %lt3A_228 = arith.cmpi slt, %add3A_226, %lt3A_227 : i32
      %convert_element_type3A_229 = arith.extui %lt3A_228 : i1 to i32
      %cond3A_230 = arith.constant 0 : i32
      %cond3A_231 = arith.cmpi ne, %convert_element_type3A_229, %cond3A_230 : i32
      scf.if %cond3A_231 {
        %mul3A_359 = arith.constant 128 : i32
        %mul3A_360 = arith.muli %add3A_226, %mul3A_359 : i32
        %add3A_361 = arith.addi %mul3A_2, %mul3A_360 : i32
        %dma_start3A = arith.constant 0 : i32
        %dma_start3A_362 = tpu.memref_slice %arg2[%add3A_361, %dma_start3A] : memref<1000000x64xf32, #tpu.memory_space<hbm>> -> memref<128x64xf32, #tpu.memory_space<hbm>>
        %dma_start3A_363 = arith.constant 0 : i32
        %dma_start3A_364 = tpu.memref_slice %arg2[%add3A_361, %dma_start3A_363] : memref<1000000x64xf32, #tpu.memory_space<hbm>> -> memref<128x64xf32, #tpu.memory_space<hbm>>
        tpu.enqueue_dma source(%dma_start3A_364 : memref<128x64xf32, #tpu.memory_space<hbm>>) target(%arg12 : memref<128x64xf32, #tpu.memory_space<vmem>>) target_semaphore(%arg18 : memref<!tpu.dma_semaphore, #tpu.memory_space<semaphore_mem>>)
      } else {
      }
      %mul3A_232 = arith.constant 8 : i32
      %mul3A_233 = arith.muli %mul3A_232, %scan3A_202 : i32
      %add3A_234 = arith.constant 3 : i32
      %add3A_235 = arith.addi %mul3A_233, %add3A_234 : i32
      %lt3A_236 = arith.constant 244 : i32
      %lt3A_237 = arith.cmpi slt, %add3A_235, %lt3A_236 : i32
      %convert_element_type3A_238 = arith.extui %lt3A_237 : i1 to i32
      %cond3A_239 = arith.constant 0 : i32
      %cond3A_240 = arith.cmpi ne, %convert_element_type3A_238, %cond3A_239 : i32
      scf.if %cond3A_240 {
        %mul3A_359 = arith.constant 128 : i32
        %mul3A_360 = arith.muli %add3A_235, %mul3A_359 : i32
        %add3A_361 = arith.addi %mul3A_2, %mul3A_360 : i32
        %dma_start3A = arith.constant 0 : i32
        %dma_start3A_362 = tpu.memref_slice %arg2[%add3A_361, %dma_start3A] : memref<1000000x64xf32, #tpu.memory_space<hbm>> -> memref<128x64xf32, #tpu.memory_space<hbm>>
        %dma_start3A_363 = arith.constant 0 : i32
        %dma_start3A_364 = tpu.memref_slice %arg2[%add3A_361, %dma_start3A_363] : memref<1000000x64xf32, #tpu.memory_space<hbm>> -> memref<128x64xf32, #tpu.memory_space<hbm>>
        tpu.enqueue_dma source(%dma_start3A_364 : memref<128x64xf32, #tpu.memory_space<hbm>>) target(%arg13 : memref<128x64xf32, #tpu.memory_space<vmem>>) target_semaphore(%arg18 : memref<!tpu.dma_semaphore, #tpu.memory_space<semaphore_mem>>)
      } else {
      }
      %mul3A_241 = arith.constant 8 : i32
      %mul3A_242 = arith.muli %mul3A_241, %scan3A_202 : i32
      %add3A_243 = arith.constant 4 : i32
      %add3A_244 = arith.addi %mul3A_242, %add3A_243 : i32
      %lt3A_245 = arith.constant 244 : i32
      %lt3A_246 = arith.cmpi slt, %add3A_244, %lt3A_245 : i32
      %convert_element_type3A_247 = arith.extui %lt3A_246 : i1 to i32
      %cond3A_248 = arith.constant 0 : i32
      %cond3A_249 = arith.cmpi ne, %convert_element_type3A_247, %cond3A_248 : i32
      scf.if %cond3A_249 {
        %mul3A_359 = arith.constant 128 : i32
        %mul3A_360 = arith.muli %add3A_244, %mul3A_359 : i32
        %add3A_361 = arith.addi %mul3A_2, %mul3A_360 : i32
        %dma_start3A = arith.constant 0 : i32
        %dma_start3A_362 = tpu.memref_slice %arg2[%add3A_361, %dma_start3A] : memref<1000000x64xf32, #tpu.memory_space<hbm>> -> memref<128x64xf32, #tpu.memory_space<hbm>>
        %dma_start3A_363 = arith.constant 0 : i32
        %dma_start3A_364 = tpu.memref_slice %arg2[%add3A_361, %dma_start3A_363] : memref<1000000x64xf32, #tpu.memory_space<hbm>> -> memref<128x64xf32, #tpu.memory_space<hbm>>
        tpu.enqueue_dma source(%dma_start3A_364 : memref<128x64xf32, #tpu.memory_space<hbm>>) target(%arg14 : memref<128x64xf32, #tpu.memory_space<vmem>>) target_semaphore(%arg18 : memref<!tpu.dma_semaphore, #tpu.memory_space<semaphore_mem>>)
      } else {
      }
      %mul3A_250 = arith.constant 8 : i32
      %mul3A_251 = arith.muli %mul3A_250, %scan3A_202 : i32
      %add3A_252 = arith.constant 5 : i32
      %add3A_253 = arith.addi %mul3A_251, %add3A_252 : i32
      %lt3A_254 = arith.constant 244 : i32
      %lt3A_255 = arith.cmpi slt, %add3A_253, %lt3A_254 : i32
      %convert_element_type3A_256 = arith.extui %lt3A_255 : i1 to i32
      %cond3A_257 = arith.constant 0 : i32
      %cond3A_258 = arith.cmpi ne, %convert_element_type3A_256, %cond3A_257 : i32
      scf.if %cond3A_258 {
        %mul3A_359 = arith.constant 128 : i32
        %mul3A_360 = arith.muli %add3A_253, %mul3A_359 : i32
        %add3A_361 = arith.addi %mul3A_2, %mul3A_360 : i32
        %dma_start3A = arith.constant 0 : i32
        %dma_start3A_362 = tpu.memref_slice %arg2[%add3A_361, %dma_start3A] : memref<1000000x64xf32, #tpu.memory_space<hbm>> -> memref<128x64xf32, #tpu.memory_space<hbm>>
        %dma_start3A_363 = arith.constant 0 : i32
        %dma_start3A_364 = tpu.memref_slice %arg2[%add3A_361, %dma_start3A_363] : memref<1000000x64xf32, #tpu.memory_space<hbm>> -> memref<128x64xf32, #tpu.memory_space<hbm>>
        tpu.enqueue_dma source(%dma_start3A_364 : memref<128x64xf32, #tpu.memory_space<hbm>>) target(%arg15 : memref<128x64xf32, #tpu.memory_space<vmem>>) target_semaphore(%arg18 : memref<!tpu.dma_semaphore, #tpu.memory_space<semaphore_mem>>)
      } else {
      }
      %mul3A_259 = arith.constant 8 : i32
      %mul3A_260 = arith.muli %mul3A_259, %scan3A_202 : i32
      %add3A_261 = arith.constant 6 : i32
      %add3A_262 = arith.addi %mul3A_260, %add3A_261 : i32
      %lt3A_263 = arith.constant 244 : i32
      %lt3A_264 = arith.cmpi slt, %add3A_262, %lt3A_263 : i32
      %convert_element_type3A_265 = arith.extui %lt3A_264 : i1 to i32
      %cond3A_266 = arith.constant 0 : i32
      %cond3A_267 = arith.cmpi ne, %convert_element_type3A_265, %cond3A_266 : i32
      scf.if %cond3A_267 {
        %mul3A_359 = arith.constant 128 : i32
        %mul3A_360 = arith.muli %add3A_262, %mul3A_359 : i32
        %add3A_361 = arith.addi %mul3A_2, %mul3A_360 : i32
        %dma_start3A = arith.constant 0 : i32
        %dma_start3A_362 = tpu.memref_slice %arg2[%add3A_361, %dma_start3A] : memref<1000000x64xf32, #tpu.memory_space<hbm>> -> memref<128x64xf32, #tpu.memory_space<hbm>>
        %dma_start3A_363 = arith.constant 0 : i32
        %dma_start3A_364 = tpu.memref_slice %arg2[%add3A_361, %dma_start3A_363] : memref<1000000x64xf32, #tpu.memory_space<hbm>> -> memref<128x64xf32, #tpu.memory_space<hbm>>
        tpu.enqueue_dma source(%dma_start3A_364 : memref<128x64xf32, #tpu.memory_space<hbm>>) target(%arg16 : memref<128x64xf32, #tpu.memory_space<vmem>>) target_semaphore(%arg18 : memref<!tpu.dma_semaphore, #tpu.memory_space<semaphore_mem>>)
      } else {
      }
      %mul3A_268 = arith.constant 8 : i32
      %mul3A_269 = arith.muli %mul3A_268, %scan3A_202 : i32
      %add3A_270 = arith.constant 7 : i32
      %add3A_271 = arith.addi %mul3A_269, %add3A_270 : i32
      %lt3A_272 = arith.constant 244 : i32
      %lt3A_273 = arith.cmpi slt, %add3A_271, %lt3A_272 : i32
      %convert_element_type3A_274 = arith.extui %lt3A_273 : i1 to i32
      %cond3A_275 = arith.constant 0 : i32
      %cond3A_276 = arith.cmpi ne, %convert_element_type3A_274, %cond3A_275 : i32
      scf.if %cond3A_276 {
        %mul3A_359 = arith.constant 128 : i32
        %mul3A_360 = arith.muli %add3A_271, %mul3A_359 : i32
        %add3A_361 = arith.addi %mul3A_2, %mul3A_360 : i32
        %dma_start3A = arith.constant 0 : i32
        %dma_start3A_362 = tpu.memref_slice %arg2[%add3A_361, %dma_start3A] : memref<1000000x64xf32, #tpu.memory_space<hbm>> -> memref<128x64xf32, #tpu.memory_space<hbm>>
        %dma_start3A_363 = arith.constant 0 : i32
        %dma_start3A_364 = tpu.memref_slice %arg2[%add3A_361, %dma_start3A_363] : memref<1000000x64xf32, #tpu.memory_space<hbm>> -> memref<128x64xf32, #tpu.memory_space<hbm>>
        tpu.enqueue_dma source(%dma_start3A_364 : memref<128x64xf32, #tpu.memory_space<hbm>>) target(%arg17 : memref<128x64xf32, #tpu.memory_space<vmem>>) target_semaphore(%arg18 : memref<!tpu.dma_semaphore, #tpu.memory_space<semaphore_mem>>)
      } else {
      }
      %mul3A_277 = arith.constant 4096 : i32
      %mul3A_278 = arith.muli %scan3A_202, %mul3A_277 : i32
      "tpu.region"() ({
        %run_scoped3A = tpu.sem_alloc : memref<!tpu.dma_semaphore, #tpu.memory_space<semaphore_mem>>
        %dma_start3A = tpu.memref_slice %arg3[%mul3A_278] : memref<131072xi32, #tpu.memory_space<hbm>> -> memref<4096xi32, #tpu.memory_space<hbm>>
        %dma_start3A_359 = tpu.memref_slice %arg3[%mul3A_278] : memref<131072xi32, #tpu.memory_space<hbm>> -> memref<4096xi32, #tpu.memory_space<hbm>>
        tpu.enqueue_dma source(%dma_start3A_359 : memref<4096xi32, #tpu.memory_space<hbm>>) target(%arg7 : memref<4096xi32, #tpu.memory_space<vmem>>) target_semaphore(%run_scoped3A : memref<!tpu.dma_semaphore, #tpu.memory_space<semaphore_mem>>)
        %dma_wait3A = tpu.memref_slice %arg3[%mul3A_278] : memref<131072xi32, #tpu.memory_space<hbm>> -> memref<4096xi32, #tpu.memory_space<hbm>>
        %dma_wait3A_360 = tpu.memref_slice %arg3[%mul3A_278] : memref<131072xi32, #tpu.memory_space<hbm>> -> memref<4096xi32, #tpu.memory_space<hbm>>
        tpu.wait_dma2 semaphore(%run_scoped3A : memref<!tpu.dma_semaphore, #tpu.memory_space<semaphore_mem>>) src(%dma_wait3A_360 : memref<4096xi32, #tpu.memory_space<hbm>>) dst(%arg7 : memref<4096xi32, #tpu.memory_space<vmem>>)
        tpu.yield
      }) : () -> ()
      %scan3A_279 = arith.constant 0 : i32
      %scan3A_280 = arith.constant 0 : i32
      %scan3A_281 = arith.constant 64 : i32
      %scan3A_282 = arith.addi %scan3A_280, %scan3A_281 : i32
      %scan3A_283 = arith.constant 1 : i32
      %scan3A_284 = scf.for %scan3A_359 = %scan3A_280 to %scan3A_282 step %scan3A_283 iter_args(%scan3A_360 = %scan3A_279) -> (i32)  : i32 {
        %mul3A_361 = arith.constant 4 : i32
        %mul3A_362 = arith.muli %scan3A_359, %mul3A_361 : i32
        %add3A_363 = arith.constant 0 : i32
        %add3A_364 = arith.addi %mul3A_362, %add3A_363 : i32
        %mul3A_365 = arith.constant 16 : i32
        %mul3A_366 = arith.muli %add3A_364, %mul3A_365 : i32
        %get3A_367 = arith.index_cast %mul3A_366 : i32 to index
        %get3A_368 = tpu.vector_load %arg7[%get3A_367] {strides = array<i32>} : memref<4096xi32, #tpu.memory_space<vmem>>, vector<16xi32>,
        %sub3A_369 = vector.broadcast %mul3A_2 : i32 to vector<16xi32>
        %sub3A_370 = arith.subi %get3A_368, %sub3A_369 : vector<16xi32>
        %mul3A_371 = arith.constant 4096 : i32
        %mul3A_372 = arith.muli %scan3A_202, %mul3A_371 : i32
        %mul3A_373 = arith.constant 4 : i32
        %mul3A_374 = arith.muli %scan3A_359, %mul3A_373 : i32
        %add3A_375 = arith.constant 0 : i32
        %add3A_376 = arith.addi %mul3A_374, %add3A_375 : i32
        %mul3A_377 = arith.constant 16 : i32
        %mul3A_378 = arith.muli %add3A_376, %mul3A_377 : i32
        %add3A_379 = arith.addi %mul3A_372, %mul3A_378 : i32
        %add3A_380 = vector.broadcast %add3A_379 : i32 to vector<16xi32>
        %add3A_381 = arith.addi %add3A_380, %iota3A : vector<16xi32>
        %ge3A_382 = arith.constant 0 : i32
        %ge3A_383 = vector.broadcast %ge3A_382 : i32 to vector<16xi32>
        %ge3A_384 = arith.cmpi sge, %sub3A_370, %ge3A_383 : vector<16xi32>
        %lt3A_385 = arith.constant 31250 : i32
        %lt3A_386 = vector.broadcast %lt3A_385 : i32 to vector<16xi32>
        %lt3A_387 = arith.cmpi slt, %sub3A_370, %lt3A_386 : vector<16xi32>
        %and3A_388 = arith.andi %ge3A_384, %lt3A_387 : vector<16xi1>
        %unique3A, %unique3A_389 = tpu.scan_count mask(%and3A_388 : vector<16xi1>) value(%get3A_368 : vector<16xi32>) : vector<16xi1>, vector<16xi32>
        %and3A_390 = arith.andi %and3A_388, %unique3A : vector<16xi1>
        tpu.vector_store_idx %arg6[%sub3A_370], %add3A_381 masked %and3A_390 : memref<31264xi32, #tpu.memory_space<vmem>>[vector<16xi32>], vector<16xi32>, vector<16xi1>
        %mul3A_391 = arith.constant 4 : i32
        %mul3A_392 = arith.muli %scan3A_359, %mul3A_391 : i32
        %add3A_393 = arith.constant 1 : i32
        %add3A_394 = arith.addi %mul3A_392, %add3A_393 : i32
        %mul3A_395 = arith.constant 16 : i32
        %mul3A_396 = arith.muli %add3A_394, %mul3A_395 : i32
        %get3A_397 = arith.index_cast %mul3A_396 : i32 to index
        %get3A_398 = tpu.vector_load %arg7[%get3A_397] {strides = array<i32>} : memref<4096xi32, #tpu.memory_space<vmem>>, vector<16xi32>,
        %sub3A_399 = vector.broadcast %mul3A_2 : i32 to vector<16xi32>
        %sub3A_400 = arith.subi %get3A_398, %sub3A_399 : vector<16xi32>
        %mul3A_401 = arith.constant 4096 : i32
        %mul3A_402 = arith.muli %scan3A_202, %mul3A_401 : i32
        %mul3A_403 = arith.constant 4 : i32
        %mul3A_404 = arith.muli %scan3A_359, %mul3A_403 : i32
        %add3A_405 = arith.constant 1 : i32
        %add3A_406 = arith.addi %mul3A_404, %add3A_405 : i32
        %mul3A_407 = arith.constant 16 : i32
        %mul3A_408 = arith.muli %add3A_406, %mul3A_407 : i32
        %add3A_409 = arith.addi %mul3A_402, %mul3A_408 : i32
        %add3A_410 = vector.broadcast %add3A_409 : i32 to vector<16xi32>
        %add3A_411 = arith.addi %add3A_410, %iota3A : vector<16xi32>
        %ge3A_412 = arith.constant 0 : i32
        %ge3A_413 = vector.broadcast %ge3A_412 : i32 to vector<16xi32>
        %ge3A_414 = arith.cmpi sge, %sub3A_400, %ge3A_413 : vector<16xi32>
        %lt3A_415 = arith.constant 31250 : i32
        %lt3A_416 = vector.broadcast %lt3A_415 : i32 to vector<16xi32>
        %lt3A_417 = arith.cmpi slt, %sub3A_400, %lt3A_416 : vector<16xi32>
        %and3A_418 = arith.andi %ge3A_414, %lt3A_417 : vector<16xi1>
        %unique3A_419, %unique3A_420 = tpu.scan_count mask(%and3A_418 : vector<16xi1>) value(%get3A_398 : vector<16xi32>) : vector<16xi1>, vector<16xi32>
        %and3A_421 = arith.andi %and3A_418, %unique3A_419 : vector<16xi1>
        tpu.vector_store_idx %arg6[%sub3A_400], %add3A_411 masked %and3A_421 : memref<31264xi32, #tpu.memory_space<vmem>>[vector<16xi32>], vector<16xi32>, vector<16xi1>
        %mul3A_422 = arith.constant 4 : i32
        %mul3A_423 = arith.muli %scan3A_359, %mul3A_422 : i32
        %add3A_424 = arith.constant 2 : i32
        %add3A_425 = arith.addi %mul3A_423, %add3A_424 : i32
        %mul3A_426 = arith.constant 16 : i32
        %mul3A_427 = arith.muli %add3A_425, %mul3A_426 : i32
        %get3A_428 = arith.index_cast %mul3A_427 : i32 to index
        %get3A_429 = tpu.vector_load %arg7[%get3A_428] {strides = array<i32>} : memref<4096xi32, #tpu.memory_space<vmem>>, vector<16xi32>,
        %sub3A_430 = vector.broadcast %mul3A_2 : i32 to vector<16xi32>
        %sub3A_431 = arith.subi %get3A_429, %sub3A_430 : vector<16xi32>
        %mul3A_432 = arith.constant 4096 : i32
        %mul3A_433 = arith.muli %scan3A_202, %mul3A_432 : i32
        %mul3A_434 = arith.constant 4 : i32
        %mul3A_435 = arith.muli %scan3A_359, %mul3A_434 : i32
        %add3A_436 = arith.constant 2 : i32
        %add3A_437 = arith.addi %mul3A_435, %add3A_436 : i32
        %mul3A_438 = arith.constant 16 : i32
        %mul3A_439 = arith.muli %add3A_437, %mul3A_438 : i32
        %add3A_440 = arith.addi %mul3A_433, %mul3A_439 : i32
        %add3A_441 = vector.broadcast %add3A_440 : i32 to vector<16xi32>
        %add3A_442 = arith.addi %add3A_441, %iota3A : vector<16xi32>
        %ge3A_443 = arith.constant 0 : i32
        %ge3A_444 = vector.broadcast %ge3A_443 : i32 to vector<16xi32>
        %ge3A_445 = arith.cmpi sge, %sub3A_431, %ge3A_444 : vector<16xi32>
        %lt3A_446 = arith.constant 31250 : i32
        %lt3A_447 = vector.broadcast %lt3A_446 : i32 to vector<16xi32>
        %lt3A_448 = arith.cmpi slt, %sub3A_431, %lt3A_447 : vector<16xi32>
        %and3A_449 = arith.andi %ge3A_445, %lt3A_448 : vector<16xi1>
        %unique3A_450, %unique3A_451 = tpu.scan_count mask(%and3A_449 : vector<16xi1>) value(%get3A_429 : vector<16xi32>) : vector<16xi1>, vector<16xi32>
        %and3A_452 = arith.andi %and3A_449, %unique3A_450 : vector<16xi1>
        tpu.vector_store_idx %arg6[%sub3A_431], %add3A_442 masked %and3A_452 : memref<31264xi32, #tpu.memory_space<vmem>>[vector<16xi32>], vector<16xi32>, vector<16xi1>
        %mul3A_453 = arith.constant 4 : i32
        %mul3A_454 = arith.muli %scan3A_359, %mul3A_453 : i32
        %add3A_455 = arith.constant 3 : i32
        %add3A_456 = arith.addi %mul3A_454, %add3A_455 : i32
        %mul3A_457 = arith.constant 16 : i32
        %mul3A_458 = arith.muli %add3A_456, %mul3A_457 : i32
        %get3A_459 = arith.index_cast %mul3A_458 : i32 to index
        %get3A_460 = tpu.vector_load %arg7[%get3A_459] {strides = array<i32>} : memref<4096xi32, #tpu.memory_space<vmem>>, vector<16xi32>,
        %sub3A_461 = vector.broadcast %mul3A_2 : i32 to vector<16xi32>
        %sub3A_462 = arith.subi %get3A_460, %sub3A_461 : vector<16xi32>
        %mul3A_463 = arith.constant 4096 : i32
        %mul3A_464 = arith.muli %scan3A_202, %mul3A_463 : i32
        %mul3A_465 = arith.constant 4 : i32
        %mul3A_466 = arith.muli %scan3A_359, %mul3A_465 : i32
        %add3A_467 = arith.constant 3 : i32
        %add3A_468 = arith.addi %mul3A_466, %add3A_467 : i32
        %mul3A_469 = arith.constant 16 : i32
        %mul3A_470 = arith.muli %add3A_468, %mul3A_469 : i32
        %add3A_471 = arith.addi %mul3A_464, %mul3A_470 : i32
        %add3A_472 = vector.broadcast %add3A_471 : i32 to vector<16xi32>
        %add3A_473 = arith.addi %add3A_472, %iota3A : vector<16xi32>
        %ge3A_474 = arith.constant 0 : i32
        %ge3A_475 = vector.broadcast %ge3A_474 : i32 to vector<16xi32>
        %ge3A_476 = arith.cmpi sge, %sub3A_462, %ge3A_475 : vector<16xi32>
        %lt3A_477 = arith.constant 31250 : i32
        %lt3A_478 = vector.broadcast %lt3A_477 : i32 to vector<16xi32>
        %lt3A_479 = arith.cmpi slt, %sub3A_462, %lt3A_478 : vector<16xi32>
        %and3A_480 = arith.andi %ge3A_476, %lt3A_479 : vector<16xi1>
        %unique3A_481, %unique3A_482 = tpu.scan_count mask(%and3A_480 : vector<16xi1>) value(%get3A_460 : vector<16xi32>) : vector<16xi1>, vector<16xi32>
        %and3A_483 = arith.andi %and3A_480, %unique3A_481 : vector<16xi1>
        tpu.vector_store_idx %arg6[%sub3A_462], %add3A_473 masked %and3A_483 : memref<31264xi32, #tpu.memory_space<vmem>>[vector<16xi32>], vector<16xi32>, vector<16xi1>
        %scan3A_484 = arith.constant 0 : i32
        scf.yield %scan3A_484 : i32
      }
      %scan3A_285 = arith.constant 64 : i32
      %mul3A_286 = arith.constant 8 : i32
      %mul3A_287 = arith.muli %mul3A_286, %scan3A_202 : i32
      %add3A_288 = arith.constant 0 : i32
      %add3A_289 = arith.addi %mul3A_287, %add3A_288 : i32
      %lt3A_290 = arith.constant 244 : i32
      %lt3A_291 = arith.cmpi slt, %add3A_289, %lt3A_290 : i32
      %convert_element_type3A_292 = arith.extui %lt3A_291 : i1 to i32
      %cond3A_293 = arith.constant 0 : i32
      %cond3A_294 = arith.cmpi ne, %convert_element_type3A_292, %cond3A_293 : i32
      scf.if %cond3A_294 {
        %mul3A_359 = arith.constant 128 : i32
        %mul3A_360 = arith.muli %add3A_289, %mul3A_359 : i32
        %add3A_361 = arith.addi %mul3A_2, %mul3A_360 : i32
        %dma_wait3A = arith.constant 0 : i32
        %dma_wait3A_362 = tpu.memref_slice %arg2[%add3A_361, %dma_wait3A] : memref<1000000x64xf32, #tpu.memory_space<hbm>> -> memref<128x64xf32, #tpu.memory_space<hbm>>
        %dma_wait3A_363 = arith.constant 0 : i32
        %dma_wait3A_364 = tpu.memref_slice %arg2[%add3A_361, %dma_wait3A_363] : memref<1000000x64xf32, #tpu.memory_space<hbm>> -> memref<128x64xf32, #tpu.memory_space<hbm>>
        tpu.wait_dma2 semaphore(%arg18 : memref<!tpu.dma_semaphore, #tpu.memory_space<semaphore_mem>>) src(%dma_wait3A_364 : memref<128x64xf32, #tpu.memory_space<hbm>>) dst(%arg10 : memref<128x64xf32, #tpu.memory_space<vmem>>)
        %dma_start3A = arith.constant 0 : i32
        %dma_start3A_365 = tpu.memref_slice %arg5[%add3A_361, %dma_start3A] : memref<1000000x64xf32, #tpu.memory_space<hbm>> -> memref<128x64xf32, #tpu.memory_space<hbm>>
        %dma_start3A_366 = arith.constant 0 : i32
        %dma_start3A_367 = tpu.memref_slice %arg5[%add3A_361, %dma_start3A_366] : memref<1000000x64xf32, #tpu.memory_space<hbm>> -> memref<128x64xf32, #tpu.memory_space<hbm>>
        tpu.enqueue_dma source(%arg10 : memref<128x64xf32, #tpu.memory_space<vmem>>) target(%dma_start3A_367 : memref<128x64xf32, #tpu.memory_space<hbm>>) target_semaphore(%arg19 : memref<!tpu.dma_semaphore, #tpu.memory_space<semaphore_mem>>)
      } else {
      }
      %mul3A_295 = arith.constant 8 : i32
      %mul3A_296 = arith.muli %mul3A_295, %scan3A_202 : i32
      %add3A_297 = arith.constant 1 : i32
      %add3A_298 = arith.addi %mul3A_296, %add3A_297 : i32
      %lt3A_299 = arith.constant 244 : i32
      %lt3A_300 = arith.cmpi slt, %add3A_298, %lt3A_299 : i32
      %convert_element_type3A_301 = arith.extui %lt3A_300 : i1 to i32
      %cond3A_302 = arith.constant 0 : i32
      %cond3A_303 = arith.cmpi ne, %convert_element_type3A_301, %cond3A_302 : i32
      scf.if %cond3A_303 {
        %mul3A_359 = arith.constant 128 : i32
        %mul3A_360 = arith.muli %add3A_298, %mul3A_359 : i32
        %add3A_361 = arith.addi %mul3A_2, %mul3A_360 : i32
        %dma_wait3A = arith.constant 0 : i32
        %dma_wait3A_362 = tpu.memref_slice %arg2[%add3A_361, %dma_wait3A] : memref<1000000x64xf32, #tpu.memory_space<hbm>> -> memref<128x64xf32, #tpu.memory_space<hbm>>
        %dma_wait3A_363 = arith.constant 0 : i32
        %dma_wait3A_364 = tpu.memref_slice %arg2[%add3A_361, %dma_wait3A_363] : memref<1000000x64xf32, #tpu.memory_space<hbm>> -> memref<128x64xf32, #tpu.memory_space<hbm>>
        tpu.wait_dma2 semaphore(%arg18 : memref<!tpu.dma_semaphore, #tpu.memory_space<semaphore_mem>>) src(%dma_wait3A_364 : memref<128x64xf32, #tpu.memory_space<hbm>>) dst(%arg11 : memref<128x64xf32, #tpu.memory_space<vmem>>)
        %dma_start3A = arith.constant 0 : i32
        %dma_start3A_365 = tpu.memref_slice %arg5[%add3A_361, %dma_start3A] : memref<1000000x64xf32, #tpu.memory_space<hbm>> -> memref<128x64xf32, #tpu.memory_space<hbm>>
        %dma_start3A_366 = arith.constant 0 : i32
        %dma_start3A_367 = tpu.memref_slice %arg5[%add3A_361, %dma_start3A_366] : memref<1000000x64xf32, #tpu.memory_space<hbm>> -> memref<128x64xf32, #tpu.memory_space<hbm>>
        tpu.enqueue_dma source(%arg11 : memref<128x64xf32, #tpu.memory_space<vmem>>) target(%dma_start3A_367 : memref<128x64xf32, #tpu.memory_space<hbm>>) target_semaphore(%arg19 : memref<!tpu.dma_semaphore, #tpu.memory_space<semaphore_mem>>)
      } else {
      }
      %mul3A_304 = arith.constant 8 : i32
      %mul3A_305 = arith.muli %mul3A_304, %scan3A_202 : i32
      %add3A_306 = arith.constant 2 : i32
      %add3A_307 = arith.addi %mul3A_305, %add3A_306 : i32
      %lt3A_308 = arith.constant 244 : i32
      %lt3A_309 = arith.cmpi slt, %add3A_307, %lt3A_308 : i32
      %convert_element_type3A_310 = arith.extui %lt3A_309 : i1 to i32
      %cond3A_311 = arith.constant 0 : i32
      %cond3A_312 = arith.cmpi ne, %convert_element_type3A_310, %cond3A_311 : i32
      scf.if %cond3A_312 {
        %mul3A_359 = arith.constant 128 : i32
        %mul3A_360 = arith.muli %add3A_307, %mul3A_359 : i32
        %add3A_361 = arith.addi %mul3A_2, %mul3A_360 : i32
        %dma_wait3A = arith.constant 0 : i32
        %dma_wait3A_362 = tpu.memref_slice %arg2[%add3A_361, %dma_wait3A] : memref<1000000x64xf32, #tpu.memory_space<hbm>> -> memref<128x64xf32, #tpu.memory_space<hbm>>
        %dma_wait3A_363 = arith.constant 0 : i32
        %dma_wait3A_364 = tpu.memref_slice %arg2[%add3A_361, %dma_wait3A_363] : memref<1000000x64xf32, #tpu.memory_space<hbm>> -> memref<128x64xf32, #tpu.memory_space<hbm>>
        tpu.wait_dma2 semaphore(%arg18 : memref<!tpu.dma_semaphore, #tpu.memory_space<semaphore_mem>>) src(%dma_wait3A_364 : memref<128x64xf32, #tpu.memory_space<hbm>>) dst(%arg12 : memref<128x64xf32, #tpu.memory_space<vmem>>)
        %dma_start3A = arith.constant 0 : i32
        %dma_start3A_365 = tpu.memref_slice %arg5[%add3A_361, %dma_start3A] : memref<1000000x64xf32, #tpu.memory_space<hbm>> -> memref<128x64xf32, #tpu.memory_space<hbm>>
        %dma_start3A_366 = arith.constant 0 : i32
        %dma_start3A_367 = tpu.memref_slice %arg5[%add3A_361, %dma_start3A_366] : memref<1000000x64xf32, #tpu.memory_space<hbm>> -> memref<128x64xf32, #tpu.memory_space<hbm>>
        tpu.enqueue_dma source(%arg12 : memref<128x64xf32, #tpu.memory_space<vmem>>) target(%dma_start3A_367 : memref<128x64xf32, #tpu.memory_space<hbm>>) target_semaphore(%arg19 : memref<!tpu.dma_semaphore, #tpu.memory_space<semaphore_mem>>)
      } else {
      }
      %mul3A_313 = arith.constant 8 : i32
      %mul3A_314 = arith.muli %mul3A_313, %scan3A_202 : i32
      %add3A_315 = arith.constant 3 : i32
      %add3A_316 = arith.addi %mul3A_314, %add3A_315 : i32
      %lt3A_317 = arith.constant 244 : i32
      %lt3A_318 = arith.cmpi slt, %add3A_316, %lt3A_317 : i32
      %convert_element_type3A_319 = arith.extui %lt3A_318 : i1 to i32
      %cond3A_320 = arith.constant 0 : i32
      %cond3A_321 = arith.cmpi ne, %convert_element_type3A_319, %cond3A_320 : i32
      scf.if %cond3A_321 {
        %mul3A_359 = arith.constant 128 : i32
        %mul3A_360 = arith.muli %add3A_316, %mul3A_359 : i32
        %add3A_361 = arith.addi %mul3A_2, %mul3A_360 : i32
        %dma_wait3A = arith.constant 0 : i32
        %dma_wait3A_362 = tpu.memref_slice %arg2[%add3A_361, %dma_wait3A] : memref<1000000x64xf32, #tpu.memory_space<hbm>> -> memref<128x64xf32, #tpu.memory_space<hbm>>
        %dma_wait3A_363 = arith.constant 0 : i32
        %dma_wait3A_364 = tpu.memref_slice %arg2[%add3A_361, %dma_wait3A_363] : memref<1000000x64xf32, #tpu.memory_space<hbm>> -> memref<128x64xf32, #tpu.memory_space<hbm>>
        tpu.wait_dma2 semaphore(%arg18 : memref<!tpu.dma_semaphore, #tpu.memory_space<semaphore_mem>>) src(%dma_wait3A_364 : memref<128x64xf32, #tpu.memory_space<hbm>>) dst(%arg13 : memref<128x64xf32, #tpu.memory_space<vmem>>)
        %dma_start3A = arith.constant 0 : i32
        %dma_start3A_365 = tpu.memref_slice %arg5[%add3A_361, %dma_start3A] : memref<1000000x64xf32, #tpu.memory_space<hbm>> -> memref<128x64xf32, #tpu.memory_space<hbm>>
        %dma_start3A_366 = arith.constant 0 : i32
        %dma_start3A_367 = tpu.memref_slice %arg5[%add3A_361, %dma_start3A_366] : memref<1000000x64xf32, #tpu.memory_space<hbm>> -> memref<128x64xf32, #tpu.memory_space<hbm>>
        tpu.enqueue_dma source(%arg13 : memref<128x64xf32, #tpu.memory_space<vmem>>) target(%dma_start3A_367 : memref<128x64xf32, #tpu.memory_space<hbm>>) target_semaphore(%arg19 : memref<!tpu.dma_semaphore, #tpu.memory_space<semaphore_mem>>)
      } else {
      }
      %mul3A_322 = arith.constant 8 : i32
      %mul3A_323 = arith.muli %mul3A_322, %scan3A_202 : i32
      %add3A_324 = arith.constant 4 : i32
      %add3A_325 = arith.addi %mul3A_323, %add3A_324 : i32
      %lt3A_326 = arith.constant 244 : i32
      %lt3A_327 = arith.cmpi slt, %add3A_325, %lt3A_326 : i32
      %convert_element_type3A_328 = arith.extui %lt3A_327 : i1 to i32
      %cond3A_329 = arith.constant 0 : i32
      %cond3A_330 = arith.cmpi ne, %convert_element_type3A_328, %cond3A_329 : i32
      scf.if %cond3A_330 {
        %mul3A_359 = arith.constant 128 : i32
        %mul3A_360 = arith.muli %add3A_325, %mul3A_359 : i32
        %add3A_361 = arith.addi %mul3A_2, %mul3A_360 : i32
        %dma_wait3A = arith.constant 0 : i32
        %dma_wait3A_362 = tpu.memref_slice %arg2[%add3A_361, %dma_wait3A] : memref<1000000x64xf32, #tpu.memory_space<hbm>> -> memref<128x64xf32, #tpu.memory_space<hbm>>
        %dma_wait3A_363 = arith.constant 0 : i32
        %dma_wait3A_364 = tpu.memref_slice %arg2[%add3A_361, %dma_wait3A_363] : memref<1000000x64xf32, #tpu.memory_space<hbm>> -> memref<128x64xf32, #tpu.memory_space<hbm>>
        tpu.wait_dma2 semaphore(%arg18 : memref<!tpu.dma_semaphore, #tpu.memory_space<semaphore_mem>>) src(%dma_wait3A_364 : memref<128x64xf32, #tpu.memory_space<hbm>>) dst(%arg14 : memref<128x64xf32, #tpu.memory_space<vmem>>)
        %dma_start3A = arith.constant 0 : i32
        %dma_start3A_365 = tpu.memref_slice %arg5[%add3A_361, %dma_start3A] : memref<1000000x64xf32, #tpu.memory_space<hbm>> -> memref<128x64xf32, #tpu.memory_space<hbm>>
        %dma_start3A_366 = arith.constant 0 : i32
        %dma_start3A_367 = tpu.memref_slice %arg5[%add3A_361, %dma_start3A_366] : memref<1000000x64xf32, #tpu.memory_space<hbm>> -> memref<128x64xf32, #tpu.memory_space<hbm>>
        tpu.enqueue_dma source(%arg14 : memref<128x64xf32, #tpu.memory_space<vmem>>) target(%dma_start3A_367 : memref<128x64xf32, #tpu.memory_space<hbm>>) target_semaphore(%arg19 : memref<!tpu.dma_semaphore, #tpu.memory_space<semaphore_mem>>)
      } else {
      }
      %mul3A_331 = arith.constant 8 : i32
      %mul3A_332 = arith.muli %mul3A_331, %scan3A_202 : i32
      %add3A_333 = arith.constant 5 : i32
      %add3A_334 = arith.addi %mul3A_332, %add3A_333 : i32
      %lt3A_335 = arith.constant 244 : i32
      %lt3A_336 = arith.cmpi slt, %add3A_334, %lt3A_335 : i32
      %convert_element_type3A_337 = arith.extui %lt3A_336 : i1 to i32
      %cond3A_338 = arith.constant 0 : i32
      %cond3A_339 = arith.cmpi ne, %convert_element_type3A_337, %cond3A_338 : i32
      scf.if %cond3A_339 {
        %mul3A_359 = arith.constant 128 : i32
        %mul3A_360 = arith.muli %add3A_334, %mul3A_359 : i32
        %add3A_361 = arith.addi %mul3A_2, %mul3A_360 : i32
        %dma_wait3A = arith.constant 0 : i32
        %dma_wait3A_362 = tpu.memref_slice %arg2[%add3A_361, %dma_wait3A] : memref<1000000x64xf32, #tpu.memory_space<hbm>> -> memref<128x64xf32, #tpu.memory_space<hbm>>
        %dma_wait3A_363 = arith.constant 0 : i32
        %dma_wait3A_364 = tpu.memref_slice %arg2[%add3A_361, %dma_wait3A_363] : memref<1000000x64xf32, #tpu.memory_space<hbm>> -> memref<128x64xf32, #tpu.memory_space<hbm>>
        tpu.wait_dma2 semaphore(%arg18 : memref<!tpu.dma_semaphore, #tpu.memory_space<semaphore_mem>>) src(%dma_wait3A_364 : memref<128x64xf32, #tpu.memory_space<hbm>>) dst(%arg15 : memref<128x64xf32, #tpu.memory_space<vmem>>)
        %dma_start3A = arith.constant 0 : i32
        %dma_start3A_365 = tpu.memref_slice %arg5[%add3A_361, %dma_start3A] : memref<1000000x64xf32, #tpu.memory_space<hbm>> -> memref<128x64xf32, #tpu.memory_space<hbm>>
        %dma_start3A_366 = arith.constant 0 : i32
        %dma_start3A_367 = tpu.memref_slice %arg5[%add3A_361, %dma_start3A_366] : memref<1000000x64xf32, #tpu.memory_space<hbm>> -> memref<128x64xf32, #tpu.memory_space<hbm>>
        tpu.enqueue_dma source(%arg15 : memref<128x64xf32, #tpu.memory_space<vmem>>) target(%dma_start3A_367 : memref<128x64xf32, #tpu.memory_space<hbm>>) target_semaphore(%arg19 : memref<!tpu.dma_semaphore, #tpu.memory_space<semaphore_mem>>)
      } else {
      }
      %mul3A_340 = arith.constant 8 : i32
      %mul3A_341 = arith.muli %mul3A_340, %scan3A_202 : i32
      %add3A_342 = arith.constant 6 : i32
      %add3A_343 = arith.addi %mul3A_341, %add3A_342 : i32
      %lt3A_344 = arith.constant 244 : i32
      %lt3A_345 = arith.cmpi slt, %add3A_343, %lt3A_344 : i32
      %convert_element_type3A_346 = arith.extui %lt3A_345 : i1 to i32
      %cond3A_347 = arith.constant 0 : i32
      %cond3A_348 = arith.cmpi ne, %convert_element_type3A_346, %cond3A_347 : i32
      scf.if %cond3A_348 {
        %mul3A_359 = arith.constant 128 : i32
        %mul3A_360 = arith.muli %add3A_343, %mul3A_359 : i32
        %add3A_361 = arith.addi %mul3A_2, %mul3A_360 : i32
        %dma_wait3A = arith.constant 0 : i32
        %dma_wait3A_362 = tpu.memref_slice %arg2[%add3A_361, %dma_wait3A] : memref<1000000x64xf32, #tpu.memory_space<hbm>> -> memref<128x64xf32, #tpu.memory_space<hbm>>
        %dma_wait3A_363 = arith.constant 0 : i32
        %dma_wait3A_364 = tpu.memref_slice %arg2[%add3A_361, %dma_wait3A_363] : memref<1000000x64xf32, #tpu.memory_space<hbm>> -> memref<128x64xf32, #tpu.memory_space<hbm>>
        tpu.wait_dma2 semaphore(%arg18 : memref<!tpu.dma_semaphore, #tpu.memory_space<semaphore_mem>>) src(%dma_wait3A_364 : memref<128x64xf32, #tpu.memory_space<hbm>>) dst(%arg16 : memref<128x64xf32, #tpu.memory_space<vmem>>)
        %dma_start3A = arith.constant 0 : i32
        %dma_start3A_365 = tpu.memref_slice %arg5[%add3A_361, %dma_start3A] : memref<1000000x64xf32, #tpu.memory_space<hbm>> -> memref<128x64xf32, #tpu.memory_space<hbm>>
        %dma_start3A_366 = arith.constant 0 : i32
        %dma_start3A_367 = tpu.memref_slice %arg5[%add3A_361, %dma_start3A_366] : memref<1000000x64xf32, #tpu.memory_space<hbm>> -> memref<128x64xf32, #tpu.memory_space<hbm>>
        tpu.enqueue_dma source(%arg16 : memref<128x64xf32, #tpu.memory_space<vmem>>) target(%dma_start3A_367 : memref<128x64xf32, #tpu.memory_space<hbm>>) target_semaphore(%arg19 : memref<!tpu.dma_semaphore, #tpu.memory_space<semaphore_mem>>)
      } else {
      }
      %mul3A_349 = arith.constant 8 : i32
      %mul3A_350 = arith.muli %mul3A_349, %scan3A_202 : i32
      %add3A_351 = arith.constant 7 : i32
      %add3A_352 = arith.addi %mul3A_350, %add3A_351 : i32
      %lt3A_353 = arith.constant 244 : i32
      %lt3A_354 = arith.cmpi slt, %add3A_352, %lt3A_353 : i32
      %convert_element_type3A_355 = arith.extui %lt3A_354 : i1 to i32
      %cond3A_356 = arith.constant 0 : i32
      %cond3A_357 = arith.cmpi ne, %convert_element_type3A_355, %cond3A_356 : i32
      scf.if %cond3A_357 {
        %mul3A_359 = arith.constant 128 : i32
        %mul3A_360 = arith.muli %add3A_352, %mul3A_359 : i32
        %add3A_361 = arith.addi %mul3A_2, %mul3A_360 : i32
        %dma_wait3A = arith.constant 0 : i32
        %dma_wait3A_362 = tpu.memref_slice %arg2[%add3A_361, %dma_wait3A] : memref<1000000x64xf32, #tpu.memory_space<hbm>> -> memref<128x64xf32, #tpu.memory_space<hbm>>
        %dma_wait3A_363 = arith.constant 0 : i32
        %dma_wait3A_364 = tpu.memref_slice %arg2[%add3A_361, %dma_wait3A_363] : memref<1000000x64xf32, #tpu.memory_space<hbm>> -> memref<128x64xf32, #tpu.memory_space<hbm>>
        tpu.wait_dma2 semaphore(%arg18 : memref<!tpu.dma_semaphore, #tpu.memory_space<semaphore_mem>>) src(%dma_wait3A_364 : memref<128x64xf32, #tpu.memory_space<hbm>>) dst(%arg17 : memref<128x64xf32, #tpu.memory_space<vmem>>)
        %dma_start3A = arith.constant 0 : i32
        %dma_start3A_365 = tpu.memref_slice %arg5[%add3A_361, %dma_start3A] : memref<1000000x64xf32, #tpu.memory_space<hbm>> -> memref<128x64xf32, #tpu.memory_space<hbm>>
        %dma_start3A_366 = arith.constant 0 : i32
        %dma_start3A_367 = tpu.memref_slice %arg5[%add3A_361, %dma_start3A_366] : memref<1000000x64xf32, #tpu.memory_space<hbm>> -> memref<128x64xf32, #tpu.memory_space<hbm>>
        tpu.enqueue_dma source(%arg17 : memref<128x64xf32, #tpu.memory_space<vmem>>) target(%dma_start3A_367 : memref<128x64xf32, #tpu.memory_space<hbm>>) target_semaphore(%arg19 : memref<!tpu.dma_semaphore, #tpu.memory_space<semaphore_mem>>)
      } else {
      }
      %scan3A_358 = arith.constant 0 : i32
      scf.yield %scan3A_358 : i32
    }
    %scan3A_16 = arith.constant 32 : i32
    %add3A_17 = arith.constant 31232 : i32
    %add3A_18 = arith.addi %mul3A_2, %add3A_17 : i32
    "tpu.region"() ({
      %run_scoped3A = tpu.sem_alloc : memref<!tpu.dma_semaphore, #tpu.memory_space<semaphore_mem>>
      %dma_start3A = arith.constant 0 : i32
      %dma_start3A_202 = arith.constant 0 : i32
      %dma_start3A_203 = tpu.memref_slice %arg10[%dma_start3A, %dma_start3A_202] : memref<128x64xf32, #tpu.memory_space<vmem>> -> memref<18x64xf32, #tpu.memory_space<vmem>>
      %dma_start3A_204 = arith.constant 0 : i32
      %dma_start3A_205 = tpu.memref_slice %arg2[%add3A_18, %dma_start3A_204] : memref<1000000x64xf32, #tpu.memory_space<hbm>> -> memref<18x64xf32, #tpu.memory_space<hbm>>
      %dma_start3A_206 = arith.constant 0 : i32
      %dma_start3A_207 = arith.constant 0 : i32
      %dma_start3A_208 = tpu.memref_slice %arg10[%dma_start3A_206, %dma_start3A_207] : memref<128x64xf32, #tpu.memory_space<vmem>> -> memref<18x64xf32, #tpu.memory_space<vmem>>
      %dma_start3A_209 = arith.constant 0 : i32
      %dma_start3A_210 = tpu.memref_slice %arg2[%add3A_18, %dma_start3A_209] : memref<1000000x64xf32, #tpu.memory_space<hbm>> -> memref<18x64xf32, #tpu.memory_space<hbm>>
      tpu.enqueue_dma source(%dma_start3A_210 : memref<18x64xf32, #tpu.memory_space<hbm>>) target(%dma_start3A_208 : memref<18x64xf32, #tpu.memory_space<vmem>>) target_semaphore(%run_scoped3A : memref<!tpu.dma_semaphore, #tpu.memory_space<semaphore_mem>>)
      %dma_wait3A = arith.constant 0 : i32
      %dma_wait3A_211 = arith.constant 0 : i32
      %dma_wait3A_212 = tpu.memref_slice %arg10[%dma_wait3A, %dma_wait3A_211] : memref<128x64xf32, #tpu.memory_space<vmem>> -> memref<18x64xf32, #tpu.memory_space<vmem>>
      %dma_wait3A_213 = arith.constant 0 : i32
      %dma_wait3A_214 = tpu.memref_slice %arg2[%add3A_18, %dma_wait3A_213] : memref<1000000x64xf32, #tpu.memory_space<hbm>> -> memref<18x64xf32, #tpu.memory_space<hbm>>
      %dma_wait3A_215 = arith.constant 0 : i32
      %dma_wait3A_216 = arith.constant 0 : i32
      %dma_wait3A_217 = tpu.memref_slice %arg10[%dma_wait3A_215, %dma_wait3A_216] : memref<128x64xf32, #tpu.memory_space<vmem>> -> memref<18x64xf32, #tpu.memory_space<vmem>>
      %dma_wait3A_218 = arith.constant 0 : i32
      %dma_wait3A_219 = tpu.memref_slice %arg2[%add3A_18, %dma_wait3A_218] : memref<1000000x64xf32, #tpu.memory_space<hbm>> -> memref<18x64xf32, #tpu.memory_space<hbm>>
      tpu.wait_dma2 semaphore(%run_scoped3A : memref<!tpu.dma_semaphore, #tpu.memory_space<semaphore_mem>>) src(%dma_wait3A_219 : memref<18x64xf32, #tpu.memory_space<hbm>>) dst(%dma_wait3A_217 : memref<18x64xf32, #tpu.memory_space<vmem>>)
      tpu.yield
    }) : () -> ()
    "tpu.region"() ({
      %run_scoped3A = tpu.sem_alloc : memref<!tpu.dma_semaphore, #tpu.memory_space<semaphore_mem>>
      %dma_start3A = arith.constant 0 : i32
      %dma_start3A_202 = arith.constant 0 : i32
      %dma_start3A_203 = tpu.memref_slice %arg10[%dma_start3A, %dma_start3A_202] : memref<128x64xf32, #tpu.memory_space<vmem>> -> memref<18x64xf32, #tpu.memory_space<vmem>>
      %dma_start3A_204 = arith.constant 0 : i32
      %dma_start3A_205 = tpu.memref_slice %arg5[%add3A_18, %dma_start3A_204] : memref<1000000x64xf32, #tpu.memory_space<hbm>> -> memref<18x64xf32, #tpu.memory_space<hbm>>
      %dma_start3A_206 = arith.constant 0 : i32
      %dma_start3A_207 = tpu.memref_slice %arg5[%add3A_18, %dma_start3A_206] : memref<1000000x64xf32, #tpu.memory_space<hbm>> -> memref<18x64xf32, #tpu.memory_space<hbm>>
      %dma_start3A_208 = arith.constant 0 : i32
      %dma_start3A_209 = arith.constant 0 : i32
      %dma_start3A_210 = tpu.memref_slice %arg10[%dma_start3A_208, %dma_start3A_209] : memref<128x64xf32, #tpu.memory_space<vmem>> -> memref<18x64xf32, #tpu.memory_space<vmem>>
      tpu.enqueue_dma source(%dma_start3A_210 : memref<18x64xf32, #tpu.memory_space<vmem>>) target(%dma_start3A_207 : memref<18x64xf32, #tpu.memory_space<hbm>>) target_semaphore(%run_scoped3A : memref<!tpu.dma_semaphore, #tpu.memory_space<semaphore_mem>>)
      %dma_wait3A = arith.constant 0 : i32
      %dma_wait3A_211 = arith.constant 0 : i32
      %dma_wait3A_212 = tpu.memref_slice %arg10[%dma_wait3A, %dma_wait3A_211] : memref<128x64xf32, #tpu.memory_space<vmem>> -> memref<18x64xf32, #tpu.memory_space<vmem>>
      %dma_wait3A_213 = arith.constant 0 : i32
      %dma_wait3A_214 = tpu.memref_slice %arg5[%add3A_18, %dma_wait3A_213] : memref<1000000x64xf32, #tpu.memory_space<hbm>> -> memref<18x64xf32, #tpu.memory_space<hbm>>
      %dma_wait3A_215 = arith.constant 0 : i32
      %dma_wait3A_216 = tpu.memref_slice %arg5[%add3A_18, %dma_wait3A_215] : memref<1000000x64xf32, #tpu.memory_space<hbm>> -> memref<18x64xf32, #tpu.memory_space<hbm>>
      %dma_wait3A_217 = arith.constant 0 : i32
      %dma_wait3A_218 = arith.constant 0 : i32
      %dma_wait3A_219 = tpu.memref_slice %arg10[%dma_wait3A_217, %dma_wait3A_218] : memref<128x64xf32, #tpu.memory_space<vmem>> -> memref<18x64xf32, #tpu.memory_space<vmem>>
      tpu.wait_dma2 semaphore(%run_scoped3A : memref<!tpu.dma_semaphore, #tpu.memory_space<semaphore_mem>>) src(%dma_wait3A_219 : memref<18x64xf32, #tpu.memory_space<vmem>>) dst(%dma_wait3A_216 : memref<18x64xf32, #tpu.memory_space<hbm>>)
      tpu.yield
    }) : () -> ()
    %scan3A_19 = arith.constant 0 : i32
    %scan3A_20 = arith.constant 0 : i32
    %scan3A_21 = arith.constant 1954 : i32
    %scan3A_22 = arith.addi %scan3A_20, %scan3A_21 : i32
    %scan3A_23 = arith.constant 1 : i32
    %scan3A_24 = scf.for %scan3A_202 = %scan3A_20 to %scan3A_22 step %scan3A_23 iter_args(%scan3A_203 = %scan3A_19) -> (i32)  : i32 {
      %mul3A_204 = arith.constant 16 : i32
      %mul3A_205 = arith.muli %scan3A_202, %mul3A_204 : i32
      %get3A_206 = arith.index_cast %mul3A_205 : i32 to index
      %get3A_207 = tpu.vector_load %arg6[%get3A_206] {strides = array<i32>} : memref<31264xi32, #tpu.memory_space<vmem>>, vector<16xi32>,
      %ge3A = arith.constant 0 : i32
      %ge3A_208 = vector.broadcast %ge3A : i32 to vector<16xi32>
      %ge3A_209 = arith.cmpi sge, %get3A_207, %ge3A_208 : vector<16xi32>
      %convert_element_type3A = arith.extui %ge3A_209 : vector<16xi1> to vector<16xi32>
      %reduce_sum3A_210 = arith.constant true
      %reduce_sum3A_211 = vector.broadcast %reduce_sum3A_210 : i1 to vector<16xi1>
      %reduce_sum3A_212 = tpu.scan <sum>, %convert_element_type3A masked %reduce_sum3A_211 : vector<16xi32>, vector<16xi1> -> vector<16xi32>
      %reduce_sum3A_213 = vector.extract %reduce_sum3A_212[15] : i32 from vector<16xi32>
      %min3A_214 = arith.constant 8176 : i32
      %min3A_215 = arith.minsi %scan3A_203, %min3A_214 : i32
      %mul3A_216 = arith.constant 16 : i32
      %mul3A_217 = arith.muli %scan3A_202, %mul3A_216 : i32
      %add3A_218 = arith.addi %mul3A_2, %mul3A_217 : i32
      %add3A_219 = vector.broadcast %add3A_218 : i32 to vector<16xi32>
      %add3A_220 = arith.addi %add3A_219, %iota3A : vector<16xi32>
      %swap3A = arith.index_cast %min3A_215 : i32 to index
      %swap3A_221 = tpu.vector_load %arg8[%swap3A] masked %ge3A_209 {strides = array<i32>} : memref<8192xi32, #tpu.memory_space<vmem>>, vector<16xi32>, vector<16xi1>
      tpu.vector_store %arg8[%swap3A], %get3A_207 masked %ge3A_209 {strides = array<i32>} : memref<8192xi32, #tpu.memory_space<vmem>>, vector<16xi32>, vector<16xi1>
      %swap3A_222 = arith.index_cast %min3A_215 : i32 to index
      %swap3A_223 = tpu.vector_load %arg9[%swap3A_222] masked %ge3A_209 {strides = array<i32>} : memref<8192xi32, #tpu.memory_space<vmem>>, vector<16xi32>, vector<16xi1>
      tpu.vector_store %arg9[%swap3A_222], %add3A_220 masked %ge3A_209 {strides = array<i32>} : memref<8192xi32, #tpu.memory_space<vmem>>, vector<16xi32>, vector<16xi1>
      %add3A_224 = arith.addi %scan3A_203, %reduce_sum3A_213 : i32
      scf.yield %add3A_224 : i32
    }
    %scan3A_25 = arith.constant 1954 : i32
    %min3A = arith.constant 8192 : i32
    %min3A_26 = arith.minsi %scan3A_24, %min3A : i32
    %get3A = arith.constant 0 : index
    %get3A_27 = tpu.vector_load %arg8[%get3A] {strides = array<i32>} : memref<8192xi32, #tpu.memory_space<vmem>>, vector<16xi32>,
    %get3A_28 = arith.constant 0 : index
    %get3A_29 = tpu.vector_load %arg9[%get3A_28] {strides = array<i32>} : memref<8192xi32, #tpu.memory_space<vmem>>, vector<16xi32>,
    %eq3A = arith.constant 0 : i32
    %eq3A_30 = vector.broadcast %eq3A : i32 to vector<16xi32>
    %eq3A_31 = arith.cmpi eq, %iota3A, %eq3A_30 : vector<16xi32>
    %jit3A = arith.constant 0 : i32
    %broadcast_in_dim3A_32 = vector.broadcast %jit3A : i32 to vector<16xi32>
    %select_n3A = arith.select %eq3A_31, %get3A_27, %broadcast_in_dim3A_32 : vector<16xi1>, vector<16xi32>
    %reduce_sum3A = arith.constant true
    %reduce_sum3A_33 = vector.broadcast %reduce_sum3A : i1 to vector<16xi1>
    %reduce_sum3A_34 = tpu.scan <sum>, %select_n3A masked %reduce_sum3A_33 : vector<16xi32>, vector<16xi1> -> vector<16xi32>
    %reduce_sum3A_35 = vector.extract %reduce_sum3A_34[15] : i32 from vector<16xi32>
    %eq3A_36 = arith.constant 0 : i32
    %eq3A_37 = vector.broadcast %eq3A_36 : i32 to vector<16xi32>
    %eq3A_38 = arith.cmpi eq, %iota3A, %eq3A_37 : vector<16xi32>
    %jit3A_39 = arith.constant 0 : i32
    %broadcast_in_dim3A_40 = vector.broadcast %jit3A_39 : i32 to vector<16xi32>
    %select_n3A_41 = arith.select %eq3A_38, %get3A_29, %broadcast_in_dim3A_40 : vector<16xi1>, vector<16xi32>
    %reduce_sum3A_42 = arith.constant true
    %reduce_sum3A_43 = vector.broadcast %reduce_sum3A_42 : i1 to vector<16xi1>
    %reduce_sum3A_44 = tpu.scan <sum>, %select_n3A_41 masked %reduce_sum3A_43 : vector<16xi32>, vector<16xi1> -> vector<16xi32>
    %reduce_sum3A_45 = vector.extract %reduce_sum3A_44[15] : i32 from vector<16xi32>
    %broadcast_in_dim3A_46 = arith.constant 1 : i32
    %broadcast_in_dim3A_47 = vector.broadcast %broadcast_in_dim3A_46 : i32 to vector<16xi32>
    %mul3A_48 = vector.broadcast %reduce_sum3A_35 : i32 to vector<16xi32>
    %mul3A_49 = arith.muli %broadcast_in_dim3A_47, %mul3A_48 : vector<16xi32>
    %broadcast_in_dim3A_50 = arith.constant 1 : i32
    %broadcast_in_dim3A_51 = vector.broadcast %broadcast_in_dim3A_50 : i32 to vector<16xi32>
    %mul3A_52 = vector.broadcast %reduce_sum3A_45 : i32 to vector<16xi32>
    %mul3A_53 = arith.muli %broadcast_in_dim3A_51, %mul3A_52 : vector<16xi32>
    %add3A_54 = arith.constant 128 : i32
    %add3A_55 = arith.addi %min3A_26, %add3A_54 : i32
    %sub3A = arith.constant 1 : i32
    %sub3A_56 = arith.subi %add3A_55, %sub3A : i32
    %jit3A_57 = arith.constant 128 : i32
    %div3A = arith.divsi %sub3A_56, %jit3A_57 : i32
    %sign3A = arith.constant 0 : i32
    %sign3A_58 = arith.cmpi sgt, %sub3A_56, %sign3A : i32
    %sign3A_59 = arith.extui %sign3A_58 : i1 to i32
    %sign3A_60 = arith.constant 0 : i32
    %sign3A_61 = arith.cmpi slt, %sub3A_56, %sign3A_60 : i32
    %sign3A_62 = arith.extui %sign3A_61 : i1 to i32
    %sign3A_63 = arith.subi %sign3A_59, %sign3A_62 : i32
    %sign3A_64 = arith.constant 0 : i32
    %sign3A_65 = arith.cmpi sgt, %jit3A_57, %sign3A_64 : i32
    %sign3A_66 = arith.extui %sign3A_65 : i1 to i32
    %sign3A_67 = arith.constant 0 : i32
    %sign3A_68 = arith.cmpi slt, %jit3A_57, %sign3A_67 : i32
    %sign3A_69 = arith.extui %sign3A_68 : i1 to i32
    %sign3A_70 = arith.subi %sign3A_66, %sign3A_69 : i32
    %ne3A = arith.cmpi ne, %sign3A_63, %sign3A_70 : i32
    %rem3A = arith.remsi %sub3A_56, %jit3A_57 : i32
    %ne3A_71 = arith.constant 0 : i32
    %ne3A_72 = arith.cmpi ne, %rem3A, %ne3A_71 : i32
    %and3A = arith.andi %ne3A, %ne3A_72 : i1
    %sub3A_73 = arith.constant 1 : i32
    %sub3A_74 = arith.subi %div3A, %sub3A_73 : i32
    %select_n3A_75 = arith.select %and3A, %sub3A_74, %div3A : i32
    %mul3A_76 = arith.constant 128 : i32
    %mul3A_77 = arith.muli %select_n3A_75, %mul3A_76 : i32
    %jit3A_78 = arith.constant 16 : i32
    %div3A_79 = arith.divsi %min3A_26, %jit3A_78 : i32
    %sign3A_80 = arith.constant 0 : i32
    %sign3A_81 = arith.cmpi sgt, %min3A_26, %sign3A_80 : i32
    %sign3A_82 = arith.extui %sign3A_81 : i1 to i32
    %sign3A_83 = arith.constant 0 : i32
    %sign3A_84 = arith.cmpi slt, %min3A_26, %sign3A_83 : i32
    %sign3A_85 = arith.extui %sign3A_84 : i1 to i32
    %sign3A_86 = arith.subi %sign3A_82, %sign3A_85 : i32
    %sign3A_87 = arith.constant 0 : i32
    %sign3A_88 = arith.cmpi sgt, %jit3A_78, %sign3A_87 : i32
    %sign3A_89 = arith.extui %sign3A_88 : i1 to i32
    %sign3A_90 = arith.constant 0 : i32
    %sign3A_91 = arith.cmpi slt, %jit3A_78, %sign3A_90 : i32
    %sign3A_92 = arith.extui %sign3A_91 : i1 to i32
    %sign3A_93 = arith.subi %sign3A_89, %sign3A_92 : i32
    %ne3A_94 = arith.cmpi ne, %sign3A_86, %sign3A_93 : i32
    %rem3A_95 = arith.remsi %min3A_26, %jit3A_78 : i32
    %ne3A_96 = arith.constant 0 : i32
    %ne3A_97 = arith.cmpi ne, %rem3A_95, %ne3A_96 : i32
    %and3A_98 = arith.andi %ne3A_94, %ne3A_97 : i1
    %sub3A_99 = arith.constant 1 : i32
    %sub3A_100 = arith.subi %div3A_79, %sub3A_99 : i32
    %select_n3A_101 = arith.select %and3A_98, %sub3A_100, %div3A_79 : i32
    %mul3A_102 = arith.constant 16 : i32
    %mul3A_103 = arith.muli %select_n3A_101, %mul3A_102 : i32
    %jit3A_104 = arith.constant 16 : i32
    %div3A_105 = arith.divsi %mul3A_103, %jit3A_104 : i32
    %sign3A_106 = arith.constant 0 : i32
    %sign3A_107 = arith.cmpi sgt, %mul3A_103, %sign3A_106 : i32
    %sign3A_108 = arith.extui %sign3A_107 : i1 to i32
    %sign3A_109 = arith.constant 0 : i32
    %sign3A_110 = arith.cmpi slt, %mul3A_103, %sign3A_109 : i32
    %sign3A_111 = arith.extui %sign3A_110 : i1 to i32
    %sign3A_112 = arith.subi %sign3A_108, %sign3A_111 : i32
    %sign3A_113 = arith.constant 0 : i32
    %sign3A_114 = arith.cmpi sgt, %jit3A_104, %sign3A_113 : i32
    %sign3A_115 = arith.extui %sign3A_114 : i1 to i32
    %sign3A_116 = arith.constant 0 : i32
    %sign3A_117 = arith.cmpi slt, %jit3A_104, %sign3A_116 : i32
    %sign3A_118 = arith.extui %sign3A_117 : i1 to i32
    %sign3A_119 = arith.subi %sign3A_115, %sign3A_118 : i32
    %ne3A_120 = arith.cmpi ne, %sign3A_112, %sign3A_119 : i32
    %rem3A_121 = arith.remsi %mul3A_103, %jit3A_104 : i32
    %ne3A_122 = arith.constant 0 : i32
    %ne3A_123 = arith.cmpi ne, %rem3A_121, %ne3A_122 : i32
    %and3A_124 = arith.andi %ne3A_120, %ne3A_123 : i1
    %sub3A_125 = arith.constant 1 : i32
    %sub3A_126 = arith.subi %div3A_105, %sub3A_125 : i32
    %select_n3A_127 = arith.select %and3A_124, %sub3A_126, %div3A_105 : i32
    %jit3A_128 = arith.constant 16 : i32
    %div3A_129 = arith.divsi %mul3A_77, %jit3A_128 : i32
    %sign3A_130 = arith.constant 0 : i32
    %sign3A_131 = arith.cmpi sgt, %mul3A_77, %sign3A_130 : i32
    %sign3A_132 = arith.extui %sign3A_131 : i1 to i32
    %sign3A_133 = arith.constant 0 : i32
    %sign3A_134 = arith.cmpi slt, %mul3A_77, %sign3A_133 : i32
    %sign3A_135 = arith.extui %sign3A_134 : i1 to i32
    %sign3A_136 = arith.subi %sign3A_132, %sign3A_135 : i32
    %sign3A_137 = arith.constant 0 : i32
    %sign3A_138 = arith.cmpi sgt, %jit3A_128, %sign3A_137 : i32
    %sign3A_139 = arith.extui %sign3A_138 : i1 to i32
    %sign3A_140 = arith.constant 0 : i32
    %sign3A_141 = arith.cmpi slt, %jit3A_128, %sign3A_140 : i32
    %sign3A_142 = arith.extui %sign3A_141 : i1 to i32
    %sign3A_143 = arith.subi %sign3A_139, %sign3A_142 : i32
    %ne3A_144 = arith.cmpi ne, %sign3A_136, %sign3A_143 : i32
    %rem3A_145 = arith.remsi %mul3A_77, %jit3A_128 : i32
    %ne3A_146 = arith.constant 0 : i32
    %ne3A_147 = arith.cmpi ne, %rem3A_145, %ne3A_146 : i32
    %and3A_148 = arith.andi %ne3A_144, %ne3A_147 : i1
    %sub3A_149 = arith.constant 1 : i32
    %sub3A_150 = arith.subi %div3A_129, %sub3A_149 : i32
    %select_n3A_151 = arith.select %and3A_148, %sub3A_150, %div3A_129 : i32
    %while3A = arith.constant 0 : i32
    %while3A_152 = arith.subi %select_n3A_151, %select_n3A_127 : i32
    %while3A_153 = arith.addi %select_n3A_127, %while3A_152 : i32
    %while3A_154 = arith.constant 1 : i32
    %while3A_155 = arith.divsi %while3A_152, %while3A_154 : i32
    %while3A_156 = arith.muli %while3A_155, %while3A_154 : i32
    %while3A_157 = arith.addi %select_n3A_127, %while3A_156 : i32
    %while3A_158 = arith.constant 1 : i32
    %while3A_159 = scf.for %while3A_202 = %select_n3A_127 to %while3A_157 step %while3A_158 iter_args(%while3A_203 = %while3A) -> (i32)  : i32 {
      %mul3A_204 = arith.constant 16 : i32
      %mul3A_205 = arith.muli %while3A_202, %mul3A_204 : i32
      %add3A_206 = vector.broadcast %mul3A_205 : i32 to vector<16xi32>
      %add3A_207 = arith.addi %add3A_206, %iota3A : vector<16xi32>
      %lt3A = vector.broadcast %min3A_26 : i32 to vector<16xi32>
      %lt3A_208 = arith.cmpi slt, %add3A_207, %lt3A : vector<16xi32>
      %get3A_209 = arith.index_cast %mul3A_205 : i32 to index
      %get3A_210 = tpu.vector_load %arg8[%get3A_209] {strides = array<i32>} : memref<8192xi32, #tpu.memory_space<vmem>>, vector<16xi32>,
      %select_n3A_211 = arith.select %lt3A_208, %get3A_210, %mul3A_49 : vector<16xi1>, vector<16xi32>
      %get3A_212 = arith.index_cast %mul3A_205 : i32 to index
      %get3A_213 = tpu.vector_load %arg9[%get3A_212] {strides = array<i32>} : memref<8192xi32, #tpu.memory_space<vmem>>, vector<16xi32>,
      %select_n3A_214 = arith.select %lt3A_208, %get3A_213, %mul3A_53 : vector<16xi1>, vector<16xi32>
      %swap3A = arith.index_cast %mul3A_205 : i32 to index
      %swap3A_215 = tpu.vector_load %arg8[%swap3A] {strides = array<i32>} : memref<8192xi32, #tpu.memory_space<vmem>>, vector<16xi32>,
      tpu.vector_store %arg8[%swap3A], %select_n3A_211 {strides = array<i32>} : memref<8192xi32, #tpu.memory_space<vmem>>, vector<16xi32>,
      %swap3A_216 = arith.index_cast %mul3A_205 : i32 to index
      %swap3A_217 = tpu.vector_load %arg9[%swap3A_216] {strides = array<i32>} : memref<8192xi32, #tpu.memory_space<vmem>>, vector<16xi32>,
      tpu.vector_store %arg9[%swap3A_216], %select_n3A_214 {strides = array<i32>} : memref<8192xi32, #tpu.memory_space<vmem>>, vector<16xi32>,
      %while3A_218 = arith.constant 0 : i32
      scf.yield %while3A_218 : i32
    }
    %while3A_160 = arith.constant 1 : i32
    %while3A_161 = scf.for %while3A_202 = %while3A_157 to %while3A_153 step %while3A_160 iter_args(%while3A_203 = %while3A_159) -> (i32)  : i32 {
      %mul3A_204 = arith.constant 16 : i32
      %mul3A_205 = arith.muli %while3A_202, %mul3A_204 : i32
      %add3A_206 = vector.broadcast %mul3A_205 : i32 to vector<16xi32>
      %add3A_207 = arith.addi %add3A_206, %iota3A : vector<16xi32>
      %lt3A = vector.broadcast %min3A_26 : i32 to vector<16xi32>
      %lt3A_208 = arith.cmpi slt, %add3A_207, %lt3A : vector<16xi32>
      %get3A_209 = arith.index_cast %mul3A_205 : i32 to index
      %get3A_210 = tpu.vector_load %arg8[%get3A_209] {strides = array<i32>} : memref<8192xi32, #tpu.memory_space<vmem>>, vector<16xi32>,
      %select_n3A_211 = arith.select %lt3A_208, %get3A_210, %mul3A_49 : vector<16xi1>, vector<16xi32>
      %get3A_212 = arith.index_cast %mul3A_205 : i32 to index
      %get3A_213 = tpu.vector_load %arg9[%get3A_212] {strides = array<i32>} : memref<8192xi32, #tpu.memory_space<vmem>>, vector<16xi32>,
      %select_n3A_214 = arith.select %lt3A_208, %get3A_213, %mul3A_53 : vector<16xi1>, vector<16xi32>
      %swap3A = arith.index_cast %mul3A_205 : i32 to index
      %swap3A_215 = tpu.vector_load %arg8[%swap3A] {strides = array<i32>} : memref<8192xi32, #tpu.memory_space<vmem>>, vector<16xi32>,
      tpu.vector_store %arg8[%swap3A], %select_n3A_211 {strides = array<i32>} : memref<8192xi32, #tpu.memory_space<vmem>>, vector<16xi32>,
      %swap3A_216 = arith.index_cast %mul3A_205 : i32 to index
      %swap3A_217 = tpu.vector_load %arg9[%swap3A_216] {strides = array<i32>} : memref<8192xi32, #tpu.memory_space<vmem>>, vector<16xi32>,
      tpu.vector_store %arg9[%swap3A_216], %select_n3A_214 {strides = array<i32>} : memref<8192xi32, #tpu.memory_space<vmem>>, vector<16xi32>,
      %while3A_218 = arith.constant 0 : i32
      scf.yield %while3A_218 : i32
    }
    %add3A_162 = arith.constant 8 : i32
    %add3A_163 = arith.addi %select_n3A_75, %add3A_162 : i32
    %sub3A_164 = arith.constant 1 : i32
    %sub3A_165 = arith.subi %add3A_163, %sub3A_164 : i32
    %jit3A_166 = arith.constant 8 : i32
    %div3A_167 = arith.divsi %sub3A_165, %jit3A_166 : i32
    %sign3A_168 = arith.constant 0 : i32
    %sign3A_169 = arith.cmpi sgt, %sub3A_165, %sign3A_168 : i32
    %sign3A_170 = arith.extui %sign3A_169 : i1 to i32
    %sign3A_171 = arith.constant 0 : i32
    %sign3A_172 = arith.cmpi slt, %sub3A_165, %sign3A_171 : i32
    %sign3A_173 = arith.extui %sign3A_172 : i1 to i32
    %sign3A_174 = arith.subi %sign3A_170, %sign3A_173 : i32
    %sign3A_175 = arith.constant 0 : i32
    %sign3A_176 = arith.cmpi sgt, %jit3A_166, %sign3A_175 : i32
    %sign3A_177 = arith.extui %sign3A_176 : i1 to i32
    %sign3A_178 = arith.constant 0 : i32
    %sign3A_179 = arith.cmpi slt, %jit3A_166, %sign3A_178 : i32
    %sign3A_180 = arith.extui %sign3A_179 : i1 to i32
    %sign3A_181 = arith.subi %sign3A_177, %sign3A_180 : i32
    %ne3A_182 = arith.cmpi ne, %sign3A_174, %sign3A_181 : i32
    %rem3A_183 = arith.remsi %sub3A_165, %jit3A_166 : i32
    %ne3A_184 = arith.constant 0 : i32
    %ne3A_185 = arith.cmpi ne, %rem3A_183, %ne3A_184 : i32
    %and3A_186 = arith.andi %ne3A_182, %ne3A_185 : i1
    %sub3A_187 = arith.constant 1 : i32
    %sub3A_188 = arith.subi %div3A_167, %sub3A_187 : i32
    %select_n3A_189 = arith.select %and3A_186, %sub3A_188, %div3A_167 : i32
    %while3A_190 = arith.constant 0 : i32
    %while3A_191 = arith.constant 0 : i32
    %while3A_192 = arith.subi %select_n3A_189, %while3A_190 : i32
    %while3A_193 = arith.addi %while3A_190, %while3A_192 : i32
    %while3A_194 = arith.constant 1 : i32
    %while3A_195 = arith.divsi %while3A_192, %while3A_194 : i32
    %while3A_196 = arith.muli %while3A_195, %while3A_194 : i32
    %while3A_197 = arith.addi %while3A_190, %while3A_196 : i32
    %while3A_198 = arith.constant 1 : i32
    %while3A_199 = scf.for %while3A_202 = %while3A_190 to %while3A_197 step %while3A_198 iter_args(%while3A_203 = %while3A_191) -> (i32)  : i32 {
      %mul3A_204 = arith.constant 8 : i32
      %mul3A_205 = arith.muli %mul3A_204, %while3A_202 : i32
      %add3A_206 = arith.constant 0 : i32
      %add3A_207 = arith.addi %mul3A_205, %add3A_206 : i32
      %lt3A = arith.cmpi slt, %add3A_207, %select_n3A_75 : i32
      %convert_element_type3A = arith.extui %lt3A : i1 to i32
      %cond3A = arith.constant 0 : i32
      %cond3A_208 = arith.cmpi ne, %convert_element_type3A, %cond3A : i32
      scf.if %cond3A_208 {
        %mul3A_394 = arith.constant 128 : i32
        %mul3A_395 = arith.muli %add3A_207, %mul3A_394 : i32
        %dma_start3A = tpu.memref_slice %arg8[%mul3A_395] : memref<8192xi32, #tpu.memory_space<vmem>> -> memref<128xi32, #tpu.memory_space<vmem>>
        %dma_start3A_396 = arith.constant 0 : i32
        %dma_start3A_397 = arith.constant 0 : i32
        %dma_start3A_398 = tpu.memref_slice %arg4[%dma_start3A_396, %dma_start3A_397] : memref<131072x64xf32, #tpu.memory_space<hbm>> -> memref<131072x64xf32, #tpu.memory_space<hbm>>
        tpu.enqueue_indirect_dma source(%dma_start3A_398 : memref<131072x64xf32, #tpu.memory_space<hbm>>) target(%arg10 : memref<128x64xf32, #tpu.memory_space<vmem>>) offsets(%dma_start3A : memref<128xi32, #tpu.memory_space<vmem>>) semaphore(%arg18 : memref<!tpu.dma_semaphore, #tpu.memory_space<semaphore_mem>>)
      } else {
      }
      %mul3A_209 = arith.constant 8 : i32
      %mul3A_210 = arith.muli %mul3A_209, %while3A_202 : i32
      %add3A_211 = arith.constant 1 : i32
      %add3A_212 = arith.addi %mul3A_210, %add3A_211 : i32
      %lt3A_213 = arith.cmpi slt, %add3A_212, %select_n3A_75 : i32
      %convert_element_type3A_214 = arith.extui %lt3A_213 : i1 to i32
      %cond3A_215 = arith.constant 0 : i32
      %cond3A_216 = arith.cmpi ne, %convert_element_type3A_214, %cond3A_215 : i32
      scf.if %cond3A_216 {
        %mul3A_394 = arith.constant 128 : i32
        %mul3A_395 = arith.muli %add3A_212, %mul3A_394 : i32
        %dma_start3A = tpu.memref_slice %arg8[%mul3A_395] : memref<8192xi32, #tpu.memory_space<vmem>> -> memref<128xi32, #tpu.memory_space<vmem>>
        %dma_start3A_396 = arith.constant 0 : i32
        %dma_start3A_397 = arith.constant 0 : i32
        %dma_start3A_398 = tpu.memref_slice %arg4[%dma_start3A_396, %dma_start3A_397] : memref<131072x64xf32, #tpu.memory_space<hbm>> -> memref<131072x64xf32, #tpu.memory_space<hbm>>
        tpu.enqueue_indirect_dma source(%dma_start3A_398 : memref<131072x64xf32, #tpu.memory_space<hbm>>) target(%arg11 : memref<128x64xf32, #tpu.memory_space<vmem>>) offsets(%dma_start3A : memref<128xi32, #tpu.memory_space<vmem>>) semaphore(%arg18 : memref<!tpu.dma_semaphore, #tpu.memory_space<semaphore_mem>>)
      } else {
      }
      %mul3A_217 = arith.constant 8 : i32
      %mul3A_218 = arith.muli %mul3A_217, %while3A_202 : i32
      %add3A_219 = arith.constant 2 : i32
      %add3A_220 = arith.addi %mul3A_218, %add3A_219 : i32
      %lt3A_221 = arith.cmpi slt, %add3A_220, %select_n3A_75 : i32
      %convert_element_type3A_222 = arith.extui %lt3A_221 : i1 to i32
      %cond3A_223 = arith.constant 0 : i32
      %cond3A_224 = arith.cmpi ne, %convert_element_type3A_222, %cond3A_223 : i32
      scf.if %cond3A_224 {
        %mul3A_394 = arith.constant 128 : i32
        %mul3A_395 = arith.muli %add3A_220, %mul3A_394 : i32
        %dma_start3A = tpu.memref_slice %arg8[%mul3A_395] : memref<8192xi32, #tpu.memory_space<vmem>> -> memref<128xi32, #tpu.memory_space<vmem>>
        %dma_start3A_396 = arith.constant 0 : i32
        %dma_start3A_397 = arith.constant 0 : i32
        %dma_start3A_398 = tpu.memref_slice %arg4[%dma_start3A_396, %dma_start3A_397] : memref<131072x64xf32, #tpu.memory_space<hbm>> -> memref<131072x64xf32, #tpu.memory_space<hbm>>
        tpu.enqueue_indirect_dma source(%dma_start3A_398 : memref<131072x64xf32, #tpu.memory_space<hbm>>) target(%arg12 : memref<128x64xf32, #tpu.memory_space<vmem>>) offsets(%dma_start3A : memref<128xi32, #tpu.memory_space<vmem>>) semaphore(%arg18 : memref<!tpu.dma_semaphore, #tpu.memory_space<semaphore_mem>>)
      } else {
      }
      %mul3A_225 = arith.constant 8 : i32
      %mul3A_226 = arith.muli %mul3A_225, %while3A_202 : i32
      %add3A_227 = arith.constant 3 : i32
      %add3A_228 = arith.addi %mul3A_226, %add3A_227 : i32
      %lt3A_229 = arith.cmpi slt, %add3A_228, %select_n3A_75 : i32
      %convert_element_type3A_230 = arith.extui %lt3A_229 : i1 to i32
      %cond3A_231 = arith.constant 0 : i32
      %cond3A_232 = arith.cmpi ne, %convert_element_type3A_230, %cond3A_231 : i32
      scf.if %cond3A_232 {
        %mul3A_394 = arith.constant 128 : i32
        %mul3A_395 = arith.muli %add3A_228, %mul3A_394 : i32
        %dma_start3A = tpu.memref_slice %arg8[%mul3A_395] : memref<8192xi32, #tpu.memory_space<vmem>> -> memref<128xi32, #tpu.memory_space<vmem>>
        %dma_start3A_396 = arith.constant 0 : i32
        %dma_start3A_397 = arith.constant 0 : i32
        %dma_start3A_398 = tpu.memref_slice %arg4[%dma_start3A_396, %dma_start3A_397] : memref<131072x64xf32, #tpu.memory_space<hbm>> -> memref<131072x64xf32, #tpu.memory_space<hbm>>
        tpu.enqueue_indirect_dma source(%dma_start3A_398 : memref<131072x64xf32, #tpu.memory_space<hbm>>) target(%arg13 : memref<128x64xf32, #tpu.memory_space<vmem>>) offsets(%dma_start3A : memref<128xi32, #tpu.memory_space<vmem>>) semaphore(%arg18 : memref<!tpu.dma_semaphore, #tpu.memory_space<semaphore_mem>>)
      } else {
      }
      %mul3A_233 = arith.constant 8 : i32
      %mul3A_234 = arith.muli %mul3A_233, %while3A_202 : i32
      %add3A_235 = arith.constant 4 : i32
      %add3A_236 = arith.addi %mul3A_234, %add3A_235 : i32
      %lt3A_237 = arith.cmpi slt, %add3A_236, %select_n3A_75 : i32
      %convert_element_type3A_238 = arith.extui %lt3A_237 : i1 to i32
      %cond3A_239 = arith.constant 0 : i32
      %cond3A_240 = arith.cmpi ne, %convert_element_type3A_238, %cond3A_239 : i32
      scf.if %cond3A_240 {
        %mul3A_394 = arith.constant 128 : i32
        %mul3A_395 = arith.muli %add3A_236, %mul3A_394 : i32
        %dma_start3A = tpu.memref_slice %arg8[%mul3A_395] : memref<8192xi32, #tpu.memory_space<vmem>> -> memref<128xi32, #tpu.memory_space<vmem>>
        %dma_start3A_396 = arith.constant 0 : i32
        %dma_start3A_397 = arith.constant 0 : i32
        %dma_start3A_398 = tpu.memref_slice %arg4[%dma_start3A_396, %dma_start3A_397] : memref<131072x64xf32, #tpu.memory_space<hbm>> -> memref<131072x64xf32, #tpu.memory_space<hbm>>
        tpu.enqueue_indirect_dma source(%dma_start3A_398 : memref<131072x64xf32, #tpu.memory_space<hbm>>) target(%arg14 : memref<128x64xf32, #tpu.memory_space<vmem>>) offsets(%dma_start3A : memref<128xi32, #tpu.memory_space<vmem>>) semaphore(%arg18 : memref<!tpu.dma_semaphore, #tpu.memory_space<semaphore_mem>>)
      } else {
      }
      %mul3A_241 = arith.constant 8 : i32
      %mul3A_242 = arith.muli %mul3A_241, %while3A_202 : i32
      %add3A_243 = arith.constant 5 : i32
      %add3A_244 = arith.addi %mul3A_242, %add3A_243 : i32
      %lt3A_245 = arith.cmpi slt, %add3A_244, %select_n3A_75 : i32
      %convert_element_type3A_246 = arith.extui %lt3A_245 : i1 to i32
      %cond3A_247 = arith.constant 0 : i32
      %cond3A_248 = arith.cmpi ne, %convert_element_type3A_246, %cond3A_247 : i32
      scf.if %cond3A_248 {
        %mul3A_394 = arith.constant 128 : i32
        %mul3A_395 = arith.muli %add3A_244, %mul3A_394 : i32
        %dma_start3A = tpu.memref_slice %arg8[%mul3A_395] : memref<8192xi32, #tpu.memory_space<vmem>> -> memref<128xi32, #tpu.memory_space<vmem>>
        %dma_start3A_396 = arith.constant 0 : i32
        %dma_start3A_397 = arith.constant 0 : i32
        %dma_start3A_398 = tpu.memref_slice %arg4[%dma_start3A_396, %dma_start3A_397] : memref<131072x64xf32, #tpu.memory_space<hbm>> -> memref<131072x64xf32, #tpu.memory_space<hbm>>
        tpu.enqueue_indirect_dma source(%dma_start3A_398 : memref<131072x64xf32, #tpu.memory_space<hbm>>) target(%arg15 : memref<128x64xf32, #tpu.memory_space<vmem>>) offsets(%dma_start3A : memref<128xi32, #tpu.memory_space<vmem>>) semaphore(%arg18 : memref<!tpu.dma_semaphore, #tpu.memory_space<semaphore_mem>>)
      } else {
      }
      %mul3A_249 = arith.constant 8 : i32
      %mul3A_250 = arith.muli %mul3A_249, %while3A_202 : i32
      %add3A_251 = arith.constant 6 : i32
      %add3A_252 = arith.addi %mul3A_250, %add3A_251 : i32
      %lt3A_253 = arith.cmpi slt, %add3A_252, %select_n3A_75 : i32
      %convert_element_type3A_254 = arith.extui %lt3A_253 : i1 to i32
      %cond3A_255 = arith.constant 0 : i32
      %cond3A_256 = arith.cmpi ne, %convert_element_type3A_254, %cond3A_255 : i32
      scf.if %cond3A_256 {
        %mul3A_394 = arith.constant 128 : i32
        %mul3A_395 = arith.muli %add3A_252, %mul3A_394 : i32
        %dma_start3A = tpu.memref_slice %arg8[%mul3A_395] : memref<8192xi32, #tpu.memory_space<vmem>> -> memref<128xi32, #tpu.memory_space<vmem>>
        %dma_start3A_396 = arith.constant 0 : i32
        %dma_start3A_397 = arith.constant 0 : i32
        %dma_start3A_398 = tpu.memref_slice %arg4[%dma_start3A_396, %dma_start3A_397] : memref<131072x64xf32, #tpu.memory_space<hbm>> -> memref<131072x64xf32, #tpu.memory_space<hbm>>
        tpu.enqueue_indirect_dma source(%dma_start3A_398 : memref<131072x64xf32, #tpu.memory_space<hbm>>) target(%arg16 : memref<128x64xf32, #tpu.memory_space<vmem>>) offsets(%dma_start3A : memref<128xi32, #tpu.memory_space<vmem>>) semaphore(%arg18 : memref<!tpu.dma_semaphore, #tpu.memory_space<semaphore_mem>>)
      } else {
      }
      %mul3A_257 = arith.constant 8 : i32
      %mul3A_258 = arith.muli %mul3A_257, %while3A_202 : i32
      %add3A_259 = arith.constant 7 : i32
      %add3A_260 = arith.addi %mul3A_258, %add3A_259 : i32
      %lt3A_261 = arith.cmpi slt, %add3A_260, %select_n3A_75 : i32
      %convert_element_type3A_262 = arith.extui %lt3A_261 : i1 to i32
      %cond3A_263 = arith.constant 0 : i32
      %cond3A_264 = arith.cmpi ne, %convert_element_type3A_262, %cond3A_263 : i32
      scf.if %cond3A_264 {
        %mul3A_394 = arith.constant 128 : i32
        %mul3A_395 = arith.muli %add3A_260, %mul3A_394 : i32
        %dma_start3A = tpu.memref_slice %arg8[%mul3A_395] : memref<8192xi32, #tpu.memory_space<vmem>> -> memref<128xi32, #tpu.memory_space<vmem>>
        %dma_start3A_396 = arith.constant 0 : i32
        %dma_start3A_397 = arith.constant 0 : i32
        %dma_start3A_398 = tpu.memref_slice %arg4[%dma_start3A_396, %dma_start3A_397] : memref<131072x64xf32, #tpu.memory_space<hbm>> -> memref<131072x64xf32, #tpu.memory_space<hbm>>
        tpu.enqueue_indirect_dma source(%dma_start3A_398 : memref<131072x64xf32, #tpu.memory_space<hbm>>) target(%arg17 : memref<128x64xf32, #tpu.memory_space<vmem>>) offsets(%dma_start3A : memref<128xi32, #tpu.memory_space<vmem>>) semaphore(%arg18 : memref<!tpu.dma_semaphore, #tpu.memory_space<semaphore_mem>>)
      } else {
      }
      %mul3A_265 = arith.constant 8 : i32
      %mul3A_266 = arith.muli %mul3A_265, %while3A_202 : i32
      %add3A_267 = arith.constant 0 : i32
      %add3A_268 = arith.addi %mul3A_266, %add3A_267 : i32
      %lt3A_269 = arith.cmpi slt, %add3A_268, %select_n3A_75 : i32
      %convert_element_type3A_270 = arith.extui %lt3A_269 : i1 to i32
      %cond3A_271 = arith.constant 0 : i32
      %cond3A_272 = arith.cmpi ne, %convert_element_type3A_270, %cond3A_271 : i32
      scf.if %cond3A_272 {
        %mul3A_394 = arith.constant 128 : i32
        %mul3A_395 = arith.muli %add3A_268, %mul3A_394 : i32
        %dma_wait3A = tpu.memref_slice %arg8[%mul3A_395] : memref<8192xi32, #tpu.memory_space<vmem>> -> memref<128xi32, #tpu.memory_space<vmem>>
        %dma_wait3A_396 = arith.constant 0 : i32
        %dma_wait3A_397 = arith.constant 0 : i32
        %dma_wait3A_398 = tpu.memref_slice %arg4[%dma_wait3A_396, %dma_wait3A_397] : memref<131072x64xf32, #tpu.memory_space<hbm>> -> memref<131072x64xf32, #tpu.memory_space<hbm>>
        tpu.wait_indirect_dma semaphore(%arg18 : memref<!tpu.dma_semaphore, #tpu.memory_space<semaphore_mem>>) src(%dma_wait3A_398 : memref<131072x64xf32, #tpu.memory_space<hbm>>) dst(%arg10 : memref<128x64xf32, #tpu.memory_space<vmem>>)
        %mul3A_399 = arith.constant 128 : i32
        %mul3A_400 = arith.muli %add3A_268, %mul3A_399 : i32
        %dma_start3A = tpu.memref_slice %arg9[%mul3A_400] : memref<8192xi32, #tpu.memory_space<vmem>> -> memref<128xi32, #tpu.memory_space<vmem>>
        %dma_start3A_401 = arith.constant 0 : i32
        %dma_start3A_402 = arith.constant 0 : i32
        %dma_start3A_403 = tpu.memref_slice %arg5[%dma_start3A_401, %dma_start3A_402] : memref<1000000x64xf32, #tpu.memory_space<hbm>> -> memref<1000000x64xf32, #tpu.memory_space<hbm>>
        tpu.enqueue_indirect_dma source(%arg10 : memref<128x64xf32, #tpu.memory_space<vmem>>) target(%dma_start3A_403 : memref<1000000x64xf32, #tpu.memory_space<hbm>>) offsets(%dma_start3A : memref<128xi32, #tpu.memory_space<vmem>>) semaphore(%arg19 : memref<!tpu.dma_semaphore, #tpu.memory_space<semaphore_mem>>)
      } else {
      }
      %mul3A_273 = arith.constant 8 : i32
      %mul3A_274 = arith.muli %mul3A_273, %while3A_202 : i32
      %add3A_275 = arith.constant 1 : i32
      %add3A_276 = arith.addi %mul3A_274, %add3A_275 : i32
      %lt3A_277 = arith.cmpi slt, %add3A_276, %select_n3A_75 : i32
      %convert_element_type3A_278 = arith.extui %lt3A_277 : i1 to i32
      %cond3A_279 = arith.constant 0 : i32
      %cond3A_280 = arith.cmpi ne, %convert_element_type3A_278, %cond3A_279 : i32
      scf.if %cond3A_280 {
        %mul3A_394 = arith.constant 128 : i32
        %mul3A_395 = arith.muli %add3A_276, %mul3A_394 : i32
        %dma_wait3A = tpu.memref_slice %arg8[%mul3A_395] : memref<8192xi32, #tpu.memory_space<vmem>> -> memref<128xi32, #tpu.memory_space<vmem>>
        %dma_wait3A_396 = arith.constant 0 : i32
        %dma_wait3A_397 = arith.constant 0 : i32
        %dma_wait3A_398 = tpu.memref_slice %arg4[%dma_wait3A_396, %dma_wait3A_397] : memref<131072x64xf32, #tpu.memory_space<hbm>> -> memref<131072x64xf32, #tpu.memory_space<hbm>>
        tpu.wait_indirect_dma semaphore(%arg18 : memref<!tpu.dma_semaphore, #tpu.memory_space<semaphore_mem>>) src(%dma_wait3A_398 : memref<131072x64xf32, #tpu.memory_space<hbm>>) dst(%arg11 : memref<128x64xf32, #tpu.memory_space<vmem>>)
        %mul3A_399 = arith.constant 128 : i32
        %mul3A_400 = arith.muli %add3A_276, %mul3A_399 : i32
        %dma_start3A = tpu.memref_slice %arg9[%mul3A_400] : memref<8192xi32, #tpu.memory_space<vmem>> -> memref<128xi32, #tpu.memory_space<vmem>>
        %dma_start3A_401 = arith.constant 0 : i32
        %dma_start3A_402 = arith.constant 0 : i32
        %dma_start3A_403 = tpu.memref_slice %arg5[%dma_start3A_401, %dma_start3A_402] : memref<1000000x64xf32, #tpu.memory_space<hbm>> -> memref<1000000x64xf32, #tpu.memory_space<hbm>>
        tpu.enqueue_indirect_dma source(%arg11 : memref<128x64xf32, #tpu.memory_space<vmem>>) target(%dma_start3A_403 : memref<1000000x64xf32, #tpu.memory_space<hbm>>) offsets(%dma_start3A : memref<128xi32, #tpu.memory_space<vmem>>) semaphore(%arg19 : memref<!tpu.dma_semaphore, #tpu.memory_space<semaphore_mem>>)
      } else {
      }
      %mul3A_281 = arith.constant 8 : i32
      %mul3A_282 = arith.muli %mul3A_281, %while3A_202 : i32
      %add3A_283 = arith.constant 2 : i32
      %add3A_284 = arith.addi %mul3A_282, %add3A_283 : i32
      %lt3A_285 = arith.cmpi slt, %add3A_284, %select_n3A_75 : i32
      %convert_element_type3A_286 = arith.extui %lt3A_285 : i1 to i32
      %cond3A_287 = arith.constant 0 : i32
      %cond3A_288 = arith.cmpi ne, %convert_element_type3A_286, %cond3A_287 : i32
      scf.if %cond3A_288 {
        %mul3A_394 = arith.constant 128 : i32
        %mul3A_395 = arith.muli %add3A_284, %mul3A_394 : i32
        %dma_wait3A = tpu.memref_slice %arg8[%mul3A_395] : memref<8192xi32, #tpu.memory_space<vmem>> -> memref<128xi32, #tpu.memory_space<vmem>>
        %dma_wait3A_396 = arith.constant 0 : i32
        %dma_wait3A_397 = arith.constant 0 : i32
        %dma_wait3A_398 = tpu.memref_slice %arg4[%dma_wait3A_396, %dma_wait3A_397] : memref<131072x64xf32, #tpu.memory_space<hbm>> -> memref<131072x64xf32, #tpu.memory_space<hbm>>
        tpu.wait_indirect_dma semaphore(%arg18 : memref<!tpu.dma_semaphore, #tpu.memory_space<semaphore_mem>>) src(%dma_wait3A_398 : memref<131072x64xf32, #tpu.memory_space<hbm>>) dst(%arg12 : memref<128x64xf32, #tpu.memory_space<vmem>>)
        %mul3A_399 = arith.constant 128 : i32
        %mul3A_400 = arith.muli %add3A_284, %mul3A_399 : i32
        %dma_start3A = tpu.memref_slice %arg9[%mul3A_400] : memref<8192xi32, #tpu.memory_space<vmem>> -> memref<128xi32, #tpu.memory_space<vmem>>
        %dma_start3A_401 = arith.constant 0 : i32
        %dma_start3A_402 = arith.constant 0 : i32
        %dma_start3A_403 = tpu.memref_slice %arg5[%dma_start3A_401, %dma_start3A_402] : memref<1000000x64xf32, #tpu.memory_space<hbm>> -> memref<1000000x64xf32, #tpu.memory_space<hbm>>
        tpu.enqueue_indirect_dma source(%arg12 : memref<128x64xf32, #tpu.memory_space<vmem>>) target(%dma_start3A_403 : memref<1000000x64xf32, #tpu.memory_space<hbm>>) offsets(%dma_start3A : memref<128xi32, #tpu.memory_space<vmem>>) semaphore(%arg19 : memref<!tpu.dma_semaphore, #tpu.memory_space<semaphore_mem>>)
      } else {
      }
      %mul3A_289 = arith.constant 8 : i32
      %mul3A_290 = arith.muli %mul3A_289, %while3A_202 : i32
      %add3A_291 = arith.constant 3 : i32
      %add3A_292 = arith.addi %mul3A_290, %add3A_291 : i32
      %lt3A_293 = arith.cmpi slt, %add3A_292, %select_n3A_75 : i32
      %convert_element_type3A_294 = arith.extui %lt3A_293 : i1 to i32
      %cond3A_295 = arith.constant 0 : i32
      %cond3A_296 = arith.cmpi ne, %convert_element_type3A_294, %cond3A_295 : i32
      scf.if %cond3A_296 {
        %mul3A_394 = arith.constant 128 : i32
        %mul3A_395 = arith.muli %add3A_292, %mul3A_394 : i32
        %dma_wait3A = tpu.memref_slice %arg8[%mul3A_395] : memref<8192xi32, #tpu.memory_space<vmem>> -> memref<128xi32, #tpu.memory_space<vmem>>
        %dma_wait3A_396 = arith.constant 0 : i32
        %dma_wait3A_397 = arith.constant 0 : i32
        %dma_wait3A_398 = tpu.memref_slice %arg4[%dma_wait3A_396, %dma_wait3A_397] : memref<131072x64xf32, #tpu.memory_space<hbm>> -> memref<131072x64xf32, #tpu.memory_space<hbm>>
        tpu.wait_indirect_dma semaphore(%arg18 : memref<!tpu.dma_semaphore, #tpu.memory_space<semaphore_mem>>) src(%dma_wait3A_398 : memref<131072x64xf32, #tpu.memory_space<hbm>>) dst(%arg13 : memref<128x64xf32, #tpu.memory_space<vmem>>)
        %mul3A_399 = arith.constant 128 : i32
        %mul3A_400 = arith.muli %add3A_292, %mul3A_399 : i32
        %dma_start3A = tpu.memref_slice %arg9[%mul3A_400] : memref<8192xi32, #tpu.memory_space<vmem>> -> memref<128xi32, #tpu.memory_space<vmem>>
        %dma_start3A_401 = arith.constant 0 : i32
        %dma_start3A_402 = arith.constant 0 : i32
        %dma_start3A_403 = tpu.memref_slice %arg5[%dma_start3A_401, %dma_start3A_402] : memref<1000000x64xf32, #tpu.memory_space<hbm>> -> memref<1000000x64xf32, #tpu.memory_space<hbm>>
        tpu.enqueue_indirect_dma source(%arg13 : memref<128x64xf32, #tpu.memory_space<vmem>>) target(%dma_start3A_403 : memref<1000000x64xf32, #tpu.memory_space<hbm>>) offsets(%dma_start3A : memref<128xi32, #tpu.memory_space<vmem>>) semaphore(%arg19 : memref<!tpu.dma_semaphore, #tpu.memory_space<semaphore_mem>>)
      } else {
      }
      %mul3A_297 = arith.constant 8 : i32
      %mul3A_298 = arith.muli %mul3A_297, %while3A_202 : i32
      %add3A_299 = arith.constant 4 : i32
      %add3A_300 = arith.addi %mul3A_298, %add3A_299 : i32
      %lt3A_301 = arith.cmpi slt, %add3A_300, %select_n3A_75 : i32
      %convert_element_type3A_302 = arith.extui %lt3A_301 : i1 to i32
      %cond3A_303 = arith.constant 0 : i32
      %cond3A_304 = arith.cmpi ne, %convert_element_type3A_302, %cond3A_303 : i32
      scf.if %cond3A_304 {
        %mul3A_394 = arith.constant 128 : i32
        %mul3A_395 = arith.muli %add3A_300, %mul3A_394 : i32
        %dma_wait3A = tpu.memref_slice %arg8[%mul3A_395] : memref<8192xi32, #tpu.memory_space<vmem>> -> memref<128xi32, #tpu.memory_space<vmem>>
        %dma_wait3A_396 = arith.constant 0 : i32
        %dma_wait3A_397 = arith.constant 0 : i32
        %dma_wait3A_398 = tpu.memref_slice %arg4[%dma_wait3A_396, %dma_wait3A_397] : memref<131072x64xf32, #tpu.memory_space<hbm>> -> memref<131072x64xf32, #tpu.memory_space<hbm>>
        tpu.wait_indirect_dma semaphore(%arg18 : memref<!tpu.dma_semaphore, #tpu.memory_space<semaphore_mem>>) src(%dma_wait3A_398 : memref<131072x64xf32, #tpu.memory_space<hbm>>) dst(%arg14 : memref<128x64xf32, #tpu.memory_space<vmem>>)
        %mul3A_399 = arith.constant 128 : i32
        %mul3A_400 = arith.muli %add3A_300, %mul3A_399 : i32
        %dma_start3A = tpu.memref_slice %arg9[%mul3A_400] : memref<8192xi32, #tpu.memory_space<vmem>> -> memref<128xi32, #tpu.memory_space<vmem>>
        %dma_start3A_401 = arith.constant 0 : i32
        %dma_start3A_402 = arith.constant 0 : i32
        %dma_start3A_403 = tpu.memref_slice %arg5[%dma_start3A_401, %dma_start3A_402] : memref<1000000x64xf32, #tpu.memory_space<hbm>> -> memref<1000000x64xf32, #tpu.memory_space<hbm>>
        tpu.enqueue_indirect_dma source(%arg14 : memref<128x64xf32, #tpu.memory_space<vmem>>) target(%dma_start3A_403 : memref<1000000x64xf32, #tpu.memory_space<hbm>>) offsets(%dma_start3A : memref<128xi32, #tpu.memory_space<vmem>>) semaphore(%arg19 : memref<!tpu.dma_semaphore, #tpu.memory_space<semaphore_mem>>)
      } else {
      }
      %mul3A_305 = arith.constant 8 : i32
      %mul3A_306 = arith.muli %mul3A_305, %while3A_202 : i32
      %add3A_307 = arith.constant 5 : i32
      %add3A_308 = arith.addi %mul3A_306, %add3A_307 : i32
      %lt3A_309 = arith.cmpi slt, %add3A_308, %select_n3A_75 : i32
      %convert_element_type3A_310 = arith.extui %lt3A_309 : i1 to i32
      %cond3A_311 = arith.constant 0 : i32
      %cond3A_312 = arith.cmpi ne, %convert_element_type3A_310, %cond3A_311 : i32
      scf.if %cond3A_312 {
        %mul3A_394 = arith.constant 128 : i32
        %mul3A_395 = arith.muli %add3A_308, %mul3A_394 : i32
        %dma_wait3A = tpu.memref_slice %arg8[%mul3A_395] : memref<8192xi32, #tpu.memory_space<vmem>> -> memref<128xi32, #tpu.memory_space<vmem>>
        %dma_wait3A_396 = arith.constant 0 : i32
        %dma_wait3A_397 = arith.constant 0 : i32
        %dma_wait3A_398 = tpu.memref_slice %arg4[%dma_wait3A_396, %dma_wait3A_397] : memref<131072x64xf32, #tpu.memory_space<hbm>> -> memref<131072x64xf32, #tpu.memory_space<hbm>>
        tpu.wait_indirect_dma semaphore(%arg18 : memref<!tpu.dma_semaphore, #tpu.memory_space<semaphore_mem>>) src(%dma_wait3A_398 : memref<131072x64xf32, #tpu.memory_space<hbm>>) dst(%arg15 : memref<128x64xf32, #tpu.memory_space<vmem>>)
        %mul3A_399 = arith.constant 128 : i32
        %mul3A_400 = arith.muli %add3A_308, %mul3A_399 : i32
        %dma_start3A = tpu.memref_slice %arg9[%mul3A_400] : memref<8192xi32, #tpu.memory_space<vmem>> -> memref<128xi32, #tpu.memory_space<vmem>>
        %dma_start3A_401 = arith.constant 0 : i32
        %dma_start3A_402 = arith.constant 0 : i32
        %dma_start3A_403 = tpu.memref_slice %arg5[%dma_start3A_401, %dma_start3A_402] : memref<1000000x64xf32, #tpu.memory_space<hbm>> -> memref<1000000x64xf32, #tpu.memory_space<hbm>>
        tpu.enqueue_indirect_dma source(%arg15 : memref<128x64xf32, #tpu.memory_space<vmem>>) target(%dma_start3A_403 : memref<1000000x64xf32, #tpu.memory_space<hbm>>) offsets(%dma_start3A : memref<128xi32, #tpu.memory_space<vmem>>) semaphore(%arg19 : memref<!tpu.dma_semaphore, #tpu.memory_space<semaphore_mem>>)
      } else {
      }
      %mul3A_313 = arith.constant 8 : i32
      %mul3A_314 = arith.muli %mul3A_313, %while3A_202 : i32
      %add3A_315 = arith.constant 6 : i32
      %add3A_316 = arith.addi %mul3A_314, %add3A_315 : i32
      %lt3A_317 = arith.cmpi slt, %add3A_316, %select_n3A_75 : i32
      %convert_element_type3A_318 = arith.extui %lt3A_317 : i1 to i32
      %cond3A_319 = arith.constant 0 : i32
      %cond3A_320 = arith.cmpi ne, %convert_element_type3A_318, %cond3A_319 : i32
      scf.if %cond3A_320 {
        %mul3A_394 = arith.constant 128 : i32
        %mul3A_395 = arith.muli %add3A_316, %mul3A_394 : i32
        %dma_wait3A = tpu.memref_slice %arg8[%mul3A_395] : memref<8192xi32, #tpu.memory_space<vmem>> -> memref<128xi32, #tpu.memory_space<vmem>>
        %dma_wait3A_396 = arith.constant 0 : i32
        %dma_wait3A_397 = arith.constant 0 : i32
        %dma_wait3A_398 = tpu.memref_slice %arg4[%dma_wait3A_396, %dma_wait3A_397] : memref<131072x64xf32, #tpu.memory_space<hbm>> -> memref<131072x64xf32, #tpu.memory_space<hbm>>
        tpu.wait_indirect_dma semaphore(%arg18 : memref<!tpu.dma_semaphore, #tpu.memory_space<semaphore_mem>>) src(%dma_wait3A_398 : memref<131072x64xf32, #tpu.memory_space<hbm>>) dst(%arg16 : memref<128x64xf32, #tpu.memory_space<vmem>>)
        %mul3A_399 = arith.constant 128 : i32
        %mul3A_400 = arith.muli %add3A_316, %mul3A_399 : i32
        %dma_start3A = tpu.memref_slice %arg9[%mul3A_400] : memref<8192xi32, #tpu.memory_space<vmem>> -> memref<128xi32, #tpu.memory_space<vmem>>
        %dma_start3A_401 = arith.constant 0 : i32
        %dma_start3A_402 = arith.constant 0 : i32
        %dma_start3A_403 = tpu.memref_slice %arg5[%dma_start3A_401, %dma_start3A_402] : memref<1000000x64xf32, #tpu.memory_space<hbm>> -> memref<1000000x64xf32, #tpu.memory_space<hbm>>
        tpu.enqueue_indirect_dma source(%arg16 : memref<128x64xf32, #tpu.memory_space<vmem>>) target(%dma_start3A_403 : memref<1000000x64xf32, #tpu.memory_space<hbm>>) offsets(%dma_start3A : memref<128xi32, #tpu.memory_space<vmem>>) semaphore(%arg19 : memref<!tpu.dma_semaphore, #tpu.memory_space<semaphore_mem>>)
      } else {
      }
      %mul3A_321 = arith.constant 8 : i32
      %mul3A_322 = arith.muli %mul3A_321, %while3A_202 : i32
      %add3A_323 = arith.constant 7 : i32
      %add3A_324 = arith.addi %mul3A_322, %add3A_323 : i32
      %lt3A_325 = arith.cmpi slt, %add3A_324, %select_n3A_75 : i32
      %convert_element_type3A_326 = arith.extui %lt3A_325 : i1 to i32
      %cond3A_327 = arith.constant 0 : i32
      %cond3A_328 = arith.cmpi ne, %convert_element_type3A_326, %cond3A_327 : i32
      scf.if %cond3A_328 {
        %mul3A_394 = arith.constant 128 : i32
        %mul3A_395 = arith.muli %add3A_324, %mul3A_394 : i32
        %dma_wait3A = tpu.memref_slice %arg8[%mul3A_395] : memref<8192xi32, #tpu.memory_space<vmem>> -> memref<128xi32, #tpu.memory_space<vmem>>
        %dma_wait3A_396 = arith.constant 0 : i32
        %dma_wait3A_397 = arith.constant 0 : i32
        %dma_wait3A_398 = tpu.memref_slice %arg4[%dma_wait3A_396, %dma_wait3A_397] : memref<131072x64xf32, #tpu.memory_space<hbm>> -> memref<131072x64xf32, #tpu.memory_space<hbm>>
        tpu.wait_indirect_dma semaphore(%arg18 : memref<!tpu.dma_semaphore, #tpu.memory_space<semaphore_mem>>) src(%dma_wait3A_398 : memref<131072x64xf32, #tpu.memory_space<hbm>>) dst(%arg17 : memref<128x64xf32, #tpu.memory_space<vmem>>)
        %mul3A_399 = arith.constant 128 : i32
        %mul3A_400 = arith.muli %add3A_324, %mul3A_399 : i32
        %dma_start3A = tpu.memref_slice %arg9[%mul3A_400] : memref<8192xi32, #tpu.memory_space<vmem>> -> memref<128xi32, #tpu.memory_space<vmem>>
        %dma_start3A_401 = arith.constant 0 : i32
        %dma_start3A_402 = arith.constant 0 : i32
        %dma_start3A_403 = tpu.memref_slice %arg5[%dma_start3A_401, %dma_start3A_402] : memref<1000000x64xf32, #tpu.memory_space<hbm>> -> memref<1000000x64xf32, #tpu.memory_space<hbm>>
        tpu.enqueue_indirect_dma source(%arg17 : memref<128x64xf32, #tpu.memory_space<vmem>>) target(%dma_start3A_403 : memref<1000000x64xf32, #tpu.memory_space<hbm>>) offsets(%dma_start3A : memref<128xi32, #tpu.memory_space<vmem>>) semaphore(%arg19 : memref<!tpu.dma_semaphore, #tpu.memory_space<semaphore_mem>>)
      } else {
      }
      %mul3A_329 = arith.constant 8 : i32
      %mul3A_330 = arith.muli %mul3A_329, %while3A_202 : i32
      %add3A_331 = arith.constant 0 : i32
      %add3A_332 = arith.addi %mul3A_330, %add3A_331 : i32
      %lt3A_333 = arith.cmpi slt, %add3A_332, %select_n3A_75 : i32
      %convert_element_type3A_334 = arith.extui %lt3A_333 : i1 to i32
      %cond3A_335 = arith.constant 0 : i32
      %cond3A_336 = arith.cmpi ne, %convert_element_type3A_334, %cond3A_335 : i32
      scf.if %cond3A_336 {
        %mul3A_394 = arith.constant 128 : i32
        %mul3A_395 = arith.muli %add3A_332, %mul3A_394 : i32
        %dma_wait3A = tpu.memref_slice %arg9[%mul3A_395] : memref<8192xi32, #tpu.memory_space<vmem>> -> memref<128xi32, #tpu.memory_space<vmem>>
        %dma_wait3A_396 = arith.constant 0 : i32
        %dma_wait3A_397 = arith.constant 0 : i32
        %dma_wait3A_398 = tpu.memref_slice %arg5[%dma_wait3A_396, %dma_wait3A_397] : memref<1000000x64xf32, #tpu.memory_space<hbm>> -> memref<1000000x64xf32, #tpu.memory_space<hbm>>
        tpu.wait_indirect_dma semaphore(%arg19 : memref<!tpu.dma_semaphore, #tpu.memory_space<semaphore_mem>>) src(%arg10 : memref<128x64xf32, #tpu.memory_space<vmem>>) dst(%dma_wait3A_398 : memref<1000000x64xf32, #tpu.memory_space<hbm>>)
      } else {
      }
      %mul3A_337 = arith.constant 8 : i32
      %mul3A_338 = arith.muli %mul3A_337, %while3A_202 : i32
      %add3A_339 = arith.constant 1 : i32
      %add3A_340 = arith.addi %mul3A_338, %add3A_339 : i32
      %lt3A_341 = arith.cmpi slt, %add3A_340, %select_n3A_75 : i32
      %convert_element_type3A_342 = arith.extui %lt3A_341 : i1 to i32
      %cond3A_343 = arith.constant 0 : i32
      %cond3A_344 = arith.cmpi ne, %convert_element_type3A_342, %cond3A_343 : i32
      scf.if %cond3A_344 {
        %mul3A_394 = arith.constant 128 : i32
        %mul3A_395 = arith.muli %add3A_340, %mul3A_394 : i32
        %dma_wait3A = tpu.memref_slice %arg9[%mul3A_395] : memref<8192xi32, #tpu.memory_space<vmem>> -> memref<128xi32, #tpu.memory_space<vmem>>
        %dma_wait3A_396 = arith.constant 0 : i32
        %dma_wait3A_397 = arith.constant 0 : i32
        %dma_wait3A_398 = tpu.memref_slice %arg5[%dma_wait3A_396, %dma_wait3A_397] : memref<1000000x64xf32, #tpu.memory_space<hbm>> -> memref<1000000x64xf32, #tpu.memory_space<hbm>>
        tpu.wait_indirect_dma semaphore(%arg19 : memref<!tpu.dma_semaphore, #tpu.memory_space<semaphore_mem>>) src(%arg11 : memref<128x64xf32, #tpu.memory_space<vmem>>) dst(%dma_wait3A_398 : memref<1000000x64xf32, #tpu.memory_space<hbm>>)
      } else {
      }
      %mul3A_345 = arith.constant 8 : i32
      %mul3A_346 = arith.muli %mul3A_345, %while3A_202 : i32
      %add3A_347 = arith.constant 2 : i32
      %add3A_348 = arith.addi %mul3A_346, %add3A_347 : i32
      %lt3A_349 = arith.cmpi slt, %add3A_348, %select_n3A_75 : i32
      %convert_element_type3A_350 = arith.extui %lt3A_349 : i1 to i32
      %cond3A_351 = arith.constant 0 : i32
      %cond3A_352 = arith.cmpi ne, %convert_element_type3A_350, %cond3A_351 : i32
      scf.if %cond3A_352 {
        %mul3A_394 = arith.constant 128 : i32
        %mul3A_395 = arith.muli %add3A_348, %mul3A_394 : i32
        %dma_wait3A = tpu.memref_slice %arg9[%mul3A_395] : memref<8192xi32, #tpu.memory_space<vmem>> -> memref<128xi32, #tpu.memory_space<vmem>>
        %dma_wait3A_396 = arith.constant 0 : i32
        %dma_wait3A_397 = arith.constant 0 : i32
        %dma_wait3A_398 = tpu.memref_slice %arg5[%dma_wait3A_396, %dma_wait3A_397] : memref<1000000x64xf32, #tpu.memory_space<hbm>> -> memref<1000000x64xf32, #tpu.memory_space<hbm>>
        tpu.wait_indirect_dma semaphore(%arg19 : memref<!tpu.dma_semaphore, #tpu.memory_space<semaphore_mem>>) src(%arg12 : memref<128x64xf32, #tpu.memory_space<vmem>>) dst(%dma_wait3A_398 : memref<1000000x64xf32, #tpu.memory_space<hbm>>)
      } else {
      }
      %mul3A_353 = arith.constant 8 : i32
      %mul3A_354 = arith.muli %mul3A_353, %while3A_202 : i32
      %add3A_355 = arith.constant 3 : i32
      %add3A_356 = arith.addi %mul3A_354, %add3A_355 : i32
      %lt3A_357 = arith.cmpi slt, %add3A_356, %select_n3A_75 : i32
      %convert_element_type3A_358 = arith.extui %lt3A_357 : i1 to i32
      %cond3A_359 = arith.constant 0 : i32
      %cond3A_360 = arith.cmpi ne, %convert_element_type3A_358, %cond3A_359 : i32
      scf.if %cond3A_360 {
        %mul3A_394 = arith.constant 128 : i32
        %mul3A_395 = arith.muli %add3A_356, %mul3A_394 : i32
        %dma_wait3A = tpu.memref_slice %arg9[%mul3A_395] : memref<8192xi32, #tpu.memory_space<vmem>> -> memref<128xi32, #tpu.memory_space<vmem>>
        %dma_wait3A_396 = arith.constant 0 : i32
        %dma_wait3A_397 = arith.constant 0 : i32
        %dma_wait3A_398 = tpu.memref_slice %arg5[%dma_wait3A_396, %dma_wait3A_397] : memref<1000000x64xf32, #tpu.memory_space<hbm>> -> memref<1000000x64xf32, #tpu.memory_space<hbm>>
        tpu.wait_indirect_dma semaphore(%arg19 : memref<!tpu.dma_semaphore, #tpu.memory_space<semaphore_mem>>) src(%arg13 : memref<128x64xf32, #tpu.memory_space<vmem>>) dst(%dma_wait3A_398 : memref<1000000x64xf32, #tpu.memory_space<hbm>>)
      } else {
      }
      %mul3A_361 = arith.constant 8 : i32
      %mul3A_362 = arith.muli %mul3A_361, %while3A_202 : i32
      %add3A_363 = arith.constant 4 : i32
      %add3A_364 = arith.addi %mul3A_362, %add3A_363 : i32
      %lt3A_365 = arith.cmpi slt, %add3A_364, %select_n3A_75 : i32
      %convert_element_type3A_366 = arith.extui %lt3A_365 : i1 to i32
      %cond3A_367 = arith.constant 0 : i32
      %cond3A_368 = arith.cmpi ne, %convert_element_type3A_366, %cond3A_367 : i32
      scf.if %cond3A_368 {
        %mul3A_394 = arith.constant 128 : i32
        %mul3A_395 = arith.muli %add3A_364, %mul3A_394 : i32
        %dma_wait3A = tpu.memref_slice %arg9[%mul3A_395] : memref<8192xi32, #tpu.memory_space<vmem>> -> memref<128xi32, #tpu.memory_space<vmem>>
        %dma_wait3A_396 = arith.constant 0 : i32
        %dma_wait3A_397 = arith.constant 0 : i32
        %dma_wait3A_398 = tpu.memref_slice %arg5[%dma_wait3A_396, %dma_wait3A_397] : memref<1000000x64xf32, #tpu.memory_space<hbm>> -> memref<1000000x64xf32, #tpu.memory_space<hbm>>
        tpu.wait_indirect_dma semaphore(%arg19 : memref<!tpu.dma_semaphore, #tpu.memory_space<semaphore_mem>>) src(%arg14 : memref<128x64xf32, #tpu.memory_space<vmem>>) dst(%dma_wait3A_398 : memref<1000000x64xf32, #tpu.memory_space<hbm>>)
      } else {
      }
      %mul3A_369 = arith.constant 8 : i32
      %mul3A_370 = arith.muli %mul3A_369, %while3A_202 : i32
      %add3A_371 = arith.constant 5 : i32
      %add3A_372 = arith.addi %mul3A_370, %add3A_371 : i32
      %lt3A_373 = arith.cmpi slt, %add3A_372, %select_n3A_75 : i32
      %convert_element_type3A_374 = arith.extui %lt3A_373 : i1 to i32
      %cond3A_375 = arith.constant 0 : i32
      %cond3A_376 = arith.cmpi ne, %convert_element_type3A_374, %cond3A_375 : i32
      scf.if %cond3A_376 {
        %mul3A_394 = arith.constant 128 : i32
        %mul3A_395 = arith.muli %add3A_372, %mul3A_394 : i32
        %dma_wait3A = tpu.memref_slice %arg9[%mul3A_395] : memref<8192xi32, #tpu.memory_space<vmem>> -> memref<128xi32, #tpu.memory_space<vmem>>
        %dma_wait3A_396 = arith.constant 0 : i32
        %dma_wait3A_397 = arith.constant 0 : i32
        %dma_wait3A_398 = tpu.memref_slice %arg5[%dma_wait3A_396, %dma_wait3A_397] : memref<1000000x64xf32, #tpu.memory_space<hbm>> -> memref<1000000x64xf32, #tpu.memory_space<hbm>>
        tpu.wait_indirect_dma semaphore(%arg19 : memref<!tpu.dma_semaphore, #tpu.memory_space<semaphore_mem>>) src(%arg15 : memref<128x64xf32, #tpu.memory_space<vmem>>) dst(%dma_wait3A_398 : memref<1000000x64xf32, #tpu.memory_space<hbm>>)
      } else {
      }
      %mul3A_377 = arith.constant 8 : i32
      %mul3A_378 = arith.muli %mul3A_377, %while3A_202 : i32
      %add3A_379 = arith.constant 6 : i32
      %add3A_380 = arith.addi %mul3A_378, %add3A_379 : i32
      %lt3A_381 = arith.cmpi slt, %add3A_380, %select_n3A_75 : i32
      %convert_element_type3A_382 = arith.extui %lt3A_381 : i1 to i32
      %cond3A_383 = arith.constant 0 : i32
      %cond3A_384 = arith.cmpi ne, %convert_element_type3A_382, %cond3A_383 : i32
      scf.if %cond3A_384 {
        %mul3A_394 = arith.constant 128 : i32
        %mul3A_395 = arith.muli %add3A_380, %mul3A_394 : i32
        %dma_wait3A = tpu.memref_slice %arg9[%mul3A_395] : memref<8192xi32, #tpu.memory_space<vmem>> -> memref<128xi32, #tpu.memory_space<vmem>>
        %dma_wait3A_396 = arith.constant 0 : i32
        %dma_wait3A_397 = arith.constant 0 : i32
        %dma_wait3A_398 = tpu.memref_slice %arg5[%dma_wait3A_396, %dma_wait3A_397] : memref<1000000x64xf32, #tpu.memory_space<hbm>> -> memref<1000000x64xf32, #tpu.memory_space<hbm>>
        tpu.wait_indirect_dma semaphore(%arg19 : memref<!tpu.dma_semaphore, #tpu.memory_space<semaphore_mem>>) src(%arg16 : memref<128x64xf32, #tpu.memory_space<vmem>>) dst(%dma_wait3A_398 : memref<1000000x64xf32, #tpu.memory_space<hbm>>)
      } else {
      }
      %mul3A_385 = arith.constant 8 : i32
      %mul3A_386 = arith.muli %mul3A_385, %while3A_202 : i32
      %add3A_387 = arith.constant 7 : i32
      %add3A_388 = arith.addi %mul3A_386, %add3A_387 : i32
      %lt3A_389 = arith.cmpi slt, %add3A_388, %select_n3A_75 : i32
      %convert_element_type3A_390 = arith.extui %lt3A_389 : i1 to i32
      %cond3A_391 = arith.constant 0 : i32
      %cond3A_392 = arith.cmpi ne, %convert_element_type3A_390, %cond3A_391 : i32
      scf.if %cond3A_392 {
        %mul3A_394 = arith.constant 128 : i32
        %mul3A_395 = arith.muli %add3A_388, %mul3A_394 : i32
        %dma_wait3A = tpu.memref_slice %arg9[%mul3A_395] : memref<8192xi32, #tpu.memory_space<vmem>> -> memref<128xi32, #tpu.memory_space<vmem>>
        %dma_wait3A_396 = arith.constant 0 : i32
        %dma_wait3A_397 = arith.constant 0 : i32
        %dma_wait3A_398 = tpu.memref_slice %arg5[%dma_wait3A_396, %dma_wait3A_397] : memref<1000000x64xf32, #tpu.memory_space<hbm>> -> memref<1000000x64xf32, #tpu.memory_space<hbm>>
        tpu.wait_indirect_dma semaphore(%arg19 : memref<!tpu.dma_semaphore, #tpu.memory_space<semaphore_mem>>) src(%arg17 : memref<128x64xf32, #tpu.memory_space<vmem>>) dst(%dma_wait3A_398 : memref<1000000x64xf32, #tpu.memory_space<hbm>>)
      } else {
      }
      %while3A_393 = arith.constant 0 : i32
      scf.yield %while3A_393 : i32
    }
    %while3A_200 = arith.constant 1 : i32
    %while3A_201 = scf.for %while3A_202 = %while3A_197 to %while3A_193 step %while3A_200 iter_args(%while3A_203 = %while3A_199) -> (i32)  : i32 {
      %mul3A_204 = arith.constant 8 : i32
      %mul3A_205 = arith.muli %mul3A_204, %while3A_202 : i32
      %add3A_206 = arith.constant 0 : i32
      %add3A_207 = arith.addi %mul3A_205, %add3A_206 : i32
      %lt3A = arith.cmpi slt, %add3A_207, %select_n3A_75 : i32
      %convert_element_type3A = arith.extui %lt3A : i1 to i32
      %cond3A = arith.constant 0 : i32
      %cond3A_208 = arith.cmpi ne, %convert_element_type3A, %cond3A : i32
      scf.if %cond3A_208 {
        %mul3A_394 = arith.constant 128 : i32
        %mul3A_395 = arith.muli %add3A_207, %mul3A_394 : i32
        %dma_start3A = tpu.memref_slice %arg8[%mul3A_395] : memref<8192xi32, #tpu.memory_space<vmem>> -> memref<128xi32, #tpu.memory_space<vmem>>
        %dma_start3A_396 = arith.constant 0 : i32
        %dma_start3A_397 = arith.constant 0 : i32
        %dma_start3A_398 = tpu.memref_slice %arg4[%dma_start3A_396, %dma_start3A_397] : memref<131072x64xf32, #tpu.memory_space<hbm>> -> memref<131072x64xf32, #tpu.memory_space<hbm>>
        tpu.enqueue_indirect_dma source(%dma_start3A_398 : memref<131072x64xf32, #tpu.memory_space<hbm>>) target(%arg10 : memref<128x64xf32, #tpu.memory_space<vmem>>) offsets(%dma_start3A : memref<128xi32, #tpu.memory_space<vmem>>) semaphore(%arg18 : memref<!tpu.dma_semaphore, #tpu.memory_space<semaphore_mem>>)
      } else {
      }
      %mul3A_209 = arith.constant 8 : i32
      %mul3A_210 = arith.muli %mul3A_209, %while3A_202 : i32
      %add3A_211 = arith.constant 1 : i32
      %add3A_212 = arith.addi %mul3A_210, %add3A_211 : i32
      %lt3A_213 = arith.cmpi slt, %add3A_212, %select_n3A_75 : i32
      %convert_element_type3A_214 = arith.extui %lt3A_213 : i1 to i32
      %cond3A_215 = arith.constant 0 : i32
      %cond3A_216 = arith.cmpi ne, %convert_element_type3A_214, %cond3A_215 : i32
      scf.if %cond3A_216 {
        %mul3A_394 = arith.constant 128 : i32
        %mul3A_395 = arith.muli %add3A_212, %mul3A_394 : i32
        %dma_start3A = tpu.memref_slice %arg8[%mul3A_395] : memref<8192xi32, #tpu.memory_space<vmem>> -> memref<128xi32, #tpu.memory_space<vmem>>
        %dma_start3A_396 = arith.constant 0 : i32
        %dma_start3A_397 = arith.constant 0 : i32
        %dma_start3A_398 = tpu.memref_slice %arg4[%dma_start3A_396, %dma_start3A_397] : memref<131072x64xf32, #tpu.memory_space<hbm>> -> memref<131072x64xf32, #tpu.memory_space<hbm>>
        tpu.enqueue_indirect_dma source(%dma_start3A_398 : memref<131072x64xf32, #tpu.memory_space<hbm>>) target(%arg11 : memref<128x64xf32, #tpu.memory_space<vmem>>) offsets(%dma_start3A : memref<128xi32, #tpu.memory_space<vmem>>) semaphore(%arg18 : memref<!tpu.dma_semaphore, #tpu.memory_space<semaphore_mem>>)
      } else {
      }
      %mul3A_217 = arith.constant 8 : i32
      %mul3A_218 = arith.muli %mul3A_217, %while3A_202 : i32
      %add3A_219 = arith.constant 2 : i32
      %add3A_220 = arith.addi %mul3A_218, %add3A_219 : i32
      %lt3A_221 = arith.cmpi slt, %add3A_220, %select_n3A_75 : i32
      %convert_element_type3A_222 = arith.extui %lt3A_221 : i1 to i32
      %cond3A_223 = arith.constant 0 : i32
      %cond3A_224 = arith.cmpi ne, %convert_element_type3A_222, %cond3A_223 : i32
      scf.if %cond3A_224 {
        %mul3A_394 = arith.constant 128 : i32
        %mul3A_395 = arith.muli %add3A_220, %mul3A_394 : i32
        %dma_start3A = tpu.memref_slice %arg8[%mul3A_395] : memref<8192xi32, #tpu.memory_space<vmem>> -> memref<128xi32, #tpu.memory_space<vmem>>
        %dma_start3A_396 = arith.constant 0 : i32
        %dma_start3A_397 = arith.constant 0 : i32
        %dma_start3A_398 = tpu.memref_slice %arg4[%dma_start3A_396, %dma_start3A_397] : memref<131072x64xf32, #tpu.memory_space<hbm>> -> memref<131072x64xf32, #tpu.memory_space<hbm>>
        tpu.enqueue_indirect_dma source(%dma_start3A_398 : memref<131072x64xf32, #tpu.memory_space<hbm>>) target(%arg12 : memref<128x64xf32, #tpu.memory_space<vmem>>) offsets(%dma_start3A : memref<128xi32, #tpu.memory_space<vmem>>) semaphore(%arg18 : memref<!tpu.dma_semaphore, #tpu.memory_space<semaphore_mem>>)
      } else {
      }
      %mul3A_225 = arith.constant 8 : i32
      %mul3A_226 = arith.muli %mul3A_225, %while3A_202 : i32
      %add3A_227 = arith.constant 3 : i32
      %add3A_228 = arith.addi %mul3A_226, %add3A_227 : i32
      %lt3A_229 = arith.cmpi slt, %add3A_228, %select_n3A_75 : i32
      %convert_element_type3A_230 = arith.extui %lt3A_229 : i1 to i32
      %cond3A_231 = arith.constant 0 : i32
      %cond3A_232 = arith.cmpi ne, %convert_element_type3A_230, %cond3A_231 : i32
      scf.if %cond3A_232 {
        %mul3A_394 = arith.constant 128 : i32
        %mul3A_395 = arith.muli %add3A_228, %mul3A_394 : i32
        %dma_start3A = tpu.memref_slice %arg8[%mul3A_395] : memref<8192xi32, #tpu.memory_space<vmem>> -> memref<128xi32, #tpu.memory_space<vmem>>
        %dma_start3A_396 = arith.constant 0 : i32
        %dma_start3A_397 = arith.constant 0 : i32
        %dma_start3A_398 = tpu.memref_slice %arg4[%dma_start3A_396, %dma_start3A_397] : memref<131072x64xf32, #tpu.memory_space<hbm>> -> memref<131072x64xf32, #tpu.memory_space<hbm>>
        tpu.enqueue_indirect_dma source(%dma_start3A_398 : memref<131072x64xf32, #tpu.memory_space<hbm>>) target(%arg13 : memref<128x64xf32, #tpu.memory_space<vmem>>) offsets(%dma_start3A : memref<128xi32, #tpu.memory_space<vmem>>) semaphore(%arg18 : memref<!tpu.dma_semaphore, #tpu.memory_space<semaphore_mem>>)
      } else {
      }
      %mul3A_233 = arith.constant 8 : i32
      %mul3A_234 = arith.muli %mul3A_233, %while3A_202 : i32
      %add3A_235 = arith.constant 4 : i32
      %add3A_236 = arith.addi %mul3A_234, %add3A_235 : i32
      %lt3A_237 = arith.cmpi slt, %add3A_236, %select_n3A_75 : i32
      %convert_element_type3A_238 = arith.extui %lt3A_237 : i1 to i32
      %cond3A_239 = arith.constant 0 : i32
      %cond3A_240 = arith.cmpi ne, %convert_element_type3A_238, %cond3A_239 : i32
      scf.if %cond3A_240 {
        %mul3A_394 = arith.constant 128 : i32
        %mul3A_395 = arith.muli %add3A_236, %mul3A_394 : i32
        %dma_start3A = tpu.memref_slice %arg8[%mul3A_395] : memref<8192xi32, #tpu.memory_space<vmem>> -> memref<128xi32, #tpu.memory_space<vmem>>
        %dma_start3A_396 = arith.constant 0 : i32
        %dma_start3A_397 = arith.constant 0 : i32
        %dma_start3A_398 = tpu.memref_slice %arg4[%dma_start3A_396, %dma_start3A_397] : memref<131072x64xf32, #tpu.memory_space<hbm>> -> memref<131072x64xf32, #tpu.memory_space<hbm>>
        tpu.enqueue_indirect_dma source(%dma_start3A_398 : memref<131072x64xf32, #tpu.memory_space<hbm>>) target(%arg14 : memref<128x64xf32, #tpu.memory_space<vmem>>) offsets(%dma_start3A : memref<128xi32, #tpu.memory_space<vmem>>) semaphore(%arg18 : memref<!tpu.dma_semaphore, #tpu.memory_space<semaphore_mem>>)
      } else {
      }
      %mul3A_241 = arith.constant 8 : i32
      %mul3A_242 = arith.muli %mul3A_241, %while3A_202 : i32
      %add3A_243 = arith.constant 5 : i32
      %add3A_244 = arith.addi %mul3A_242, %add3A_243 : i32
      %lt3A_245 = arith.cmpi slt, %add3A_244, %select_n3A_75 : i32
      %convert_element_type3A_246 = arith.extui %lt3A_245 : i1 to i32
      %cond3A_247 = arith.constant 0 : i32
      %cond3A_248 = arith.cmpi ne, %convert_element_type3A_246, %cond3A_247 : i32
      scf.if %cond3A_248 {
        %mul3A_394 = arith.constant 128 : i32
        %mul3A_395 = arith.muli %add3A_244, %mul3A_394 : i32
        %dma_start3A = tpu.memref_slice %arg8[%mul3A_395] : memref<8192xi32, #tpu.memory_space<vmem>> -> memref<128xi32, #tpu.memory_space<vmem>>
        %dma_start3A_396 = arith.constant 0 : i32
        %dma_start3A_397 = arith.constant 0 : i32
        %dma_start3A_398 = tpu.memref_slice %arg4[%dma_start3A_396, %dma_start3A_397] : memref<131072x64xf32, #tpu.memory_space<hbm>> -> memref<131072x64xf32, #tpu.memory_space<hbm>>
        tpu.enqueue_indirect_dma source(%dma_start3A_398 : memref<131072x64xf32, #tpu.memory_space<hbm>>) target(%arg15 : memref<128x64xf32, #tpu.memory_space<vmem>>) offsets(%dma_start3A : memref<128xi32, #tpu.memory_space<vmem>>) semaphore(%arg18 : memref<!tpu.dma_semaphore, #tpu.memory_space<semaphore_mem>>)
      } else {
      }
      %mul3A_249 = arith.constant 8 : i32
      %mul3A_250 = arith.muli %mul3A_249, %while3A_202 : i32
      %add3A_251 = arith.constant 6 : i32
      %add3A_252 = arith.addi %mul3A_250, %add3A_251 : i32
      %lt3A_253 = arith.cmpi slt, %add3A_252, %select_n3A_75 : i32
      %convert_element_type3A_254 = arith.extui %lt3A_253 : i1 to i32
      %cond3A_255 = arith.constant 0 : i32
      %cond3A_256 = arith.cmpi ne, %convert_element_type3A_254, %cond3A_255 : i32
      scf.if %cond3A_256 {
        %mul3A_394 = arith.constant 128 : i32
        %mul3A_395 = arith.muli %add3A_252, %mul3A_394 : i32
        %dma_start3A = tpu.memref_slice %arg8[%mul3A_395] : memref<8192xi32, #tpu.memory_space<vmem>> -> memref<128xi32, #tpu.memory_space<vmem>>
        %dma_start3A_396 = arith.constant 0 : i32
        %dma_start3A_397 = arith.constant 0 : i32
        %dma_start3A_398 = tpu.memref_slice %arg4[%dma_start3A_396, %dma_start3A_397] : memref<131072x64xf32, #tpu.memory_space<hbm>> -> memref<131072x64xf32, #tpu.memory_space<hbm>>
        tpu.enqueue_indirect_dma source(%dma_start3A_398 : memref<131072x64xf32, #tpu.memory_space<hbm>>) target(%arg16 : memref<128x64xf32, #tpu.memory_space<vmem>>) offsets(%dma_start3A : memref<128xi32, #tpu.memory_space<vmem>>) semaphore(%arg18 : memref<!tpu.dma_semaphore, #tpu.memory_space<semaphore_mem>>)
      } else {
      }
      %mul3A_257 = arith.constant 8 : i32
      %mul3A_258 = arith.muli %mul3A_257, %while3A_202 : i32
      %add3A_259 = arith.constant 7 : i32
      %add3A_260 = arith.addi %mul3A_258, %add3A_259 : i32
      %lt3A_261 = arith.cmpi slt, %add3A_260, %select_n3A_75 : i32
      %convert_element_type3A_262 = arith.extui %lt3A_261 : i1 to i32
      %cond3A_263 = arith.constant 0 : i32
      %cond3A_264 = arith.cmpi ne, %convert_element_type3A_262, %cond3A_263 : i32
      scf.if %cond3A_264 {
        %mul3A_394 = arith.constant 128 : i32
        %mul3A_395 = arith.muli %add3A_260, %mul3A_394 : i32
        %dma_start3A = tpu.memref_slice %arg8[%mul3A_395] : memref<8192xi32, #tpu.memory_space<vmem>> -> memref<128xi32, #tpu.memory_space<vmem>>
        %dma_start3A_396 = arith.constant 0 : i32
        %dma_start3A_397 = arith.constant 0 : i32
        %dma_start3A_398 = tpu.memref_slice %arg4[%dma_start3A_396, %dma_start3A_397] : memref<131072x64xf32, #tpu.memory_space<hbm>> -> memref<131072x64xf32, #tpu.memory_space<hbm>>
        tpu.enqueue_indirect_dma source(%dma_start3A_398 : memref<131072x64xf32, #tpu.memory_space<hbm>>) target(%arg17 : memref<128x64xf32, #tpu.memory_space<vmem>>) offsets(%dma_start3A : memref<128xi32, #tpu.memory_space<vmem>>) semaphore(%arg18 : memref<!tpu.dma_semaphore, #tpu.memory_space<semaphore_mem>>)
      } else {
      }
      %mul3A_265 = arith.constant 8 : i32
      %mul3A_266 = arith.muli %mul3A_265, %while3A_202 : i32
      %add3A_267 = arith.constant 0 : i32
      %add3A_268 = arith.addi %mul3A_266, %add3A_267 : i32
      %lt3A_269 = arith.cmpi slt, %add3A_268, %select_n3A_75 : i32
      %convert_element_type3A_270 = arith.extui %lt3A_269 : i1 to i32
      %cond3A_271 = arith.constant 0 : i32
      %cond3A_272 = arith.cmpi ne, %convert_element_type3A_270, %cond3A_271 : i32
      scf.if %cond3A_272 {
        %mul3A_394 = arith.constant 128 : i32
        %mul3A_395 = arith.muli %add3A_268, %mul3A_394 : i32
        %dma_wait3A = tpu.memref_slice %arg8[%mul3A_395] : memref<8192xi32, #tpu.memory_space<vmem>> -> memref<128xi32, #tpu.memory_space<vmem>>
        %dma_wait3A_396 = arith.constant 0 : i32
        %dma_wait3A_397 = arith.constant 0 : i32
        %dma_wait3A_398 = tpu.memref_slice %arg4[%dma_wait3A_396, %dma_wait3A_397] : memref<131072x64xf32, #tpu.memory_space<hbm>> -> memref<131072x64xf32, #tpu.memory_space<hbm>>
        tpu.wait_indirect_dma semaphore(%arg18 : memref<!tpu.dma_semaphore, #tpu.memory_space<semaphore_mem>>) src(%dma_wait3A_398 : memref<131072x64xf32, #tpu.memory_space<hbm>>) dst(%arg10 : memref<128x64xf32, #tpu.memory_space<vmem>>)
        %mul3A_399 = arith.constant 128 : i32
        %mul3A_400 = arith.muli %add3A_268, %mul3A_399 : i32
        %dma_start3A = tpu.memref_slice %arg9[%mul3A_400] : memref<8192xi32, #tpu.memory_space<vmem>> -> memref<128xi32, #tpu.memory_space<vmem>>
        %dma_start3A_401 = arith.constant 0 : i32
        %dma_start3A_402 = arith.constant 0 : i32
        %dma_start3A_403 = tpu.memref_slice %arg5[%dma_start3A_401, %dma_start3A_402] : memref<1000000x64xf32, #tpu.memory_space<hbm>> -> memref<1000000x64xf32, #tpu.memory_space<hbm>>
        tpu.enqueue_indirect_dma source(%arg10 : memref<128x64xf32, #tpu.memory_space<vmem>>) target(%dma_start3A_403 : memref<1000000x64xf32, #tpu.memory_space<hbm>>) offsets(%dma_start3A : memref<128xi32, #tpu.memory_space<vmem>>) semaphore(%arg19 : memref<!tpu.dma_semaphore, #tpu.memory_space<semaphore_mem>>)
      } else {
      }
      %mul3A_273 = arith.constant 8 : i32
      %mul3A_274 = arith.muli %mul3A_273, %while3A_202 : i32
      %add3A_275 = arith.constant 1 : i32
      %add3A_276 = arith.addi %mul3A_274, %add3A_275 : i32
      %lt3A_277 = arith.cmpi slt, %add3A_276, %select_n3A_75 : i32
      %convert_element_type3A_278 = arith.extui %lt3A_277 : i1 to i32
      %cond3A_279 = arith.constant 0 : i32
      %cond3A_280 = arith.cmpi ne, %convert_element_type3A_278, %cond3A_279 : i32
      scf.if %cond3A_280 {
        %mul3A_394 = arith.constant 128 : i32
        %mul3A_395 = arith.muli %add3A_276, %mul3A_394 : i32
        %dma_wait3A = tpu.memref_slice %arg8[%mul3A_395] : memref<8192xi32, #tpu.memory_space<vmem>> -> memref<128xi32, #tpu.memory_space<vmem>>
        %dma_wait3A_396 = arith.constant 0 : i32
        %dma_wait3A_397 = arith.constant 0 : i32
        %dma_wait3A_398 = tpu.memref_slice %arg4[%dma_wait3A_396, %dma_wait3A_397] : memref<131072x64xf32, #tpu.memory_space<hbm>> -> memref<131072x64xf32, #tpu.memory_space<hbm>>
        tpu.wait_indirect_dma semaphore(%arg18 : memref<!tpu.dma_semaphore, #tpu.memory_space<semaphore_mem>>) src(%dma_wait3A_398 : memref<131072x64xf32, #tpu.memory_space<hbm>>) dst(%arg11 : memref<128x64xf32, #tpu.memory_space<vmem>>)
        %mul3A_399 = arith.constant 128 : i32
        %mul3A_400 = arith.muli %add3A_276, %mul3A_399 : i32
        %dma_start3A = tpu.memref_slice %arg9[%mul3A_400] : memref<8192xi32, #tpu.memory_space<vmem>> -> memref<128xi32, #tpu.memory_space<vmem>>
        %dma_start3A_401 = arith.constant 0 : i32
        %dma_start3A_402 = arith.constant 0 : i32
        %dma_start3A_403 = tpu.memref_slice %arg5[%dma_start3A_401, %dma_start3A_402] : memref<1000000x64xf32, #tpu.memory_space<hbm>> -> memref<1000000x64xf32, #tpu.memory_space<hbm>>
        tpu.enqueue_indirect_dma source(%arg11 : memref<128x64xf32, #tpu.memory_space<vmem>>) target(%dma_start3A_403 : memref<1000000x64xf32, #tpu.memory_space<hbm>>) offsets(%dma_start3A : memref<128xi32, #tpu.memory_space<vmem>>) semaphore(%arg19 : memref<!tpu.dma_semaphore, #tpu.memory_space<semaphore_mem>>)
      } else {
      }
      %mul3A_281 = arith.constant 8 : i32
      %mul3A_282 = arith.muli %mul3A_281, %while3A_202 : i32
      %add3A_283 = arith.constant 2 : i32
      %add3A_284 = arith.addi %mul3A_282, %add3A_283 : i32
      %lt3A_285 = arith.cmpi slt, %add3A_284, %select_n3A_75 : i32
      %convert_element_type3A_286 = arith.extui %lt3A_285 : i1 to i32
      %cond3A_287 = arith.constant 0 : i32
      %cond3A_288 = arith.cmpi ne, %convert_element_type3A_286, %cond3A_287 : i32
      scf.if %cond3A_288 {
        %mul3A_394 = arith.constant 128 : i32
        %mul3A_395 = arith.muli %add3A_284, %mul3A_394 : i32
        %dma_wait3A = tpu.memref_slice %arg8[%mul3A_395] : memref<8192xi32, #tpu.memory_space<vmem>> -> memref<128xi32, #tpu.memory_space<vmem>>
        %dma_wait3A_396 = arith.constant 0 : i32
        %dma_wait3A_397 = arith.constant 0 : i32
        %dma_wait3A_398 = tpu.memref_slice %arg4[%dma_wait3A_396, %dma_wait3A_397] : memref<131072x64xf32, #tpu.memory_space<hbm>> -> memref<131072x64xf32, #tpu.memory_space<hbm>>
        tpu.wait_indirect_dma semaphore(%arg18 : memref<!tpu.dma_semaphore, #tpu.memory_space<semaphore_mem>>) src(%dma_wait3A_398 : memref<131072x64xf32, #tpu.memory_space<hbm>>) dst(%arg12 : memref<128x64xf32, #tpu.memory_space<vmem>>)
        %mul3A_399 = arith.constant 128 : i32
        %mul3A_400 = arith.muli %add3A_284, %mul3A_399 : i32
        %dma_start3A = tpu.memref_slice %arg9[%mul3A_400] : memref<8192xi32, #tpu.memory_space<vmem>> -> memref<128xi32, #tpu.memory_space<vmem>>
        %dma_start3A_401 = arith.constant 0 : i32
        %dma_start3A_402 = arith.constant 0 : i32
        %dma_start3A_403 = tpu.memref_slice %arg5[%dma_start3A_401, %dma_start3A_402] : memref<1000000x64xf32, #tpu.memory_space<hbm>> -> memref<1000000x64xf32, #tpu.memory_space<hbm>>
        tpu.enqueue_indirect_dma source(%arg12 : memref<128x64xf32, #tpu.memory_space<vmem>>) target(%dma_start3A_403 : memref<1000000x64xf32, #tpu.memory_space<hbm>>) offsets(%dma_start3A : memref<128xi32, #tpu.memory_space<vmem>>) semaphore(%arg19 : memref<!tpu.dma_semaphore, #tpu.memory_space<semaphore_mem>>)
      } else {
      }
      %mul3A_289 = arith.constant 8 : i32
      %mul3A_290 = arith.muli %mul3A_289, %while3A_202 : i32
      %add3A_291 = arith.constant 3 : i32
      %add3A_292 = arith.addi %mul3A_290, %add3A_291 : i32
      %lt3A_293 = arith.cmpi slt, %add3A_292, %select_n3A_75 : i32
      %convert_element_type3A_294 = arith.extui %lt3A_293 : i1 to i32
      %cond3A_295 = arith.constant 0 : i32
      %cond3A_296 = arith.cmpi ne, %convert_element_type3A_294, %cond3A_295 : i32
      scf.if %cond3A_296 {
        %mul3A_394 = arith.constant 128 : i32
        %mul3A_395 = arith.muli %add3A_292, %mul3A_394 : i32
        %dma_wait3A = tpu.memref_slice %arg8[%mul3A_395] : memref<8192xi32, #tpu.memory_space<vmem>> -> memref<128xi32, #tpu.memory_space<vmem>>
        %dma_wait3A_396 = arith.constant 0 : i32
        %dma_wait3A_397 = arith.constant 0 : i32
        %dma_wait3A_398 = tpu.memref_slice %arg4[%dma_wait3A_396, %dma_wait3A_397] : memref<131072x64xf32, #tpu.memory_space<hbm>> -> memref<131072x64xf32, #tpu.memory_space<hbm>>
        tpu.wait_indirect_dma semaphore(%arg18 : memref<!tpu.dma_semaphore, #tpu.memory_space<semaphore_mem>>) src(%dma_wait3A_398 : memref<131072x64xf32, #tpu.memory_space<hbm>>) dst(%arg13 : memref<128x64xf32, #tpu.memory_space<vmem>>)
        %mul3A_399 = arith.constant 128 : i32
        %mul3A_400 = arith.muli %add3A_292, %mul3A_399 : i32
        %dma_start3A = tpu.memref_slice %arg9[%mul3A_400] : memref<8192xi32, #tpu.memory_space<vmem>> -> memref<128xi32, #tpu.memory_space<vmem>>
        %dma_start3A_401 = arith.constant 0 : i32
        %dma_start3A_402 = arith.constant 0 : i32
        %dma_start3A_403 = tpu.memref_slice %arg5[%dma_start3A_401, %dma_start3A_402] : memref<1000000x64xf32, #tpu.memory_space<hbm>> -> memref<1000000x64xf32, #tpu.memory_space<hbm>>
        tpu.enqueue_indirect_dma source(%arg13 : memref<128x64xf32, #tpu.memory_space<vmem>>) target(%dma_start3A_403 : memref<1000000x64xf32, #tpu.memory_space<hbm>>) offsets(%dma_start3A : memref<128xi32, #tpu.memory_space<vmem>>) semaphore(%arg19 : memref<!tpu.dma_semaphore, #tpu.memory_space<semaphore_mem>>)
      } else {
      }
      %mul3A_297 = arith.constant 8 : i32
      %mul3A_298 = arith.muli %mul3A_297, %while3A_202 : i32
      %add3A_299 = arith.constant 4 : i32
      %add3A_300 = arith.addi %mul3A_298, %add3A_299 : i32
      %lt3A_301 = arith.cmpi slt, %add3A_300, %select_n3A_75 : i32
      %convert_element_type3A_302 = arith.extui %lt3A_301 : i1 to i32
      %cond3A_303 = arith.constant 0 : i32
      %cond3A_304 = arith.cmpi ne, %convert_element_type3A_302, %cond3A_303 : i32
      scf.if %cond3A_304 {
        %mul3A_394 = arith.constant 128 : i32
        %mul3A_395 = arith.muli %add3A_300, %mul3A_394 : i32
        %dma_wait3A = tpu.memref_slice %arg8[%mul3A_395] : memref<8192xi32, #tpu.memory_space<vmem>> -> memref<128xi32, #tpu.memory_space<vmem>>
        %dma_wait3A_396 = arith.constant 0 : i32
        %dma_wait3A_397 = arith.constant 0 : i32
        %dma_wait3A_398 = tpu.memref_slice %arg4[%dma_wait3A_396, %dma_wait3A_397] : memref<131072x64xf32, #tpu.memory_space<hbm>> -> memref<131072x64xf32, #tpu.memory_space<hbm>>
        tpu.wait_indirect_dma semaphore(%arg18 : memref<!tpu.dma_semaphore, #tpu.memory_space<semaphore_mem>>) src(%dma_wait3A_398 : memref<131072x64xf32, #tpu.memory_space<hbm>>) dst(%arg14 : memref<128x64xf32, #tpu.memory_space<vmem>>)
        %mul3A_399 = arith.constant 128 : i32
        %mul3A_400 = arith.muli %add3A_300, %mul3A_399 : i32
        %dma_start3A = tpu.memref_slice %arg9[%mul3A_400] : memref<8192xi32, #tpu.memory_space<vmem>> -> memref<128xi32, #tpu.memory_space<vmem>>
        %dma_start3A_401 = arith.constant 0 : i32
        %dma_start3A_402 = arith.constant 0 : i32
        %dma_start3A_403 = tpu.memref_slice %arg5[%dma_start3A_401, %dma_start3A_402] : memref<1000000x64xf32, #tpu.memory_space<hbm>> -> memref<1000000x64xf32, #tpu.memory_space<hbm>>
        tpu.enqueue_indirect_dma source(%arg14 : memref<128x64xf32, #tpu.memory_space<vmem>>) target(%dma_start3A_403 : memref<1000000x64xf32, #tpu.memory_space<hbm>>) offsets(%dma_start3A : memref<128xi32, #tpu.memory_space<vmem>>) semaphore(%arg19 : memref<!tpu.dma_semaphore, #tpu.memory_space<semaphore_mem>>)
      } else {
      }
      %mul3A_305 = arith.constant 8 : i32
      %mul3A_306 = arith.muli %mul3A_305, %while3A_202 : i32
      %add3A_307 = arith.constant 5 : i32
      %add3A_308 = arith.addi %mul3A_306, %add3A_307 : i32
      %lt3A_309 = arith.cmpi slt, %add3A_308, %select_n3A_75 : i32
      %convert_element_type3A_310 = arith.extui %lt3A_309 : i1 to i32
      %cond3A_311 = arith.constant 0 : i32
      %cond3A_312 = arith.cmpi ne, %convert_element_type3A_310, %cond3A_311 : i32
      scf.if %cond3A_312 {
        %mul3A_394 = arith.constant 128 : i32
        %mul3A_395 = arith.muli %add3A_308, %mul3A_394 : i32
        %dma_wait3A = tpu.memref_slice %arg8[%mul3A_395] : memref<8192xi32, #tpu.memory_space<vmem>> -> memref<128xi32, #tpu.memory_space<vmem>>
        %dma_wait3A_396 = arith.constant 0 : i32
        %dma_wait3A_397 = arith.constant 0 : i32
        %dma_wait3A_398 = tpu.memref_slice %arg4[%dma_wait3A_396, %dma_wait3A_397] : memref<131072x64xf32, #tpu.memory_space<hbm>> -> memref<131072x64xf32, #tpu.memory_space<hbm>>
        tpu.wait_indirect_dma semaphore(%arg18 : memref<!tpu.dma_semaphore, #tpu.memory_space<semaphore_mem>>) src(%dma_wait3A_398 : memref<131072x64xf32, #tpu.memory_space<hbm>>) dst(%arg15 : memref<128x64xf32, #tpu.memory_space<vmem>>)
        %mul3A_399 = arith.constant 128 : i32
        %mul3A_400 = arith.muli %add3A_308, %mul3A_399 : i32
        %dma_start3A = tpu.memref_slice %arg9[%mul3A_400] : memref<8192xi32, #tpu.memory_space<vmem>> -> memref<128xi32, #tpu.memory_space<vmem>>
        %dma_start3A_401 = arith.constant 0 : i32
        %dma_start3A_402 = arith.constant 0 : i32
        %dma_start3A_403 = tpu.memref_slice %arg5[%dma_start3A_401, %dma_start3A_402] : memref<1000000x64xf32, #tpu.memory_space<hbm>> -> memref<1000000x64xf32, #tpu.memory_space<hbm>>
        tpu.enqueue_indirect_dma source(%arg15 : memref<128x64xf32, #tpu.memory_space<vmem>>) target(%dma_start3A_403 : memref<1000000x64xf32, #tpu.memory_space<hbm>>) offsets(%dma_start3A : memref<128xi32, #tpu.memory_space<vmem>>) semaphore(%arg19 : memref<!tpu.dma_semaphore, #tpu.memory_space<semaphore_mem>>)
      } else {
      }
      %mul3A_313 = arith.constant 8 : i32
      %mul3A_314 = arith.muli %mul3A_313, %while3A_202 : i32
      %add3A_315 = arith.constant 6 : i32
      %add3A_316 = arith.addi %mul3A_314, %add3A_315 : i32
      %lt3A_317 = arith.cmpi slt, %add3A_316, %select_n3A_75 : i32
      %convert_element_type3A_318 = arith.extui %lt3A_317 : i1 to i32
      %cond3A_319 = arith.constant 0 : i32
      %cond3A_320 = arith.cmpi ne, %convert_element_type3A_318, %cond3A_319 : i32
      scf.if %cond3A_320 {
        %mul3A_394 = arith.constant 128 : i32
        %mul3A_395 = arith.muli %add3A_316, %mul3A_394 : i32
        %dma_wait3A = tpu.memref_slice %arg8[%mul3A_395] : memref<8192xi32, #tpu.memory_space<vmem>> -> memref<128xi32, #tpu.memory_space<vmem>>
        %dma_wait3A_396 = arith.constant 0 : i32
        %dma_wait3A_397 = arith.constant 0 : i32
        %dma_wait3A_398 = tpu.memref_slice %arg4[%dma_wait3A_396, %dma_wait3A_397] : memref<131072x64xf32, #tpu.memory_space<hbm>> -> memref<131072x64xf32, #tpu.memory_space<hbm>>
        tpu.wait_indirect_dma semaphore(%arg18 : memref<!tpu.dma_semaphore, #tpu.memory_space<semaphore_mem>>) src(%dma_wait3A_398 : memref<131072x64xf32, #tpu.memory_space<hbm>>) dst(%arg16 : memref<128x64xf32, #tpu.memory_space<vmem>>)
        %mul3A_399 = arith.constant 128 : i32
        %mul3A_400 = arith.muli %add3A_316, %mul3A_399 : i32
        %dma_start3A = tpu.memref_slice %arg9[%mul3A_400] : memref<8192xi32, #tpu.memory_space<vmem>> -> memref<128xi32, #tpu.memory_space<vmem>>
        %dma_start3A_401 = arith.constant 0 : i32
        %dma_start3A_402 = arith.constant 0 : i32
        %dma_start3A_403 = tpu.memref_slice %arg5[%dma_start3A_401, %dma_start3A_402] : memref<1000000x64xf32, #tpu.memory_space<hbm>> -> memref<1000000x64xf32, #tpu.memory_space<hbm>>
        tpu.enqueue_indirect_dma source(%arg16 : memref<128x64xf32, #tpu.memory_space<vmem>>) target(%dma_start3A_403 : memref<1000000x64xf32, #tpu.memory_space<hbm>>) offsets(%dma_start3A : memref<128xi32, #tpu.memory_space<vmem>>) semaphore(%arg19 : memref<!tpu.dma_semaphore, #tpu.memory_space<semaphore_mem>>)
      } else {
      }
      %mul3A_321 = arith.constant 8 : i32
      %mul3A_322 = arith.muli %mul3A_321, %while3A_202 : i32
      %add3A_323 = arith.constant 7 : i32
      %add3A_324 = arith.addi %mul3A_322, %add3A_323 : i32
      %lt3A_325 = arith.cmpi slt, %add3A_324, %select_n3A_75 : i32
      %convert_element_type3A_326 = arith.extui %lt3A_325 : i1 to i32
      %cond3A_327 = arith.constant 0 : i32
      %cond3A_328 = arith.cmpi ne, %convert_element_type3A_326, %cond3A_327 : i32
      scf.if %cond3A_328 {
        %mul3A_394 = arith.constant 128 : i32
        %mul3A_395 = arith.muli %add3A_324, %mul3A_394 : i32
        %dma_wait3A = tpu.memref_slice %arg8[%mul3A_395] : memref<8192xi32, #tpu.memory_space<vmem>> -> memref<128xi32, #tpu.memory_space<vmem>>
        %dma_wait3A_396 = arith.constant 0 : i32
        %dma_wait3A_397 = arith.constant 0 : i32
        %dma_wait3A_398 = tpu.memref_slice %arg4[%dma_wait3A_396, %dma_wait3A_397] : memref<131072x64xf32, #tpu.memory_space<hbm>> -> memref<131072x64xf32, #tpu.memory_space<hbm>>
        tpu.wait_indirect_dma semaphore(%arg18 : memref<!tpu.dma_semaphore, #tpu.memory_space<semaphore_mem>>) src(%dma_wait3A_398 : memref<131072x64xf32, #tpu.memory_space<hbm>>) dst(%arg17 : memref<128x64xf32, #tpu.memory_space<vmem>>)
        %mul3A_399 = arith.constant 128 : i32
        %mul3A_400 = arith.muli %add3A_324, %mul3A_399 : i32
        %dma_start3A = tpu.memref_slice %arg9[%mul3A_400] : memref<8192xi32, #tpu.memory_space<vmem>> -> memref<128xi32, #tpu.memory_space<vmem>>
        %dma_start3A_401 = arith.constant 0 : i32
        %dma_start3A_402 = arith.constant 0 : i32
        %dma_start3A_403 = tpu.memref_slice %arg5[%dma_start3A_401, %dma_start3A_402] : memref<1000000x64xf32, #tpu.memory_space<hbm>> -> memref<1000000x64xf32, #tpu.memory_space<hbm>>
        tpu.enqueue_indirect_dma source(%arg17 : memref<128x64xf32, #tpu.memory_space<vmem>>) target(%dma_start3A_403 : memref<1000000x64xf32, #tpu.memory_space<hbm>>) offsets(%dma_start3A : memref<128xi32, #tpu.memory_space<vmem>>) semaphore(%arg19 : memref<!tpu.dma_semaphore, #tpu.memory_space<semaphore_mem>>)
      } else {
      }
      %mul3A_329 = arith.constant 8 : i32
      %mul3A_330 = arith.muli %mul3A_329, %while3A_202 : i32
      %add3A_331 = arith.constant 0 : i32
      %add3A_332 = arith.addi %mul3A_330, %add3A_331 : i32
      %lt3A_333 = arith.cmpi slt, %add3A_332, %select_n3A_75 : i32
      %convert_element_type3A_334 = arith.extui %lt3A_333 : i1 to i32
      %cond3A_335 = arith.constant 0 : i32
      %cond3A_336 = arith.cmpi ne, %convert_element_type3A_334, %cond3A_335 : i32
      scf.if %cond3A_336 {
        %mul3A_394 = arith.constant 128 : i32
        %mul3A_395 = arith.muli %add3A_332, %mul3A_394 : i32
        %dma_wait3A = tpu.memref_slice %arg9[%mul3A_395] : memref<8192xi32, #tpu.memory_space<vmem>> -> memref<128xi32, #tpu.memory_space<vmem>>
        %dma_wait3A_396 = arith.constant 0 : i32
        %dma_wait3A_397 = arith.constant 0 : i32
        %dma_wait3A_398 = tpu.memref_slice %arg5[%dma_wait3A_396, %dma_wait3A_397] : memref<1000000x64xf32, #tpu.memory_space<hbm>> -> memref<1000000x64xf32, #tpu.memory_space<hbm>>
        tpu.wait_indirect_dma semaphore(%arg19 : memref<!tpu.dma_semaphore, #tpu.memory_space<semaphore_mem>>) src(%arg10 : memref<128x64xf32, #tpu.memory_space<vmem>>) dst(%dma_wait3A_398 : memref<1000000x64xf32, #tpu.memory_space<hbm>>)
      } else {
      }
      %mul3A_337 = arith.constant 8 : i32
      %mul3A_338 = arith.muli %mul3A_337, %while3A_202 : i32
      %add3A_339 = arith.constant 1 : i32
      %add3A_340 = arith.addi %mul3A_338, %add3A_339 : i32
      %lt3A_341 = arith.cmpi slt, %add3A_340, %select_n3A_75 : i32
      %convert_element_type3A_342 = arith.extui %lt3A_341 : i1 to i32
      %cond3A_343 = arith.constant 0 : i32
      %cond3A_344 = arith.cmpi ne, %convert_element_type3A_342, %cond3A_343 : i32
      scf.if %cond3A_344 {
        %mul3A_394 = arith.constant 128 : i32
        %mul3A_395 = arith.muli %add3A_340, %mul3A_394 : i32
        %dma_wait3A = tpu.memref_slice %arg9[%mul3A_395] : memref<8192xi32, #tpu.memory_space<vmem>> -> memref<128xi32, #tpu.memory_space<vmem>>
        %dma_wait3A_396 = arith.constant 0 : i32
        %dma_wait3A_397 = arith.constant 0 : i32
        %dma_wait3A_398 = tpu.memref_slice %arg5[%dma_wait3A_396, %dma_wait3A_397] : memref<1000000x64xf32, #tpu.memory_space<hbm>> -> memref<1000000x64xf32, #tpu.memory_space<hbm>>
        tpu.wait_indirect_dma semaphore(%arg19 : memref<!tpu.dma_semaphore, #tpu.memory_space<semaphore_mem>>) src(%arg11 : memref<128x64xf32, #tpu.memory_space<vmem>>) dst(%dma_wait3A_398 : memref<1000000x64xf32, #tpu.memory_space<hbm>>)
      } else {
      }
      %mul3A_345 = arith.constant 8 : i32
      %mul3A_346 = arith.muli %mul3A_345, %while3A_202 : i32
      %add3A_347 = arith.constant 2 : i32
      %add3A_348 = arith.addi %mul3A_346, %add3A_347 : i32
      %lt3A_349 = arith.cmpi slt, %add3A_348, %select_n3A_75 : i32
      %convert_element_type3A_350 = arith.extui %lt3A_349 : i1 to i32
      %cond3A_351 = arith.constant 0 : i32
      %cond3A_352 = arith.cmpi ne, %convert_element_type3A_350, %cond3A_351 : i32
      scf.if %cond3A_352 {
        %mul3A_394 = arith.constant 128 : i32
        %mul3A_395 = arith.muli %add3A_348, %mul3A_394 : i32
        %dma_wait3A = tpu.memref_slice %arg9[%mul3A_395] : memref<8192xi32, #tpu.memory_space<vmem>> -> memref<128xi32, #tpu.memory_space<vmem>>
        %dma_wait3A_396 = arith.constant 0 : i32
        %dma_wait3A_397 = arith.constant 0 : i32
        %dma_wait3A_398 = tpu.memref_slice %arg5[%dma_wait3A_396, %dma_wait3A_397] : memref<1000000x64xf32, #tpu.memory_space<hbm>> -> memref<1000000x64xf32, #tpu.memory_space<hbm>>
        tpu.wait_indirect_dma semaphore(%arg19 : memref<!tpu.dma_semaphore, #tpu.memory_space<semaphore_mem>>) src(%arg12 : memref<128x64xf32, #tpu.memory_space<vmem>>) dst(%dma_wait3A_398 : memref<1000000x64xf32, #tpu.memory_space<hbm>>)
      } else {
      }
      %mul3A_353 = arith.constant 8 : i32
      %mul3A_354 = arith.muli %mul3A_353, %while3A_202 : i32
      %add3A_355 = arith.constant 3 : i32
      %add3A_356 = arith.addi %mul3A_354, %add3A_355 : i32
      %lt3A_357 = arith.cmpi slt, %add3A_356, %select_n3A_75 : i32
      %convert_element_type3A_358 = arith.extui %lt3A_357 : i1 to i32
      %cond3A_359 = arith.constant 0 : i32
      %cond3A_360 = arith.cmpi ne, %convert_element_type3A_358, %cond3A_359 : i32
      scf.if %cond3A_360 {
        %mul3A_394 = arith.constant 128 : i32
        %mul3A_395 = arith.muli %add3A_356, %mul3A_394 : i32
        %dma_wait3A = tpu.memref_slice %arg9[%mul3A_395] : memref<8192xi32, #tpu.memory_space<vmem>> -> memref<128xi32, #tpu.memory_space<vmem>>
        %dma_wait3A_396 = arith.constant 0 : i32
        %dma_wait3A_397 = arith.constant 0 : i32
        %dma_wait3A_398 = tpu.memref_slice %arg5[%dma_wait3A_396, %dma_wait3A_397] : memref<1000000x64xf32, #tpu.memory_space<hbm>> -> memref<1000000x64xf32, #tpu.memory_space<hbm>>
        tpu.wait_indirect_dma semaphore(%arg19 : memref<!tpu.dma_semaphore, #tpu.memory_space<semaphore_mem>>) src(%arg13 : memref<128x64xf32, #tpu.memory_space<vmem>>) dst(%dma_wait3A_398 : memref<1000000x64xf32, #tpu.memory_space<hbm>>)
      } else {
      }
      %mul3A_361 = arith.constant 8 : i32
      %mul3A_362 = arith.muli %mul3A_361, %while3A_202 : i32
      %add3A_363 = arith.constant 4 : i32
      %add3A_364 = arith.addi %mul3A_362, %add3A_363 : i32
      %lt3A_365 = arith.cmpi slt, %add3A_364, %select_n3A_75 : i32
      %convert_element_type3A_366 = arith.extui %lt3A_365 : i1 to i32
      %cond3A_367 = arith.constant 0 : i32
      %cond3A_368 = arith.cmpi ne, %convert_element_type3A_366, %cond3A_367 : i32
      scf.if %cond3A_368 {
        %mul3A_394 = arith.constant 128 : i32
        %mul3A_395 = arith.muli %add3A_364, %mul3A_394 : i32
        %dma_wait3A = tpu.memref_slice %arg9[%mul3A_395] : memref<8192xi32, #tpu.memory_space<vmem>> -> memref<128xi32, #tpu.memory_space<vmem>>
        %dma_wait3A_396 = arith.constant 0 : i32
        %dma_wait3A_397 = arith.constant 0 : i32
        %dma_wait3A_398 = tpu.memref_slice %arg5[%dma_wait3A_396, %dma_wait3A_397] : memref<1000000x64xf32, #tpu.memory_space<hbm>> -> memref<1000000x64xf32, #tpu.memory_space<hbm>>
        tpu.wait_indirect_dma semaphore(%arg19 : memref<!tpu.dma_semaphore, #tpu.memory_space<semaphore_mem>>) src(%arg14 : memref<128x64xf32, #tpu.memory_space<vmem>>) dst(%dma_wait3A_398 : memref<1000000x64xf32, #tpu.memory_space<hbm>>)
      } else {
      }
      %mul3A_369 = arith.constant 8 : i32
      %mul3A_370 = arith.muli %mul3A_369, %while3A_202 : i32
      %add3A_371 = arith.constant 5 : i32
      %add3A_372 = arith.addi %mul3A_370, %add3A_371 : i32
      %lt3A_373 = arith.cmpi slt, %add3A_372, %select_n3A_75 : i32
      %convert_element_type3A_374 = arith.extui %lt3A_373 : i1 to i32
      %cond3A_375 = arith.constant 0 : i32
      %cond3A_376 = arith.cmpi ne, %convert_element_type3A_374, %cond3A_375 : i32
      scf.if %cond3A_376 {
        %mul3A_394 = arith.constant 128 : i32
        %mul3A_395 = arith.muli %add3A_372, %mul3A_394 : i32
        %dma_wait3A = tpu.memref_slice %arg9[%mul3A_395] : memref<8192xi32, #tpu.memory_space<vmem>> -> memref<128xi32, #tpu.memory_space<vmem>>
        %dma_wait3A_396 = arith.constant 0 : i32
        %dma_wait3A_397 = arith.constant 0 : i32
        %dma_wait3A_398 = tpu.memref_slice %arg5[%dma_wait3A_396, %dma_wait3A_397] : memref<1000000x64xf32, #tpu.memory_space<hbm>> -> memref<1000000x64xf32, #tpu.memory_space<hbm>>
        tpu.wait_indirect_dma semaphore(%arg19 : memref<!tpu.dma_semaphore, #tpu.memory_space<semaphore_mem>>) src(%arg15 : memref<128x64xf32, #tpu.memory_space<vmem>>) dst(%dma_wait3A_398 : memref<1000000x64xf32, #tpu.memory_space<hbm>>)
      } else {
      }
      %mul3A_377 = arith.constant 8 : i32
      %mul3A_378 = arith.muli %mul3A_377, %while3A_202 : i32
      %add3A_379 = arith.constant 6 : i32
      %add3A_380 = arith.addi %mul3A_378, %add3A_379 : i32
      %lt3A_381 = arith.cmpi slt, %add3A_380, %select_n3A_75 : i32
      %convert_element_type3A_382 = arith.extui %lt3A_381 : i1 to i32
      %cond3A_383 = arith.constant 0 : i32
      %cond3A_384 = arith.cmpi ne, %convert_element_type3A_382, %cond3A_383 : i32
      scf.if %cond3A_384 {
        %mul3A_394 = arith.constant 128 : i32
        %mul3A_395 = arith.muli %add3A_380, %mul3A_394 : i32
        %dma_wait3A = tpu.memref_slice %arg9[%mul3A_395] : memref<8192xi32, #tpu.memory_space<vmem>> -> memref<128xi32, #tpu.memory_space<vmem>>
        %dma_wait3A_396 = arith.constant 0 : i32
        %dma_wait3A_397 = arith.constant 0 : i32
        %dma_wait3A_398 = tpu.memref_slice %arg5[%dma_wait3A_396, %dma_wait3A_397] : memref<1000000x64xf32, #tpu.memory_space<hbm>> -> memref<1000000x64xf32, #tpu.memory_space<hbm>>
        tpu.wait_indirect_dma semaphore(%arg19 : memref<!tpu.dma_semaphore, #tpu.memory_space<semaphore_mem>>) src(%arg16 : memref<128x64xf32, #tpu.memory_space<vmem>>) dst(%dma_wait3A_398 : memref<1000000x64xf32, #tpu.memory_space<hbm>>)
      } else {
      }
      %mul3A_385 = arith.constant 8 : i32
      %mul3A_386 = arith.muli %mul3A_385, %while3A_202 : i32
      %add3A_387 = arith.constant 7 : i32
      %add3A_388 = arith.addi %mul3A_386, %add3A_387 : i32
      %lt3A_389 = arith.cmpi slt, %add3A_388, %select_n3A_75 : i32
      %convert_element_type3A_390 = arith.extui %lt3A_389 : i1 to i32
      %cond3A_391 = arith.constant 0 : i32
      %cond3A_392 = arith.cmpi ne, %convert_element_type3A_390, %cond3A_391 : i32
      scf.if %cond3A_392 {
        %mul3A_394 = arith.constant 128 : i32
        %mul3A_395 = arith.muli %add3A_388, %mul3A_394 : i32
        %dma_wait3A = tpu.memref_slice %arg9[%mul3A_395] : memref<8192xi32, #tpu.memory_space<vmem>> -> memref<128xi32, #tpu.memory_space<vmem>>
        %dma_wait3A_396 = arith.constant 0 : i32
        %dma_wait3A_397 = arith.constant 0 : i32
        %dma_wait3A_398 = tpu.memref_slice %arg5[%dma_wait3A_396, %dma_wait3A_397] : memref<1000000x64xf32, #tpu.memory_space<hbm>> -> memref<1000000x64xf32, #tpu.memory_space<hbm>>
        tpu.wait_indirect_dma semaphore(%arg19 : memref<!tpu.dma_semaphore, #tpu.memory_space<semaphore_mem>>) src(%arg17 : memref<128x64xf32, #tpu.memory_space<vmem>>) dst(%dma_wait3A_398 : memref<1000000x64xf32, #tpu.memory_space<hbm>>)
      } else {
      }
      %while3A_393 = arith.constant 0 : i32
      scf.yield %while3A_393 : i32
    }
    return
  }
}

</mosaic_0001>

<sc_bundles>
// kernel: kernel.4.cloned.1.call-start
scs
__scs_entry_jumppad:
0x0: {  	(pc) =	sbr.rel $0x88, $3  }
0x1: {  	(tag) =	ssettag $0x0;
	lr =	simm.s32 $0x1  }
0x2: {  	[smem:$0x3F9E] =	sst lr;
	_ =	strace $0xD0000000  }
0x3: {  	_ = 	snop  }
0x4: {  	_ = 	snop  }
0x5: {  	_ = 	snop  }
0x6: {  	_ = 	snop  }
0x7: {  	_ = 	snop  }
__scs_overlays_trampoline_lowered:
0x8: {  	[smem:$0x3FAD] =	sst s0  }
0x9: {  	[smem:$0x3FAE] =	sst s1  }
0xa: {  	[smem:$0x3FAF] =	sst s2  }
0xb: {  	[smem:$0x3FB0] =	sst s3  }
0xc: {  	[smem:$0x3FB1] =	sst s4  }
0xd: {  	[smem:$0x3FB2] =	sst s5  }
0xe: {  	[smem:$0x3FB3] =	sst s6  }
0xf: {  	[smem:$0x3FB4] =	sst s7  }
0x10: {  	[smem:$0x3FB5] =	sst s8  }
0x11: {  	[smem:$0x3FB6] =	sst s9;
	s0 =	simm.s32 @!p0 $0x0  }
0x12: {  	s1 =	sld [smem:$0x3F9C];
	s0 =	simm.s32 @p0 $0x1  }
0x13: {  	[smem:$0x3FB7] =	sst s0;
	s0 =	simm.s32 @!p1 $0x0  }
0x14: {  	s2 =	sld [smem:$0x3F9B];
	s0 =	simm.s32 @p1 $0x1  }
0x15: {  	[smem:$0x3FB8] =	sst s0;
	s0 =	simm.s32 @!p2 $0x0  }
0x16: {  	s3 =	sld [smem:$0x3FDB];
	s0 =	simm.s32 @p2 $0x1  }
0x17: {  	s4 =	simm.s32 $0x1BF5;
	[smem:$0x3FBA] =	sst s0  }
0x18: {  	s0 =	sld [smem:$0x3F9D];
	_ =	swait.ge [sflag:s4], $0x0  }
0x19: {  	s7 =	sld [smem:$0x3F9E]  }
0x1a: {  	s8 =	sadd.s32 $0xFFFFE003, lr  }
0x1b: {  	s9 =	sadd.s32 $0xFFFFFEF7, lr;
	s5 =	simm.s32 $0xFFFFFFFF;
	p2 =	slt.u32 s8, $0xFFFFF086  }
0x1c: {  	p1 =	slt.u32 s9, $0xF7A;
	s5 =	simm.s32 @!p2 $0x0  }
0x1d: {  	s5 =	simm.s32 @p1 $0x1;
	p0 =	seq.s32 s7, s2  }
0x1e: {  	s7 =	smul.u32 @!p0 $0xF7A, s2;
	p2 =	seq.s32 @!p0 s5, $0x0  }
0x1f: {  	s9 =	smul.u32 $0xF7A, s1;
	s8 =	simm.s32 @!p0 $0x1BF5;
	p2 =	por !p2, p0  }
0x20: {  	[sflag:s8] =	ssyncset.s32 @!p0 $0xFFFFF086;
	s6 =	sadd.s32 @!p0 s3, s7;
	s7 =	simm.s32 @!p0 $0x108  }
0x21: {  	s3 =	sadd.s32 s3, s9;
	s6 =	sadd.s32 @!p0 $0x88, s6;
	s7 =	simm.s32 @p2 $0x1082  }
0x22: {  	[simem:s7], [sflag:s8] =	dma.local @!p0 [hbm:s6], $0xF7A  }
0x23: {  	s9 =	sor.u32 $0xD0000000, s2;
	s6 =	simm.s32 $0x108;
	_ =	swait.ge @!p0 [sflag:s8], $0x0  }
0x24: {  	s3 =	sadd.s32 $0x88, s3;
	s6 =	simm.s32 @!p1 $0x1082;
	[sflag:s4] =	ssyncset.s32 $0xFFFFF086  }
0x25: {  	[simem:s6], [sflag:s4] =	dma.local [hbm:s3], $0xF7A  }
0x26: {  	[smem:$0x3F9E] =	sst s1;
	(tag) =	ssettag s2;
	_ =	strace s9  }
0x27: {  	s1 =	sld [smem:$0x3FAE]  }
0x28: {  	s2 =	sld [smem:$0x3FAF]  }
0x29: {  	s4 =	sld [smem:$0x3FB1]  }
0x2a: {  	p0 =	seq.s32 s5, $0x0;
	s5 =	sld [smem:$0x3FB2]  }
0x2b: {  	s6 =	sld [smem:$0x3FB3]  }
0x2c: {  	s7 =	sld [smem:$0x3FB4]  }
0x2d: {  	s3 =	simm.s32 $0x108;
	s8 =	sld [smem:$0x3FB5]  }
0x2e: {  	s3 =	simm.s32 @!p0 $0x1082;
	s9 =	sld [smem:$0x3FB6]  }
0x2f: {  	lr =	sadd.s32 s0, s3;
	s0 =	sld [smem:$0x3FAD]  }
0x30: {  	s3 =	sld [smem:$0x3FB0]  }
0x31: {  	[smem:$0x3FB9] =	sst s10  }
0x32: {  	s10 =	sld [smem:$0x3FB7];
	_ =	sdelay $0x3  }
0x33: {  	p0 =	seq.s32 s10, $0x1;
	s10 =	sld [smem:$0x3FB9];
	_ =	sdelay $0x3  }
0x34: {  	[smem:$0x3FB9] =	sst s10  }
0x35: {  	s10 =	sld [smem:$0x3FB8];
	_ =	sdelay $0x3  }
0x36: {  	p1 =	seq.s32 s10, $0x1;
	s10 =	sld [smem:$0x3FB9];
	_ =	sdelay $0x3  }
0x37: {  	[smem:$0x3FB9] =	sst s10  }
0x38: {  	s10 =	sld [smem:$0x3FBA]  }
0x39: {  	_ = 	snop;
	(pc) =	sbr.ind lr, $3  }
0x3a: {  	_ = 	snop  }
0x3b: {  	_ = 	snop  }
0x3c: {  	p2 =	seq.s32 s10, $0x1;
	s10 =	sld [smem:$0x3FB9]  }
0x3d: {  	_ =	shalt  }
0x3e: {  	_ =	shalt  }
0x3f: {  	_ =	shalt  }
0x40: {  	_ =	shalt  }
0x41: {  	_ =	shalt  }
0x42: {  	_ =	shalt  }
0x43: {  	_ =	shalt  }
0x44: {  	_ =	shalt  }
0x45: {  	_ =	shalt  }
0x46: {  	_ =	shalt  }
0x47: {  	_ =	shalt  }
0x48: {  	_ =	shalt  }
0x49: {  	_ =	shalt  }
0x4a: {  	_ =	shalt  }
0x4b: {  	_ =	shalt  }
0x4c: {  	_ =	shalt  }
0x4d: {  	_ =	shalt  }
0x4e: {  	_ =	shalt  }
0x4f: {  	_ =	shalt  }
0x50: {  	_ =	shalt  }
0x51: {  	_ =	shalt  }
0x52: {  	_ =	shalt  }
0x53: {  	_ =	shalt  }
0x54: {  	_ =	shalt  }
0x55: {  	_ =	shalt  }
0x56: {  	_ =	shalt  }
0x57: {  	_ =	shalt  }
0x58: {  	_ =	shalt  }
0x59: {  	_ =	shalt  }
0x5a: {  	_ =	shalt  }
0x5b: {  	_ =	shalt  }
0x5c: {  	_ =	shalt  }
0x5d: {  	_ =	shalt  }
0x5e: {  	_ =	shalt  }
0x5f: {  	_ =	shalt  }
0x60: {  	_ =	shalt  }
0x61: {  	_ =	shalt  }
0x62: {  	_ =	shalt  }
0x63: {  	_ =	shalt  }
0x64: {  	_ =	shalt  }
0x65: {  	_ =	shalt  }
0x66: {  	_ =	shalt  }
0x67: {  	_ =	shalt  }
0x68: {  	_ =	shalt  }
0x69: {  	_ =	shalt  }
0x6a: {  	_ =	shalt  }
0x6b: {  	_ =	shalt  }
0x6c: {  	_ =	shalt  }
0x6d: {  	_ =	shalt  }
0x6e: {  	_ =	shalt  }
0x6f: {  	_ =	shalt  }
0x70: {  	_ =	shalt  }
0x71: {  	_ =	shalt  }
0x72: {  	_ =	shalt  }
0x73: {  	_ =	shalt  }
0x74: {  	_ =	shalt  }
0x75: {  	_ =	shalt  }
0x76: {  	_ =	shalt  }
0x77: {  	_ =	shalt  }
0x78: {  	_ =	shalt  }
0x79: {  	_ =	shalt  }
0x7a: {  	_ =	shalt  }
0x7b: {  	_ =	shalt  }
0x7c: {  	_ =	shalt  }
0x7d: {  	_ =	shalt  }
0x7e: {  	_ =	shalt  }
0x7f: {  	_ =	shalt  }
0x80: {  	_ =	shalt  }
0x81: {  	_ =	shalt  }
0x82: {  	_ =	shalt  }
0x83: {  	_ =	shalt  }
0x84: {  	_ =	shalt  }
0x85: {  	_ =	shalt  }
0x86: {  	_ =	shalt  }
0x87: {  	_ =	shalt  }
.Lfunc_end0:
.L_simem_size_0:
called_computation.2_lowered:
.L_overlay_start_0:
0x88: {  	s2 =	sld [smem:$0x3FD9]  }
0x89: {  	s3 =	sld [smem:$0x3FFE];
	_ =	sdelay $0x1  }
0x8a: {  	s1 =	srdreg.scid  }
0x8b: {  	s0 =	sand.u32 $0x1, s1  }
0x8c: {  	s15 =	sshll.u32 s0, $0xA;
	s2 =	sadd.s32 s3, s2  }
0x8d: {  	s2 =	sadd.s32 s2, s15  }
0x8e: {  	[smem:$0x3FC5] =	sst s2  }
0x8f: {  	_ = 	snop  }
0x90: {  	s16 =	sld [smem:$0x3FD0];
	_ =	sdelay $0x2  }
0x91: {  	s4 =	simm.s32 $0xB;
	s5 =	simm.s32 $0x10;
	s2 =	sld [smem:$0x3FC8]  }
0x92: {  	[smem:s5], [sflag:s4] =	dma.local [hbm:s16], $0x1  }
0x93: {  	_ =	swait.eq [sflag:s4], $0x1  }
0x94: {  	[sflag:s4] =	ssyncset.done $0x0  }
0x95: {  	[sflag:s4] =	ssyncadd.s32 $0xFFFFFFFF  }
0x96: {  	s17 =	sld [smem:$0x11];
	(tm) =	ssettm $0x1  }
0x97: {  	s18 =	sld [smem:$0x3FFB];
	_ =	sdelay $0x3  }
0x98: {  	_ =	strace s18  }
0x99: {  	s3 =	sld [smem:$0x3FFC];
	_ =	sdelay $0x3  }
0x9a: {  	_ =	strace s3  }
0x9b: {  	s3 =	sld [smem:$0x3FFD];
	_ =	sdelay $0x3  }
0x9c: {  	_ =	strace s3  }
0x9d: {  	_ =	strace $0x8FFFFFFF  }
0x9e: {  	s19 =	sld [smem:$0x3FDB];
	_ =	sdelay $0x1  }
0x9f: {  	s20 =	simm.s32 $_scs_section_size  }
0xa0: {  	s6 =	simm.s32 $_size__tile_overlayer_lowered;
	s7 =	simm.s32 $_tile_overlayer_lowered  }
0xa1: {  	s8 =	simm.s32 $0x1BFF;
	s21 =	sshll.u32 s7, $0x1;
	s5 =	sadd.s32 s20, s19  }
0xa2: {  	s22 =	simm.s32 $0x0;
	s6 =	sshll.u32 s6, $0x1;
	s7 =	sadd.s32 s21, s5  }
0xa3: {  	[timem:s22], [sflag:s8] =	dma.local [hbm:s7], s6  }
0xa4: {  	_ =	swait.ge [sflag:s8], s6  }
0xa5: {  	s6 =	ssub.s32 $0x0, s6;
	[sflag:s8] =	ssyncset.done $0x0  }
0xa6: {  	[sflag:s8] =	ssyncadd.s32 s6;
	_ =	sdelay $0x1  }
0xa7: {  	s23 =	simm.s32 $0x1B8B  }
0xa8: {  	_ =	swait.ge [sflag:s23], $0x1  }
0xa9: {  	[sflag:s23] =	ssyncset.done $0x0  }
0xaa: {  	[sflag:s23] =	ssyncadd.s32 $0xFFFFFFFF  }
0xab: {  	s6 =	sld [smem:$0x0]  }
0xac: {  	s7 =	sand.u32 $0xFFFFFFFE, s1  }
0xad: {  	p0 =	sne.s32 s1, s7  }
0xae: {  	s7 =	sshll.u32 @p0 s7, $0xE  }
0xaf: {  	s7 =	sadd.s32 @p0 $0x11B8D, s7;
	s8 =	sshll.u32 @p0 s6, $0x11  }
0xb0: {  	s7 =	sor.u32 @p0 s8, s7  }
0xb1: {  	[sflag:s7] =	ssyncadd.remote.s32 @p0 $0x1;
	_ =	sdelay $0x1  }
0xb2: {  	s7 =	simm.s32 @p0 $0x1B8D  }
0xb3: {  	_ =	swait.eq @p0 [sflag:s7], $0x1  }
0xb4: {  	[sflag:s7] =	ssyncadd.s32 @p0 $0xFFFFFFFF  }
0xb5: {  	s8 =	sshll.u32 @!p0 s1, $0xE  }
0xb6: {  	s8 =	sor.u32 @!p0 $0x4000, s8;
	s7 =	simm.s32 @!p0 $0x1B8D  }
0xb7: {  	s6 =	sshll.u32 @!p0 s6, $0x11;
	s8 =	sadd.s32 @!p0 $0x11B8D, s8;
	_ =	swait.eq @!p0 [sflag:s7], $0x1  }
0xb8: {  	s6 =	sor.u32 @!p0 s6, s8;
	[sflag:s7] =	ssyncadd.s32 @!p0 $0xFFFFFFFF  }
0xb9: {  	s25 =	simm.s32 $0x1B8E;
	s24 =	sld [smem:$0x3FFE];
	[sflag:s6] =	ssyncadd.remote.s32 @!p0 $0x1  }
0xba: {  	s26 =	simm.s32 $execute0_lowered;
	[smem:$0x3FD2] =	sst s25  }
0xbb: {  	s7 =	sshll.u32 s26, $0x1;
	_ =	strace $0x80000049;
	[dreg:$0x1] =	wrdreg $0xFFFFFFFF  }
0xbc: {  	s28 =	simm.s32 $_size_execute0_lowered;
	s5 =	sadd.s32 s5, s7;
	[dreg:$0x0] =	wrdreg $0x0  }
0xbd: {  	s7 =	sshll.u32 s28, $0x1;
	[dreg:$0x2] =	wrdreg s5  }
0xbe: {  	[dreg:$0x3] =	wrdreg s7  }
0xbf: {  	[dreg:$0x4] =	wrdreg $0xC0  }
0xc0: {  	_ =	task [dreg:s22], $0x5FFFF  }
0xc1: {  	[dreg:$0x1] =	wrdreg $0xFFFFFFFF  }
0xc2: {  	[dreg:$0x0] =	wrdreg $0x60  }
0xc3: {  	[dreg:$0x2] =	wrdreg s17  }
0xc4: {  	[dreg:$0x3] =	wrdreg s2  }
0xc5: {  	[dreg:$0x4] =	wrdreg s24  }
0xc6: {  	[dreg:$0x5] =	wrdreg $0xA  }
0xc7: {  	_ =	task.clear_ibuf [dreg:s22], $0x6FFFF;
	_ =	strace $0x90000049  }
0xc8: {  	s29 =	simm.s32 $0xA;
	_ =	strace $0x8000004B  }
0xc9: {  	_ =	swait.ge [sflag:s29], $0x1  }
0xca: {  	[sflag:s29] =	ssyncadd.s32 $0xFFFFFFFF  }
0xcb: {  	_ =	strace $0x9000004B  }
0xcc: {  	_ =	sfence  }
0xcd: {  	s30 =	sld [smem:$0x0];
	_ =	sdelay $0x2  }
0xce: {  	s31 =	sshll.u32 s1, $0xD;
	s1 =	sshrl.u32 s1, $0x2  }
0xcf: {  	s4 =	sand.u32 $0x4000, s31;
	s1 =	sadd.s32 s1, s30  }
0xd0: {  	s0 =	sor.u32 s4, s0;
	s1 =	sshll.u32 s1, $0x11  }
0xd1: {  	s0 =	sor.u32 s1, s0  }
0xd2: {  	s0 =	sadd.s32 $0x8F2B, s0  }
0xd3: {  	[sflag:s0] =	ssyncadd.remote.s32 $0x1  }
0xd4: {  	_ =	sfence.sel $0xFFFF  }
0xd5: {  	[dreg:$0x0] =	wrdreg $0xFFFFFFFF;
	(pc) =	sbr.abs _section_cstart, $3  }
0xd6: {  	[dreg:$0x1] =	wrdreg $0xFFFFFFFF  }
0xd7: {  	_ =	task.clear_ibuf [dreg:s22], $0x2FFFF;
	_ =	strace $0x9FFFFFFF  }
0xd8: {  	(tm) =	ssettm $0x7FFFFFFF  }
0xd9: {  	_ =	shalt  }
tec
execute0_lowered:
.L_overlay_start_1:
0x0: {  	(tag) =	ssettag $0x1  }
0x1: {  	s4 =	rddreg [dreg:$0x0]  }
0x2: {  	s6 =	rddreg [dreg:$0x1]  }
0x3: {  	s0 =	rddreg [dreg:$0x2]  }
0x4: {  	s1 =	srdreg.scid;
	s5 =	stileid.u32  }
0x5: {  	s7 =	simm.s32 $0x0;
	s11 =	simm.s32 $0xCA20;
	s12 =	simm.s32 $0xEA20  }
0x6: {  	s13 =	simm.s32 $0x10A20;
	s14 =	simm.s32 $0x12A20;
	s15 =	simm.s32 $0x14A20  }
0x7: {  	s16 =	simm.s32 $0x16A20;
	s17 =	simm.s32 $0x7A20;
	s1 =	sand.u32 $0x1, s1  }
0x8: {  	s2 =	sshll.u32 s5, $0x1;
	[smem:$0x7FF] =	sst s7;
	s3 =	sadd.s32 $0x201000, s0  }
0x9: {  	s20 =	sadd.s32 $0x301000, s0;
	s9 =	smul.u32 $0xF424, s5;
	s2 =	sor.u32 s1, s2  }
0xa: {  	_ =	strace $0x8000004A;
	s26 =	ssub.s32 $0x2, s1;
	s1 =	smul.u32 $0x7A12, s1  }
0xb: {  	[dreg:$0x4] =	wrdreg s3;
	s10 =	smul.u32 $0x1E8480, s2;
	s28 =	sshrl.u32 s26, $0x1  }
0xc: {  	[dreg:$0x5] =	wrdreg s20;
	s0 =	ssub.s32 s26, s28;
	s31 =	sadd.s32 s1, s9  }
.Ltmp0:
0xd: {  	s8 =	sshrl.u32 s10, $0x3;
	[dreg:$0xa] =	wrdreg s31;
	(pc) =	sbr.rel .LBB2_1-.Ltmp0, $4  }
0xe: {  	s0 =	smax.u32 s0, $0x1;
	[dreg:$0x6] =	wrdreg s10;
	s29 =	sadd.s32 $0x3D000, s8  }
0xf: {  	s2 =	smul.u32 $0x7A12, s2;
	[dreg:$0x9] =	wrdreg s0;
	s30 =	sadd.s32 s4, s29  }
0x10: {  	v1 =	vimm.s32 $0xFFFFFFFF;
	s18 =	simm.s32 $0x3;
	v2 =	vlaneseq.u32;
	s3 =	sadd.s32 s20, s29;
	[dreg:$0x7] =	wrdreg s30  }
0x11: {  	v3 =	vimm.s32 $0x0;
	vm0 =	vmmov $0x1;
	s19 =	simm.s32 $0x2;
	s21 =	simm.s32 $0x0;
	v0 =	vmov s2;
	[dreg:$0x8] =	wrdreg s3  }
.LBB2_26:
0x12: {  	p0 =	por $0x0, $0x0  }
0x13: {  	s0 =	simm.s32 @!p0 $0x0  }
0x14: {  	s0 =	simm.s32 @p0 $0x1  }
0x15: {  	p6 =	por p5, p5;
	[smem:$0x7FC] =	sst s0  }
.LBB2_31:
0x16: {  	s1 =	sld [smem:$0x7FC];
	_ =	sdelay $0x2  }
0x17: {  	p5 =	seq.s32 s1, $0x1  }
0x18: {  	p0 =	por p4, !p5  }
0x19: {  	[sflag:s0] =	ssyncadd.s32 @!p0 $0xFFFFE000;
	p0 =	por p1, !p5  }
0x1a: {  	s20 =	sadd.s32 $0xFFFFFFFA, s24;
	_ =	swait.ge @!p0 [sflag:s13], $0x2000  }
0x1b: {  	p2 =	por p2, !p5;
	p1 =	por p3, !p5;
	[sflag:s13] =	ssyncset.done @!p0 $0x0  }
0x1c: {  	s0 =	sshra.s32 @!p6 s23, $0x2;
	p3 =	sge.s32 s16, s22;
	[sflag:s13] =	ssyncadd.s32 @!p0 $0xFFFFE000  }
0x1d: {  	s3 =	sadd.s32 @!p6 $0x8A20, s0;
	s12 =	simm.s32 @!p3 $0x80;
	_ =	swait.ge @!p1 [sflag:s10], $0x2000  }
0x1e: {  	p0 =	por p6, p6;
	p6 =	sge.s32 s20, s22;
	[sflag:s10] =	ssyncset.done @!p1 $0x0  }
0x1f: {  	s1 =	simm.s32 @!p0 $0x80;
	s4 =	sshra.s32 @!p6 s23, $0x2;
	[sflag:s10] =	ssyncadd.s32 @!p1 $0xFFFFE000  }
0x20: {  	s5 =	simm.s32 @!p0 $0xCA20;
	s6 =	simm.s32 @!p0 $0x0;
	_ =	swait.ge @!p2 [sflag:s2], $0x2000  }
0x21: {  	s11 =	simm.s32 @!p6 $0x80;
	s6 =	simm.s32 @p0 $0x1;
	s21 =	sld [smem:$0x7FA]  }
0x22: {  	p1 =	sge.s32 s9, s22;
	s9 =	sshra.s32 @!p3 s23, $0x2;
	s10 =	simm.s32 @!p3 $0x10A20  }
0x23: {  	s7 =	simm.s32 @!p1 $0x0;
	s13 =	simm.s32 @!p1 $0x12A20;
	[smem:$0x7F5] =	sst s6  }
0x24: {  	[sflag:s2] =	ssyncset.done @!p2 $0x0;
	s7 =	simm.s32 @p1 $0x1;
	p4 =	seq.s32 s21, $0x1  }
0x25: {  	[sflag:s2] =	ssyncadd.s32 @!p2 $0xFFFFE000;
	[smem:$0x7F2] =	sst s7;
	p2 =	por p4, !p5  }
0x26: {  	s6 =	sadd.s32 @!p6 $0x8AA0, s4;
	s7 =	sshra.s32 @!p1 s23, $0x2;
	_ =	swait.ge @!p2 [sflag:s30], $0x2000  }
0x27: {  	s2 =	simm.s32 @!p6 $0xEA20;
	s8 =	sadd.s32 @!p1 $0x8BA0, s7;
	[sflag:s30] =	ssyncset.done @!p2 $0x0  }
0x28: {  	p4 =	sge.s32 s28, s22;
	s24 =	rddreg [dreg:$0x4];
	[sflag:s30] =	ssyncadd.s32 @!p2 $0xFFFFE000  }
0x29: {  	[tilespmem:s5], [sflag:$0x1] =	stream.indirect.gather @!p0 [hbm4b:s24+s1], $0x40, s3, s1, $0xb8;
	[tilespmem:$0x1CA20] =	vst v63  }
0x2a: {  	p5 =	sge.s32 s29, s22;
	s14 =	sshra.s32 @!p4 s23, $0x2;
	s15 =	simm.s32 @!p4 $0x14A20  }
0x2b: {  	[tilespmem:s2], [sflag:$0x1] =	stream.indirect.gather @!p6 [hbm4b:s24+s11], $0x40, s6, s11, $0xb8;
	[tilespmem:$0x1CA20] =	vst v63  }
0x2c: {  	s17 =	sshra.s32 @!p5 s23, $0x2;
	s20 =	simm.s32 @!p5 $0x80;
	s3 =	sadd.s32 @!p3 $0x8B20, s9  }
0x2d: {  	[tilespmem:s10], [sflag:$0x1] =	stream.indirect.gather @!p3 [hbm4b:s24+s12], $0x40, s3, s12, $0xb8;
	[tilespmem:$0x1CA20] =	vst v63  }
0x2e: {  	s16 =	sadd.s32 @!p4 $0x8C20, s14;
	p2 =	sge.s32 s31, s22;
	s3 =	simm.s32 @!p1 $0x80  }
0x2f: {  	[tilespmem:s13], [sflag:$0x1] =	stream.indirect.gather @!p1 [hbm4b:s24+s3], $0x40, s8, s3, $0xb8;
	[tilespmem:$0x1CA20] =	vst v63  }
0x30: {  	s22 =	sld [smem:$0x7FD];
	s6 =	sshra.s32 @!p2 s23, $0x2;
	s8 =	simm.s32 @!p4 $0x80  }
0x31: {  	[tilespmem:s15], [sflag:$0x1] =	stream.indirect.gather @!p4 [hbm4b:s24+s8], $0x40, s16, s8, $0xb8;
	[tilespmem:$0x1CA20] =	vst v63  }
0x32: {  	s18 =	simm.s32 @!p2 $0x80;
	s19 =	simm.s32 @!p2 $0x16A20;
	s16 =	sadd.s32 @!p2 $0x8CA0, s6  }
0x33: {  	[tilespmem:s19], [sflag:$0x1] =	stream.indirect.gather @!p2 [hbm4b:s24+s18], $0x40, s16, s18, $0xb8;
	[tilespmem:$0x1CA20] =	vst v63  }
0x34: {  	s21 =	simm.s32 @!p5 $0x18A20;
	p0 =	seq.s32 s22, $0x1;
	s16 =	sadd.s32 @!p5 $0x8D20, s17  }
0x35: {  	[tilespmem:s21], [sflag:$0x1] =	stream.indirect.gather @!p5 [hbm4b:s24+s20], $0x40, s16, s20, $0xb8;
	[tilespmem:$0x1CA20] =	vst v63  }
0x36: {  	s16 =	simm.s32 @!p0 $0x0  }
0x37: {  	p1 =	por p0, p0;
	s16 =	simm.s32 @p0 $0x1  }
0x38: {  	[smem:$0x7FD] =	sst s16;
	s16 =	simm.s32 @!p1 $0x0  }
0x39: {  	s16 =	simm.s32 @p1 $0x1  }
0x3a: {  	[smem:$0x7F3] =	sst s16  }
0x3b: {  	s23 =	sld [smem:$0x7F3];
	_ =	sdelay $0x2  }
0x3c: {  	s16 =	sadd.s32 @!p0 $0x8DA0, s26;
	p0 =	seq.s32 s23, $0x1  }
0x3d: {  	s22 =	simm.s32 @!p0 $0x80;
	s23 =	simm.s32 @!p0 $0x1AA20  }
0x3e: {  	[tilespmem:s23], [sflag:$0x1] =	stream.indirect.gather @!p0 [hbm4b:s24+s22], $0x40, s16, s22, $0xb8;
	[tilespmem:$0x1CA20] =	vst v63  }
0x3f: {  	s24 =	sld [smem:$0x7F5];
	_ =	sdelay $0x2  }
0x40: {  	p0 =	seq.s32 s24, $0x1  }
0x41: {  	s16 =	simm.s32 @!p0 $0x1  }
0x42: {  	_ =	swait.ge @!p0 [sflag:s16], $0x2000  }
0x43: {  	[sflag:s16] =	ssyncset.done @!p0 $0x0  }
0x44: {  	s0 =	sadd.s32 @!p0 $0xAA20, s0;
	[sflag:s16] =	ssyncadd.s32 @!p0 $0xFFFFE000;
	s16 =	rddreg [dreg:$0x5]  }
0x45: {  	[hbm4b:s16+s1] =	stream.indirect.scatter @!p0 [tilespmem:s5], [sflag:$0x2], $0x40, s0, s1, $0xb8;
	[tilespmem:$0x1CA20] =	vst v63  }
0x46: {  	s0 =	simm.s32 @!p6 $0x0  }
0x47: {  	s0 =	simm.s32 @p6 $0x1  }
0x48: {  	[smem:$0x7F4] =	sst s0;
	s0 =	simm.s32 @!p6 $0x1  }
0x49: {  	_ =	swait.ge @!p6 [sflag:s0], $0x2000  }
0x4a: {  	[sflag:s0] =	ssyncset.done @!p6 $0x0  }
0x4b: {  	[sflag:s0] =	ssyncadd.s32 @!p6 $0xFFFFE000;
	s0 =	sadd.s32 @!p6 $0xAAA0, s4  }
0x4c: {  	[hbm4b:s16+s11] =	stream.indirect.scatter @!p6 [tilespmem:s2], [sflag:$0x2], $0x40, s0, s11, $0xb8;
	[tilespmem:$0x1CA20] =	vst v63  }
0x4d: {  	s0 =	simm.s32 @!p3 $0x1  }
0x4e: {  	_ =	swait.ge @!p3 [sflag:s0], $0x2000  }
0x4f: {  	[sflag:s0] =	ssyncset.done @!p3 $0x0;
	s25 =	sld [smem:$0x7F2]  }
0x50: {  	[sflag:s0] =	ssyncadd.s32 @!p3 $0xFFFFE000;
	s0 =	sadd.s32 @!p3 $0xAB20, s9  }
0x51: {  	[hbm4b:s16+s12] =	stream.indirect.scatter @!p3 [tilespmem:s10], [sflag:$0x2], $0x40, s0, s12, $0xb8;
	[tilespmem:$0x1CA20] =	vst v63  }
0x52: {  	p1 =	seq.s32 s25, $0x1  }
0x53: {  	s0 =	simm.s32 @!p1 $0x1  }
0x54: {  	_ =	swait.ge @!p1 [sflag:s0], $0x2000  }
0x55: {  	[sflag:s0] =	ssyncset.done @!p1 $0x0  }
0x56: {  	[sflag:s0] =	ssyncadd.s32 @!p1 $0xFFFFE000;
	s0 =	sadd.s32 @!p1 $0xABA0, s7  }
0x57: {  	[hbm4b:s16+s3] =	stream.indirect.scatter @!p1 [tilespmem:s13], [sflag:$0x2], $0x40, s0, s3, $0xb8;
	[tilespmem:$0x1CA20] =	vst v63  }
0x58: {  	s0 =	simm.s32 @!p4 $0x1  }
0x59: {  	_ =	swait.ge @!p4 [sflag:s0], $0x2000  }
0x5a: {  	[sflag:s0] =	ssyncset.done @!p4 $0x0  }
0x5b: {  	[sflag:s0] =	ssyncadd.s32 @!p4 $0xFFFFE000;
	s0 =	sadd.s32 @!p4 $0xAC20, s14  }
0x5c: {  	[hbm4b:s16+s8] =	stream.indirect.scatter @!p4 [tilespmem:s15], [sflag:$0x2], $0x40, s0, s8, $0xb8;
	[tilespmem:$0x1CA20] =	vst v63  }
0x5d: {  	s0 =	simm.s32 @!p2 $0x1  }
0x5e: {  	_ =	swait.ge @!p2 [sflag:s0], $0x2000  }
0x5f: {  	[sflag:s0] =	ssyncset.done @!p2 $0x0  }
0x60: {  	[sflag:s0] =	ssyncadd.s32 @!p2 $0xFFFFE000;
	s0 =	sadd.s32 @!p2 $0xACA0, s6  }
0x61: {  	[hbm4b:s16+s18] =	stream.indirect.scatter @!p2 [tilespmem:s19], [sflag:$0x2], $0x40, s0, s18, $0xb8;
	[tilespmem:$0x1CA20] =	vst v63  }
0x62: {  	s0 =	simm.s32 @!p5 $0x1  }
0x63: {  	_ =	swait.ge @!p5 [sflag:s0], $0x2000  }
0x64: {  	[sflag:s0] =	ssyncset.done @!p5 $0x0;
	s28 =	sld [smem:$0x7F3]  }
0x65: {  	[sflag:s0] =	ssyncadd.s32 @!p5 $0xFFFFE000;
	s0 =	sadd.s32 @!p5 $0xAD20, s17  }
0x66: {  	[hbm4b:s16+s20] =	stream.indirect.scatter @!p5 [tilespmem:s21], [sflag:$0x2], $0x40, s0, s20, $0xb8;
	[tilespmem:$0x1CA20] =	vst v63  }
0x67: {  	p0 =	seq.s32 s28, $0x1  }
0x68: {  	s0 =	simm.s32 @!p0 $0x1  }
0x69: {  	_ =	swait.ge @!p0 [sflag:s0], $0x2000  }
0x6a: {  	s29 =	sld [smem:$0x7FD];
	_ =	sdelay $0x2  }
0x6b: {  	[sflag:s0] =	ssyncset.done @!p0 $0x0;
	s30 =	sld [smem:$0x7F5];
	p6 =	seq.s32 s29, $0x1  }
0x6c: {  	[sflag:s0] =	ssyncadd.s32 @!p0 $0xFFFFE000;
	s1 =	sadd.s32 @!p6 $0xADA0, s26  }
0x6d: {  	[hbm4b:s16+s22] =	stream.indirect.scatter @!p0 [tilespmem:s23], [sflag:$0x2], $0x40, s1, s22, $0xb8;
	[tilespmem:$0x1CA20] =	vst v63  }
0x6e: {  	p6 =	por p0, p0;
	p0 =	seq.s32 s30, $0x1  }
0x6f: {  	s0 =	simm.s32 @!p0 $0x2  }
0x70: {  	_ =	swait.ge @!p0 [sflag:s0], $0x2000  }
0x71: {  	s31 =	sld [smem:$0x7F4];
	_ =	sdelay $0x1  }
0x72: {  	[sflag:s0] =	ssyncset.done @!p0 $0x0  }
0x73: {  	[sflag:s0] =	ssyncadd.s32 @!p0 $0xFFFFE000;
	p0 =	seq.s32 s31, $0x1  }
0x74: {  	s0 =	simm.s32 @!p0 $0x2  }
0x75: {  	_ =	swait.ge @!p0 [sflag:s0], $0x2000  }
0x76: {  	[sflag:s0] =	ssyncset.done @!p0 $0x0  }
0x77: {  	[sflag:s0] =	ssyncadd.s32 @!p0 $0xFFFFE000;
	s0 =	simm.s32 @!p3 $0x2  }
0x78: {  	_ =	swait.ge @!p3 [sflag:s0], $0x2000  }
0x79: {  	[sflag:s0] =	ssyncset.done @!p3 $0x0  }
0x7a: {  	[sflag:s0] =	ssyncadd.s32 @!p3 $0xFFFFE000;
	s0 =	simm.s32 @!p1 $0x2  }
0x7b: {  	_ =	swait.ge @!p1 [sflag:s0], $0x2000  }
0x7c: {  	[sflag:s0] =	ssyncset.done @!p1 $0x0  }
0x7d: {  	[sflag:s0] =	ssyncadd.s32 @!p1 $0xFFFFE000;
	s0 =	simm.s32 @!p4 $0x2  }
0x7e: {  	_ =	swait.ge @!p4 [sflag:s0], $0x2000  }
0x7f: {  	[sflag:s0] =	ssyncset.done @!p4 $0x0  }
0x80: {  	[sflag:s0] =	ssyncadd.s32 @!p4 $0xFFFFE000;
	s0 =	simm.s32 @!p2 $0x2  }
0x81: {  	_ =	swait.ge @!p2 [sflag:s0], $0x2000  }
0x82: {  	[sflag:s0] =	ssyncset.done @!p2 $0x0  }
0x83: {  	[sflag:s0] =	ssyncadd.s32 @!p2 $0xFFFFE000;
	s0 =	simm.s32 @!p5 $0x2  }
0x84: {  	_ =	swait.ge @!p5 [sflag:s0], $0x2000  }
0x85: {  	s11 =	simm.s32 $0xCA20;
	s12 =	simm.s32 $0xEA20;
	[sflag:s0] =	ssyncset.done @!p5 $0x0  }
0x86: {  	s7 =	simm.s32 $0x0;
	[sflag:s0] =	ssyncadd.s32 @!p5 $0xFFFFE000;
	s0 =	simm.s32 @!p6 $0x2  }
0x87: {  	s13 =	simm.s32 $0x10A20;
	s14 =	simm.s32 $0x12A20;
	_ =	swait.ge @!p6 [sflag:s0], $0x2000  }
0x88: {  	s15 =	simm.s32 $0x14A20;
	[sflag:s0] =	ssyncset.done @!p6 $0x0;
	s10 =	rddreg [dreg:$0x6]  }
0x89: {  	s18 =	simm.s32 $0x3;
	s21 =	rddreg [dreg:$0xb];
	[sflag:s0] =	ssyncadd.s32 @!p6 $0xFFFFE000  }
0x8a: {  	s19 =	simm.s32 $0x2;
	s17 =	simm.s32 $0x7A20;
	s4 =	rddreg [dreg:$0x0]  }
0x8b: {  	s20 =	smov.u32 s16;
	s16 =	simm.s32 $0x16A20;
	s6 =	rddreg [dreg:$0x1]  }
.LBB2_32:
0x8c: {  	s21 =	sadd.s32 $0x1, s21;
	s0 =	rddreg [dreg:$0x9]  }
0x8d: {  	p0 =	sne.s32 s21, s0  }
.Ltmp1:
0x8e: {  	_ = 	snop;
	(pc) =	sbr.rel @!p0 .LBB2_33-.Ltmp1, $1  }
0x8f: {  	_ =	sdelay $0x3  }
.LBB2_1:
0x90: {  	s0 =	simm.s32 $0x0  }
.LBB2_2:
0x91: {  	p0 =	sne.s32 s0, $0x1E840  }
.Ltmp2:
0x92: {  	_ = 	snop;
	(pc) =	sbr.rel @p0 .LBB2_2-.Ltmp2, $3  }
0x93: {  	_ =	sdelay $0x1  }
0x94: {  	s1 =	sshra.s32 s0, $0x2  }
0x95: {  	s0 =	sadd.s32 $0x40, s0;
	[tilespmem:s1+$0x0] =	vst v1  }
0x96: {  	s22 =	simm.s32 $0x0;
	s23 =	simm.s32 $0x0  }
.LBB2_4:
0x97: {  	p0 =	seq.s32 s23, $0x0  }
.Ltmp3:
0x98: {  	_ = 	snop;
	(pc) =	sbr.rel @p0 .LBB2_8-.Ltmp3, $1  }
0x99: {  	_ =	sdelay $0x3  }
0x9a: {  	_ =	swait.ge [sflag:s19], $0x2000  }
0x9b: {  	[sflag:s19] =	ssyncset.done $0x0  }
0x9c: {  	[sflag:s19] =	ssyncadd.s32 $0xFFFFE000  }
0x9d: {  	_ =	swait.ge [sflag:s19], $0x2000  }
0x9e: {  	[sflag:s19] =	ssyncset.done $0x0  }
0x9f: {  	[sflag:s19] =	ssyncadd.s32 $0xFFFFE000  }
0xa0: {  	p0 =	seq.s32 s23, $0x1F;
	_ =	swait.ge [sflag:s19], $0x2000  }
.Ltmp4:
0xa1: {  	[sflag:s19] =	ssyncset.done $0x0;
	(pc) =	sbr.rel @!p0 .LBB2_7-.Ltmp4, $4  }
0xa2: {  	[sflag:s19] =	ssyncadd.s32 $0xFFFFE000  }
0xa3: {  	_ =	swait.ge [sflag:s19], $0x2000  }
0xa4: {  	[sflag:s19] =	ssyncset.done $0x0  }
0xa5: {  	[sflag:s19] =	ssyncadd.s32 $0xFFFFE000  }
.Ltmp5:
0xa6: {  	(pc) =	sbr.rel .LBB2_10-.Ltmp5, $3  }
0xa7: {  	_ =	sdelay $0x1  }
0xa8: {  	s25 =	simm.s32 $0xFB;
	s29 =	simm.s32 $0xF9;
	s0 =	simm.s32 $0xF8  }
0xa9: {  	p3 =	por $0x1, $0x1;
	s28 =	simm.s32 $0xFA;
	s24 =	simm.s32 $0xFC  }
.LBB2_7:
0xaa: {  	_ =	swait.ge [sflag:s19], $0x2000  }
0xab: {  	[sflag:s19] =	ssyncset.done $0x0  }
0xac: {  	[sflag:s19] =	ssyncadd.s32 $0xFFFFE000  }
0xad: {  	_ =	swait.ge [sflag:s19], $0x2000  }
0xae: {  	[sflag:s19] =	ssyncset.done $0x0  }
0xaf: {  	[sflag:s19] =	ssyncadd.s32 $0xFFFFE000  }
0xb0: {  	_ =	swait.ge [sflag:s19], $0x2000  }
0xb1: {  	[sflag:s19] =	ssyncset.done $0x0  }
0xb2: {  	[sflag:s19] =	ssyncadd.s32 $0xFFFFE000  }
0xb3: {  	_ =	swait.ge [sflag:s19], $0x2000  }
0xb4: {  	[sflag:s19] =	ssyncset.done $0x0  }
0xb5: {  	[sflag:s19] =	ssyncadd.s32 $0xFFFFE000  }
.LBB2_8:
0xb6: {  	s0 =	sshll.u32 s23, $0x10  }
0xb7: {  	s0 =	sadd.s32 s10, s0  }
0xb8: {  	s1 =	sshrl.u32 s0, $0x3;
	s0 =	sshll.u32 s23, $0x3  }
0xb9: {  	s1 =	sadd.s32 s4, s1;
	s29 =	sor.u32 $0x1, s0  }
0xba: {  	[tilespmem:s11], [sflag:$0x1] =	stream.linear.gather [hbm4b:s1+s7], $0x2000, $0x38;
	[tilespmem:$0x1CA20] =	vst v63  }
0xbb: {  	s26 =	sshll.u32 s29, $0xD  }
0xbc: {  	s1 =	sadd.s32 s10, s26  }
0xbd: {  	s28 =	sor.u32 $0x2, s0;
	s1 =	sshrl.u32 s1, $0x3  }
0xbe: {  	s30 =	sshll.u32 s28, $0xD;
	s1 =	sadd.s32 s4, s1  }
0xbf: {  	[tilespmem:s12], [sflag:$0x1] =	stream.linear.gather [hbm4b:s1+s7], $0x2000, $0x38;
	[tilespmem:$0x1CA20] =	vst v63  }
0xc0: {  	s1 =	sadd.s32 s10, s30  }
0xc1: {  	s24 =	sor.u32 $0x4, s0;
	s1 =	sshrl.u32 s1, $0x3  }
0xc2: {  	s25 =	sor.u32 $0x3, s0;
	p0 =	slt.u32 s24, $0xF4;
	s1 =	sadd.s32 s4, s1  }
0xc3: {  	[tilespmem:s13], [sflag:$0x1] =	stream.linear.gather [hbm4b:s1+s7], $0x2000, $0x38;
	[tilespmem:$0x1CA20] =	vst v63  }
.Ltmp6:
0xc4: {  	s31 =	sshll.u32 s25, $0xD;
	(pc) =	sbr.rel @!p0 .LBB2_9-.Ltmp6, $4  }
0xc5: {  	s1 =	sadd.s32 s10, s31  }
0xc6: {  	s1 =	sshrl.u32 s1, $0x3  }
0xc7: {  	s1 =	sadd.s32 s4, s1  }
0xc8: {  	[tilespmem:s14], [sflag:$0x1] =	stream.linear.gather [hbm4b:s1+s7], $0x2000, $0x38;
	[tilespmem:$0x1CA20] =	vst v63  }
0xc9: {  	s1 =	sshll.u32 s24, $0xD  }
0xca: {  	s1 =	sadd.s32 s10, s1  }
0xcb: {  	s1 =	sshrl.u32 s1, $0x3  }
0xcc: {  	s26 =	sor.u32 $0x5, s0;
	s1 =	sadd.s32 s4, s1  }
0xcd: {  	[tilespmem:s15], [sflag:$0x1] =	stream.linear.gather [hbm4b:s1+s7], $0x2000, $0x38;
	[tilespmem:$0x1CA20] =	vst v63  }
.Ltmp7:
0xce: {  	s31 =	sshll.u32 s26, $0xD;
	(pc) =	sbr.rel .LBB2_12-.Ltmp7, $4  }
0xcf: {  	s1 =	sadd.s32 s10, s31  }
0xd0: {  	s1 =	sshrl.u32 s1, $0x3  }
0xd1: {  	p2 =	por $0x1, $0x1;
	p3 =	por $0x0, $0x0;
	s1 =	sadd.s32 s4, s1  }
0xd2: {  	[tilespmem:s16], [sflag:$0x1] =	stream.linear.gather [hbm4b:s1+s7], $0x2000, $0x38;
	[tilespmem:$0x1CA20] =	vst v63  }
.LBB2_9:
0xd3: {  	s0 =	simm.s32 $0xF0;
	p3 =	por $0x0, $0x0  }
.LBB2_10:
0xd4: {  	s26 =	sor.u32 $0x5, s0;
	p2 =	por $0x0, $0x0  }
.LBB2_12:
0xd5: {  	s1 =	sor.u32 $0x6, s0  }
0xd6: {  	s0 =	sor.u32 $0x7, s0;
	p0 =	sgt.u32 s1, $0xF3  }
0xd7: {  	p1 =	sgt.u32 s0, $0xF3;
	s1 =	sshll.u32 @!p0 s1, $0xD  }
0xd8: {  	s8 =	sshll.u32 s23, $0x9;
	s0 =	sshll.u32 @!p1 s0, $0xD;
	s1 =	sadd.s32 @!p0 s10, s1  }
0xd9: {  	s2 =	simm.s32 @!p0 $0x0;
	s0 =	sadd.s32 @!p1 s10, s0;
	s30 =	sshrl.u32 @!p0 s1, $0x3  }
0xda: {  	s3 =	simm.s32 @!p0 $0x18A20;
	s31 =	sshrl.u32 @!p1 s0, $0x3;
	s1 =	sadd.s32 @!p0 s4, s30  }
0xdb: {  	[tilespmem:s3], [sflag:$0x1] =	stream.linear.gather @!p0 [hbm4b:s1+s2], $0x2000, $0x38;
	[tilespmem:$0x1CA20] =	vst v63  }
0xdc: {  	s0 =	sadd.s32 @!p1 s4, s31;
	s1 =	simm.s32 @!p1 $0x0;
	s2 =	simm.s32 @!p1 $0x1AA20  }
0xdd: {  	[tilespmem:s2], [sflag:$0x1] =	stream.linear.gather @!p1 [hbm4b:s0+s1], $0x2000, $0x38;
	[tilespmem:$0x1CA20] =	vst v63  }
0xde: {  	s9 =	sadd.s32 s6, s8;
	s0 =	simm.s32 $0x0  }
0xdf: {  	[tilespmem:s17], [sflag:$0x3] =	stream.linear.gather [hbm4b:s9+s0], $0x1000, $0x38;
	[tilespmem:$0x1CA20] =	vst v63  }
0xe0: {  	_ =	swait.ge [sflag:s18], $0x1000  }
0xe1: {  	[sflag:s18] =	ssyncset.done $0x0  }
0xe2: {  	s1 =	simm.s32 $0x7A40;
	[sflag:s18] =	ssyncadd.s32 $0xFFFFF000  }
.LBB2_13:
0xe3: {  	v4 =	vld [tilespmem:s1+$0xFFFFFFE0];
	_ =	sdelay $0x4  }
0xe4: {  	v5 =	vsub.s32 v4, v0  }
0xe5: {  	vm1 =	vlt.u32 v5, $0x7A12  }
0xe6: {  	(xrf1) =	vunique.msk.u32 vm1, v4;
	_ =	sdelay $0xd  }
0xe7: {  	_, v4, vm2 =	vpop (xrf1)  }
0xe8: {  	vm1 =	vmand vm1, vm2;
	_ =	sdelay $0x3  }
0xe9: {  	s2 =	sadd.s32 s0, s22  }
0xea: {  	v4 =	vor.u32 s2, v2  }
0xeb: {  	[tilespmem:v5+s7+$0x0] =	vst.idx.msk vm1, v4  }
0xec: {  	v4 =	vld [tilespmem:s1+$0xFFFFFFF0];
	_ =	sdelay $0x4  }
0xed: {  	v5 =	vsub.s32 v4, v0  }
0xee: {  	vm1 =	vlt.u32 v5, $0x7A12  }
0xef: {  	(xrf1) =	vunique.msk.u32 vm1, v4;
	_ =	sdelay $0xd  }
0xf0: {  	_, v4, vm2 =	vpop (xrf1)  }
0xf1: {  	vm1 =	vmand vm1, vm2;
	_ =	sdelay $0x3  }
0xf2: {  	s3 =	sadd.s32 $0x10, s2  }
0xf3: {  	v4 =	vor.u32 s3, v2  }
0xf4: {  	[tilespmem:v5+s7+$0x0] =	vst.idx.msk vm1, v4  }
0xf5: {  	v4 =	vld [tilespmem:s1+$0x0];
	_ =	sdelay $0x4  }
0xf6: {  	v5 =	vsub.s32 v4, v0  }
0xf7: {  	vm1 =	vlt.u32 v5, $0x7A12  }
0xf8: {  	(xrf1) =	vunique.msk.u32 vm1, v4;
	_ =	sdelay $0xd  }
0xf9: {  	_, v4, vm2 =	vpop (xrf1)  }
0xfa: {  	vm1 =	vmand vm1, vm2;
	_ =	sdelay $0x3  }
0xfb: {  	s9 =	sadd.s32 $0x20, s2  }
0xfc: {  	v4 =	vor.u32 s9, v2  }
0xfd: {  	[tilespmem:v5+s7+$0x0] =	vst.idx.msk vm1, v4  }
0xfe: {  	v4 =	vld [tilespmem:s1+$0x10];
	_ =	sdelay $0x4  }
0xff: {  	v5 =	vsub.s32 v4, v0  }
0x100: {  	vm1 =	vlt.u32 v5, $0x7A12  }
0x101: {  	(xrf1) =	vunique.msk.u32 vm1, v4;
	_ =	sdelay $0xd  }
0x102: {  	_, v4, vm2 =	vpop (xrf1)  }
0x103: {  	vm1 =	vmand vm1, vm2  }
0x104: {  	p4 =	sne.s32 s0, $0xFC0  }
.Ltmp8:
0x105: {  	_ = 	snop;
	(pc) =	sbr.rel @p4 .LBB2_13-.Ltmp8, $4  }
0x106: {  	_ = 	snop  }
0x107: {  	s2 =	sadd.s32 $0x30, s2  }
0x108: {  	v4 =	vor.u32 s2, v2  }
0x109: {  	s0 =	sadd.s32 $0x40, s0;
	s1 =	sadd.s32 $0x40, s1;
	[tilespmem:v5+s7+$0x0] =	vst.idx.msk vm1, v4  }
0x10a: {  	s0 =	simm.s32 @!p3 $0x1;
	s1 =	sshll.u32 @!p3 s23, $0x10  }
0x10b: {  	_ =	swait.ge @!p3 [sflag:s0], $0x2000;
	s1 =	sadd.s32 @!p3 s10, s1  }
0x10c: {  	s2 =	simm.s32 @!p3 $0x0;
	[sflag:s0] =	ssyncset.done @!p3 $0x0;
	s1 =	sshrl.u32 @!p3 s1, $0x3  }
0x10d: {  	s3 =	simm.s32 @!p3 $0xCA20;
	[sflag:s0] =	ssyncadd.s32 @!p3 $0xFFFFE000;
	s1 =	sadd.s32 @!p3 s20, s1  }
0x10e: {  	[hbm4b:s1+s2] =	stream.linear.scatter @!p3 [tilespmem:s3], [sflag:$0x2], $0x2000, $0x38;
	[tilespmem:$0x1CA20] =	vst v63  }
0x10f: {  	s1 =	sshll.u32 @!p3 s29, $0xD  }
0x110: {  	_ =	swait.ge @!p3 [sflag:s0], $0x2000;
	s1 =	sadd.s32 @!p3 s10, s1  }
0x111: {  	[sflag:s0] =	ssyncset.done @!p3 $0x0;
	s1 =	sshrl.u32 @!p3 s1, $0x3  }
0x112: {  	s3 =	simm.s32 @!p3 $0xEA20;
	[sflag:s0] =	ssyncadd.s32 @!p3 $0xFFFFE000;
	s1 =	sadd.s32 @!p3 s20, s1  }
0x113: {  	[hbm4b:s1+s2] =	stream.linear.scatter @!p3 [tilespmem:s3], [sflag:$0x2], $0x2000, $0x38;
	[tilespmem:$0x1CA20] =	vst v63  }
0x114: {  	s1 =	sshll.u32 @!p3 s28, $0xD  }
0x115: {  	_ =	swait.ge @!p3 [sflag:s0], $0x2000;
	s1 =	sadd.s32 @!p3 s10, s1  }
0x116: {  	[sflag:s0] =	ssyncset.done @!p3 $0x0;
	s1 =	sshrl.u32 @!p3 s1, $0x3  }
0x117: {  	s3 =	simm.s32 @!p3 $0x10A20;
	[sflag:s0] =	ssyncadd.s32 @!p3 $0xFFFFE000;
	s1 =	sadd.s32 @!p3 s20, s1  }
0x118: {  	[hbm4b:s1+s2] =	stream.linear.scatter @!p3 [tilespmem:s3], [sflag:$0x2], $0x2000, $0x38;
	[tilespmem:$0x1CA20] =	vst v63  }
0x119: {  	s1 =	sshll.u32 @!p3 s25, $0xD  }
0x11a: {  	_ =	swait.ge @!p3 [sflag:s0], $0x2000;
	s1 =	sadd.s32 @!p3 s10, s1  }
0x11b: {  	[sflag:s0] =	ssyncset.done @!p3 $0x0;
	s1 =	sshrl.u32 @!p3 s1, $0x3  }
0x11c: {  	[sflag:s0] =	ssyncadd.s32 @!p3 $0xFFFFE000;
	s0 =	sadd.s32 @!p3 s20, s1;
	s1 =	simm.s32 @!p3 $0x12A20  }
0x11d: {  	[hbm4b:s0+s2] =	stream.linear.scatter @!p3 [tilespmem:s1], [sflag:$0x2], $0x2000, $0x38;
	[tilespmem:$0x1CA20] =	vst v63  }
0x11e: {  	s0 =	simm.s32 @p2 $0x1;
	s1 =	sshll.u32 @p2 s24, $0xD  }
0x11f: {  	_ =	swait.ge @p2 [sflag:s0], $0x2000;
	s1 =	sadd.s32 @p2 s10, s1  }
0x120: {  	s3 =	simm.s32 @p2 $0x14A20;
	[sflag:s0] =	ssyncset.done @p2 $0x0;
	s1 =	sshrl.u32 @p2 s1, $0x3  }
0x121: {  	s2 =	simm.s32 @p2 $0x0;
	[sflag:s0] =	ssyncadd.s32 @p2 $0xFFFFE000;
	s1 =	sadd.s32 @p2 s20, s1  }
0x122: {  	[hbm4b:s1+s2] =	stream.linear.scatter @p2 [tilespmem:s3], [sflag:$0x2], $0x2000, $0x38;
	[tilespmem:$0x1CA20] =	vst v63  }
0x123: {  	s1 =	sshll.u32 @p2 s26, $0xD  }
0x124: {  	_ =	swait.ge @p2 [sflag:s0], $0x2000;
	s1 =	sadd.s32 @p2 s10, s1  }
0x125: {  	[sflag:s0] =	ssyncset.done @p2 $0x0;
	s1 =	sshrl.u32 @p2 s1, $0x3  }
0x126: {  	[sflag:s0] =	ssyncadd.s32 @p2 $0xFFFFE000;
	s0 =	sadd.s32 @p2 s20, s1;
	s1 =	simm.s32 @p2 $0x16A20  }
0x127: {  	[hbm4b:s0+s2] =	stream.linear.scatter @p2 [tilespmem:s1], [sflag:$0x2], $0x2000, $0x38;
	[tilespmem:$0x1CA20] =	vst v63  }
0x128: {  	s0 =	simm.s32 @!p0 $0x1  }
0x129: {  	_ =	swait.ge @!p0 [sflag:s0], $0x2000  }
0x12a: {  	s23 =	sadd.s32 $0x1, s23;
	s1 =	simm.s32 @!p0 $0x0;
	[sflag:s0] =	ssyncset.done @!p0 $0x0  }
0x12b: {  	s2 =	simm.s32 @!p0 $0x18A20;
	[sflag:s0] =	ssyncadd.s32 @!p0 $0xFFFFE000;
	s0 =	sadd.s32 @!p0 s20, s30  }
0x12c: {  	[hbm4b:s0+s1] =	stream.linear.scatter @!p0 [tilespmem:s2], [sflag:$0x2], $0x2000, $0x38;
	[tilespmem:$0x1CA20] =	vst v63  }
0x12d: {  	p0 =	sne.s32 s23, $0x20  }
.Ltmp9:
0x12e: {  	s0 =	simm.s32 @!p1 $0x1;
	(pc) =	sbr.rel @p0 .LBB2_4-.Ltmp9, $4  }
0x12f: {  	_ =	swait.ge @!p1 [sflag:s0], $0x2000  }
0x130: {  	s22 =	sadd.s32 $0x1000, s22;
	s1 =	simm.s32 @!p1 $0x0;
	[sflag:s0] =	ssyncset.done @!p1 $0x0  }
0x131: {  	s2 =	simm.s32 @!p1 $0x1AA20;
	[sflag:s0] =	ssyncadd.s32 @!p1 $0xFFFFE000;
	s0 =	sadd.s32 @!p1 s20, s31  }
0x132: {  	[hbm4b:s0+s1] =	stream.linear.scatter @!p1 [tilespmem:s2], [sflag:$0x2], $0x2000, $0x38;
	[tilespmem:$0x1CA20] =	vst v63  }
0x133: {  	s0 =	simm.s32 $0x0;
	s1 =	rddreg [dreg:$0x7]  }
0x134: {  	[tilespmem:s11], [sflag:$0x3] =	stream.linear.gather [hbm4b:s1+s0], $0x480, $0x38;
	[tilespmem:$0x1CA20] =	vst v63  }
0x135: {  	_ =	swait.ge [sflag:s18], $0x480  }
0x136: {  	[sflag:s18] =	ssyncset.done $0x0  }
0x137: {  	s30 =	rddreg [dreg:$0x8];
	[sflag:s18] =	ssyncadd.s32 $0xFFFFFB80  }
0x138: {  	[hbm4b:s30+s0] =	stream.linear.scatter [tilespmem:s11], [sflag:$0x3], $0x480, $0x38;
	[tilespmem:$0x1CA20] =	vst v63  }
0x139: {  	_ =	swait.ge [sflag:s18], $0x480  }
0x13a: {  	[sflag:s18] =	ssyncset.done $0x0  }
0x13b: {  	s31 =	simm.s32 $0x0;
	[sflag:s18] =	ssyncadd.s32 $0xFFFFFB80  }
0x13c: {  	v4 =	vld [tilespmem:s31+$0x0];
	_ =	sdelay $0x4  }
0x13d: {  	vm1 =	vgt.s32 v4, $0xFFFFFFFF  }
0x13e: {  	v5 =	vsel vm1, $0x1, v3  }
0x13f: {  	(xrf0) =	vadd.scan.msk.s32 $0xffff, v5;
	_ =	sdelay $0x5  }
0x140: {  	v5, _, _ =	vpop (xrf0)  }
0x141: {  	p0 =	por $0x1, $0x1;
	s1 =	simm.s32 $0x0;
	(v2sf) =	vpush v5, $0xF  }
0x142: {  	s1 =	simm.s32 @!p0 $0x1FF0;
	s5 =	rddreg [dreg:$0xa]  }
0x143: {  	[tilespmem:s1+$0x8A20] =	vst.msk vm1, v4;
	v4 =	vadd.s32 s5, v2  }
0x144: {  	s3 =	simm.s32 $0x10;
	s2 =	simm.s32 $0x80;
	[tilespmem:s1+$0xAA20] =	vst.msk vm1, v4;
	s1 =	smov.u32 s5  }
.LBB2_16:
0x145: {  	p0 =	sne.s32 s2, $0x1E840;
	v4 =	vld [tilespmem:s3+$0x0];
	_ =	sdelay $0x4  }
0x146: {  	vm1 =	vgt.s32 v4, $0xFFFFFFFF  }
0x147: {  	v5 =	vsel vm1, $0x1, v3  }
0x148: {  	(xrf0) =	vadd.scan.msk.s32 $0xffff, v5;
	_ =	sdelay $0x3  }
0x149: {  	s3 =	spop (v2sf)  }
0x14a: {  	s0 =	sadd.s32 s0, s3  }
.Ltmp10:
0x14b: {  	p1 =	slt.s32 s0, $0x1FF0;
	v5, _, _ =	vpop (xrf0);
	s3 =	smov.u32 s0;
	(pc) =	sbr.rel @p0 .LBB2_16-.Ltmp10, $4  }
0x14c: {  	s1 =	sadd.s32 $0x10, s1;
	s3 =	simm.s32 @!p1 $0x1FF0;
	(v2sf) =	vpush v5, $0xF  }
0x14d: {  	v5 =	vadd.s32 s1, v2;
	[tilespmem:s3+$0x8A20] =	vst.msk vm1, v4  }
0x14e: {  	[tilespmem:s3+$0xAA20] =	vst.msk vm1, v5  }
0x14f: {  	s3 =	sshra.s32 s2, $0x2;
	s2 =	sadd.s32 $0x40, s2  }
0x150: {  	v4 =	vld [tilespmem:s3+$0x0];
	_ =	sdelay $0x4  }
0x151: {  	vm1 =	vgt.s32 v4, $0xFFFFFFFF  }
0x152: {  	v5 =	vsel vm1, $0x1, v3  }
0x153: {  	(xrf0) =	vadd.scan.msk.s32 $0xffff, v5;
	_ =	sdelay $0x5  }
0x154: {  	v5, _, _ =	vpop (xrf0)  }
0x155: {  	(v2sf) =	vpush v5, $0xF;
	_ =	sdelay $0xb  }
0x156: {  	s2 =	spop (v2sf)  }
0x157: {  	s0 =	sadd.s32 s0, s2  }
0x158: {  	p0 =	slt.s32 s0, $0x1FF0;
	s2 =	smov.u32 s0  }
0x159: {  	s1 =	sadd.s32 $0x10, s1;
	s2 =	simm.s32 @!p0 $0x1FF0;
	s24 =	spop (v2sf)  }
0x15a: {  	v5 =	vadd.s32 s1, v2;
	[tilespmem:s2+$0x8A20] =	vst.msk vm1, v4;
	s0 =	sadd.s32 s0, s24  }
0x15b: {  	[tilespmem:s2+$0xAA20] =	vst.msk vm1, v5;
	s2 =	simm.s32 $0x1;
	p0 =	slt.s32 s0, $0x2000;
	s3 =	smov.u32 s0  }
0x15c: {  	p5 =	slt.s32 s0, $0xFFFFFF82;
	p6 =	slt.s32 s0, $0x1;
	s3 =	simm.s32 @!p0 $0x2000  }
0x15d: {  	s25 =	sadd.s32 $0x7F, s3;
	s28 =	sand.u32 $0xF, s3;
	s30 =	sshra.s32 s3, $0x1F  }
0x15e: {  	v4 =	vld [tilespmem:$0x8A20];
	s26 =	sshra.s32 s25, $0x1F;
	s8 =	sand.u32 $0x7F, s25;
	p2 =	sne.s32 s28, $0x0  }
0x15f: {  	v5 =	vld [tilespmem:$0xAA20];
	s31 =	sshrl.u32 s30, $0x1C;
	p1 =	sne.s32 s8, $0x0;
	s29 =	sshrl.u32 s26, $0x19  }
0x160: {  	s1 =	sadd.s32 s31, s3;
	p0 =	por !p5, !p1;
	p1 =	por !p6, !p2  }
0x161: {  	s8 =	simm.s32 $0x1;
	s0 =	sadd.s32 s29, s25;
	p1 =	por !p1, !p1  }
0x162: {  	s1 =	sshrl.u32 s1, $0x4;
	p0 =	por !p0, !p0;
	s2 =	simm.s32 @!p1 $0x0  }
0x163: {  	v4 =	vnsel vm0, $0x0, v4;
	s0 =	sshra.s32 s0, $0x7;
	s8 =	simm.s32 @!p0 $0x0;
	s1 =	ssub.s32 s1, s2  }
0x164: {  	(xrf0) =	vadd.scan.msk.s32 $0xffff, v4;
	v4 =	vnsel vm0, $0x0, v5;
	s22 =	ssub.s32 s0, s8;
	s0 =	sshll.u32 s1, $0x4  }
0x165: {  	(xrf0) =	vadd.scan.msk.s32 $0xffff, v4;
	s2 =	sshll.u32 s22, $0x3;
	s1 =	sshra.s32 s0, $0x4  }
0x166: {  	p0 =	sle.s32 s2, s1  }
.Ltmp11:
0x167: {  	_ = 	snop;
	(pc) =	sbr.rel @p0 .LBB2_24-.Ltmp11, $3  }
0x168: {  	_ =	sdelay $0x1  }
0x169: {  	v4, _, _ =	vpop (xrf0)  }
0x16a: {  	v5, _, _ =	vpop (xrf0)  }
0x16b: {  	s9 =	ssub.s32 s2, s1  }
0x16c: {  	p1 =	sne.s32 s9, $0x1  }
.Ltmp12:
0x16d: {  	s8 =	sshll.u32 s1, $0x6;
	(pc) =	sbr.rel @!p1 .LBB2_19-.Ltmp12, $4  }
0x16e: {  	s8 =	sshra.s32 s8, $0x2  }
0x16f: {  	s1 =	sadd.s32 $0x8A20, s8  }
0x170: {  	s2 =	sadd.s32 $0xAA20, s8;
	v7 =	vld [tilespmem:s1+$0x0]  }
0x171: {  	v4 =	vbroadcast v4, $0xF;
	v5 =	vbroadcast v5, $0xF;
	v6 =	vmov s3;
	p0 =	por $0x0, $0x0;
	s3 =	sadd.s32 $0xFFFFFFFF, s9;
	v8 =	vld [tilespmem:s2+$0x0]  }
0x172: {  	_ = 	snop  }
0x173: {  	v9 =	vor.u32 s0, v2  }
0x174: {  	p1 =	sne.s32 s3, $0x1;
	vm1 =	vlt.s32 v9, v6  }
.Ltmp13:
0x175: {  	v7 =	vsel vm1, v7, v4;
	(pc) =	sbr.rel @!p1 .LBB2_21-.Ltmp13, $4  }
0x176: {  	v8 =	vsel vm1, v8, v5;
	[tilespmem:s1+$0x0] =	vst v7  }
0x177: {  	s1 =	sadd.s32 $0x10, s1;
	[tilespmem:s2+$0x0] =	vst v8  }
0x178: {  	s2 =	sadd.s32 $0x10, s2;
	v7 =	vld [tilespmem:s1+$0x0]  }
0x179: {  	s8 =	sadd.s32 $0xFFFFFFFF, s3;
	p0 =	por $0x1, $0x1;
	s3 =	smov.u32 s0;
	v8 =	vld [tilespmem:s2+$0x0]  }
.LBB2_22:
0x17a: {  	p1 =	sne.s32 s8, $0x1;
	s3 =	sadd.s32 $0x10, s3  }
0x17b: {  	v9 =	vor.u32 s3, v2  }
0x17c: {  	vm1 =	vlt.s32 v9, v6  }
.Ltmp14:
0x17d: {  	v7 =	vsel vm1, v7, v4;
	(pc) =	sbr.rel @p1 .LBB2_22-.Ltmp14, $4  }
0x17e: {  	v8 =	vsel vm1, v8, v5;
	[tilespmem:s1+$0x0] =	vst v7  }
0x17f: {  	s1 =	sadd.s32 $0x10, s1;
	[tilespmem:s2+$0x0] =	vst v8  }
0x180: {  	s2 =	sadd.s32 $0x10, s2;
	v7 =	vld [tilespmem:s1+$0x0]  }
0x181: {  	s8 =	sadd.s32 $0xFFFFFFFF, s8;
	v8 =	vld [tilespmem:s2+$0x0]  }
.LBB2_23:
0x182: {  	s3 =	sadd.s32 @p0 $0x10, s3  }
0x183: {  	s0 =	smov.u32 @p0 s3  }
0x184: {  	v9 =	vor.u32 s0, v2  }
0x185: {  	vm1 =	vlt.s32 v9, v6  }
0x186: {  	v4 =	vsel vm1, v7, v4  }
0x187: {  	v5 =	vsel vm1, v8, v5;
	[tilespmem:s1+$0x0] =	vst v4  }
0x188: {  	[tilespmem:s2+$0x0] =	vst v5  }
.LBB2_24:
0x189: {  	s0 =	sadd.s32 $0x7, s22  }
0x18a: {  	s1 =	sand.u32 $0x7, s0  }
0x18b: {  	p0 =	slt.s32 s22, $0xFFFFFFFA;
	p1 =	sne.s32 s1, $0x0  }
0x18c: {  	s31 =	sshrl.u32 s0, $0x1D;
	p0 =	por !p0, !p1  }
0x18d: {  	s0 =	sadd.s32 s31, s0;
	s1 =	simm.s32 $0x1;
	p0 =	por !p0, !p0  }
0x18e: {  	s0 =	sshra.s32 s0, $0x3;
	s1 =	simm.s32 @!p0 $0x0  }
0x18f: {  	s0 =	ssub.s32 s0, s1  }
0x190: {  	p0 =	slt.s32 s0, $0x1  }
.Ltmp15:
0x191: {  	_ = 	snop;
	(pc) =	sbr.rel @p0 .LBB2_32-.Ltmp15, $1  }
0x192: {  	_ =	sdelay $0x3  }
0x193: {  	s25 =	sadd.s32 $0xFFFFFFFF, s0  }
0x194: {  	p0 =	sne.s32 s25, $0x0  }
.Ltmp16:
0x195: {  	[dreg:$0xb] =	wrdreg s21;
	s23 =	simm.s32 $0x0;
	(pc) =	sbr.rel @!p0 .LBB2_26-.Ltmp16, $4  }
0x196: {  	s24 =	simm.s32 $0x7;
	p1 =	sle.s32 s22, $0x7;
	s29 =	simm.s32 $0x6  }
0x197: {  	s28 =	simm.s32 $0x4;
	s31 =	simm.s32 $0x5;
	s0 =	simm.s32 @!p1 $0x0  }
0x198: {  	s9 =	simm.s32 $0x3;
	p5 =	sle.s32 s22, $0x0;
	s0 =	simm.s32 @p1 $0x1  }
0x199: {  	s16 =	simm.s32 $0x2;
	s26 =	simm.s32 @!p1 $0x0;
	[smem:$0x7FD] =	sst s0  }
0x19a: {  	s0 =	simm.s32 @!p5 $0x8A20;
	p1 =	sle.s32 s22, $0x1;
	s1 =	simm.s32 @!p5 $0x80  }
0x19b: {  	s2 =	simm.s32 @!p5 $0xCA20;
	p2 =	sle.s32 s22, $0x3;
	p3 =	sle.s32 s22, $0x2  }
0x19c: {  	s7 =	rddreg [dreg:$0x4];
	p4 =	sle.s32 s22, $0x5;
	p0 =	sle.s32 s22, $0x4  }
0x19d: {  	p6 =	sle.s32 s22, $0x6;
	s6 =	sld [smem:$0x7FD];
	s3 =	simm.s32 @!p1 $0x8AA0  }
0x19e: {  	[tilespmem:s2], [sflag:$0x1] =	stream.indirect.gather @!p5 [hbm4b:s7+s1], $0x40, s0, s1, $0xb8;
	[tilespmem:$0x1CA20] =	vst v63  }
0x19f: {  	s4 =	simm.s32 @!p2 $0x0;
	s8 =	simm.s32 @!p1 $0xEA20;
	s0 =	simm.s32 @!p2 $0x8BA0  }
0x1a0: {  	s9 =	simm.s32 @!p3 $0x10A20;
	s10 =	simm.s32 @!p1 $0x80;
	s11 =	simm.s32 @!p3 $0x80  }
0x1a1: {  	[tilespmem:s8], [sflag:$0x1] =	stream.indirect.gather @!p1 [hbm4b:s7+s10], $0x40, s3, s10, $0xb8;
	[tilespmem:$0x1CA20] =	vst v63  }
0x1a2: {  	s12 =	simm.s32 @!p2 $0x12A20;
	s13 =	simm.s32 @!p0 $0x14A20;
	s3 =	simm.s32 @!p3 $0x8B20  }
0x1a3: {  	[tilespmem:s9], [sflag:$0x1] =	stream.indirect.gather @!p3 [hbm4b:s7+s11], $0x40, s3, s11, $0xb8;
	[tilespmem:$0x1CA20] =	vst v63  }
0x1a4: {  	s14 =	simm.s32 @!p0 $0x8C20;
	s15 =	simm.s32 @!p4 $0x80;
	s3 =	simm.s32 @!p2 $0x80  }
0x1a5: {  	[tilespmem:s12], [sflag:$0x1] =	stream.indirect.gather @!p2 [hbm4b:s7+s3], $0x40, s0, s3, $0xb8;
	[tilespmem:$0x1CA20] =	vst v63  }
0x1a6: {  	s16 =	simm.s32 @!p4 $0x16A20;
	s4 =	simm.s32 @p2 $0x1;
	s0 =	simm.s32 @!p0 $0x0  }
0x1a7: {  	s17 =	simm.s32 @!p6 $0x80;
	[smem:$0x7F9] =	sst s4;
	s0 =	simm.s32 @p0 $0x1  }
0x1a8: {  	s18 =	simm.s32 @!p6 $0x18A20;
	[smem:$0x7FB] =	sst s0;
	s0 =	simm.s32 @!p0 $0x80  }
0x1a9: {  	[tilespmem:s13], [sflag:$0x1] =	stream.indirect.gather @!p0 [hbm4b:s7+s0], $0x40, s14, s0, $0xb8;
	[tilespmem:$0x1CA20] =	vst v63  }
0x1aa: {  	s4 =	simm.s32 @!p4 $0x0;
	s14 =	simm.s32 @!p4 $0x8CA0;
	p0 =	seq.s32 s6, $0x1  }
0x1ab: {  	[tilespmem:s16], [sflag:$0x1] =	stream.indirect.gather @!p4 [hbm4b:s7+s15], $0x40, s14, s15, $0xb8;
	[tilespmem:$0x1CA20] =	vst v63  }
0x1ac: {  	s4 =	simm.s32 @p4 $0x1;
	p2 =	por p0, p0;
	s14 =	simm.s32 @!p6 $0x8D20  }
0x1ad: {  	[tilespmem:s18], [sflag:$0x1] =	stream.indirect.gather @!p6 [hbm4b:s7+s17], $0x40, s14, s17, $0xb8;
	[tilespmem:$0x1CA20] =	vst v63  }
0x1ae: {  	s19 =	simm.s32 @!p2 $0x80;
	s21 =	simm.s32 @!p2 $0x1AA20;
	s14 =	simm.s32 @!p0 $0x8DA0  }
0x1af: {  	[tilespmem:s21], [sflag:$0x1] =	stream.indirect.gather @!p2 [hbm4b:s7+s19], $0x40, s14, s19, $0xb8;
	[tilespmem:$0x1CA20] =	vst v63  }
0x1b0: {  	[smem:$0x7F8] =	sst s4;
	s14 =	simm.s32 @!p5 $0x1  }
0x1b1: {  	_ =	swait.ge @!p5 [sflag:s14], $0x2000  }
0x1b2: {  	[sflag:s14] =	ssyncset.done @!p5 $0x0  }
0x1b3: {  	[sflag:s14] =	ssyncadd.s32 @!p5 $0xFFFFE000;
	s14 =	simm.s32 @!p5 $0xAA20  }
0x1b4: {  	[hbm4b:s20+s1] =	stream.indirect.scatter @!p5 [tilespmem:s2], [sflag:$0x2], $0x40, s14, s1, $0xb8;
	[tilespmem:$0x1CA20] =	vst v63  }
0x1b5: {  	s1 =	simm.s32 @!p1 $0x1  }
0x1b6: {  	_ =	swait.ge @!p1 [sflag:s1], $0x2000  }
0x1b7: {  	[sflag:s1] =	ssyncset.done @!p1 $0x0  }
0x1b8: {  	[sflag:s1] =	ssyncadd.s32 @!p1 $0xFFFFE000;
	s1 =	simm.s32 @!p1 $0xAAA0  }
0x1b9: {  	[hbm4b:s20+s10] =	stream.indirect.scatter @!p1 [tilespmem:s8], [sflag:$0x2], $0x40, s1, s10, $0xb8;
	[tilespmem:$0x1CA20] =	vst v63  }
0x1ba: {  	s1 =	simm.s32 @!p3 $0x1  }
0x1bb: {  	_ =	swait.ge @!p3 [sflag:s1], $0x2000  }
0x1bc: {  	[sflag:s1] =	ssyncset.done @!p3 $0x0;
	s10 =	sld [smem:$0x7F9]  }
0x1bd: {  	[sflag:s1] =	ssyncadd.s32 @!p3 $0xFFFFE000;
	s1 =	simm.s32 @!p3 $0xAB20  }
0x1be: {  	[hbm4b:s20+s11] =	stream.indirect.scatter @!p3 [tilespmem:s9], [sflag:$0x2], $0x40, s1, s11, $0xb8;
	[tilespmem:$0x1CA20] =	vst v63  }
0x1bf: {  	p0 =	seq.s32 s10, $0x1  }
0x1c0: {  	s1 =	simm.s32 @!p0 $0x1  }
0x1c1: {  	_ =	swait.ge @!p0 [sflag:s1], $0x2000  }
0x1c2: {  	[sflag:s1] =	ssyncset.done @!p0 $0x0  }
0x1c3: {  	s2 =	simm.s32 @!p0 $0xABA0;
	s11 =	sld [smem:$0x7FB];
	[sflag:s1] =	ssyncadd.s32 @!p0 $0xFFFFE000  }
0x1c4: {  	[hbm4b:s20+s3] =	stream.indirect.scatter @!p0 [tilespmem:s12], [sflag:$0x2], $0x40, s2, s3, $0xb8;
	[tilespmem:$0x1CA20] =	vst v63  }
0x1c5: {  	s12 =	sld [smem:$0x7FB];
	_ =	sdelay $0x1  }
0x1c6: {  	p4 =	seq.s32 s11, $0x1  }
0x1c7: {  	s1 =	simm.s32 @!p4 $0x1;
	p0 =	seq.s32 s12, $0x1  }
0x1c8: {  	_ =	swait.ge @!p0 [sflag:s1], $0x2000  }
0x1c9: {  	[sflag:s1] =	ssyncset.done @!p0 $0x0;
	s14 =	sld [smem:$0x7F8]  }
0x1ca: {  	s2 =	simm.s32 @!p0 $0xAC20;
	[sflag:s1] =	ssyncadd.s32 @!p0 $0xFFFFE000  }
0x1cb: {  	[hbm4b:s20+s0] =	stream.indirect.scatter @!p0 [tilespmem:s13], [sflag:$0x2], $0x40, s2, s0, $0xb8;
	[tilespmem:$0x1CA20] =	vst v63  }
0x1cc: {  	p4 =	seq.s32 s14, $0x1  }
0x1cd: {  	s3 =	simm.s32 @!p4 $0x1  }
0x1ce: {  	_ =	swait.ge @!p4 [sflag:s3], $0x2000  }
0x1cf: {  	[sflag:s3] =	ssyncset.done @!p4 $0x0  }
0x1d0: {  	s1 =	simm.s32 @!p6 $0x1;
	s0 =	simm.s32 @!p4 $0xACA0;
	[sflag:s3] =	ssyncadd.s32 @!p4 $0xFFFFE000  }
0x1d1: {  	[hbm4b:s20+s15] =	stream.indirect.scatter @!p4 [tilespmem:s16], [sflag:$0x2], $0x40, s0, s15, $0xb8;
	[tilespmem:$0x1CA20] =	vst v63  }
0x1d2: {  	_ =	swait.ge @!p6 [sflag:s1], $0x2000  }
0x1d3: {  	[sflag:s1] =	ssyncset.done @!p6 $0x0  }
0x1d4: {  	s0 =	simm.s32 @!p6 $0xAD20;
	[sflag:s1] =	ssyncadd.s32 @!p6 $0xFFFFE000;
	s1 =	simm.s32 @!p2 $0x1  }
0x1d5: {  	[hbm4b:s20+s17] =	stream.indirect.scatter @!p6 [tilespmem:s18], [sflag:$0x2], $0x40, s0, s17, $0xb8;
	[tilespmem:$0x1CA20] =	vst v63  }
0x1d6: {  	_ =	swait.ge @!p2 [sflag:s1], $0x2000  }
0x1d7: {  	s23 =	sld [smem:$0x7FD];
	_ =	sdelay $0x1  }
0x1d8: {  	s25 =	sadd.s32 $0xFFFFFFFF, s25  }
0x1d9: {  	s29 =	simm.s32 $0xE;
	[sflag:s1] =	ssyncset.done @!p2 $0x0;
	p0 =	seq.s32 s23, $0x1  }
0x1da: {  	[sflag:s1] =	ssyncadd.s32 @!p2 $0xFFFFE000;
	s1 =	simm.s32 @!p5 $0x2;
	s0 =	simm.s32 @!p0 $0xADA0  }
0x1db: {  	[hbm4b:s20+s19] =	stream.indirect.scatter @!p2 [tilespmem:s21], [sflag:$0x2], $0x40, s0, s19, $0xb8;
	[tilespmem:$0x1CA20] =	vst v63  }
0x1dc: {  	s28 =	simm.s32 $0xC;
	s31 =	simm.s32 $0xD;
	_ =	swait.ge @!p5 [sflag:s1], $0x2000  }
0x1dd: {  	s30 =	simm.s32 @!p2 $0x2;
	s9 =	simm.s32 $0xB;
	[sflag:s1] =	ssyncset.done @!p5 $0x0  }
0x1de: {  	s2 =	simm.s32 @!p2 $0x0;
	s0 =	simm.s32 @!p1 $0x2;
	[sflag:s1] =	ssyncadd.s32 @!p5 $0xFFFFE000  }
0x1df: {  	s2 =	simm.s32 @p2 $0x1;
	s10 =	simm.s32 @!p4 $0x2;
	_ =	swait.ge @!p1 [sflag:s0], $0x2000  }
0x1e0: {  	s16 =	simm.s32 $0xA;
	[sflag:s0] =	ssyncset.done @!p1 $0x0;
	s24 =	sld [smem:$0x7F9]  }
0x1e1: {  	s23 =	simm.s32 $0x1000;
	s1 =	simm.s32 @!p3 $0x2;
	[sflag:s0] =	ssyncadd.s32 @!p1 $0xFFFFE000  }
0x1e2: {  	p2 =	por p6, p6;
	p5 =	sle.s32 s22, $0x8;
	_ =	swait.ge @!p3 [sflag:s1], $0x2000  }
0x1e3: {  	p1 =	sne.s32 s25, $0x0;
	p0 =	seq.s32 s24, $0x1;
	[sflag:s1] =	ssyncset.done @!p3 $0x0  }
0x1e4: {  	[smem:$0x7FA] =	sst s2;
	s0 =	simm.s32 @!p0 $0x2;
	[sflag:s1] =	ssyncadd.s32 @!p3 $0xFFFFE000  }
.Ltmp17:
0x1e5: {  	s26 =	sld [smem:$0x7FB];
	_ =	swait.ge @!p0 [sflag:s0], $0x2000;
	(pc) =	sbr.rel @!p1 .LBB2_28-.Ltmp17, $4  }
0x1e6: {  	p4 =	por p0, p0;
	[sflag:s0] =	ssyncset.done @!p0 $0x0;
	p0 =	por $0x1, $0x1  }
0x1e7: {  	s24 =	simm.s32 $0xF;
	s2 =	simm.s32 @!p2 $0x2;
	s1 =	simm.s32 @!p0 $0x0  }
0x1e8: {  	p3 =	sle.s32 s22, $0xF;
	p6 =	seq.s32 s26, $0x1;
	s1 =	simm.s32 @p0 $0x1  }
0x1e9: {  	s26 =	simm.s32 @!p3 $0x400;
	s13 =	simm.s32 @!p6 $0x2;
	[smem:$0x7FC] =	sst s1  }
.LBB2_29:
0x1ea: {  	s1 =	simm.s32 @!p5 $0x0  }
0x1eb: {  	s1 =	simm.s32 @p5 $0x1  }
0x1ec: {  	[sflag:s0] =	ssyncadd.s32 @!p4 $0xFFFFE000;
	[smem:$0x7F5] =	sst s1  }
0x1ed: {  	_ =	swait.ge @!p6 [sflag:s13], $0x2000  }
0x1ee: {  	[sflag:s13] =	ssyncset.done @!p6 $0x0  }
0x1ef: {  	[sflag:s13] =	ssyncadd.s32 @!p6 $0xFFFFE000;
	p6 =	sge.s32 s9, s22;
	s9 =	sld [smem:$0x7F8]  }
0x1f0: {  	_ = 	snop  }
0x1f1: {  	s3 =	sadd.s32 $0xFFFFFFFA, s24  }
0x1f2: {  	s0 =	simm.s32 @!p5 $0x80;
	p0 =	por p3, p3;
	p3 =	seq.s32 s9, $0x1  }
0x1f3: {  	s6 =	simm.s32 @!p5 $0xCA20;
	p1 =	sge.s32 s16, s22;
	_ =	swait.ge @!p3 [sflag:s10], $0x2000  }
0x1f4: {  	p4 =	sge.s32 s3, s22;
	s15 =	sshra.s32 @!p1 s23, $0x2;
	[sflag:s10] =	ssyncset.done @!p3 $0x0  }
0x1f5: {  	s20 =	sadd.s32 @!p0 $0x8DA0, s26;
	s26 =	sadd.s32 @!p0 $0xADA0, s26;
	[sflag:s10] =	ssyncadd.s32 @!p3 $0xFFFFE000  }
0x1f6: {  	s1 =	sshra.s32 @!p5 s23, $0x2;
	s3 =	sshra.s32 @!p4 s23, $0x2;
	_ =	swait.ge @!p2 [sflag:s2], $0x2000  }
0x1f7: {  	s17 =	sadd.s32 @!p1 $0x8B20, s15;
	[sflag:s2] =	ssyncset.done @!p2 $0x0;
	s10 =	sld [smem:$0x7FA]  }
0x1f8: {  	s16 =	sadd.s32 @!p1 $0xAB20, s15;
	[sflag:s2] =	ssyncadd.s32 @!p2 $0xFFFFE000;
	s2 =	simm.s32 @!p0 $0x0  }
0x1f9: {  	s12 =	sadd.s32 @!p5 $0x8A20, s1;
	s11 =	sadd.s32 @!p5 $0xAA20, s1;
	s2 =	simm.s32 @p0 $0x1  }
0x1fa: {  	p5 =	sge.s32 s29, s22;
	[smem:$0x7FD] =	sst s2;
	p2 =	seq.s32 s10, $0x1  }
0x1fb: {  	s13 =	sadd.s32 @!p4 $0x8AA0, s3;
	s1 =	sshra.s32 @!p6 s23, $0x2;
	_ =	swait.ge @!p2 [sflag:s30], $0x2000  }
0x1fc: {  	s14 =	sadd.s32 @!p6 $0x8BA0, s1;
	p3 =	sge.s32 s31, s22;
	s15 =	sld [smem:$0x7F5]  }
0x1fd: {  	s9 =	simm.s32 @!p4 $0xEA20;
	s31 =	sadd.s32 @!p4 $0xAAA0, s3;
	s3 =	sshra.s32 @!p3 s23, $0x2  }
0x1fe: {  	s5 =	sadd.s32 @!p3 $0x8CA0, s3;
	s29 =	sadd.s32 @!p3 $0xACA0, s3;
	[sflag:s30] =	ssyncset.done @!p2 $0x0  }
0x1ff: {  	s3 =	simm.s32 @!p4 $0x80;
	[sflag:s30] =	ssyncadd.s32 @!p2 $0xFFFFE000;
	p0 =	seq.s32 s15, $0x1  }
0x200: {  	[tilespmem:s6], [sflag:$0x1] =	stream.indirect.gather @!p0 [hbm4b:s7+s0], $0x40, s12, s0, $0xb8;
	[tilespmem:$0x1CA20] =	vst v63  }
0x201: {  	s2 =	sadd.s32 @!p6 $0xABA0, s1;
	s1 =	smov.u32 s0;
	s0 =	rddreg [dreg:$0x4]  }
0x202: {  	[tilespmem:s9], [sflag:$0x1] =	stream.indirect.gather @!p4 [hbm4b:s0+s3], $0x40, s13, s3, $0xb8;
	[tilespmem:$0x1CA20] =	vst v63  }
0x203: {  	s25 =	sadd.s32 $0xFFFFFFFF, s25;
	s0 =	simm.s32 @!p6 $0x0  }
0x204: {  	s18 =	simm.s32 @!p1 $0x10A20;
	s8 =	simm.s32 @!p1 $0x80;
	s0 =	simm.s32 @p6 $0x1  }
0x205: {  	s4 =	sshra.s32 @!p5 s23, $0x2;
	s19 =	simm.s32 @!p6 $0x12A20;
	[smem:$0x7F9] =	sst s0  }
0x206: {  	s21 =	simm.s32 @!p3 $0x80;
	p2 =	sge.s32 s28, s22;
	s0 =	rddreg [dreg:$0x4]  }
0x207: {  	[tilespmem:s18], [sflag:$0x1] =	stream.indirect.gather @!p1 [hbm4b:s0+s8], $0x40, s17, s8, $0xb8;
	[tilespmem:$0x1CA20] =	vst v63  }
0x208: {  	s15 =	simm.s32 @!p2 $0x80;
	s12 =	sshra.s32 @!p2 s23, $0x2;
	s0 =	rddreg [dreg:$0x4]  }
0x209: {  	s9 =	simm.s32 @!p6 $0x80;
	s13 =	sadd.s32 @!p2 $0x8C20, s12;
	s17 =	sld [smem:$0x7FD]  }
0x20a: {  	[tilespmem:s19], [sflag:$0x1] =	stream.indirect.gather @!p6 [hbm4b:s0+s9], $0x40, s14, s9, $0xb8;
	[tilespmem:$0x1CA20] =	vst v63  }
0x20b: {  	s18 =	simm.s32 @!p2 $0x14A20;
	s14 =	simm.s32 @!p3 $0x16A20;
	s0 =	rddreg [dreg:$0x4]  }
0x20c: {  	[tilespmem:s18], [sflag:$0x1] =	stream.indirect.gather @!p2 [hbm4b:s0+s15], $0x40, s13, s15, $0xb8;
	[tilespmem:$0x1CA20] =	vst v63  }
0x20d: {  	p6 =	sne.s32 s25, $0x0;
	s0 =	sadd.s32 @!p2 $0xAC20, s12;
	s12 =	rddreg [dreg:$0x4]  }
0x20e: {  	[tilespmem:s14], [sflag:$0x1] =	stream.indirect.gather @!p3 [hbm4b:s12+s21], $0x40, s5, s21, $0xb8;
	[tilespmem:$0x1CA20] =	vst v63  }
0x20f: {  	s28 =	simm.s32 @!p5 $0x80;
	s7 =	sadd.s32 @!p5 $0x8D20, s4;
	s5 =	simm.s32 @!p6 $0x0  }
0x210: {  	s12 =	sadd.s32 @!p5 $0xAD20, s4;
	s4 =	rddreg [dreg:$0x4];
	s5 =	simm.s32 @p6 $0x1  }
0x211: {  	s30 =	simm.s32 @!p5 $0x18A20;
	p0 =	seq.s32 s17, $0x1;
	[smem:$0x7F7] =	sst s5  }
0x212: {  	[tilespmem:s30], [sflag:$0x1] =	stream.indirect.gather @!p5 [hbm4b:s4+s28], $0x40, s7, s28, $0xb8;
	[tilespmem:$0x1CA20] =	vst v63  }
0x213: {  	p6 =	por p0, p0;
	s5 =	sld [smem:$0x7F5]  }
0x214: {  	s7 =	rddreg [dreg:$0x4];
	s17 =	simm.s32 @!p6 $0x80;
	s13 =	simm.s32 @!p6 $0x1AA20  }
0x215: {  	[tilespmem:s13], [sflag:$0x1] =	stream.indirect.gather @!p6 [hbm4b:s7+s17], $0x40, s20, s17, $0xb8;
	[tilespmem:$0x1CA20] =	vst v63  }
0x216: {  	p0 =	seq.s32 s5, $0x1  }
0x217: {  	s4 =	simm.s32 @!p0 $0x1  }
0x218: {  	s20 =	rddreg [dreg:$0x5];
	_ =	swait.ge @!p0 [sflag:s4], $0x2000  }
0x219: {  	[sflag:s4] =	ssyncset.done @!p0 $0x0  }
0x21a: {  	[sflag:s4] =	ssyncadd.s32 @!p0 $0xFFFFE000;
	s4 =	simm.s32 @!p4 $0x1  }
0x21b: {  	[hbm4b:s20+s1] =	stream.indirect.scatter @!p0 [tilespmem:s6], [sflag:$0x2], $0x40, s11, s1, $0xb8;
	[tilespmem:$0x1CA20] =	vst v63  }
0x21c: {  	_ =	swait.ge @!p4 [sflag:s4], $0x2000  }
0x21d: {  	s10 =	simm.s32 @!p4 $0xEA20;
	[sflag:s4] =	ssyncset.done @!p4 $0x0  }
0x21e: {  	s11 =	sld [smem:$0x7F9];
	[sflag:s4] =	ssyncadd.s32 @!p4 $0xFFFFE000;
	s4 =	simm.s32 @!p1 $0x1  }
0x21f: {  	[hbm4b:s20+s3] =	stream.indirect.scatter @!p4 [tilespmem:s10], [sflag:$0x2], $0x40, s31, s3, $0xb8;
	[tilespmem:$0x1CA20] =	vst v63  }
0x220: {  	_ =	swait.ge @!p1 [sflag:s4], $0x2000  }
0x221: {  	p0 =	seq.s32 s11, $0x1;
	[sflag:s4] =	ssyncset.done @!p1 $0x0  }
0x222: {  	s1 =	simm.s32 @!p1 $0x10A20;
	s5 =	simm.s32 @!p0 $0x1;
	[sflag:s4] =	ssyncadd.s32 @!p1 $0xFFFFE000  }
0x223: {  	[hbm4b:s20+s8] =	stream.indirect.scatter @!p1 [tilespmem:s1], [sflag:$0x2], $0x40, s16, s8, $0xb8;
	[tilespmem:$0x1CA20] =	vst v63  }
0x224: {  	_ =	swait.ge @!p0 [sflag:s5], $0x2000  }
0x225: {  	[sflag:s5] =	ssyncset.done @!p0 $0x0  }
0x226: {  	s1 =	simm.s32 @!p2 $0x1;
	[sflag:s5] =	ssyncadd.s32 @!p0 $0xFFFFE000  }
0x227: {  	[hbm4b:s20+s9] =	stream.indirect.scatter @!p0 [tilespmem:s19], [sflag:$0x2], $0x40, s2, s9, $0xb8;
	[tilespmem:$0x1CA20] =	vst v63  }
0x228: {  	_ =	swait.ge @!p2 [sflag:s1], $0x2000  }
0x229: {  	[sflag:s1] =	ssyncset.done @!p2 $0x0  }
0x22a: {  	s4 =	simm.s32 @!p3 $0x1;
	[sflag:s1] =	ssyncadd.s32 @!p2 $0xFFFFE000  }
0x22b: {  	[hbm4b:s20+s15] =	stream.indirect.scatter @!p2 [tilespmem:s18], [sflag:$0x2], $0x40, s0, s15, $0xb8;
	[tilespmem:$0x1CA20] =	vst v63  }
0x22c: {  	s0 =	simm.s32 @!p5 $0x0;
	_ =	swait.ge @!p3 [sflag:s4], $0x2000  }
0x22d: {  	s0 =	simm.s32 @p5 $0x1;
	[sflag:s4] =	ssyncset.done @!p3 $0x0  }
0x22e: {  	[smem:$0x7F6] =	sst s0;
	s0 =	simm.s32 @!p5 $0x1;
	[sflag:s4] =	ssyncadd.s32 @!p3 $0xFFFFE000  }
0x22f: {  	[hbm4b:s20+s21] =	stream.indirect.scatter @!p3 [tilespmem:s14], [sflag:$0x2], $0x40, s29, s21, $0xb8;
	[tilespmem:$0x1CA20] =	vst v63  }
0x230: {  	_ =	swait.ge @!p5 [sflag:s0], $0x2000  }
0x231: {  	[sflag:s0] =	ssyncset.done @!p5 $0x0  }
0x232: {  	[sflag:s0] =	ssyncadd.s32 @!p5 $0xFFFFE000;
	s0 =	simm.s32 @!p6 $0x1  }
0x233: {  	[hbm4b:s20+s28] =	stream.indirect.scatter @!p5 [tilespmem:s30], [sflag:$0x2], $0x40, s12, s28, $0xb8;
	[tilespmem:$0x1CA20] =	vst v63  }
0x234: {  	_ =	swait.ge @!p6 [sflag:s0], $0x2000  }
0x235: {  	[sflag:s0] =	ssyncset.done @!p6 $0x0;
	s16 =	sld [smem:$0x7F5]  }
0x236: {  	[sflag:s0] =	ssyncadd.s32 @!p6 $0xFFFFE000  }
0x237: {  	[hbm4b:s20+s17] =	stream.indirect.scatter @!p6 [tilespmem:s13], [sflag:$0x2], $0x40, s26, s17, $0xb8;
	[tilespmem:$0x1CA20] =	vst v63  }
0x238: {  	p0 =	seq.s32 s16, $0x1  }
0x239: {  	s1 =	simm.s32 @!p0 $0x2  }
0x23a: {  	_ =	swait.ge @!p0 [sflag:s1], $0x2000  }
0x23b: {  	[sflag:s1] =	ssyncset.done @!p0 $0x0  }
0x23c: {  	[sflag:s1] =	ssyncadd.s32 @!p0 $0xFFFFE000;
	s1 =	simm.s32 @!p4 $0x2  }
0x23d: {  	s17 =	sld [smem:$0x7F9];
	_ =	swait.ge @!p4 [sflag:s1], $0x2000  }
0x23e: {  	s2 =	simm.s32 @!p6 $0x0;
	[sflag:s1] =	ssyncset.done @!p4 $0x0  }
0x23f: {  	s2 =	simm.s32 @p6 $0x1;
	[sflag:s1] =	ssyncadd.s32 @!p4 $0xFFFFE000;
	s1 =	simm.s32 @!p3 $0x0  }
0x240: {  	[smem:$0x7FA] =	sst s2;
	s1 =	simm.s32 @p3 $0x1  }
0x241: {  	s3 =	simm.s32 @!p1 $0x2;
	[smem:$0x7F8] =	sst s1  }
0x242: {  	s18 =	sld [smem:$0x7F6];
	_ =	swait.ge @!p1 [sflag:s3], $0x2000  }
0x243: {  	s19 =	sld [smem:$0x7F9];
	_ =	sdelay $0x1  }
0x244: {  	p5 =	seq.s32 s17, $0x1;
	[sflag:s3] =	ssyncset.done @!p1 $0x0  }
0x245: {  	s0 =	simm.s32 @!p5 $0x2;
	[sflag:s3] =	ssyncadd.s32 @!p1 $0xFFFFE000;
	p4 =	seq.s32 s19, $0x1  }
0x246: {  	_ =	swait.ge @!p4 [sflag:s0], $0x2000  }
0x247: {  	s21 =	sld [smem:$0x7F7];
	_ =	sdelay $0x1  }
0x248: {  	s24 =	sadd.s32 $0x8, s24;
	s23 =	sadd.s32 $0x1000, s23  }
0x249: {  	s10 =	simm.s32 @!p3 $0x2;
	s31 =	sadd.s32 $0xFFFFFFFE, s24;
	p0 =	seq.s32 s21, $0x1  }
.Ltmp18:
0x24a: {  	s9 =	sadd.s32 $0xFFFFFFFC, s24;
	s29 =	sadd.s32 $0xFFFFFFFF, s24;
	(pc) =	sbr.rel @p0 .LBB2_29-.Ltmp18, $4  }
0x24b: {  	s30 =	simm.s32 @!p6 $0x2;
	s28 =	sadd.s32 $0xFFFFFFFD, s24;
	p6 =	por p2, p2  }
0x24c: {  	s20 =	sadd.s32 $0xFFFFFFF9, s24;
	s13 =	simm.s32 @!p6 $0x2;
	s16 =	sadd.s32 $0xFFFFFFFB, s24  }
0x24d: {  	p5 =	sge.s32 s20, s22;
	p3 =	sge.s32 s24, s22;
	p2 =	seq.s32 s18, $0x1  }
0x24e: {  	s26 =	sshra.s32 @!p3 s23, $0x2;
	s2 =	simm.s32 @!p2 $0x2;
	[sflag:s0] =	ssyncset.done @!p4 $0x0  }
.Ltmp19:
0x24f: {  	(pc) =	sbr.rel .LBB2_31-.Ltmp19, $4  }
0x250: {  	s25 =	sld [smem:$0x7F8]  }
0x251: {  	s1 =	simm.s32 @!p3 $0x0  }
0x252: {  	p1 =	por p6, p6;
	s1 =	simm.s32 @p3 $0x1  }
0x253: {  	p6 =	por p5, p5;
	[smem:$0x7FD] =	sst s1;
	p3 =	seq.s32 s25, $0x1  }
.LBB2_28:
.Ltmp20:
0x254: {  	(pc) =	sbr.rel .LBB2_31-.Ltmp20, $4  }
0x255: {  	s25 =	sld [smem:$0x7F8]  }
0x256: {  	s1 =	simm.s32 @!p3 $0x0  }
0x257: {  	p1 =	por p6, p6;
	s1 =	simm.s32 @p3 $0x1  }
0x258: {  	p6 =	por p5, p5;
	[smem:$0x7FD] =	sst s1;
	p3 =	seq.s32 s25, $0x1  }
.LBB2_19:
.Ltmp21:
0x259: {  	(pc) =	sbr.rel .LBB2_23-.Ltmp21, $2  }
0x25a: {  	_ =	sdelay $0x2  }
0x25b: {  	s3 =	smov.u32 s0  }
.LBB2_21:
.Ltmp22:
0x25c: {  	(pc) =	sbr.rel .LBB2_23-.Ltmp22, $2  }
0x25d: {  	_ =	sdelay $0x2  }
0x25e: {  	s3 =	smov.u32 s0  }
.LBB2_33:
0x25f: {  	_ =	sfence.sel $0x180000  }
0x260: {  	[bflag:$0x0] =	sbarrier.arrive $0xFFFF  }
0x261: {  	_ =	strace $0x9000004A  }
0x262: {  	s0 =	stileid.u32;
	[bflag:$0x2] =	sbarrier.arrive $0xFFFF  }
0x263: {  	p0 =	sne.s32 s0, $0x0;
	s0 =	rddreg [dreg:$0x3]  }
0x264: {  	s0 =	sadd.s32 @!p0 $0x100000, s0  }
0x265: {  	[sflag:s0] =	ssyncadd.tile.s32 @!p0 $0x1;
	_ =	shalt  }
.Lfunc_end2:
_tile_overlayer_lowered:
.L_overlay_start_2:
0x266: {  	(tag) =	ssettag $0x2  }
0x267: {  	s0 =	rddreg [dreg:$0x0];
	s2 =	stileid.u32  }
0x268: {  	s1 =	rddreg [dreg:$0x1];
	p0 =	sne.s32 s2, $0x0  }
0x269: {  	s3 =	rddreg [dreg:$0x2];
	[bflag:$0x3] =	sbarrier.arrive $0xFFFF;
	s2 =	simm.s32 @!p0 $0x1C03  }
0x26a: {  	[timem:s3], [sflag:s2] =	dma.local @!p0 [hbm:s0], s1  }
0x26b: {  	s0 =	simm.s32 @!p0 $0x3  }
0x26c: {  	_ =	swait.ge @!p0 [sflag:s0], s1  }
0x26d: {  	s1 =	ssub.s32 @!p0 $0x0, s1;
	[sflag:s0] =	ssyncset.done @!p0 $0x0  }
0x26e: {  	[sflag:s0] =	ssyncadd.s32 @!p0 s1  }
0x26f: {  	[bflag:$0x3] =	sbarrier.arrive $0xFFFF  }
0x270: {  	_ =	shalt  }

// kernel: kernel.7.cloned.1.call-start
scs
__scs_entry_jumppad:
0x0: {  	(pc) =	sbr.rel $0x88, $3  }
0x1: {  	(tag) =	ssettag $0x0;
	lr =	simm.s32 $0x1  }
0x2: {  	[smem:$0x3F9E] =	sst lr;
	_ =	strace $0xD0000000  }
0x3: {  	_ = 	snop  }
0x4: {  	_ = 	snop  }
0x5: {  	_ = 	snop  }
0x6: {  	_ = 	snop  }
0x7: {  	_ = 	snop  }
__scs_overlays_trampoline_lowered:
0x8: {  	[smem:$0x3FAD] =	sst s0  }
0x9: {  	[smem:$0x3FAE] =	sst s1  }
0xa: {  	[smem:$0x3FAF] =	sst s2  }
0xb: {  	[smem:$0x3FB0] =	sst s3  }
0xc: {  	[smem:$0x3FB1] =	sst s4  }
0xd: {  	[smem:$0x3FB2] =	sst s5  }
0xe: {  	[smem:$0x3FB3] =	sst s6  }
0xf: {  	[smem:$0x3FB4] =	sst s7  }
0x10: {  	[smem:$0x3FB5] =	sst s8  }
0x11: {  	[smem:$0x3FB6] =	sst s9;
	s0 =	simm.s32 @!p0 $0x0  }
0x12: {  	s1 =	sld [smem:$0x3F9C];
	s0 =	simm.s32 @p0 $0x1  }
0x13: {  	[smem:$0x3FB7] =	sst s0;
	s0 =	simm.s32 @!p1 $0x0  }
0x14: {  	s2 =	sld [smem:$0x3F9B];
	s0 =	simm.s32 @p1 $0x1  }
0x15: {  	[smem:$0x3FB8] =	sst s0;
	s0 =	simm.s32 @!p2 $0x0  }
0x16: {  	s3 =	sld [smem:$0x3FDB];
	s0 =	simm.s32 @p2 $0x1  }
0x17: {  	s4 =	simm.s32 $0x1BF5;
	[smem:$0x3FBA] =	sst s0  }
0x18: {  	s0 =	sld [smem:$0x3F9D];
	_ =	swait.ge [sflag:s4], $0x0  }
0x19: {  	s7 =	sld [smem:$0x3F9E]  }
0x1a: {  	s8 =	sadd.s32 $0xFFFFE003, lr  }
0x1b: {  	s9 =	sadd.s32 $0xFFFFFEF7, lr;
	s5 =	simm.s32 $0xFFFFFFFF;
	p2 =	slt.u32 s8, $0xFFFFF086  }
0x1c: {  	p1 =	slt.u32 s9, $0xF7A;
	s5 =	simm.s32 @!p2 $0x0  }
0x1d: {  	s5 =	simm.s32 @p1 $0x1;
	p0 =	seq.s32 s7, s2  }
0x1e: {  	s7 =	smul.u32 @!p0 $0xF7A, s2;
	p2 =	seq.s32 @!p0 s5, $0x0  }
0x1f: {  	s9 =	smul.u32 $0xF7A, s1;
	s8 =	simm.s32 @!p0 $0x1BF5;
	p2 =	por !p2, p0  }
0x20: {  	[sflag:s8] =	ssyncset.s32 @!p0 $0xFFFFF086;
	s6 =	sadd.s32 @!p0 s3, s7;
	s7 =	simm.s32 @!p0 $0x108  }
0x21: {  	s3 =	sadd.s32 s3, s9;
	s6 =	sadd.s32 @!p0 $0x88, s6;
	s7 =	simm.s32 @p2 $0x1082  }
0x22: {  	[simem:s7], [sflag:s8] =	dma.local @!p0 [hbm:s6], $0xF7A  }
0x23: {  	s9 =	sor.u32 $0xD0000000, s2;
	s6 =	simm.s32 $0x108;
	_ =	swait.ge @!p0 [sflag:s8], $0x0  }
0x24: {  	s3 =	sadd.s32 $0x88, s3;
	s6 =	simm.s32 @!p1 $0x1082;
	[sflag:s4] =	ssyncset.s32 $0xFFFFF086  }
0x25: {  	[simem:s6], [sflag:s4] =	dma.local [hbm:s3], $0xF7A  }
0x26: {  	[smem:$0x3F9E] =	sst s1;
	(tag) =	ssettag s2;
	_ =	strace s9  }
0x27: {  	s1 =	sld [smem:$0x3FAE]  }
0x28: {  	s2 =	sld [smem:$0x3FAF]  }
0x29: {  	s4 =	sld [smem:$0x3FB1]  }
0x2a: {  	p0 =	seq.s32 s5, $0x0;
	s5 =	sld [smem:$0x3FB2]  }
0x2b: {  	s6 =	sld [smem:$0x3FB3]  }
0x2c: {  	s7 =	sld [smem:$0x3FB4]  }
0x2d: {  	s3 =	simm.s32 $0x108;
	s8 =	sld [smem:$0x3FB5]  }
0x2e: {  	s3 =	simm.s32 @!p0 $0x1082;
	s9 =	sld [smem:$0x3FB6]  }
0x2f: {  	lr =	sadd.s32 s0, s3;
	s0 =	sld [smem:$0x3FAD]  }
0x30: {  	s3 =	sld [smem:$0x3FB0]  }
0x31: {  	[smem:$0x3FB9] =	sst s10  }
0x32: {  	s10 =	sld [smem:$0x3FB7];
	_ =	sdelay $0x3  }
0x33: {  	p0 =	seq.s32 s10, $0x1;
	s10 =	sld [smem:$0x3FB9];
	_ =	sdelay $0x3  }
0x34: {  	[smem:$0x3FB9] =	sst s10  }
0x35: {  	s10 =	sld [smem:$0x3FB8];
	_ =	sdelay $0x3  }
0x36: {  	p1 =	seq.s32 s10, $0x1;
	s10 =	sld [smem:$0x3FB9];
	_ =	sdelay $0x3  }
0x37: {  	[smem:$0x3FB9] =	sst s10  }
0x38: {  	s10 =	sld [smem:$0x3FBA]  }
0x39: {  	_ = 	snop;
	(pc) =	sbr.ind lr, $3  }
0x3a: {  	_ = 	snop  }
0x3b: {  	_ = 	snop  }
0x3c: {  	p2 =	seq.s32 s10, $0x1;
	s10 =	sld [smem:$0x3FB9]  }
0x3d: {  	_ =	shalt  }
0x3e: {  	_ =	shalt  }
0x3f: {  	_ =	shalt  }
0x40: {  	_ =	shalt  }
0x41: {  	_ =	shalt  }
0x42: {  	_ =	shalt  }
0x43: {  	_ =	shalt  }
0x44: {  	_ =	shalt  }
0x45: {  	_ =	shalt  }
0x46: {  	_ =	shalt  }
0x47: {  	_ =	shalt  }
0x48: {  	_ =	shalt  }
0x49: {  	_ =	shalt  }
0x4a: {  	_ =	shalt  }
0x4b: {  	_ =	shalt  }
0x4c: {  	_ =	shalt  }
0x4d: {  	_ =	shalt  }
0x4e: {  	_ =	shalt  }
0x4f: {  	_ =	shalt  }
0x50: {  	_ =	shalt  }
0x51: {  	_ =	shalt  }
0x52: {  	_ =	shalt  }
0x53: {  	_ =	shalt  }
0x54: {  	_ =	shalt  }
0x55: {  	_ =	shalt  }
0x56: {  	_ =	shalt  }
0x57: {  	_ =	shalt  }
0x58: {  	_ =	shalt  }
0x59: {  	_ =	shalt  }
0x5a: {  	_ =	shalt  }
0x5b: {  	_ =	shalt  }
0x5c: {  	_ =	shalt  }
0x5d: {  	_ =	shalt  }
0x5e: {  	_ =	shalt  }
0x5f: {  	_ =	shalt  }
0x60: {  	_ =	shalt  }
0x61: {  	_ =	shalt  }
0x62: {  	_ =	shalt  }
0x63: {  	_ =	shalt  }
0x64: {  	_ =	shalt  }
0x65: {  	_ =	shalt  }
0x66: {  	_ =	shalt  }
0x67: {  	_ =	shalt  }
0x68: {  	_ =	shalt  }
0x69: {  	_ =	shalt  }
0x6a: {  	_ =	shalt  }
0x6b: {  	_ =	shalt  }
0x6c: {  	_ =	shalt  }
0x6d: {  	_ =	shalt  }
0x6e: {  	_ =	shalt  }
0x6f: {  	_ =	shalt  }
0x70: {  	_ =	shalt  }
0x71: {  	_ =	shalt  }
0x72: {  	_ =	shalt  }
0x73: {  	_ =	shalt  }
0x74: {  	_ =	shalt  }
0x75: {  	_ =	shalt  }
0x76: {  	_ =	shalt  }
0x77: {  	_ =	shalt  }
0x78: {  	_ =	shalt  }
0x79: {  	_ =	shalt  }
0x7a: {  	_ =	shalt  }
0x7b: {  	_ =	shalt  }
0x7c: {  	_ =	shalt  }
0x7d: {  	_ =	shalt  }
0x7e: {  	_ =	shalt  }
0x7f: {  	_ =	shalt  }
0x80: {  	_ =	shalt  }
0x81: {  	_ =	shalt  }
0x82: {  	_ =	shalt  }
0x83: {  	_ =	shalt  }
0x84: {  	_ =	shalt  }
0x85: {  	_ =	shalt  }
0x86: {  	_ =	shalt  }
0x87: {  	_ =	shalt  }
.Lfunc_end0:
.L_simem_size_0:
called_computation.3_lowered:
.L_overlay_start_0:
0x88: {  	s2 =	sld [smem:$0x3FD9]  }
0x89: {  	s3 =	sld [smem:$0x3FFE];
	_ =	sdelay $0x1  }
0x8a: {  	s1 =	srdreg.scid  }
0x8b: {  	s0 =	sand.u32 $0x1, s1  }
0x8c: {  	s15 =	sshll.u32 s0, $0xA;
	s2 =	sadd.s32 s3, s2  }
0x8d: {  	s2 =	sadd.s32 s2, s15  }
0x8e: {  	[smem:$0x3FC5] =	sst s2  }
0x8f: {  	_ = 	snop  }
0x90: {  	s2 =	sld [smem:$0x3FD0];
	_ =	sdelay $0x2  }
0x91: {  	s4 =	simm.s32 $0xB;
	s5 =	simm.s32 $0x10;
	s16 =	sld [smem:$0x3FC8]  }
0x92: {  	[smem:s5], [sflag:s4] =	dma.local [hbm:s2], $0x1  }
0x93: {  	_ =	swait.eq [sflag:s4], $0x1  }
0x94: {  	[sflag:s4] =	ssyncset.done $0x0  }
0x95: {  	s17 =	sld [smem:$0x10];
	[sflag:s4] =	ssyncadd.s32 $0xFFFFFFFF  }
0x96: {  	s18 =	sld [smem:$0x11];
	(tm) =	ssettm $0x1  }
0x97: {  	s19 =	sld [smem:$0x3FFB];
	_ =	sdelay $0x3  }
0x98: {  	_ =	strace s19  }
0x99: {  	s5 =	sld [smem:$0x3FFC];
	_ =	sdelay $0x3  }
0x9a: {  	_ =	strace s5  }
0x9b: {  	s5 =	sld [smem:$0x3FFD];
	_ =	sdelay $0x3  }
0x9c: {  	_ =	strace s5  }
0x9d: {  	_ =	strace $0x8FFFFFFF  }
0x9e: {  	s20 =	sld [smem:$0x3FDB];
	_ =	sdelay $0x1  }
0x9f: {  	s6 =	simm.s32 $_scs_section_size  }
0xa0: {  	s7 =	simm.s32 $_size__tile_overlayer_lowered;
	s8 =	simm.s32 $_tile_overlayer_lowered  }
0xa1: {  	s23 =	simm.s32 $0x1BFF;
	s22 =	sshll.u32 s8, $0x1;
	s5 =	sadd.s32 s6, s20  }
0xa2: {  	s9 =	simm.s32 $0x0;
	s21 =	sshll.u32 s7, $0x1;
	s7 =	sadd.s32 s22, s5  }
0xa3: {  	[timem:s9], [sflag:s23] =	dma.local [hbm:s7], s21  }
0xa4: {  	_ =	swait.ge [sflag:s23], s21  }
0xa5: {  	s6 =	ssub.s32 $0x0, s21;
	[sflag:s23] =	ssyncset.done $0x0  }
0xa6: {  	[sflag:s23] =	ssyncadd.s32 s6;
	_ =	sdelay $0x1  }
0xa7: {  	s24 =	simm.s32 $0x1B8B  }
0xa8: {  	_ =	swait.ge [sflag:s24], $0x1  }
0xa9: {  	[sflag:s24] =	ssyncset.done $0x0  }
0xaa: {  	s25 =	simm.s32 $0x1B8E;
	[sflag:s24] =	ssyncadd.s32 $0xFFFFFFFF  }
0xab: {  	s26 =	simm.s32 $execute0_lowered;
	[smem:$0x3FD2] =	sst s25  }
0xac: {  	s6 =	sshll.u32 s26, $0x1;
	_ =	strace $0x80000046;
	[dreg:$0x1] =	wrdreg $0xFFFFFFFF  }
0xad: {  	s28 =	simm.s32 $_size_execute0_lowered;
	s5 =	sadd.s32 s5, s6;
	[dreg:$0x0] =	wrdreg $0x0  }
0xae: {  	s6 =	sshll.u32 s28, $0x1;
	[dreg:$0x2] =	wrdreg s5  }
0xaf: {  	[dreg:$0x3] =	wrdreg s6  }
0xb0: {  	[dreg:$0x4] =	wrdreg $0xC0  }
0xb1: {  	_ =	task [dreg:s9], $0x5FFFF  }
0xb2: {  	[dreg:$0x1] =	wrdreg $0xFFFFFFFF  }
0xb3: {  	[dreg:$0x0] =	wrdreg $0x60  }
0xb4: {  	[dreg:$0x2] =	wrdreg s18  }
0xb5: {  	[dreg:$0x3] =	wrdreg s16  }
0xb6: {  	[dreg:$0x4] =	wrdreg s17  }
0xb7: {  	[dreg:$0x5] =	wrdreg $0x9  }
0xb8: {  	_ =	task.clear_ibuf [dreg:s9], $0x6FFFF;
	_ =	strace $0x90000046  }
0xb9: {  	s29 =	simm.s32 $0x9;
	_ =	strace $0x80000048  }
0xba: {  	_ =	swait.ge [sflag:s29], $0x1  }
0xbb: {  	[sflag:s29] =	ssyncadd.s32 $0xFFFFFFFF  }
0xbc: {  	_ =	strace $0x90000048  }
0xbd: {  	_ =	sfence  }
0xbe: {  	s30 =	sld [smem:$0x0];
	_ =	sdelay $0x2  }
0xbf: {  	s31 =	sshll.u32 s1, $0xD;
	s1 =	sshrl.u32 s1, $0x2  }
0xc0: {  	s3 =	sand.u32 $0x4000, s31;
	s1 =	sadd.s32 s1, s30  }
0xc1: {  	s0 =	sor.u32 s3, s0;
	s1 =	sshll.u32 s1, $0x11  }
0xc2: {  	s0 =	sor.u32 s1, s0  }
0xc3: {  	s0 =	sadd.s32 $0x8F2B, s0  }
0xc4: {  	[sflag:s0] =	ssyncadd.remote.s32 $0x1  }
0xc5: {  	_ =	sfence.sel $0xFFFF  }
0xc6: {  	[dreg:$0x0] =	wrdreg $0xFFFFFFFF;
	(pc) =	sbr.abs _section_cstart, $3  }
0xc7: {  	[dreg:$0x1] =	wrdreg $0xFFFFFFFF  }
0xc8: {  	_ =	task.clear_ibuf [dreg:s9], $0x2FFFF;
	_ =	strace $0x9FFFFFFF  }
0xc9: {  	(tm) =	ssettm $0x7FFFFFFF  }
tec
execute0_lowered:
.L_overlay_start_1:
0x0: {  	(tag) =	ssettag $0x1  }
0x1: {  	s0 =	srdreg.scid  }
0x2: {  	s3 =	rddreg [dreg:$0x0];
	s15 =	stileid.u32;
	s1 =	sand.u32 $0x1, s0  }
0x3: {  	s4 =	rddreg [dreg:$0x1];
	s5 =	sshll.u32 s15, $0xD;
	s6 =	sshll.u32 s1, $0xC  }
0x4: {  	s23 =	rddreg [dreg:$0x2];
	s5 =	sor.u32 s6, s5  }
0x5: {  	s2 =	simm.s32 $0x0;
	s6 =	sshrl.u32 s5, $0x3;
	s5 =	sshll.u32 s5, $0x3  }
0x6: {  	[smem:$0x7FF] =	sst s2;
	s4 =	sadd.s32 s4, s6;
	s30 =	sadd.s32 s23, s5  }
0x7: {  	_ =	strace $0x80000047;
	[dreg:$0x4] =	wrdreg s4;
	s0 =	sadd.s32 $0x400, s30  }
0x8: {  	s24 =	sadd.s32 $0x800, s30;
	[dreg:$0x5] =	wrdreg s0  }
0x9: {  	s25 =	sadd.s32 $0xC00, s30;
	[dreg:$0x6] =	wrdreg s24  }
0xa: {  	s26 =	sadd.s32 $0x1000, s30;
	[dreg:$0x7] =	wrdreg s25  }
0xb: {  	s4 =	sadd.s32 $0x1400, s30;
	[dreg:$0x8] =	wrdreg s26  }
0xc: {  	s5 =	sadd.s32 $0x1800, s30;
	[dreg:$0x9] =	wrdreg s4  }
0xd: {  	s6 =	sadd.s32 $0x1C00, s30;
	[dreg:$0xa] =	wrdreg s5  }
0xe: {  	s7 =	sadd.s32 $0x2000, s30;
	[dreg:$0xb] =	wrdreg s6  }
0xf: {  	s8 =	sadd.s32 $0x2400, s30;
	[dreg:$0xc] =	wrdreg s7  }
0x10: {  	s9 =	sadd.s32 $0x2800, s30;
	[dreg:$0xd] =	wrdreg s8  }
0x11: {  	s10 =	sadd.s32 $0x2C00, s30;
	[dreg:$0xe] =	wrdreg s9  }
0x12: {  	s11 =	sadd.s32 $0x3000, s30;
	[dreg:$0xf] =	wrdreg s10  }
0x13: {  	s12 =	sadd.s32 $0x3400, s30;
	[dreg:$0x10] =	wrdreg s11  }
0x14: {  	s13 =	sadd.s32 $0x3800, s30;
	[dreg:$0x11] =	wrdreg s12  }
0x15: {  	s14 =	sadd.s32 $0x3C00, s30;
	[dreg:$0x12] =	wrdreg s13  }
0x16: {  	s16 =	sadd.s32 $0x4000, s30;
	[dreg:$0x13] =	wrdreg s14  }
0x17: {  	s17 =	sadd.s32 $0x4400, s30;
	[dreg:$0x14] =	wrdreg s16  }
0x18: {  	s18 =	sadd.s32 $0x4800, s30;
	[dreg:$0x15] =	wrdreg s17  }
0x19: {  	s19 =	sadd.s32 $0x4C00, s30;
	[dreg:$0x16] =	wrdreg s18  }
0x1a: {  	s20 =	sadd.s32 $0x5000, s30;
	[dreg:$0x17] =	wrdreg s19  }
0x1b: {  	s21 =	sadd.s32 $0x5400, s30;
	[dreg:$0x18] =	wrdreg s20  }
0x1c: {  	s22 =	sadd.s32 $0x5800, s30;
	[dreg:$0x19] =	wrdreg s21  }
0x1d: {  	s23 =	sadd.s32 $0x5C00, s30;
	[dreg:$0x1a] =	wrdreg s22  }
0x1e: {  	[dreg:$0x1b] =	wrdreg s23  }
0x1f: {  	s24 =	sadd.s32 $0x6000, s30;
	s0 =	rddreg [dreg:$0x4]  }
0x20: {  	s25 =	sadd.s32 $0x6400, s30;
	[dreg:$0x1c] =	wrdreg s24  }
0x21: {  	s26 =	sadd.s32 $0x6800, s30;
	[dreg:$0x1d] =	wrdreg s25  }
0x22: {  	s4 =	sadd.s32 $0x6C00, s30;
	[dreg:$0x1e] =	wrdreg s26  }
0x23: {  	s5 =	sadd.s32 $0x7000, s30;
	[dreg:$0x1f] =	wrdreg s4  }
0x24: {  	s6 =	sadd.s32 $0x7400, s30;
	[smem:$0x7EA] =	sst s5  }
0x25: {  	s7 =	sadd.s32 $0x7800, s30;
	[smem:$0x7EB] =	sst s6  }
0x26: {  	s8 =	sadd.s32 $0x7C00, s30;
	[smem:$0x7EC] =	sst s7  }
0x27: {  	s31 =	simm.s32 $0x3;
	s9 =	simm.s32 $0x100;
	[smem:$0x7ED] =	sst s8  }
0x28: {  	s28 =	simm.s32 $0xA80;
	s10 =	simm.s32 $0x180;
	[smem:$0x7EE] =	sst s9  }
0x29: {  	s29 =	simm.s32 $0xB00;
	s11 =	simm.s32 $0x200;
	[smem:$0x7EF] =	sst s10  }
0x2a: {  	p0 =	por $0x0, $0x0;
	s13 =	simm.s32 $0x280;
	[smem:$0x7F0] =	sst s11  }
0x2b: {  	s1 =	ssub.s32 $0x2, s1;
	s14 =	simm.s32 $0x300;
	[smem:$0x7F1] =	sst s13  }
0x2c: {  	s12 =	sshrl.u32 s1, $0x1;
	s16 =	simm.s32 $0x380;
	[smem:$0x7F2] =	sst s14  }
0x2d: {  	s17 =	simm.s32 $0x400;
	s18 =	simm.s32 $0x480;
	[smem:$0x7F3] =	sst s16  }
0x2e: {  	s19 =	simm.s32 $0x500;
	s20 =	simm.s32 $0x580;
	[smem:$0x7F4] =	sst s17  }
0x2f: {  	s21 =	simm.s32 $0x600;
	s22 =	simm.s32 $0x680;
	[smem:$0x7F5] =	sst s18  }
0x30: {  	s23 =	simm.s32 $0x700;
	s1 =	ssub.s32 s1, s12;
	[smem:$0x7F6] =	sst s19  }
0x31: {  	s14 =	simm.s32 $0x80;
	s13 =	simm.s32 $0x1000;
	[smem:$0x7F7] =	sst s20  }
0x32: {  	s12 =	simm.s32 $0x3000;
	s11 =	simm.s32 $0x5000;
	[smem:$0x7F8] =	sst s21  }
0x33: {  	s10 =	simm.s32 $0x7000;
	s9 =	simm.s32 $0x9000;
	[smem:$0x7F9] =	sst s22  }
0x34: {  	s7 =	simm.s32 $0xB000;
	[smem:$0x7FA] =	sst s23;
	s24 =	simm.s32 $0x780  }
0x35: {  	s6 =	simm.s32 $0xD000;
	s25 =	simm.s32 $0x800;
	s5 =	simm.s32 $0xF000  }
0x36: {  	s26 =	simm.s32 $0x880;
	s8 =	simm.s32 $0x1;
	s1 =	smax.u32 s1, $0x1  }
0x37: {  	s4 =	simm.s32 $0x2;
	s16 =	simm.s32 $0xB80;
	p1 =	sne.s32 s1, $0x1  }
.Ltmp0:
0x38: {  	s17 =	simm.s32 $0xC80;
	s18 =	simm.s32 $0xD00;
	(pc) =	sbr.rel @!p1 .LBB2_1-.Ltmp0, $4  }
0x39: {  	s19 =	simm.s32 $0xD80;
	s20 =	simm.s32 $0xE00;
	[smem:$0x7FB] =	sst s24  }
0x3a: {  	s21 =	simm.s32 $0xE80;
	s22 =	simm.s32 $0xF00;
	[smem:$0x7FC] =	sst s25  }
0x3b: {  	s23 =	simm.s32 $0xF80;
	[smem:$0x7FD] =	sst s26;
	s24 =	simm.s32 $0x900  }
0x3c: {  	s25 =	simm.s32 $0x980;
	s26 =	simm.s32 $0xA00;
	s1 =	sadd.s32 $0xFFFFFFFF, s1  }
0x3d: {  	[tilespmem:s2], [sflag:$0x3] =	stream.linear.gather [hbm4b:s0+s2], $0x1000, $0x38;
	[tilespmem:$0x11000] =	vst v63  }
0x3e: {  	_ =	swait.ge [sflag:s31], $0x1000  }
0x3f: {  	[sflag:s31] =	ssyncset.done $0x0  }
0x40: {  	[sflag:s31] =	ssyncadd.s32 $0xFFFFF000  }
0x41: {  	[tilespmem:s13], [sflag:$0x1] =	stream.indirect.gather [hbm4b:s3+s14], $0x40, s2, s14, $0xb8;
	[tilespmem:$0x11000] =	vst v63  }
0x42: {  	s0 =	sld [smem:$0x7EE]  }
0x43: {  	[tilespmem:s12], [sflag:$0x1] =	stream.indirect.gather [hbm4b:s3+s14], $0x40, s14, s14, $0xb8;
	[tilespmem:$0x11000] =	vst v63  }
0x44: {  	s15 =	smov.u32 s1;
	s1 =	sld [smem:$0x7EF]  }
0x45: {  	[tilespmem:s11], [sflag:$0x1] =	stream.indirect.gather [hbm4b:s3+s14], $0x40, s0, s14, $0xb8;
	[tilespmem:$0x11000] =	vst v63  }
0x46: {  	s0 =	sld [smem:$0x7F0]  }
0x47: {  	[tilespmem:s10], [sflag:$0x1] =	stream.indirect.gather [hbm4b:s3+s14], $0x40, s1, s14, $0xb8;
	[tilespmem:$0x11000] =	vst v63  }
0x48: {  	s1 =	sld [smem:$0x7F1]  }
0x49: {  	[tilespmem:s9], [sflag:$0x1] =	stream.indirect.gather [hbm4b:s3+s14], $0x40, s0, s14, $0xb8;
	[tilespmem:$0x11000] =	vst v63  }
0x4a: {  	s0 =	sld [smem:$0x7F2]  }
0x4b: {  	[tilespmem:s7], [sflag:$0x1] =	stream.indirect.gather [hbm4b:s3+s14], $0x40, s1, s14, $0xb8;
	[tilespmem:$0x11000] =	vst v63  }
0x4c: {  	s1 =	sld [smem:$0x7F3]  }
0x4d: {  	[tilespmem:s6], [sflag:$0x1] =	stream.indirect.gather [hbm4b:s3+s14], $0x40, s0, s14, $0xb8;
	[tilespmem:$0x11000] =	vst v63  }
0x4e: {  	_ = 	snop  }
0x4f: {  	[tilespmem:s5], [sflag:$0x1] =	stream.indirect.gather [hbm4b:s3+s14], $0x40, s1, s14, $0xb8;
	[tilespmem:$0x11000] =	vst v63  }
0x50: {  	_ =	swait.ge [sflag:s8], $0x2000  }
0x51: {  	[sflag:s8] =	ssyncset.done $0x0  }
0x52: {  	[sflag:s8] =	ssyncadd.s32 $0xFFFFE000  }
0x53: {  	[hbm4b:s30+s2] =	stream.linear.scatter [tilespmem:s13], [sflag:$0x2], $0x2000, $0x38;
	[tilespmem:$0x11000] =	vst v63  }
0x54: {  	_ =	swait.ge [sflag:s8], $0x2000  }
0x55: {  	[sflag:s8] =	ssyncset.done $0x0  }
0x56: {  	s1 =	rddreg [dreg:$0x5];
	[sflag:s8] =	ssyncadd.s32 $0xFFFFE000  }
0x57: {  	[hbm4b:s1+s2] =	stream.linear.scatter [tilespmem:s12], [sflag:$0x2], $0x2000, $0x38;
	[tilespmem:$0x11000] =	vst v63  }
0x58: {  	_ =	swait.ge [sflag:s8], $0x2000  }
0x59: {  	[sflag:s8] =	ssyncset.done $0x0  }
0x5a: {  	s1 =	rddreg [dreg:$0x6];
	[sflag:s8] =	ssyncadd.s32 $0xFFFFE000  }
0x5b: {  	[hbm4b:s1+s2] =	stream.linear.scatter [tilespmem:s11], [sflag:$0x2], $0x2000, $0x38;
	[tilespmem:$0x11000] =	vst v63  }
0x5c: {  	_ =	swait.ge [sflag:s8], $0x2000  }
0x5d: {  	[sflag:s8] =	ssyncset.done $0x0  }
0x5e: {  	s1 =	rddreg [dreg:$0x7];
	[sflag:s8] =	ssyncadd.s32 $0xFFFFE000  }
0x5f: {  	[hbm4b:s1+s2] =	stream.linear.scatter [tilespmem:s10], [sflag:$0x2], $0x2000, $0x38;
	[tilespmem:$0x11000] =	vst v63  }
0x60: {  	_ =	swait.ge [sflag:s8], $0x2000  }
0x61: {  	[sflag:s8] =	ssyncset.done $0x0  }
0x62: {  	s1 =	rddreg [dreg:$0x8];
	[sflag:s8] =	ssyncadd.s32 $0xFFFFE000  }
0x63: {  	[hbm4b:s1+s2] =	stream.linear.scatter [tilespmem:s9], [sflag:$0x2], $0x2000, $0x38;
	[tilespmem:$0x11000] =	vst v63  }
0x64: {  	_ =	swait.ge [sflag:s8], $0x2000  }
0x65: {  	[sflag:s8] =	ssyncset.done $0x0  }
0x66: {  	s1 =	rddreg [dreg:$0x9];
	[sflag:s8] =	ssyncadd.s32 $0xFFFFE000  }
0x67: {  	[hbm4b:s1+s2] =	stream.linear.scatter [tilespmem:s7], [sflag:$0x2], $0x2000, $0x38;
	[tilespmem:$0x11000] =	vst v63  }
0x68: {  	_ =	swait.ge [sflag:s8], $0x2000  }
0x69: {  	[sflag:s8] =	ssyncset.done $0x0  }
0x6a: {  	s1 =	rddreg [dreg:$0xa];
	[sflag:s8] =	ssyncadd.s32 $0xFFFFE000  }
0x6b: {  	[hbm4b:s1+s2] =	stream.linear.scatter [tilespmem:s6], [sflag:$0x2], $0x2000, $0x38;
	[tilespmem:$0x11000] =	vst v63  }
0x6c: {  	_ =	swait.ge [sflag:s8], $0x2000  }
0x6d: {  	[sflag:s8] =	ssyncset.done $0x0  }
0x6e: {  	s1 =	rddreg [dreg:$0xb];
	[sflag:s8] =	ssyncadd.s32 $0xFFFFE000  }
0x6f: {  	[hbm4b:s1+s2] =	stream.linear.scatter [tilespmem:s5], [sflag:$0x2], $0x2000, $0x38;
	[tilespmem:$0x11000] =	vst v63  }
0x70: {  	_ =	swait.ge [sflag:s4], $0x2000  }
0x71: {  	[sflag:s4] =	ssyncset.done $0x0  }
0x72: {  	[sflag:s4] =	ssyncadd.s32 $0xFFFFE000  }
0x73: {  	_ =	swait.ge [sflag:s4], $0x2000  }
0x74: {  	[sflag:s4] =	ssyncset.done $0x0  }
0x75: {  	[sflag:s4] =	ssyncadd.s32 $0xFFFFE000  }
0x76: {  	_ =	swait.ge [sflag:s4], $0x2000  }
0x77: {  	[sflag:s4] =	ssyncset.done $0x0  }
0x78: {  	[sflag:s4] =	ssyncadd.s32 $0xFFFFE000  }
0x79: {  	_ =	swait.ge [sflag:s4], $0x2000  }
0x7a: {  	[sflag:s4] =	ssyncset.done $0x0  }
0x7b: {  	[sflag:s4] =	ssyncadd.s32 $0xFFFFE000  }
0x7c: {  	_ =	swait.ge [sflag:s4], $0x2000  }
0x7d: {  	[sflag:s4] =	ssyncset.done $0x0  }
0x7e: {  	[sflag:s4] =	ssyncadd.s32 $0xFFFFE000  }
0x7f: {  	_ =	swait.ge [sflag:s4], $0x2000  }
0x80: {  	[sflag:s4] =	ssyncset.done $0x0  }
0x81: {  	[sflag:s4] =	ssyncadd.s32 $0xFFFFE000  }
0x82: {  	_ =	swait.ge [sflag:s4], $0x2000  }
0x83: {  	[sflag:s4] =	ssyncset.done $0x0  }
0x84: {  	[sflag:s4] =	ssyncadd.s32 $0xFFFFE000  }
0x85: {  	_ =	swait.ge [sflag:s4], $0x2000  }
0x86: {  	s0 =	sld [smem:$0x7F4]  }
0x87: {  	[sflag:s4] =	ssyncset.done $0x0  }
0x88: {  	s1 =	sld [smem:$0x7F5];
	[sflag:s4] =	ssyncadd.s32 $0xFFFFE000  }
0x89: {  	[tilespmem:s13], [sflag:$0x1] =	stream.indirect.gather [hbm4b:s3+s14], $0x40, s0, s14, $0xb8;
	[tilespmem:$0x11000] =	vst v63  }
0x8a: {  	s0 =	sld [smem:$0x7F6]  }
0x8b: {  	[tilespmem:s12], [sflag:$0x1] =	stream.indirect.gather [hbm4b:s3+s14], $0x40, s1, s14, $0xb8;
	[tilespmem:$0x11000] =	vst v63  }
0x8c: {  	s1 =	sld [smem:$0x7F7]  }
0x8d: {  	[tilespmem:s11], [sflag:$0x1] =	stream.indirect.gather [hbm4b:s3+s14], $0x40, s0, s14, $0xb8;
	[tilespmem:$0x11000] =	vst v63  }
0x8e: {  	s0 =	sld [smem:$0x7F8]  }
0x8f: {  	[tilespmem:s10], [sflag:$0x1] =	stream.indirect.gather [hbm4b:s3+s14], $0x40, s1, s14, $0xb8;
	[tilespmem:$0x11000] =	vst v63  }
0x90: {  	s1 =	sld [smem:$0x7F9]  }
0x91: {  	[tilespmem:s9], [sflag:$0x1] =	stream.indirect.gather [hbm4b:s3+s14], $0x40, s0, s14, $0xb8;
	[tilespmem:$0x11000] =	vst v63  }
0x92: {  	s0 =	sld [smem:$0x7FA]  }
0x93: {  	[tilespmem:s7], [sflag:$0x1] =	stream.indirect.gather [hbm4b:s3+s14], $0x40, s1, s14, $0xb8;
	[tilespmem:$0x11000] =	vst v63  }
0x94: {  	s1 =	sld [smem:$0x7FB]  }
0x95: {  	[tilespmem:s6], [sflag:$0x1] =	stream.indirect.gather [hbm4b:s3+s14], $0x40, s0, s14, $0xb8;
	[tilespmem:$0x11000] =	vst v63  }
0x96: {  	_ = 	snop  }
0x97: {  	[tilespmem:s5], [sflag:$0x1] =	stream.indirect.gather [hbm4b:s3+s14], $0x40, s1, s14, $0xb8;
	[tilespmem:$0x11000] =	vst v63  }
0x98: {  	_ =	swait.ge [sflag:s8], $0x2000  }
0x99: {  	[sflag:s8] =	ssyncset.done $0x0  }
0x9a: {  	s1 =	rddreg [dreg:$0xc];
	[sflag:s8] =	ssyncadd.s32 $0xFFFFE000  }
0x9b: {  	[hbm4b:s1+s2] =	stream.linear.scatter [tilespmem:s13], [sflag:$0x2], $0x2000, $0x38;
	[tilespmem:$0x11000] =	vst v63  }
0x9c: {  	_ =	swait.ge [sflag:s8], $0x2000  }
0x9d: {  	[sflag:s8] =	ssyncset.done $0x0  }
0x9e: {  	s1 =	rddreg [dreg:$0xd];
	[sflag:s8] =	ssyncadd.s32 $0xFFFFE000  }
0x9f: {  	[hbm4b:s1+s2] =	stream.linear.scatter [tilespmem:s12], [sflag:$0x2], $0x2000, $0x38;
	[tilespmem:$0x11000] =	vst v63  }
0xa0: {  	_ =	swait.ge [sflag:s8], $0x2000  }
0xa1: {  	[sflag:s8] =	ssyncset.done $0x0  }
0xa2: {  	s1 =	rddreg [dreg:$0xe];
	[sflag:s8] =	ssyncadd.s32 $0xFFFFE000  }
0xa3: {  	[hbm4b:s1+s2] =	stream.linear.scatter [tilespmem:s11], [sflag:$0x2], $0x2000, $0x38;
	[tilespmem:$0x11000] =	vst v63  }
0xa4: {  	_ =	swait.ge [sflag:s8], $0x2000  }
0xa5: {  	[sflag:s8] =	ssyncset.done $0x0  }
0xa6: {  	s1 =	rddreg [dreg:$0xf];
	[sflag:s8] =	ssyncadd.s32 $0xFFFFE000  }
0xa7: {  	[hbm4b:s1+s2] =	stream.linear.scatter [tilespmem:s10], [sflag:$0x2], $0x2000, $0x38;
	[tilespmem:$0x11000] =	vst v63  }
0xa8: {  	_ =	swait.ge [sflag:s8], $0x2000  }
0xa9: {  	[sflag:s8] =	ssyncset.done $0x0  }
0xaa: {  	s1 =	rddreg [dreg:$0x10];
	[sflag:s8] =	ssyncadd.s32 $0xFFFFE000  }
0xab: {  	[hbm4b:s1+s2] =	stream.linear.scatter [tilespmem:s9], [sflag:$0x2], $0x2000, $0x38;
	[tilespmem:$0x11000] =	vst v63  }
0xac: {  	_ =	swait.ge [sflag:s8], $0x2000  }
0xad: {  	[sflag:s8] =	ssyncset.done $0x0  }
0xae: {  	s1 =	rddreg [dreg:$0x11];
	[sflag:s8] =	ssyncadd.s32 $0xFFFFE000  }
0xaf: {  	[hbm4b:s1+s2] =	stream.linear.scatter [tilespmem:s7], [sflag:$0x2], $0x2000, $0x38;
	[tilespmem:$0x11000] =	vst v63  }
0xb0: {  	_ =	swait.ge [sflag:s8], $0x2000  }
0xb1: {  	[sflag:s8] =	ssyncset.done $0x0  }
0xb2: {  	s1 =	rddreg [dreg:$0x12];
	[sflag:s8] =	ssyncadd.s32 $0xFFFFE000  }
0xb3: {  	[hbm4b:s1+s2] =	stream.linear.scatter [tilespmem:s6], [sflag:$0x2], $0x2000, $0x38;
	[tilespmem:$0x11000] =	vst v63  }
0xb4: {  	_ =	swait.ge [sflag:s8], $0x2000  }
0xb5: {  	[sflag:s8] =	ssyncset.done $0x0  }
0xb6: {  	s1 =	rddreg [dreg:$0x13];
	[sflag:s8] =	ssyncadd.s32 $0xFFFFE000  }
0xb7: {  	[hbm4b:s1+s2] =	stream.linear.scatter [tilespmem:s5], [sflag:$0x2], $0x2000, $0x38;
	[tilespmem:$0x11000] =	vst v63  }
0xb8: {  	_ =	swait.ge [sflag:s4], $0x2000  }
0xb9: {  	[sflag:s4] =	ssyncset.done $0x0  }
0xba: {  	[sflag:s4] =	ssyncadd.s32 $0xFFFFE000  }
0xbb: {  	_ =	swait.ge [sflag:s4], $0x2000  }
0xbc: {  	[sflag:s4] =	ssyncset.done $0x0  }
0xbd: {  	[sflag:s4] =	ssyncadd.s32 $0xFFFFE000  }
0xbe: {  	_ =	swait.ge [sflag:s4], $0x2000  }
0xbf: {  	[sflag:s4] =	ssyncset.done $0x0  }
0xc0: {  	[sflag:s4] =	ssyncadd.s32 $0xFFFFE000  }
0xc1: {  	_ =	swait.ge [sflag:s4], $0x2000  }
0xc2: {  	[sflag:s4] =	ssyncset.done $0x0  }
0xc3: {  	[sflag:s4] =	ssyncadd.s32 $0xFFFFE000  }
0xc4: {  	_ =	swait.ge [sflag:s4], $0x2000  }
0xc5: {  	[sflag:s4] =	ssyncset.done $0x0  }
0xc6: {  	[sflag:s4] =	ssyncadd.s32 $0xFFFFE000  }
0xc7: {  	_ =	swait.ge [sflag:s4], $0x2000  }
0xc8: {  	[sflag:s4] =	ssyncset.done $0x0  }
0xc9: {  	[sflag:s4] =	ssyncadd.s32 $0xFFFFE000  }
0xca: {  	_ =	swait.ge [sflag:s4], $0x2000  }
0xcb: {  	[sflag:s4] =	ssyncset.done $0x0  }
0xcc: {  	[sflag:s4] =	ssyncadd.s32 $0xFFFFE000  }
0xcd: {  	_ =	swait.ge [sflag:s4], $0x2000  }
0xce: {  	s0 =	sld [smem:$0x7FC]  }
0xcf: {  	[sflag:s4] =	ssyncset.done $0x0  }
0xd0: {  	s1 =	sld [smem:$0x7FD];
	[sflag:s4] =	ssyncadd.s32 $0xFFFFE000  }
0xd1: {  	[tilespmem:s13], [sflag:$0x1] =	stream.indirect.gather [hbm4b:s3+s14], $0x40, s0, s14, $0xb8;
	[tilespmem:$0x11000] =	vst v63  }
0xd2: {  	_ = 	snop  }
0xd3: {  	[tilespmem:s12], [sflag:$0x1] =	stream.indirect.gather [hbm4b:s3+s14], $0x40, s1, s14, $0xb8;
	[tilespmem:$0x11000] =	vst v63  }
0xd4: {  	_ = 	snop  }
0xd5: {  	[tilespmem:s11], [sflag:$0x1] =	stream.indirect.gather [hbm4b:s3+s14], $0x40, s24, s14, $0xb8;
	[tilespmem:$0x11000] =	vst v63  }
0xd6: {  	_ = 	snop  }
0xd7: {  	[tilespmem:s10], [sflag:$0x1] =	stream.indirect.gather [hbm4b:s3+s14], $0x40, s25, s14, $0xb8;
	[tilespmem:$0x11000] =	vst v63  }
0xd8: {  	_ = 	snop  }
0xd9: {  	[tilespmem:s9], [sflag:$0x1] =	stream.indirect.gather [hbm4b:s3+s14], $0x40, s26, s14, $0xb8;
	[tilespmem:$0x11000] =	vst v63  }
0xda: {  	_ = 	snop  }
0xdb: {  	[tilespmem:s7], [sflag:$0x1] =	stream.indirect.gather [hbm4b:s3+s14], $0x40, s28, s14, $0xb8;
	[tilespmem:$0x11000] =	vst v63  }
0xdc: {  	_ = 	snop  }
0xdd: {  	[tilespmem:s6], [sflag:$0x1] =	stream.indirect.gather [hbm4b:s3+s14], $0x40, s29, s14, $0xb8;
	[tilespmem:$0x11000] =	vst v63  }
0xde: {  	_ = 	snop  }
0xdf: {  	[tilespmem:s5], [sflag:$0x1] =	stream.indirect.gather [hbm4b:s3+s14], $0x40, s16, s14, $0xb8;
	[tilespmem:$0x11000] =	vst v63  }
0xe0: {  	_ =	swait.ge [sflag:s8], $0x2000  }
0xe1: {  	[sflag:s8] =	ssyncset.done $0x0  }
0xe2: {  	s1 =	rddreg [dreg:$0x14];
	[sflag:s8] =	ssyncadd.s32 $0xFFFFE000  }
0xe3: {  	[hbm4b:s1+s2] =	stream.linear.scatter [tilespmem:s13], [sflag:$0x2], $0x2000, $0x38;
	[tilespmem:$0x11000] =	vst v63  }
0xe4: {  	_ =	swait.ge [sflag:s8], $0x2000  }
0xe5: {  	[sflag:s8] =	ssyncset.done $0x0  }
0xe6: {  	s1 =	rddreg [dreg:$0x15];
	[sflag:s8] =	ssyncadd.s32 $0xFFFFE000  }
0xe7: {  	[hbm4b:s1+s2] =	stream.linear.scatter [tilespmem:s12], [sflag:$0x2], $0x2000, $0x38;
	[tilespmem:$0x11000] =	vst v63  }
0xe8: {  	_ =	swait.ge [sflag:s8], $0x2000  }
0xe9: {  	[sflag:s8] =	ssyncset.done $0x0  }
0xea: {  	s1 =	rddreg [dreg:$0x16];
	[sflag:s8] =	ssyncadd.s32 $0xFFFFE000  }
0xeb: {  	[hbm4b:s1+s2] =	stream.linear.scatter [tilespmem:s11], [sflag:$0x2], $0x2000, $0x38;
	[tilespmem:$0x11000] =	vst v63  }
0xec: {  	_ =	swait.ge [sflag:s8], $0x2000  }
0xed: {  	[sflag:s8] =	ssyncset.done $0x0  }
0xee: {  	s1 =	rddreg [dreg:$0x17];
	[sflag:s8] =	ssyncadd.s32 $0xFFFFE000  }
0xef: {  	[hbm4b:s1+s2] =	stream.linear.scatter [tilespmem:s10], [sflag:$0x2], $0x2000, $0x38;
	[tilespmem:$0x11000] =	vst v63  }
0xf0: {  	_ =	swait.ge [sflag:s8], $0x2000  }
0xf1: {  	[sflag:s8] =	ssyncset.done $0x0  }
0xf2: {  	s1 =	rddreg [dreg:$0x18];
	[sflag:s8] =	ssyncadd.s32 $0xFFFFE000  }
0xf3: {  	[hbm4b:s1+s2] =	stream.linear.scatter [tilespmem:s9], [sflag:$0x2], $0x2000, $0x38;
	[tilespmem:$0x11000] =	vst v63  }
0xf4: {  	_ =	swait.ge [sflag:s8], $0x2000  }
0xf5: {  	[sflag:s8] =	ssyncset.done $0x0  }
0xf6: {  	s1 =	rddreg [dreg:$0x19];
	[sflag:s8] =	ssyncadd.s32 $0xFFFFE000  }
0xf7: {  	[hbm4b:s1+s2] =	stream.linear.scatter [tilespmem:s7], [sflag:$0x2], $0x2000, $0x38;
	[tilespmem:$0x11000] =	vst v63  }
0xf8: {  	_ =	swait.ge [sflag:s8], $0x2000  }
0xf9: {  	[sflag:s8] =	ssyncset.done $0x0  }
0xfa: {  	s1 =	rddreg [dreg:$0x1a];
	[sflag:s8] =	ssyncadd.s32 $0xFFFFE000  }
0xfb: {  	[hbm4b:s1+s2] =	stream.linear.scatter [tilespmem:s6], [sflag:$0x2], $0x2000, $0x38;
	[tilespmem:$0x11000] =	vst v63  }
0xfc: {  	_ =	swait.ge [sflag:s8], $0x2000  }
0xfd: {  	[sflag:s8] =	ssyncset.done $0x0  }
0xfe: {  	s1 =	rddreg [dreg:$0x1b];
	[sflag:s8] =	ssyncadd.s32 $0xFFFFE000  }
0xff: {  	[hbm4b:s1+s2] =	stream.linear.scatter [tilespmem:s5], [sflag:$0x2], $0x2000, $0x38;
	[tilespmem:$0x11000] =	vst v63  }
0x100: {  	_ =	swait.ge [sflag:s4], $0x2000  }
0x101: {  	[sflag:s4] =	ssyncset.done $0x0  }
0x102: {  	[sflag:s4] =	ssyncadd.s32 $0xFFFFE000  }
0x103: {  	_ =	swait.ge [sflag:s4], $0x2000  }
0x104: {  	[sflag:s4] =	ssyncset.done $0x0  }
0x105: {  	[sflag:s4] =	ssyncadd.s32 $0xFFFFE000  }
0x106: {  	_ =	swait.ge [sflag:s4], $0x2000  }
0x107: {  	[sflag:s4] =	ssyncset.done $0x0  }
0x108: {  	[sflag:s4] =	ssyncadd.s32 $0xFFFFE000  }
0x109: {  	_ =	swait.ge [sflag:s4], $0x2000  }
0x10a: {  	[sflag:s4] =	ssyncset.done $0x0  }
0x10b: {  	[sflag:s4] =	ssyncadd.s32 $0xFFFFE000  }
0x10c: {  	_ =	swait.ge [sflag:s4], $0x2000  }
0x10d: {  	[sflag:s4] =	ssyncset.done $0x0  }
0x10e: {  	[sflag:s4] =	ssyncadd.s32 $0xFFFFE000  }
0x10f: {  	_ =	swait.ge [sflag:s4], $0x2000  }
0x110: {  	[sflag:s4] =	ssyncset.done $0x0  }
0x111: {  	[sflag:s4] =	ssyncadd.s32 $0xFFFFE000  }
0x112: {  	_ =	swait.ge [sflag:s4], $0x2000  }
0x113: {  	[sflag:s4] =	ssyncset.done $0x0  }
0x114: {  	[sflag:s4] =	ssyncadd.s32 $0xFFFFE000  }
0x115: {  	_ =	swait.ge [sflag:s4], $0x2000  }
0x116: {  	[sflag:s4] =	ssyncset.done $0x0  }
0x117: {  	s1 =	simm.s32 $0xC00;
	[sflag:s4] =	ssyncadd.s32 $0xFFFFE000  }
0x118: {  	[tilespmem:s13], [sflag:$0x1] =	stream.indirect.gather [hbm4b:s3+s14], $0x40, s1, s14, $0xb8;
	[tilespmem:$0x11000] =	vst v63  }
0x119: {  	_ = 	snop  }
0x11a: {  	[tilespmem:s12], [sflag:$0x1] =	stream.indirect.gather [hbm4b:s3+s14], $0x40, s17, s14, $0xb8;
	[tilespmem:$0x11000] =	vst v63  }
0x11b: {  	_ = 	snop  }
0x11c: {  	[tilespmem:s11], [sflag:$0x1] =	stream.indirect.gather [hbm4b:s3+s14], $0x40, s18, s14, $0xb8;
	[tilespmem:$0x11000] =	vst v63  }
0x11d: {  	_ = 	snop  }
0x11e: {  	[tilespmem:s10], [sflag:$0x1] =	stream.indirect.gather [hbm4b:s3+s14], $0x40, s19, s14, $0xb8;
	[tilespmem:$0x11000] =	vst v63  }
0x11f: {  	_ = 	snop  }
0x120: {  	[tilespmem:s9], [sflag:$0x1] =	stream.indirect.gather [hbm4b:s3+s14], $0x40, s20, s14, $0xb8;
	[tilespmem:$0x11000] =	vst v63  }
0x121: {  	_ = 	snop  }
0x122: {  	[tilespmem:s7], [sflag:$0x1] =	stream.indirect.gather [hbm4b:s3+s14], $0x40, s21, s14, $0xb8;
	[tilespmem:$0x11000] =	vst v63  }
0x123: {  	_ = 	snop  }
0x124: {  	[tilespmem:s6], [sflag:$0x1] =	stream.indirect.gather [hbm4b:s3+s14], $0x40, s22, s14, $0xb8;
	[tilespmem:$0x11000] =	vst v63  }
0x125: {  	_ = 	snop  }
0x126: {  	[tilespmem:s5], [sflag:$0x1] =	stream.indirect.gather [hbm4b:s3+s14], $0x40, s23, s14, $0xb8;
	[tilespmem:$0x11000] =	vst v63  }
0x127: {  	_ =	swait.ge [sflag:s8], $0x2000  }
0x128: {  	[sflag:s8] =	ssyncset.done $0x0  }
0x129: {  	s1 =	rddreg [dreg:$0x1c];
	[sflag:s8] =	ssyncadd.s32 $0xFFFFE000  }
0x12a: {  	[hbm4b:s1+s2] =	stream.linear.scatter [tilespmem:s13], [sflag:$0x2], $0x2000, $0x38;
	[tilespmem:$0x11000] =	vst v63  }
0x12b: {  	_ =	swait.ge [sflag:s8], $0x2000  }
0x12c: {  	[sflag:s8] =	ssyncset.done $0x0  }
0x12d: {  	s1 =	rddreg [dreg:$0x1d];
	[sflag:s8] =	ssyncadd.s32 $0xFFFFE000  }
0x12e: {  	[hbm4b:s1+s2] =	stream.linear.scatter [tilespmem:s12], [sflag:$0x2], $0x2000, $0x38;
	[tilespmem:$0x11000] =	vst v63  }
0x12f: {  	_ =	swait.ge [sflag:s8], $0x2000  }
0x130: {  	[sflag:s8] =	ssyncset.done $0x0  }
0x131: {  	s1 =	rddreg [dreg:$0x1e];
	[sflag:s8] =	ssyncadd.s32 $0xFFFFE000  }
0x132: {  	[hbm4b:s1+s2] =	stream.linear.scatter [tilespmem:s11], [sflag:$0x2], $0x2000, $0x38;
	[tilespmem:$0x11000] =	vst v63  }
0x133: {  	_ =	swait.ge [sflag:s8], $0x2000  }
0x134: {  	[sflag:s8] =	ssyncset.done $0x0  }
0x135: {  	s1 =	rddreg [dreg:$0x1f];
	[sflag:s8] =	ssyncadd.s32 $0xFFFFE000  }
0x136: {  	[hbm4b:s1+s2] =	stream.linear.scatter [tilespmem:s10], [sflag:$0x2], $0x2000, $0x38;
	[tilespmem:$0x11000] =	vst v63  }
0x137: {  	_ =	swait.ge [sflag:s8], $0x2000  }
0x138: {  	s1 =	sld [smem:$0x7EA]  }
0x139: {  	[sflag:s8] =	ssyncset.done $0x0  }
0x13a: {  	[sflag:s8] =	ssyncadd.s32 $0xFFFFE000  }
0x13b: {  	[hbm4b:s1+s2] =	stream.linear.scatter [tilespmem:s9], [sflag:$0x2], $0x2000, $0x38;
	[tilespmem:$0x11000] =	vst v63  }
0x13c: {  	_ =	swait.ge [sflag:s8], $0x2000  }
0x13d: {  	s1 =	sld [smem:$0x7EB]  }
0x13e: {  	[sflag:s8] =	ssyncset.done $0x0  }
0x13f: {  	[sflag:s8] =	ssyncadd.s32 $0xFFFFE000  }
0x140: {  	[hbm4b:s1+s2] =	stream.linear.scatter [tilespmem:s7], [sflag:$0x2], $0x2000, $0x38;
	[tilespmem:$0x11000] =	vst v63  }
0x141: {  	_ =	swait.ge [sflag:s8], $0x2000  }
0x142: {  	s1 =	sld [smem:$0x7EC]  }
0x143: {  	[sflag:s8] =	ssyncset.done $0x0  }
0x144: {  	[sflag:s8] =	ssyncadd.s32 $0xFFFFE000  }
0x145: {  	[hbm4b:s1+s2] =	stream.linear.scatter [tilespmem:s6], [sflag:$0x2], $0x2000, $0x38;
	[tilespmem:$0x11000] =	vst v63  }
0x146: {  	_ =	swait.ge [sflag:s8], $0x2000  }
0x147: {  	s1 =	sld [smem:$0x7ED]  }
0x148: {  	[sflag:s8] =	ssyncset.done $0x0  }
0x149: {  	[sflag:s8] =	ssyncadd.s32 $0xFFFFE000  }
0x14a: {  	[hbm4b:s1+s2] =	stream.linear.scatter [tilespmem:s5], [sflag:$0x2], $0x2000, $0x38;
	[tilespmem:$0x11000] =	vst v63  }
0x14b: {  	_ =	swait.ge [sflag:s4], $0x2000  }
0x14c: {  	[sflag:s4] =	ssyncset.done $0x0  }
0x14d: {  	[sflag:s4] =	ssyncadd.s32 $0xFFFFE000  }
0x14e: {  	_ =	swait.ge [sflag:s4], $0x2000  }
0x14f: {  	[sflag:s4] =	ssyncset.done $0x0  }
0x150: {  	[sflag:s4] =	ssyncadd.s32 $0xFFFFE000  }
0x151: {  	_ =	swait.ge [sflag:s4], $0x2000  }
0x152: {  	[sflag:s4] =	ssyncset.done $0x0  }
0x153: {  	[sflag:s4] =	ssyncadd.s32 $0xFFFFE000  }
0x154: {  	_ =	swait.ge [sflag:s4], $0x2000  }
0x155: {  	[sflag:s4] =	ssyncset.done $0x0  }
0x156: {  	[sflag:s4] =	ssyncadd.s32 $0xFFFFE000  }
0x157: {  	_ =	swait.ge [sflag:s4], $0x2000  }
0x158: {  	[sflag:s4] =	ssyncset.done $0x0  }
0x159: {  	[sflag:s4] =	ssyncadd.s32 $0xFFFFE000  }
0x15a: {  	_ =	swait.ge [sflag:s4], $0x2000  }
0x15b: {  	[sflag:s4] =	ssyncset.done $0x0  }
0x15c: {  	p1 =	sne.s32 s15, $0x1;
	[sflag:s4] =	ssyncadd.s32 $0xFFFFE000  }
.Ltmp1:
0x15d: {  	_ =	swait.ge [sflag:s4], $0x2000;
	(pc) =	sbr.rel @!p1 .LBB2_3-.Ltmp1, $4  }
0x15e: {  	[sflag:s4] =	ssyncset.done $0x0  }
0x15f: {  	[sflag:s4] =	ssyncadd.s32 $0xFFFFE000  }
0x160: {  	p0 =	por $0x1, $0x1;
	_ =	swait.ge [sflag:s4], $0x2000  }
0x161: {  	s1 =	sadd.s32 $0xFFFFFFFF, s15;
	s0 =	rddreg [dreg:$0x4];
	[sflag:s4] =	ssyncset.done $0x0  }
.LBB2_4:
0x162: {  	[sflag:s4] =	ssyncadd.s32 $0xFFFFE000  }
0x163: {  	[tilespmem:s2], [sflag:$0x3] =	stream.linear.gather [hbm4b:s0+s2], $0x1000, $0x38;
	[tilespmem:$0x11000] =	vst v63  }
0x164: {  	_ =	swait.ge [sflag:s31], $0x1000  }
0x165: {  	[sflag:s31] =	ssyncset.done $0x0  }
0x166: {  	[sflag:s31] =	ssyncadd.s32 $0xFFFFF000  }
0x167: {  	[tilespmem:s13], [sflag:$0x1] =	stream.indirect.gather [hbm4b:s3+s14], $0x40, s2, s14, $0xb8;
	[tilespmem:$0x11000] =	vst v63  }
0x168: {  	s0 =	sld [smem:$0x7EE]  }
0x169: {  	[tilespmem:s12], [sflag:$0x1] =	stream.indirect.gather [hbm4b:s3+s14], $0x40, s14, s14, $0xb8;
	[tilespmem:$0x11000] =	vst v63  }
0x16a: {  	s15 =	sld [smem:$0x7EF]  }
0x16b: {  	[tilespmem:s11], [sflag:$0x1] =	stream.indirect.gather [hbm4b:s3+s14], $0x40, s0, s14, $0xb8;
	[tilespmem:$0x11000] =	vst v63  }
0x16c: {  	s0 =	sld [smem:$0x7F0]  }
0x16d: {  	[tilespmem:s10], [sflag:$0x1] =	stream.indirect.gather [hbm4b:s3+s14], $0x40, s15, s14, $0xb8;
	[tilespmem:$0x11000] =	vst v63  }
0x16e: {  	s15 =	sld [smem:$0x7F1]  }
0x16f: {  	[tilespmem:s9], [sflag:$0x1] =	stream.indirect.gather [hbm4b:s3+s14], $0x40, s0, s14, $0xb8;
	[tilespmem:$0x11000] =	vst v63  }
0x170: {  	s0 =	sld [smem:$0x7F2]  }
0x171: {  	[tilespmem:s7], [sflag:$0x1] =	stream.indirect.gather [hbm4b:s3+s14], $0x40, s15, s14, $0xb8;
	[tilespmem:$0x11000] =	vst v63  }
0x172: {  	s15 =	sld [smem:$0x7F3]  }
0x173: {  	[tilespmem:s6], [sflag:$0x1] =	stream.indirect.gather [hbm4b:s3+s14], $0x40, s0, s14, $0xb8;
	[tilespmem:$0x11000] =	vst v63  }
0x174: {  	_ = 	snop  }
0x175: {  	[tilespmem:s5], [sflag:$0x1] =	stream.indirect.gather [hbm4b:s3+s14], $0x40, s15, s14, $0xb8;
	[tilespmem:$0x11000] =	vst v63  }
0x176: {  	_ =	swait.ge [sflag:s8], $0x2000  }
0x177: {  	[sflag:s8] =	ssyncset.done $0x0  }
0x178: {  	[sflag:s8] =	ssyncadd.s32 $0xFFFFE000  }
0x179: {  	[hbm4b:s30+s2] =	stream.linear.scatter [tilespmem:s13], [sflag:$0x2], $0x2000, $0x38;
	[tilespmem:$0x11000] =	vst v63  }
0x17a: {  	_ =	swait.ge [sflag:s8], $0x2000  }
0x17b: {  	[sflag:s8] =	ssyncset.done $0x0  }
0x17c: {  	s15 =	rddreg [dreg:$0x5];
	[sflag:s8] =	ssyncadd.s32 $0xFFFFE000  }
0x17d: {  	[hbm4b:s15+s2] =	stream.linear.scatter [tilespmem:s12], [sflag:$0x2], $0x2000, $0x38;
	[tilespmem:$0x11000] =	vst v63  }
0x17e: {  	_ =	swait.ge [sflag:s8], $0x2000  }
0x17f: {  	[sflag:s8] =	ssyncset.done $0x0  }
0x180: {  	s15 =	rddreg [dreg:$0x6];
	[sflag:s8] =	ssyncadd.s32 $0xFFFFE000  }
0x181: {  	[hbm4b:s15+s2] =	stream.linear.scatter [tilespmem:s11], [sflag:$0x2], $0x2000, $0x38;
	[tilespmem:$0x11000] =	vst v63  }
0x182: {  	_ =	swait.ge [sflag:s8], $0x2000  }
0x183: {  	[sflag:s8] =	ssyncset.done $0x0  }
0x184: {  	s15 =	rddreg [dreg:$0x7];
	[sflag:s8] =	ssyncadd.s32 $0xFFFFE000  }
0x185: {  	[hbm4b:s15+s2] =	stream.linear.scatter [tilespmem:s10], [sflag:$0x2], $0x2000, $0x38;
	[tilespmem:$0x11000] =	vst v63  }
0x186: {  	_ =	swait.ge [sflag:s8], $0x2000  }
0x187: {  	[sflag:s8] =	ssyncset.done $0x0  }
0x188: {  	s15 =	rddreg [dreg:$0x8];
	[sflag:s8] =	ssyncadd.s32 $0xFFFFE000  }
0x189: {  	[hbm4b:s15+s2] =	stream.linear.scatter [tilespmem:s9], [sflag:$0x2], $0x2000, $0x38;
	[tilespmem:$0x11000] =	vst v63  }
0x18a: {  	_ =	swait.ge [sflag:s8], $0x2000  }
0x18b: {  	[sflag:s8] =	ssyncset.done $0x0  }
0x18c: {  	s15 =	rddreg [dreg:$0x9];
	[sflag:s8] =	ssyncadd.s32 $0xFFFFE000  }
0x18d: {  	[hbm4b:s15+s2] =	stream.linear.scatter [tilespmem:s7], [sflag:$0x2], $0x2000, $0x38;
	[tilespmem:$0x11000] =	vst v63  }
0x18e: {  	_ =	swait.ge [sflag:s8], $0x2000  }
0x18f: {  	[sflag:s8] =	ssyncset.done $0x0  }
0x190: {  	s15 =	rddreg [dreg:$0xa];
	[sflag:s8] =	ssyncadd.s32 $0xFFFFE000  }
0x191: {  	[hbm4b:s15+s2] =	stream.linear.scatter [tilespmem:s6], [sflag:$0x2], $0x2000, $0x38;
	[tilespmem:$0x11000] =	vst v63  }
0x192: {  	_ =	swait.ge [sflag:s8], $0x2000  }
0x193: {  	[sflag:s8] =	ssyncset.done $0x0  }
0x194: {  	s15 =	rddreg [dreg:$0xb];
	[sflag:s8] =	ssyncadd.s32 $0xFFFFE000  }
0x195: {  	[hbm4b:s15+s2] =	stream.linear.scatter [tilespmem:s5], [sflag:$0x2], $0x2000, $0x38;
	[tilespmem:$0x11000] =	vst v63  }
0x196: {  	_ =	swait.ge [sflag:s4], $0x2000  }
0x197: {  	[sflag:s4] =	ssyncset.done $0x0  }
0x198: {  	[sflag:s4] =	ssyncadd.s32 $0xFFFFE000  }
0x199: {  	_ =	swait.ge [sflag:s4], $0x2000  }
0x19a: {  	[sflag:s4] =	ssyncset.done $0x0  }
0x19b: {  	[sflag:s4] =	ssyncadd.s32 $0xFFFFE000  }
0x19c: {  	_ =	swait.ge [sflag:s4], $0x2000  }
0x19d: {  	[sflag:s4] =	ssyncset.done $0x0  }
0x19e: {  	[sflag:s4] =	ssyncadd.s32 $0xFFFFE000  }
0x19f: {  	_ =	swait.ge [sflag:s4], $0x2000  }
0x1a0: {  	[sflag:s4] =	ssyncset.done $0x0  }
0x1a1: {  	[sflag:s4] =	ssyncadd.s32 $0xFFFFE000  }
0x1a2: {  	_ =	swait.ge [sflag:s4], $0x2000  }
0x1a3: {  	[sflag:s4] =	ssyncset.done $0x0  }
0x1a4: {  	[sflag:s4] =	ssyncadd.s32 $0xFFFFE000  }
0x1a5: {  	_ =	swait.ge [sflag:s4], $0x2000  }
0x1a6: {  	[sflag:s4] =	ssyncset.done $0x0  }
0x1a7: {  	[sflag:s4] =	ssyncadd.s32 $0xFFFFE000  }
0x1a8: {  	_ =	swait.ge [sflag:s4], $0x2000  }
0x1a9: {  	[sflag:s4] =	ssyncset.done $0x0  }
0x1aa: {  	[sflag:s4] =	ssyncadd.s32 $0xFFFFE000  }
0x1ab: {  	_ =	swait.ge [sflag:s4], $0x2000  }
0x1ac: {  	s0 =	sld [smem:$0x7F4]  }
0x1ad: {  	[sflag:s4] =	ssyncset.done $0x0  }
0x1ae: {  	s15 =	sld [smem:$0x7F5];
	[sflag:s4] =	ssyncadd.s32 $0xFFFFE000  }
0x1af: {  	[tilespmem:s13], [sflag:$0x1] =	stream.indirect.gather [hbm4b:s3+s14], $0x40, s0, s14, $0xb8;
	[tilespmem:$0x11000] =	vst v63  }
0x1b0: {  	s0 =	sld [smem:$0x7F6]  }
0x1b1: {  	[tilespmem:s12], [sflag:$0x1] =	stream.indirect.gather [hbm4b:s3+s14], $0x40, s15, s14, $0xb8;
	[tilespmem:$0x11000] =	vst v63  }
0x1b2: {  	s15 =	sld [smem:$0x7F7]  }
0x1b3: {  	[tilespmem:s11], [sflag:$0x1] =	stream.indirect.gather [hbm4b:s3+s14], $0x40, s0, s14, $0xb8;
	[tilespmem:$0x11000] =	vst v63  }
0x1b4: {  	s0 =	sld [smem:$0x7F8]  }
0x1b5: {  	[tilespmem:s10], [sflag:$0x1] =	stream.indirect.gather [hbm4b:s3+s14], $0x40, s15, s14, $0xb8;
	[tilespmem:$0x11000] =	vst v63  }
0x1b6: {  	s15 =	sld [smem:$0x7F9]  }
0x1b7: {  	[tilespmem:s9], [sflag:$0x1] =	stream.indirect.gather [hbm4b:s3+s14], $0x40, s0, s14, $0xb8;
	[tilespmem:$0x11000] =	vst v63  }
0x1b8: {  	s0 =	sld [smem:$0x7FA]  }
0x1b9: {  	[tilespmem:s7], [sflag:$0x1] =	stream.indirect.gather [hbm4b:s3+s14], $0x40, s15, s14, $0xb8;
	[tilespmem:$0x11000] =	vst v63  }
0x1ba: {  	s15 =	sld [smem:$0x7FB]  }
0x1bb: {  	[tilespmem:s6], [sflag:$0x1] =	stream.indirect.gather [hbm4b:s3+s14], $0x40, s0, s14, $0xb8;
	[tilespmem:$0x11000] =	vst v63  }
0x1bc: {  	_ = 	snop  }
0x1bd: {  	[tilespmem:s5], [sflag:$0x1] =	stream.indirect.gather [hbm4b:s3+s14], $0x40, s15, s14, $0xb8;
	[tilespmem:$0x11000] =	vst v63  }
0x1be: {  	_ =	swait.ge [sflag:s8], $0x2000  }
0x1bf: {  	[sflag:s8] =	ssyncset.done $0x0  }
0x1c0: {  	s15 =	rddreg [dreg:$0xc];
	[sflag:s8] =	ssyncadd.s32 $0xFFFFE000  }
0x1c1: {  	[hbm4b:s15+s2] =	stream.linear.scatter [tilespmem:s13], [sflag:$0x2], $0x2000, $0x38;
	[tilespmem:$0x11000] =	vst v63  }
0x1c2: {  	_ =	swait.ge [sflag:s8], $0x2000  }
0x1c3: {  	[sflag:s8] =	ssyncset.done $0x0  }
0x1c4: {  	s15 =	rddreg [dreg:$0xd];
	[sflag:s8] =	ssyncadd.s32 $0xFFFFE000  }
0x1c5: {  	[hbm4b:s15+s2] =	stream.linear.scatter [tilespmem:s12], [sflag:$0x2], $0x2000, $0x38;
	[tilespmem:$0x11000] =	vst v63  }
0x1c6: {  	_ =	swait.ge [sflag:s8], $0x2000  }
0x1c7: {  	[sflag:s8] =	ssyncset.done $0x0  }
0x1c8: {  	s15 =	rddreg [dreg:$0xe];
	[sflag:s8] =	ssyncadd.s32 $0xFFFFE000  }
0x1c9: {  	[hbm4b:s15+s2] =	stream.linear.scatter [tilespmem:s11], [sflag:$0x2], $0x2000, $0x38;
	[tilespmem:$0x11000] =	vst v63  }
0x1ca: {  	_ =	swait.ge [sflag:s8], $0x2000  }
0x1cb: {  	[sflag:s8] =	ssyncset.done $0x0  }
0x1cc: {  	s15 =	rddreg [dreg:$0xf];
	[sflag:s8] =	ssyncadd.s32 $0xFFFFE000  }
0x1cd: {  	[hbm4b:s15+s2] =	stream.linear.scatter [tilespmem:s10], [sflag:$0x2], $0x2000, $0x38;
	[tilespmem:$0x11000] =	vst v63  }
0x1ce: {  	_ =	swait.ge [sflag:s8], $0x2000  }
0x1cf: {  	[sflag:s8] =	ssyncset.done $0x0  }
0x1d0: {  	s15 =	rddreg [dreg:$0x10];
	[sflag:s8] =	ssyncadd.s32 $0xFFFFE000  }
0x1d1: {  	[hbm4b:s15+s2] =	stream.linear.scatter [tilespmem:s9], [sflag:$0x2], $0x2000, $0x38;
	[tilespmem:$0x11000] =	vst v63  }
0x1d2: {  	_ =	swait.ge [sflag:s8], $0x2000  }
0x1d3: {  	[sflag:s8] =	ssyncset.done $0x0  }
0x1d4: {  	s15 =	rddreg [dreg:$0x11];
	[sflag:s8] =	ssyncadd.s32 $0xFFFFE000  }
0x1d5: {  	[hbm4b:s15+s2] =	stream.linear.scatter [tilespmem:s7], [sflag:$0x2], $0x2000, $0x38;
	[tilespmem:$0x11000] =	vst v63  }
0x1d6: {  	_ =	swait.ge [sflag:s8], $0x2000  }
0x1d7: {  	[sflag:s8] =	ssyncset.done $0x0  }
0x1d8: {  	s15 =	rddreg [dreg:$0x12];
	[sflag:s8] =	ssyncadd.s32 $0xFFFFE000  }
0x1d9: {  	[hbm4b:s15+s2] =	stream.linear.scatter [tilespmem:s6], [sflag:$0x2], $0x2000, $0x38;
	[tilespmem:$0x11000] =	vst v63  }
0x1da: {  	_ =	swait.ge [sflag:s8], $0x2000  }
0x1db: {  	[sflag:s8] =	ssyncset.done $0x0  }
0x1dc: {  	s15 =	rddreg [dreg:$0x13];
	[sflag:s8] =	ssyncadd.s32 $0xFFFFE000  }
0x1dd: {  	[hbm4b:s15+s2] =	stream.linear.scatter [tilespmem:s5], [sflag:$0x2], $0x2000, $0x38;
	[tilespmem:$0x11000] =	vst v63  }
0x1de: {  	_ =	swait.ge [sflag:s4], $0x2000  }
0x1df: {  	[sflag:s4] =	ssyncset.done $0x0  }
0x1e0: {  	[sflag:s4] =	ssyncadd.s32 $0xFFFFE000  }
0x1e1: {  	_ =	swait.ge [sflag:s4], $0x2000  }
0x1e2: {  	[sflag:s4] =	ssyncset.done $0x0  }
0x1e3: {  	[sflag:s4] =	ssyncadd.s32 $0xFFFFE000  }
0x1e4: {  	_ =	swait.ge [sflag:s4], $0x2000  }
0x1e5: {  	[sflag:s4] =	ssyncset.done $0x0  }
0x1e6: {  	[sflag:s4] =	ssyncadd.s32 $0xFFFFE000  }
0x1e7: {  	_ =	swait.ge [sflag:s4], $0x2000  }
0x1e8: {  	[sflag:s4] =	ssyncset.done $0x0  }
0x1e9: {  	[sflag:s4] =	ssyncadd.s32 $0xFFFFE000  }
0x1ea: {  	_ =	swait.ge [sflag:s4], $0x2000  }
0x1eb: {  	[sflag:s4] =	ssyncset.done $0x0  }
0x1ec: {  	[sflag:s4] =	ssyncadd.s32 $0xFFFFE000  }
0x1ed: {  	_ =	swait.ge [sflag:s4], $0x2000  }
0x1ee: {  	[sflag:s4] =	ssyncset.done $0x0  }
0x1ef: {  	[sflag:s4] =	ssyncadd.s32 $0xFFFFE000  }
0x1f0: {  	_ =	swait.ge [sflag:s4], $0x2000  }
0x1f1: {  	[sflag:s4] =	ssyncset.done $0x0  }
0x1f2: {  	[sflag:s4] =	ssyncadd.s32 $0xFFFFE000  }
0x1f3: {  	_ =	swait.ge [sflag:s4], $0x2000  }
0x1f4: {  	s0 =	sld [smem:$0x7FC]  }
0x1f5: {  	[sflag:s4] =	ssyncset.done $0x0  }
0x1f6: {  	s15 =	sld [smem:$0x7FD];
	[sflag:s4] =	ssyncadd.s32 $0xFFFFE000  }
0x1f7: {  	[tilespmem:s13], [sflag:$0x1] =	stream.indirect.gather [hbm4b:s3+s14], $0x40, s0, s14, $0xb8;
	[tilespmem:$0x11000] =	vst v63  }
0x1f8: {  	_ = 	snop  }
0x1f9: {  	[tilespmem:s12], [sflag:$0x1] =	stream.indirect.gather [hbm4b:s3+s14], $0x40, s15, s14, $0xb8;
	[tilespmem:$0x11000] =	vst v63  }
0x1fa: {  	_ = 	snop  }
0x1fb: {  	[tilespmem:s11], [sflag:$0x1] =	stream.indirect.gather [hbm4b:s3+s14], $0x40, s24, s14, $0xb8;
	[tilespmem:$0x11000] =	vst v63  }
0x1fc: {  	_ = 	snop  }
0x1fd: {  	[tilespmem:s10], [sflag:$0x1] =	stream.indirect.gather [hbm4b:s3+s14], $0x40, s25, s14, $0xb8;
	[tilespmem:$0x11000] =	vst v63  }
0x1fe: {  	_ = 	snop  }
0x1ff: {  	[tilespmem:s9], [sflag:$0x1] =	stream.indirect.gather [hbm4b:s3+s14], $0x40, s26, s14, $0xb8;
	[tilespmem:$0x11000] =	vst v63  }
0x200: {  	_ = 	snop  }
0x201: {  	[tilespmem:s7], [sflag:$0x1] =	stream.indirect.gather [hbm4b:s3+s14], $0x40, s28, s14, $0xb8;
	[tilespmem:$0x11000] =	vst v63  }
0x202: {  	_ = 	snop  }
0x203: {  	[tilespmem:s6], [sflag:$0x1] =	stream.indirect.gather [hbm4b:s3+s14], $0x40, s29, s14, $0xb8;
	[tilespmem:$0x11000] =	vst v63  }
0x204: {  	_ = 	snop  }
0x205: {  	[tilespmem:s5], [sflag:$0x1] =	stream.indirect.gather [hbm4b:s3+s14], $0x40, s16, s14, $0xb8;
	[tilespmem:$0x11000] =	vst v63  }
0x206: {  	_ =	swait.ge [sflag:s8], $0x2000  }
0x207: {  	[sflag:s8] =	ssyncset.done $0x0  }
0x208: {  	s15 =	rddreg [dreg:$0x14];
	[sflag:s8] =	ssyncadd.s32 $0xFFFFE000  }
0x209: {  	[hbm4b:s15+s2] =	stream.linear.scatter [tilespmem:s13], [sflag:$0x2], $0x2000, $0x38;
	[tilespmem:$0x11000] =	vst v63  }
0x20a: {  	_ =	swait.ge [sflag:s8], $0x2000  }
0x20b: {  	[sflag:s8] =	ssyncset.done $0x0  }
0x20c: {  	s15 =	rddreg [dreg:$0x15];
	[sflag:s8] =	ssyncadd.s32 $0xFFFFE000  }
0x20d: {  	[hbm4b:s15+s2] =	stream.linear.scatter [tilespmem:s12], [sflag:$0x2], $0x2000, $0x38;
	[tilespmem:$0x11000] =	vst v63  }
0x20e: {  	_ =	swait.ge [sflag:s8], $0x2000  }
0x20f: {  	[sflag:s8] =	ssyncset.done $0x0  }
0x210: {  	s15 =	rddreg [dreg:$0x16];
	[sflag:s8] =	ssyncadd.s32 $0xFFFFE000  }
0x211: {  	[hbm4b:s15+s2] =	stream.linear.scatter [tilespmem:s11], [sflag:$0x2], $0x2000, $0x38;
	[tilespmem:$0x11000] =	vst v63  }
0x212: {  	_ =	swait.ge [sflag:s8], $0x2000  }
0x213: {  	[sflag:s8] =	ssyncset.done $0x0  }
0x214: {  	s15 =	rddreg [dreg:$0x17];
	[sflag:s8] =	ssyncadd.s32 $0xFFFFE000  }
0x215: {  	[hbm4b:s15+s2] =	stream.linear.scatter [tilespmem:s10], [sflag:$0x2], $0x2000, $0x38;
	[tilespmem:$0x11000] =	vst v63  }
0x216: {  	_ =	swait.ge [sflag:s8], $0x2000  }
0x217: {  	[sflag:s8] =	ssyncset.done $0x0  }
0x218: {  	s15 =	rddreg [dreg:$0x18];
	[sflag:s8] =	ssyncadd.s32 $0xFFFFE000  }
0x219: {  	[hbm4b:s15+s2] =	stream.linear.scatter [tilespmem:s9], [sflag:$0x2], $0x2000, $0x38;
	[tilespmem:$0x11000] =	vst v63  }
0x21a: {  	_ =	swait.ge [sflag:s8], $0x2000  }
0x21b: {  	[sflag:s8] =	ssyncset.done $0x0  }
0x21c: {  	s15 =	rddreg [dreg:$0x19];
	[sflag:s8] =	ssyncadd.s32 $0xFFFFE000  }
0x21d: {  	[hbm4b:s15+s2] =	stream.linear.scatter [tilespmem:s7], [sflag:$0x2], $0x2000, $0x38;
	[tilespmem:$0x11000] =	vst v63  }
0x21e: {  	_ =	swait.ge [sflag:s8], $0x2000  }
0x21f: {  	[sflag:s8] =	ssyncset.done $0x0  }
0x220: {  	s15 =	rddreg [dreg:$0x1a];
	[sflag:s8] =	ssyncadd.s32 $0xFFFFE000  }
0x221: {  	[hbm4b:s15+s2] =	stream.linear.scatter [tilespmem:s6], [sflag:$0x2], $0x2000, $0x38;
	[tilespmem:$0x11000] =	vst v63  }
0x222: {  	_ =	swait.ge [sflag:s8], $0x2000  }
0x223: {  	[sflag:s8] =	ssyncset.done $0x0  }
0x224: {  	s15 =	rddreg [dreg:$0x1b];
	[sflag:s8] =	ssyncadd.s32 $0xFFFFE000  }
0x225: {  	[hbm4b:s15+s2] =	stream.linear.scatter [tilespmem:s5], [sflag:$0x2], $0x2000, $0x38;
	[tilespmem:$0x11000] =	vst v63  }
0x226: {  	_ =	swait.ge [sflag:s4], $0x2000  }
0x227: {  	[sflag:s4] =	ssyncset.done $0x0  }
0x228: {  	[sflag:s4] =	ssyncadd.s32 $0xFFFFE000  }
0x229: {  	_ =	swait.ge [sflag:s4], $0x2000  }
0x22a: {  	[sflag:s4] =	ssyncset.done $0x0  }
0x22b: {  	[sflag:s4] =	ssyncadd.s32 $0xFFFFE000  }
0x22c: {  	_ =	swait.ge [sflag:s4], $0x2000  }
0x22d: {  	[sflag:s4] =	ssyncset.done $0x0  }
0x22e: {  	[sflag:s4] =	ssyncadd.s32 $0xFFFFE000  }
0x22f: {  	_ =	swait.ge [sflag:s4], $0x2000  }
0x230: {  	[sflag:s4] =	ssyncset.done $0x0  }
0x231: {  	[sflag:s4] =	ssyncadd.s32 $0xFFFFE000  }
0x232: {  	_ =	swait.ge [sflag:s4], $0x2000  }
0x233: {  	[sflag:s4] =	ssyncset.done $0x0  }
0x234: {  	[sflag:s4] =	ssyncadd.s32 $0xFFFFE000  }
0x235: {  	_ =	swait.ge [sflag:s4], $0x2000  }
0x236: {  	[sflag:s4] =	ssyncset.done $0x0  }
0x237: {  	[sflag:s4] =	ssyncadd.s32 $0xFFFFE000  }
0x238: {  	_ =	swait.ge [sflag:s4], $0x2000  }
0x239: {  	[sflag:s4] =	ssyncset.done $0x0  }
0x23a: {  	[sflag:s4] =	ssyncadd.s32 $0xFFFFE000  }
0x23b: {  	_ =	swait.ge [sflag:s4], $0x2000  }
0x23c: {  	[sflag:s4] =	ssyncset.done $0x0  }
0x23d: {  	s15 =	simm.s32 $0xC00;
	[sflag:s4] =	ssyncadd.s32 $0xFFFFE000  }
0x23e: {  	[tilespmem:s13], [sflag:$0x1] =	stream.indirect.gather [hbm4b:s3+s14], $0x40, s15, s14, $0xb8;
	[tilespmem:$0x11000] =	vst v63  }
0x23f: {  	_ = 	snop  }
0x240: {  	[tilespmem:s12], [sflag:$0x1] =	stream.indirect.gather [hbm4b:s3+s14], $0x40, s17, s14, $0xb8;
	[tilespmem:$0x11000] =	vst v63  }
0x241: {  	_ = 	snop  }
0x242: {  	[tilespmem:s11], [sflag:$0x1] =	stream.indirect.gather [hbm4b:s3+s14], $0x40, s18, s14, $0xb8;
	[tilespmem:$0x11000] =	vst v63  }
0x243: {  	_ = 	snop  }
0x244: {  	[tilespmem:s10], [sflag:$0x1] =	stream.indirect.gather [hbm4b:s3+s14], $0x40, s19, s14, $0xb8;
	[tilespmem:$0x11000] =	vst v63  }
0x245: {  	_ = 	snop  }
0x246: {  	[tilespmem:s9], [sflag:$0x1] =	stream.indirect.gather [hbm4b:s3+s14], $0x40, s20, s14, $0xb8;
	[tilespmem:$0x11000] =	vst v63  }
0x247: {  	_ = 	snop  }
0x248: {  	[tilespmem:s7], [sflag:$0x1] =	stream.indirect.gather [hbm4b:s3+s14], $0x40, s21, s14, $0xb8;
	[tilespmem:$0x11000] =	vst v63  }
0x249: {  	_ = 	snop  }
0x24a: {  	[tilespmem:s6], [sflag:$0x1] =	stream.indirect.gather [hbm4b:s3+s14], $0x40, s22, s14, $0xb8;
	[tilespmem:$0x11000] =	vst v63  }
0x24b: {  	_ = 	snop  }
0x24c: {  	[tilespmem:s5], [sflag:$0x1] =	stream.indirect.gather [hbm4b:s3+s14], $0x40, s23, s14, $0xb8;
	[tilespmem:$0x11000] =	vst v63  }
0x24d: {  	_ =	swait.ge [sflag:s8], $0x2000  }
0x24e: {  	[sflag:s8] =	ssyncset.done $0x0  }
0x24f: {  	s15 =	rddreg [dreg:$0x1c];
	[sflag:s8] =	ssyncadd.s32 $0xFFFFE000  }
0x250: {  	[hbm4b:s15+s2] =	stream.linear.scatter [tilespmem:s13], [sflag:$0x2], $0x2000, $0x38;
	[tilespmem:$0x11000] =	vst v63  }
0x251: {  	_ =	swait.ge [sflag:s8], $0x2000  }
0x252: {  	[sflag:s8] =	ssyncset.done $0x0  }
0x253: {  	s15 =	rddreg [dreg:$0x1d];
	[sflag:s8] =	ssyncadd.s32 $0xFFFFE000  }
0x254: {  	[hbm4b:s15+s2] =	stream.linear.scatter [tilespmem:s12], [sflag:$0x2], $0x2000, $0x38;
	[tilespmem:$0x11000] =	vst v63  }
0x255: {  	_ =	swait.ge [sflag:s8], $0x2000  }
0x256: {  	[sflag:s8] =	ssyncset.done $0x0  }
0x257: {  	s15 =	rddreg [dreg:$0x1e];
	[sflag:s8] =	ssyncadd.s32 $0xFFFFE000  }
0x258: {  	[hbm4b:s15+s2] =	stream.linear.scatter [tilespmem:s11], [sflag:$0x2], $0x2000, $0x38;
	[tilespmem:$0x11000] =	vst v63  }
0x259: {  	_ =	swait.ge [sflag:s8], $0x2000  }
0x25a: {  	[sflag:s8] =	ssyncset.done $0x0  }
0x25b: {  	s15 =	rddreg [dreg:$0x1f];
	[sflag:s8] =	ssyncadd.s32 $0xFFFFE000  }
0x25c: {  	[hbm4b:s15+s2] =	stream.linear.scatter [tilespmem:s10], [sflag:$0x2], $0x2000, $0x38;
	[tilespmem:$0x11000] =	vst v63  }
0x25d: {  	_ =	swait.ge [sflag:s8], $0x2000  }
0x25e: {  	s15 =	sld [smem:$0x7EA]  }
0x25f: {  	[sflag:s8] =	ssyncset.done $0x0  }
0x260: {  	[sflag:s8] =	ssyncadd.s32 $0xFFFFE000  }
0x261: {  	[hbm4b:s15+s2] =	stream.linear.scatter [tilespmem:s9], [sflag:$0x2], $0x2000, $0x38;
	[tilespmem:$0x11000] =	vst v63  }
0x262: {  	_ =	swait.ge [sflag:s8], $0x2000  }
0x263: {  	s15 =	sld [smem:$0x7EB]  }
0x264: {  	[sflag:s8] =	ssyncset.done $0x0  }
0x265: {  	[sflag:s8] =	ssyncadd.s32 $0xFFFFE000  }
0x266: {  	[hbm4b:s15+s2] =	stream.linear.scatter [tilespmem:s7], [sflag:$0x2], $0x2000, $0x38;
	[tilespmem:$0x11000] =	vst v63  }
0x267: {  	_ =	swait.ge [sflag:s8], $0x2000  }
0x268: {  	s15 =	sld [smem:$0x7EC]  }
0x269: {  	[sflag:s8] =	ssyncset.done $0x0  }
0x26a: {  	[sflag:s8] =	ssyncadd.s32 $0xFFFFE000  }
0x26b: {  	[hbm4b:s15+s2] =	stream.linear.scatter [tilespmem:s6], [sflag:$0x2], $0x2000, $0x38;
	[tilespmem:$0x11000] =	vst v63  }
0x26c: {  	_ =	swait.ge [sflag:s8], $0x2000  }
0x26d: {  	s15 =	sld [smem:$0x7ED]  }
0x26e: {  	[sflag:s8] =	ssyncset.done $0x0  }
0x26f: {  	[sflag:s8] =	ssyncadd.s32 $0xFFFFE000  }
0x270: {  	[hbm4b:s15+s2] =	stream.linear.scatter [tilespmem:s5], [sflag:$0x2], $0x2000, $0x38;
	[tilespmem:$0x11000] =	vst v63  }
0x271: {  	_ =	swait.ge [sflag:s4], $0x2000  }
0x272: {  	[sflag:s4] =	ssyncset.done $0x0  }
0x273: {  	[sflag:s4] =	ssyncadd.s32 $0xFFFFE000  }
0x274: {  	_ =	swait.ge [sflag:s4], $0x2000  }
0x275: {  	[sflag:s4] =	ssyncset.done $0x0  }
0x276: {  	[sflag:s4] =	ssyncadd.s32 $0xFFFFE000  }
0x277: {  	_ =	swait.ge [sflag:s4], $0x2000  }
0x278: {  	[sflag:s4] =	ssyncset.done $0x0  }
0x279: {  	[sflag:s4] =	ssyncadd.s32 $0xFFFFE000  }
0x27a: {  	_ =	swait.ge [sflag:s4], $0x2000  }
0x27b: {  	[sflag:s4] =	ssyncset.done $0x0  }
0x27c: {  	[sflag:s4] =	ssyncadd.s32 $0xFFFFE000  }
0x27d: {  	_ =	swait.ge [sflag:s4], $0x2000  }
0x27e: {  	[sflag:s4] =	ssyncset.done $0x0  }
0x27f: {  	[sflag:s4] =	ssyncadd.s32 $0xFFFFE000  }
0x280: {  	_ =	swait.ge [sflag:s4], $0x2000  }
0x281: {  	[sflag:s4] =	ssyncset.done $0x0  }
0x282: {  	p1 =	sne.s32 s1, $0x1;
	[sflag:s4] =	ssyncadd.s32 $0xFFFFE000  }
.Ltmp2:
0x283: {  	_ =	swait.ge [sflag:s4], $0x2000;
	(pc) =	sbr.rel @p1 .LBB2_4-.Ltmp2, $4  }
0x284: {  	[sflag:s4] =	ssyncset.done $0x0  }
0x285: {  	[sflag:s4] =	ssyncadd.s32 $0xFFFFE000  }
0x286: {  	_ =	swait.ge [sflag:s4], $0x2000  }
0x287: {  	s1 =	sadd.s32 $0xFFFFFFFF, s1;
	s0 =	rddreg [dreg:$0x4];
	[sflag:s4] =	ssyncset.done $0x0  }
0x288: {  	s23 =	simm.s32 $0xB80;
	s29 =	simm.s32 $0xB00  }
0x289: {  	s28 =	simm.s32 $0xA80;
	s26 =	simm.s32 $0xA00;
	s25 =	simm.s32 $0x980  }
0x28a: {  	s24 =	simm.s32 $0x900;
	s22 =	simm.s32 $0xF00;
	s21 =	simm.s32 $0xE80  }
0x28b: {  	s20 =	simm.s32 $0xE00;
	s19 =	simm.s32 $0xD80;
	s18 =	simm.s32 $0xD00  }
0x28c: {  	s17 =	simm.s32 $0xC80;
	s16 =	simm.s32 $0xC00;
	s15 =	stileid.u32  }
.LBB2_6:
0x28d: {  	[sflag:s4] =	ssyncadd.s32 @p0 $0xFFFFE000  }
0x28e: {  	[tilespmem:s2], [sflag:$0x3] =	stream.linear.gather [hbm4b:s0+s2], $0x1000, $0x38;
	[tilespmem:$0x11000] =	vst v63  }
0x28f: {  	_ =	swait.ge [sflag:s31], $0x1000  }
0x290: {  	[sflag:s31] =	ssyncset.done $0x0  }
0x291: {  	[sflag:s31] =	ssyncadd.s32 $0xFFFFF000  }
0x292: {  	[tilespmem:s13], [sflag:$0x1] =	stream.indirect.gather [hbm4b:s3+s14], $0x40, s2, s14, $0xb8;
	[tilespmem:$0x11000] =	vst v63  }
0x293: {  	s31 =	sld [smem:$0x7EE]  }
0x294: {  	[tilespmem:s12], [sflag:$0x1] =	stream.indirect.gather [hbm4b:s3+s14], $0x40, s14, s14, $0xb8;
	[tilespmem:$0x11000] =	vst v63  }
0x295: {  	s1 =	sld [smem:$0x7EF]  }
0x296: {  	[tilespmem:s11], [sflag:$0x1] =	stream.indirect.gather [hbm4b:s3+s14], $0x40, s31, s14, $0xb8;
	[tilespmem:$0x11000] =	vst v63  }
0x297: {  	s0 =	sld [smem:$0x7F0]  }
0x298: {  	[tilespmem:s10], [sflag:$0x1] =	stream.indirect.gather [hbm4b:s3+s14], $0x40, s1, s14, $0xb8;
	[tilespmem:$0x11000] =	vst v63  }
0x299: {  	s31 =	sld [smem:$0x7F1]  }
0x29a: {  	[tilespmem:s9], [sflag:$0x1] =	stream.indirect.gather [hbm4b:s3+s14], $0x40, s0, s14, $0xb8;
	[tilespmem:$0x11000] =	vst v63  }
0x29b: {  	s0 =	sld [smem:$0x7F2]  }
0x29c: {  	[tilespmem:s7], [sflag:$0x1] =	stream.indirect.gather [hbm4b:s3+s14], $0x40, s31, s14, $0xb8;
	[tilespmem:$0x11000] =	vst v63  }
0x29d: {  	s31 =	sld [smem:$0x7F3]  }
0x29e: {  	[tilespmem:s6], [sflag:$0x1] =	stream.indirect.gather [hbm4b:s3+s14], $0x40, s0, s14, $0xb8;
	[tilespmem:$0x11000] =	vst v63  }
0x29f: {  	_ = 	snop  }
0x2a0: {  	[tilespmem:s5], [sflag:$0x1] =	stream.indirect.gather [hbm4b:s3+s14], $0x40, s31, s14, $0xb8;
	[tilespmem:$0x11000] =	vst v63  }
0x2a1: {  	_ =	swait.ge [sflag:s8], $0x2000  }
0x2a2: {  	[sflag:s8] =	ssyncset.done $0x0  }
0x2a3: {  	[sflag:s8] =	ssyncadd.s32 $0xFFFFE000  }
0x2a4: {  	[hbm4b:s30+s2] =	stream.linear.scatter [tilespmem:s13], [sflag:$0x2], $0x2000, $0x38;
	[tilespmem:$0x11000] =	vst v63  }
0x2a5: {  	_ =	swait.ge [sflag:s8], $0x2000  }
0x2a6: {  	[sflag:s8] =	ssyncset.done $0x0  }
0x2a7: {  	s31 =	rddreg [dreg:$0x5];
	[sflag:s8] =	ssyncadd.s32 $0xFFFFE000  }
0x2a8: {  	[hbm4b:s31+s2] =	stream.linear.scatter [tilespmem:s12], [sflag:$0x2], $0x2000, $0x38;
	[tilespmem:$0x11000] =	vst v63  }
0x2a9: {  	_ =	swait.ge [sflag:s8], $0x2000  }
0x2aa: {  	[sflag:s8] =	ssyncset.done $0x0  }
0x2ab: {  	s1 =	rddreg [dreg:$0x6];
	[sflag:s8] =	ssyncadd.s32 $0xFFFFE000  }
0x2ac: {  	[hbm4b:s1+s2] =	stream.linear.scatter [tilespmem:s11], [sflag:$0x2], $0x2000, $0x38;
	[tilespmem:$0x11000] =	vst v63  }
0x2ad: {  	_ =	swait.ge [sflag:s8], $0x2000  }
0x2ae: {  	[sflag:s8] =	ssyncset.done $0x0  }
0x2af: {  	s30 =	rddreg [dreg:$0x7];
	[sflag:s8] =	ssyncadd.s32 $0xFFFFE000  }
0x2b0: {  	[hbm4b:s30+s2] =	stream.linear.scatter [tilespmem:s10], [sflag:$0x2], $0x2000, $0x38;
	[tilespmem:$0x11000] =	vst v63  }
0x2b1: {  	_ =	swait.ge [sflag:s8], $0x2000  }
0x2b2: {  	[sflag:s8] =	ssyncset.done $0x0  }
0x2b3: {  	s31 =	rddreg [dreg:$0x8];
	[sflag:s8] =	ssyncadd.s32 $0xFFFFE000  }
0x2b4: {  	[hbm4b:s31+s2] =	stream.linear.scatter [tilespmem:s9], [sflag:$0x2], $0x2000, $0x38;
	[tilespmem:$0x11000] =	vst v63  }
0x2b5: {  	_ =	swait.ge [sflag:s8], $0x2000  }
0x2b6: {  	[sflag:s8] =	ssyncset.done $0x0  }
0x2b7: {  	s1 =	rddreg [dreg:$0x9];
	[sflag:s8] =	ssyncadd.s32 $0xFFFFE000  }
0x2b8: {  	[hbm4b:s1+s2] =	stream.linear.scatter [tilespmem:s7], [sflag:$0x2], $0x2000, $0x38;
	[tilespmem:$0x11000] =	vst v63  }
0x2b9: {  	_ =	swait.ge [sflag:s8], $0x2000  }
0x2ba: {  	[sflag:s8] =	ssyncset.done $0x0  }
0x2bb: {  	s30 =	rddreg [dreg:$0xa];
	[sflag:s8] =	ssyncadd.s32 $0xFFFFE000  }
0x2bc: {  	[hbm4b:s30+s2] =	stream.linear.scatter [tilespmem:s6], [sflag:$0x2], $0x2000, $0x38;
	[tilespmem:$0x11000] =	vst v63  }
0x2bd: {  	_ =	swait.ge [sflag:s8], $0x2000  }
0x2be: {  	[sflag:s8] =	ssyncset.done $0x0  }
0x2bf: {  	s31 =	rddreg [dreg:$0xb];
	[sflag:s8] =	ssyncadd.s32 $0xFFFFE000  }
0x2c0: {  	[hbm4b:s31+s2] =	stream.linear.scatter [tilespmem:s5], [sflag:$0x2], $0x2000, $0x38;
	[tilespmem:$0x11000] =	vst v63  }
0x2c1: {  	_ =	swait.ge [sflag:s4], $0x2000  }
0x2c2: {  	[sflag:s4] =	ssyncset.done $0x0  }
0x2c3: {  	[sflag:s4] =	ssyncadd.s32 $0xFFFFE000  }
0x2c4: {  	_ =	swait.ge [sflag:s4], $0x2000  }
0x2c5: {  	[sflag:s4] =	ssyncset.done $0x0  }
0x2c6: {  	[sflag:s4] =	ssyncadd.s32 $0xFFFFE000  }
0x2c7: {  	_ =	swait.ge [sflag:s4], $0x2000  }
0x2c8: {  	[sflag:s4] =	ssyncset.done $0x0  }
0x2c9: {  	[sflag:s4] =	ssyncadd.s32 $0xFFFFE000  }
0x2ca: {  	_ =	swait.ge [sflag:s4], $0x2000  }
0x2cb: {  	[sflag:s4] =	ssyncset.done $0x0  }
0x2cc: {  	[sflag:s4] =	ssyncadd.s32 $0xFFFFE000  }
0x2cd: {  	_ =	swait.ge [sflag:s4], $0x2000  }
0x2ce: {  	[sflag:s4] =	ssyncset.done $0x0  }
0x2cf: {  	[sflag:s4] =	ssyncadd.s32 $0xFFFFE000  }
0x2d0: {  	_ =	swait.ge [sflag:s4], $0x2000  }
0x2d1: {  	[sflag:s4] =	ssyncset.done $0x0  }
0x2d2: {  	[sflag:s4] =	ssyncadd.s32 $0xFFFFE000  }
0x2d3: {  	_ =	swait.ge [sflag:s4], $0x2000  }
0x2d4: {  	[sflag:s4] =	ssyncset.done $0x0  }
0x2d5: {  	[sflag:s4] =	ssyncadd.s32 $0xFFFFE000  }
0x2d6: {  	_ =	swait.ge [sflag:s4], $0x2000  }
0x2d7: {  	s1 =	sld [smem:$0x7F4]  }
0x2d8: {  	[sflag:s4] =	ssyncset.done $0x0  }
0x2d9: {  	s30 =	sld [smem:$0x7F5];
	[sflag:s4] =	ssyncadd.s32 $0xFFFFE000  }
0x2da: {  	[tilespmem:s13], [sflag:$0x1] =	stream.indirect.gather [hbm4b:s3+s14], $0x40, s1, s14, $0xb8;
	[tilespmem:$0x11000] =	vst v63  }
0x2db: {  	s31 =	sld [smem:$0x7F6]  }
0x2dc: {  	[tilespmem:s12], [sflag:$0x1] =	stream.indirect.gather [hbm4b:s3+s14], $0x40, s30, s14, $0xb8;
	[tilespmem:$0x11000] =	vst v63  }
0x2dd: {  	s30 =	sld [smem:$0x7F7]  }
0x2de: {  	[tilespmem:s11], [sflag:$0x1] =	stream.indirect.gather [hbm4b:s3+s14], $0x40, s31, s14, $0xb8;
	[tilespmem:$0x11000] =	vst v63  }
0x2df: {  	s31 =	sld [smem:$0x7F8]  }
0x2e0: {  	[tilespmem:s10], [sflag:$0x1] =	stream.indirect.gather [hbm4b:s3+s14], $0x40, s30, s14, $0xb8;
	[tilespmem:$0x11000] =	vst v63  }
0x2e1: {  	s30 =	sld [smem:$0x7F9]  }
0x2e2: {  	[tilespmem:s9], [sflag:$0x1] =	stream.indirect.gather [hbm4b:s3+s14], $0x40, s31, s14, $0xb8;
	[tilespmem:$0x11000] =	vst v63  }
0x2e3: {  	s31 =	sld [smem:$0x7FA]  }
0x2e4: {  	[tilespmem:s7], [sflag:$0x1] =	stream.indirect.gather [hbm4b:s3+s14], $0x40, s30, s14, $0xb8;
	[tilespmem:$0x11000] =	vst v63  }
0x2e5: {  	s30 =	sld [smem:$0x7FB]  }
0x2e6: {  	[tilespmem:s6], [sflag:$0x1] =	stream.indirect.gather [hbm4b:s3+s14], $0x40, s31, s14, $0xb8;
	[tilespmem:$0x11000] =	vst v63  }
0x2e7: {  	_ = 	snop  }
0x2e8: {  	[tilespmem:s5], [sflag:$0x1] =	stream.indirect.gather [hbm4b:s3+s14], $0x40, s30, s14, $0xb8;
	[tilespmem:$0x11000] =	vst v63  }
0x2e9: {  	_ =	swait.ge [sflag:s8], $0x2000  }
0x2ea: {  	[sflag:s8] =	ssyncset.done $0x0  }
0x2eb: {  	s31 =	rddreg [dreg:$0xc];
	[sflag:s8] =	ssyncadd.s32 $0xFFFFE000  }
0x2ec: {  	[hbm4b:s31+s2] =	stream.linear.scatter [tilespmem:s13], [sflag:$0x2], $0x2000, $0x38;
	[tilespmem:$0x11000] =	vst v63  }
0x2ed: {  	_ =	swait.ge [sflag:s8], $0x2000  }
0x2ee: {  	[sflag:s8] =	ssyncset.done $0x0  }
0x2ef: {  	s1 =	rddreg [dreg:$0xd];
	[sflag:s8] =	ssyncadd.s32 $0xFFFFE000  }
0x2f0: {  	[hbm4b:s1+s2] =	stream.linear.scatter [tilespmem:s12], [sflag:$0x2], $0x2000, $0x38;
	[tilespmem:$0x11000] =	vst v63  }
0x2f1: {  	_ =	swait.ge [sflag:s8], $0x2000  }
0x2f2: {  	[sflag:s8] =	ssyncset.done $0x0  }
0x2f3: {  	s30 =	rddreg [dreg:$0xe];
	[sflag:s8] =	ssyncadd.s32 $0xFFFFE000  }
0x2f4: {  	[hbm4b:s30+s2] =	stream.linear.scatter [tilespmem:s11], [sflag:$0x2], $0x2000, $0x38;
	[tilespmem:$0x11000] =	vst v63  }
0x2f5: {  	_ =	swait.ge [sflag:s8], $0x2000  }
0x2f6: {  	[sflag:s8] =	ssyncset.done $0x0  }
0x2f7: {  	s31 =	rddreg [dreg:$0xf];
	[sflag:s8] =	ssyncadd.s32 $0xFFFFE000  }
0x2f8: {  	[hbm4b:s31+s2] =	stream.linear.scatter [tilespmem:s10], [sflag:$0x2], $0x2000, $0x38;
	[tilespmem:$0x11000] =	vst v63  }
0x2f9: {  	_ =	swait.ge [sflag:s8], $0x2000  }
0x2fa: {  	[sflag:s8] =	ssyncset.done $0x0  }
0x2fb: {  	s1 =	rddreg [dreg:$0x10];
	[sflag:s8] =	ssyncadd.s32 $0xFFFFE000  }
0x2fc: {  	[hbm4b:s1+s2] =	stream.linear.scatter [tilespmem:s9], [sflag:$0x2], $0x2000, $0x38;
	[tilespmem:$0x11000] =	vst v63  }
0x2fd: {  	_ =	swait.ge [sflag:s8], $0x2000  }
0x2fe: {  	[sflag:s8] =	ssyncset.done $0x0  }
0x2ff: {  	s30 =	rddreg [dreg:$0x11];
	[sflag:s8] =	ssyncadd.s32 $0xFFFFE000  }
0x300: {  	[hbm4b:s30+s2] =	stream.linear.scatter [tilespmem:s7], [sflag:$0x2], $0x2000, $0x38;
	[tilespmem:$0x11000] =	vst v63  }
0x301: {  	_ =	swait.ge [sflag:s8], $0x2000  }
0x302: {  	[sflag:s8] =	ssyncset.done $0x0  }
0x303: {  	s31 =	rddreg [dreg:$0x12];
	[sflag:s8] =	ssyncadd.s32 $0xFFFFE000  }
0x304: {  	[hbm4b:s31+s2] =	stream.linear.scatter [tilespmem:s6], [sflag:$0x2], $0x2000, $0x38;
	[tilespmem:$0x11000] =	vst v63  }
0x305: {  	_ =	swait.ge [sflag:s8], $0x2000  }
0x306: {  	[sflag:s8] =	ssyncset.done $0x0  }
0x307: {  	s1 =	rddreg [dreg:$0x13];
	[sflag:s8] =	ssyncadd.s32 $0xFFFFE000  }
0x308: {  	[hbm4b:s1+s2] =	stream.linear.scatter [tilespmem:s5], [sflag:$0x2], $0x2000, $0x38;
	[tilespmem:$0x11000] =	vst v63  }
0x309: {  	_ =	swait.ge [sflag:s4], $0x2000  }
0x30a: {  	[sflag:s4] =	ssyncset.done $0x0  }
0x30b: {  	[sflag:s4] =	ssyncadd.s32 $0xFFFFE000  }
0x30c: {  	_ =	swait.ge [sflag:s4], $0x2000  }
0x30d: {  	[sflag:s4] =	ssyncset.done $0x0  }
0x30e: {  	[sflag:s4] =	ssyncadd.s32 $0xFFFFE000  }
0x30f: {  	_ =	swait.ge [sflag:s4], $0x2000  }
0x310: {  	[sflag:s4] =	ssyncset.done $0x0  }
0x311: {  	[sflag:s4] =	ssyncadd.s32 $0xFFFFE000  }
0x312: {  	_ =	swait.ge [sflag:s4], $0x2000  }
0x313: {  	[sflag:s4] =	ssyncset.done $0x0  }
0x314: {  	[sflag:s4] =	ssyncadd.s32 $0xFFFFE000  }
0x315: {  	_ =	swait.ge [sflag:s4], $0x2000  }
0x316: {  	[sflag:s4] =	ssyncset.done $0x0  }
0x317: {  	[sflag:s4] =	ssyncadd.s32 $0xFFFFE000  }
0x318: {  	_ =	swait.ge [sflag:s4], $0x2000  }
0x319: {  	[sflag:s4] =	ssyncset.done $0x0  }
0x31a: {  	[sflag:s4] =	ssyncadd.s32 $0xFFFFE000  }
0x31b: {  	_ =	swait.ge [sflag:s4], $0x2000  }
0x31c: {  	[sflag:s4] =	ssyncset.done $0x0  }
0x31d: {  	[sflag:s4] =	ssyncadd.s32 $0xFFFFE000  }
0x31e: {  	_ =	swait.ge [sflag:s4], $0x2000  }
0x31f: {  	s30 =	sld [smem:$0x7FC]  }
0x320: {  	[sflag:s4] =	ssyncset.done $0x0  }
0x321: {  	s31 =	sld [smem:$0x7FD];
	[sflag:s4] =	ssyncadd.s32 $0xFFFFE000  }
0x322: {  	[tilespmem:s13], [sflag:$0x1] =	stream.indirect.gather [hbm4b:s3+s14], $0x40, s30, s14, $0xb8;
	[tilespmem:$0x11000] =	vst v63  }
0x323: {  	_ = 	snop  }
0x324: {  	[tilespmem:s12], [sflag:$0x1] =	stream.indirect.gather [hbm4b:s3+s14], $0x40, s31, s14, $0xb8;
	[tilespmem:$0x11000] =	vst v63  }
0x325: {  	_ = 	snop  }
0x326: {  	[tilespmem:s11], [sflag:$0x1] =	stream.indirect.gather [hbm4b:s3+s14], $0x40, s24, s14, $0xb8;
	[tilespmem:$0x11000] =	vst v63  }
0x327: {  	_ = 	snop  }
0x328: {  	[tilespmem:s10], [sflag:$0x1] =	stream.indirect.gather [hbm4b:s3+s14], $0x40, s25, s14, $0xb8;
	[tilespmem:$0x11000] =	vst v63  }
0x329: {  	_ = 	snop  }
0x32a: {  	[tilespmem:s9], [sflag:$0x1] =	stream.indirect.gather [hbm4b:s3+s14], $0x40, s26, s14, $0xb8;
	[tilespmem:$0x11000] =	vst v63  }
0x32b: {  	_ = 	snop  }
0x32c: {  	[tilespmem:s7], [sflag:$0x1] =	stream.indirect.gather [hbm4b:s3+s14], $0x40, s28, s14, $0xb8;
	[tilespmem:$0x11000] =	vst v63  }
0x32d: {  	_ = 	snop  }
0x32e: {  	[tilespmem:s6], [sflag:$0x1] =	stream.indirect.gather [hbm4b:s3+s14], $0x40, s29, s14, $0xb8;
	[tilespmem:$0x11000] =	vst v63  }
0x32f: {  	_ = 	snop  }
0x330: {  	[tilespmem:s5], [sflag:$0x1] =	stream.indirect.gather [hbm4b:s3+s14], $0x40, s23, s14, $0xb8;
	[tilespmem:$0x11000] =	vst v63  }
0x331: {  	_ =	swait.ge [sflag:s8], $0x2000  }
0x332: {  	[sflag:s8] =	ssyncset.done $0x0  }
0x333: {  	s24 =	rddreg [dreg:$0x14];
	[sflag:s8] =	ssyncadd.s32 $0xFFFFE000  }
0x334: {  	[hbm4b:s24+s2] =	stream.linear.scatter [tilespmem:s13], [sflag:$0x2], $0x2000, $0x38;
	[tilespmem:$0x11000] =	vst v63  }
0x335: {  	_ =	swait.ge [sflag:s8], $0x2000  }
0x336: {  	[sflag:s8] =	ssyncset.done $0x0  }
0x337: {  	s25 =	rddreg [dreg:$0x15];
	[sflag:s8] =	ssyncadd.s32 $0xFFFFE000  }
0x338: {  	[hbm4b:s25+s2] =	stream.linear.scatter [tilespmem:s12], [sflag:$0x2], $0x2000, $0x38;
	[tilespmem:$0x11000] =	vst v63  }
0x339: {  	_ =	swait.ge [sflag:s8], $0x2000  }
0x33a: {  	[sflag:s8] =	ssyncset.done $0x0  }
0x33b: {  	s26 =	rddreg [dreg:$0x16];
	[sflag:s8] =	ssyncadd.s32 $0xFFFFE000  }
0x33c: {  	[hbm4b:s26+s2] =	stream.linear.scatter [tilespmem:s11], [sflag:$0x2], $0x2000, $0x38;
	[tilespmem:$0x11000] =	vst v63  }
0x33d: {  	_ =	swait.ge [sflag:s8], $0x2000  }
0x33e: {  	[sflag:s8] =	ssyncset.done $0x0  }
0x33f: {  	s28 =	rddreg [dreg:$0x17];
	[sflag:s8] =	ssyncadd.s32 $0xFFFFE000  }
0x340: {  	[hbm4b:s28+s2] =	stream.linear.scatter [tilespmem:s10], [sflag:$0x2], $0x2000, $0x38;
	[tilespmem:$0x11000] =	vst v63  }
0x341: {  	_ =	swait.ge [sflag:s8], $0x2000  }
0x342: {  	[sflag:s8] =	ssyncset.done $0x0  }
0x343: {  	s29 =	rddreg [dreg:$0x18];
	[sflag:s8] =	ssyncadd.s32 $0xFFFFE000  }
0x344: {  	[hbm4b:s29+s2] =	stream.linear.scatter [tilespmem:s9], [sflag:$0x2], $0x2000, $0x38;
	[tilespmem:$0x11000] =	vst v63  }
0x345: {  	_ =	swait.ge [sflag:s8], $0x2000  }
0x346: {  	[sflag:s8] =	ssyncset.done $0x0  }
0x347: {  	s30 =	rddreg [dreg:$0x19];
	[sflag:s8] =	ssyncadd.s32 $0xFFFFE000  }
0x348: {  	[hbm4b:s30+s2] =	stream.linear.scatter [tilespmem:s7], [sflag:$0x2], $0x2000, $0x38;
	[tilespmem:$0x11000] =	vst v63  }
0x349: {  	_ =	swait.ge [sflag:s8], $0x2000  }
0x34a: {  	[sflag:s8] =	ssyncset.done $0x0  }
0x34b: {  	s31 =	rddreg [dreg:$0x1a];
	[sflag:s8] =	ssyncadd.s32 $0xFFFFE000  }
0x34c: {  	[hbm4b:s31+s2] =	stream.linear.scatter [tilespmem:s6], [sflag:$0x2], $0x2000, $0x38;
	[tilespmem:$0x11000] =	vst v63  }
0x34d: {  	_ =	swait.ge [sflag:s8], $0x2000  }
0x34e: {  	[sflag:s8] =	ssyncset.done $0x0  }
0x34f: {  	s1 =	rddreg [dreg:$0x1b];
	[sflag:s8] =	ssyncadd.s32 $0xFFFFE000  }
0x350: {  	[hbm4b:s1+s2] =	stream.linear.scatter [tilespmem:s5], [sflag:$0x2], $0x2000, $0x38;
	[tilespmem:$0x11000] =	vst v63  }
0x351: {  	_ =	swait.ge [sflag:s4], $0x2000  }
0x352: {  	[sflag:s4] =	ssyncset.done $0x0  }
0x353: {  	[sflag:s4] =	ssyncadd.s32 $0xFFFFE000  }
0x354: {  	_ =	swait.ge [sflag:s4], $0x2000  }
0x355: {  	[sflag:s4] =	ssyncset.done $0x0  }
0x356: {  	[sflag:s4] =	ssyncadd.s32 $0xFFFFE000  }
0x357: {  	_ =	swait.ge [sflag:s4], $0x2000  }
0x358: {  	[sflag:s4] =	ssyncset.done $0x0  }
0x359: {  	[sflag:s4] =	ssyncadd.s32 $0xFFFFE000  }
0x35a: {  	_ =	swait.ge [sflag:s4], $0x2000  }
0x35b: {  	[sflag:s4] =	ssyncset.done $0x0  }
0x35c: {  	[sflag:s4] =	ssyncadd.s32 $0xFFFFE000  }
0x35d: {  	_ =	swait.ge [sflag:s4], $0x2000  }
0x35e: {  	[sflag:s4] =	ssyncset.done $0x0  }
0x35f: {  	[sflag:s4] =	ssyncadd.s32 $0xFFFFE000  }
0x360: {  	_ =	swait.ge [sflag:s4], $0x2000  }
0x361: {  	[sflag:s4] =	ssyncset.done $0x0  }
0x362: {  	[sflag:s4] =	ssyncadd.s32 $0xFFFFE000  }
0x363: {  	_ =	swait.ge [sflag:s4], $0x2000  }
0x364: {  	[sflag:s4] =	ssyncset.done $0x0  }
0x365: {  	[sflag:s4] =	ssyncadd.s32 $0xFFFFE000  }
0x366: {  	_ =	swait.ge [sflag:s4], $0x2000  }
0x367: {  	[sflag:s4] =	ssyncset.done $0x0  }
0x368: {  	[sflag:s4] =	ssyncadd.s32 $0xFFFFE000  }
0x369: {  	[tilespmem:s13], [sflag:$0x1] =	stream.indirect.gather [hbm4b:s3+s14], $0x40, s16, s14, $0xb8;
	[tilespmem:$0x11000] =	vst v63  }
0x36a: {  	_ = 	snop  }
0x36b: {  	[tilespmem:s12], [sflag:$0x1] =	stream.indirect.gather [hbm4b:s3+s14], $0x40, s17, s14, $0xb8;
	[tilespmem:$0x11000] =	vst v63  }
0x36c: {  	_ = 	snop  }
0x36d: {  	[tilespmem:s11], [sflag:$0x1] =	stream.indirect.gather [hbm4b:s3+s14], $0x40, s18, s14, $0xb8;
	[tilespmem:$0x11000] =	vst v63  }
0x36e: {  	_ = 	snop  }
0x36f: {  	[tilespmem:s10], [sflag:$0x1] =	stream.indirect.gather [hbm4b:s3+s14], $0x40, s19, s14, $0xb8;
	[tilespmem:$0x11000] =	vst v63  }
0x370: {  	_ = 	snop  }
0x371: {  	[tilespmem:s9], [sflag:$0x1] =	stream.indirect.gather [hbm4b:s3+s14], $0x40, s20, s14, $0xb8;
	[tilespmem:$0x11000] =	vst v63  }
0x372: {  	_ = 	snop  }
0x373: {  	[tilespmem:s7], [sflag:$0x1] =	stream.indirect.gather [hbm4b:s3+s14], $0x40, s21, s14, $0xb8;
	[tilespmem:$0x11000] =	vst v63  }
0x374: {  	_ = 	snop  }
0x375: {  	[tilespmem:s6], [sflag:$0x1] =	stream.indirect.gather [hbm4b:s3+s14], $0x40, s22, s14, $0xb8;
	[tilespmem:$0x11000] =	vst v63  }
0x376: {  	s22 =	simm.s32 $0xF80  }
0x377: {  	[tilespmem:s5], [sflag:$0x1] =	stream.indirect.gather [hbm4b:s3+s14], $0x40, s22, s14, $0xb8;
	[tilespmem:$0x11000] =	vst v63  }
0x378: {  	_ =	swait.ge [sflag:s8], $0x2000  }
0x379: {  	[sflag:s8] =	ssyncset.done $0x0  }
0x37a: {  	s23 =	rddreg [dreg:$0x1c];
	[sflag:s8] =	ssyncadd.s32 $0xFFFFE000  }
0x37b: {  	[hbm4b:s23+s2] =	stream.linear.scatter [tilespmem:s13], [sflag:$0x2], $0x2000, $0x38;
	[tilespmem:$0x11000] =	vst v63  }
0x37c: {  	_ =	swait.ge [sflag:s8], $0x2000  }
0x37d: {  	[sflag:s8] =	ssyncset.done $0x0  }
0x37e: {  	s24 =	rddreg [dreg:$0x1d];
	[sflag:s8] =	ssyncadd.s32 $0xFFFFE000  }
0x37f: {  	[hbm4b:s24+s2] =	stream.linear.scatter [tilespmem:s12], [sflag:$0x2], $0x2000, $0x38;
	[tilespmem:$0x11000] =	vst v63  }
0x380: {  	_ =	swait.ge [sflag:s8], $0x2000  }
0x381: {  	[sflag:s8] =	ssyncset.done $0x0  }
0x382: {  	s25 =	rddreg [dreg:$0x1e];
	[sflag:s8] =	ssyncadd.s32 $0xFFFFE000  }
0x383: {  	[hbm4b:s25+s2] =	stream.linear.scatter [tilespmem:s11], [sflag:$0x2], $0x2000, $0x38;
	[tilespmem:$0x11000] =	vst v63  }
0x384: {  	_ =	swait.ge [sflag:s8], $0x2000  }
0x385: {  	[sflag:s8] =	ssyncset.done $0x0  }
0x386: {  	s26 =	rddreg [dreg:$0x1f];
	[sflag:s8] =	ssyncadd.s32 $0xFFFFE000  }
0x387: {  	[hbm4b:s26+s2] =	stream.linear.scatter [tilespmem:s10], [sflag:$0x2], $0x2000, $0x38;
	[tilespmem:$0x11000] =	vst v63  }
0x388: {  	_ =	swait.ge [sflag:s8], $0x2000  }
0x389: {  	s28 =	sld [smem:$0x7EA]  }
0x38a: {  	[sflag:s8] =	ssyncset.done $0x0  }
0x38b: {  	[sflag:s8] =	ssyncadd.s32 $0xFFFFE000  }
0x38c: {  	[hbm4b:s28+s2] =	stream.linear.scatter [tilespmem:s9], [sflag:$0x2], $0x2000, $0x38;
	[tilespmem:$0x11000] =	vst v63  }
0x38d: {  	_ =	swait.ge [sflag:s8], $0x2000  }
0x38e: {  	s29 =	sld [smem:$0x7EB]  }
0x38f: {  	[sflag:s8] =	ssyncset.done $0x0  }
0x390: {  	[sflag:s8] =	ssyncadd.s32 $0xFFFFE000  }
0x391: {  	[hbm4b:s29+s2] =	stream.linear.scatter [tilespmem:s7], [sflag:$0x2], $0x2000, $0x38;
	[tilespmem:$0x11000] =	vst v63  }
0x392: {  	_ =	swait.ge [sflag:s8], $0x2000  }
0x393: {  	s30 =	sld [smem:$0x7EC]  }
0x394: {  	[sflag:s8] =	ssyncset.done $0x0  }
0x395: {  	[sflag:s8] =	ssyncadd.s32 $0xFFFFE000  }
0x396: {  	[hbm4b:s30+s2] =	stream.linear.scatter [tilespmem:s6], [sflag:$0x2], $0x2000, $0x38;
	[tilespmem:$0x11000] =	vst v63  }
0x397: {  	_ =	swait.ge [sflag:s8], $0x2000  }
0x398: {  	s31 =	sld [smem:$0x7ED]  }
0x399: {  	[sflag:s8] =	ssyncset.done $0x0  }
0x39a: {  	[sflag:s8] =	ssyncadd.s32 $0xFFFFE000  }
0x39b: {  	[hbm4b:s31+s2] =	stream.linear.scatter [tilespmem:s5], [sflag:$0x2], $0x2000, $0x38;
	[tilespmem:$0x11000] =	vst v63  }
0x39c: {  	_ =	swait.ge [sflag:s4], $0x2000  }
0x39d: {  	[sflag:s4] =	ssyncset.done $0x0  }
0x39e: {  	[sflag:s4] =	ssyncadd.s32 $0xFFFFE000  }
0x39f: {  	_ =	swait.ge [sflag:s4], $0x2000  }
0x3a0: {  	[sflag:s4] =	ssyncset.done $0x0  }
0x3a1: {  	[sflag:s4] =	ssyncadd.s32 $0xFFFFE000  }
0x3a2: {  	_ =	swait.ge [sflag:s4], $0x2000  }
0x3a3: {  	[sflag:s4] =	ssyncset.done $0x0  }
0x3a4: {  	[sflag:s4] =	ssyncadd.s32 $0xFFFFE000  }
0x3a5: {  	_ =	swait.ge [sflag:s4], $0x2000  }
0x3a6: {  	[sflag:s4] =	ssyncset.done $0x0  }
0x3a7: {  	[sflag:s4] =	ssyncadd.s32 $0xFFFFE000  }
0x3a8: {  	_ =	swait.ge [sflag:s4], $0x2000  }
0x3a9: {  	[sflag:s4] =	ssyncset.done $0x0  }
0x3aa: {  	[sflag:s4] =	ssyncadd.s32 $0xFFFFE000  }
0x3ab: {  	_ =	swait.ge [sflag:s4], $0x2000  }
0x3ac: {  	[sflag:s4] =	ssyncset.done $0x0  }
0x3ad: {  	[sflag:s4] =	ssyncadd.s32 $0xFFFFE000  }
0x3ae: {  	_ =	swait.ge [sflag:s4], $0x2000  }
0x3af: {  	[sflag:s4] =	ssyncset.done $0x0  }
0x3b0: {  	[sflag:s4] =	ssyncadd.s32 $0xFFFFE000  }
0x3b1: {  	_ =	swait.ge [sflag:s4], $0x2000  }
0x3b2: {  	[sflag:s4] =	ssyncset.done $0x0  }
0x3b3: {  	[sflag:s4] =	ssyncadd.s32 $0xFFFFE000  }
0x3b4: {  	_ =	sfence.sel $0x180000  }
0x3b5: {  	[bflag:$0x0] =	sbarrier.arrive $0xFFFF  }
0x3b6: {  	_ =	strace $0x90000047  }
0x3b7: {  	[bflag:$0x2] =	sbarrier.arrive $0xFFFF  }
0x3b8: {  	p0 =	sne.s32 s15, $0x0;
	s0 =	rddreg [dreg:$0x3]  }
0x3b9: {  	s0 =	sadd.s32 @!p0 $0x100000, s0  }
0x3ba: {  	[sflag:s0] =	ssyncadd.tile.s32 @!p0 $0x1;
	_ =	shalt  }
.LBB2_1:
.Ltmp3:
0x3bb: {  	s23 =	simm.s32 $0xB80;
	(pc) =	sbr.rel .LBB2_6-.Ltmp3, $4  }
0x3bc: {  	s29 =	simm.s32 $0xB00;
	s28 =	simm.s32 $0xA80;
	s26 =	simm.s32 $0xA00  }
0x3bd: {  	s25 =	simm.s32 $0x980;
	s24 =	simm.s32 $0x900;
	s22 =	simm.s32 $0xF00  }
0x3be: {  	s21 =	simm.s32 $0xE80;
	s20 =	simm.s32 $0xE00;
	s19 =	simm.s32 $0xD80  }
0x3bf: {  	s18 =	simm.s32 $0xD00;
	s17 =	simm.s32 $0xC80;
	s16 =	simm.s32 $0xC00  }
.LBB2_3:
.Ltmp4:
0x3c0: {  	s23 =	simm.s32 $0xB80;
	s29 =	simm.s32 $0xB00;
	(pc) =	sbr.rel .LBB2_6-.Ltmp4, $4  }
0x3c1: {  	s28 =	simm.s32 $0xA80;
	s26 =	simm.s32 $0xA00;
	s25 =	simm.s32 $0x980  }
0x3c2: {  	s24 =	simm.s32 $0x900;
	s22 =	simm.s32 $0xF00;
	s21 =	simm.s32 $0xE80  }
0x3c3: {  	s20 =	simm.s32 $0xE00;
	s19 =	simm.s32 $0xD80;
	s18 =	simm.s32 $0xD00  }
0x3c4: {  	s17 =	simm.s32 $0xC80;
	s16 =	simm.s32 $0xC00;
	s15 =	stileid.u32  }
.Lfunc_end2:
_tile_overlayer_lowered:
.L_overlay_start_2:
0x3c5: {  	(tag) =	ssettag $0x2  }
0x3c6: {  	s0 =	rddreg [dreg:$0x0];
	s2 =	stileid.u32  }
0x3c7: {  	s1 =	rddreg [dreg:$0x1];
	p0 =	sne.s32 s2, $0x0  }
0x3c8: {  	s3 =	rddreg [dreg:$0x2];
	[bflag:$0x3] =	sbarrier.arrive $0xFFFF;
	s2 =	simm.s32 @!p0 $0x1C03  }
0x3c9: {  	[timem:s3], [sflag:s2] =	dma.local @!p0 [hbm:s0], s1  }
0x3ca: {  	s0 =	simm.s32 @!p0 $0x3  }
0x3cb: {  	_ =	swait.ge @!p0 [sflag:s0], s1  }
0x3cc: {  	s1 =	ssub.s32 @!p0 $0x0, s1;
	[sflag:s0] =	ssyncset.done @!p0 $0x0  }
0x3cd: {  	[sflag:s0] =	ssyncadd.s32 @!p0 s1  }
0x3ce: {  	[bflag:$0x3] =	sbarrier.arrive $0xFFFF  }
0x3cf: {  	_ =	shalt  }

// kernel: sparse-core-data-format-call.1.cloned.1.call-start
scs
called_computation.1_lowered:
.L_overlay_start_0:
0x0: {  	s2 =	sld [smem:$0x3FD9]  }
0x1: {  	s3 =	sld [smem:$0x3FFE];
	_ =	sdelay $0x1  }
0x2: {  	s1 =	srdreg.scid  }
0x3: {  	s0 =	sand.u32 $0x1, s1  }
0x4: {  	s16 =	sshll.u32 s0, $0xA;
	s2 =	sadd.s32 s3, s2  }
0x5: {  	s2 =	sadd.s32 s2, s16  }
0x6: {  	[smem:$0x3FC5] =	sst s2  }
0x7: {  	_ = 	snop  }
0x8: {  	s2 =	sld [smem:$0x3FD0];
	_ =	sdelay $0x2  }
0x9: {  	s17 =	simm.s32 $0xB;
	s4 =	simm.s32 $0x10  }
0xa: {  	[smem:s4], [sflag:s17] =	dma.local [hbm:s2], $0x1  }
0xb: {  	_ =	swait.eq [sflag:s17], $0x1  }
0xc: {  	[sflag:s17] =	ssyncset.done $0x0  }
0xd: {  	[sflag:s17] =	ssyncadd.s32 $0xFFFFFFFF  }
0xe: {  	s18 =	sld [smem:$0x10];
	(tm) =	ssettm $0x1  }
0xf: {  	s19 =	sld [smem:$0x3FFB];
	_ =	sdelay $0x3  }
0x10: {  	_ =	strace s19  }
0x11: {  	s2 =	sld [smem:$0x3FFC];
	_ =	sdelay $0x3  }
0x12: {  	_ =	strace s2  }
0x13: {  	s2 =	sld [smem:$0x3FFD];
	_ =	sdelay $0x3  }
0x14: {  	_ =	strace s2  }
0x15: {  	_ =	strace $0x8FFFFFFF  }
0x16: {  	s20 =	sld [smem:$0x3FDB];
	_ =	sdelay $0x1  }
0x17: {  	s21 =	simm.s32 $_scs_section_size  }
0x18: {  	s5 =	simm.s32 $_size__tile_overlayer_lowered;
	s6 =	simm.s32 $_tile_overlayer_lowered  }
0x19: {  	s7 =	simm.s32 $0x1BFF;
	s22 =	sshll.u32 s6, $0x1;
	s4 =	sadd.s32 s21, s20  }
0x1a: {  	s23 =	simm.s32 $0x0;
	s5 =	sshll.u32 s5, $0x1;
	s6 =	sadd.s32 s22, s4  }
0x1b: {  	[timem:s23], [sflag:s7] =	dma.local [hbm:s6], s5  }
0x1c: {  	_ =	swait.ge [sflag:s7], s5  }
0x1d: {  	s5 =	ssub.s32 $0x0, s5;
	[sflag:s7] =	ssyncset.done $0x0  }
0x1e: {  	[sflag:s7] =	ssyncadd.s32 s5;
	_ =	sdelay $0x1  }
0x1f: {  	s24 =	simm.s32 $0x1B8B  }
0x20: {  	_ =	swait.ge [sflag:s24], $0x1  }
0x21: {  	[sflag:s24] =	ssyncset.done $0x0  }
0x22: {  	[sflag:s24] =	ssyncadd.s32 $0xFFFFFFFF  }
0x23: {  	s5 =	sld [smem:$0x0]  }
0x24: {  	s6 =	sand.u32 $0xFFFFFFFE, s1  }
0x25: {  	p0 =	sne.s32 s1, s6  }
0x26: {  	s6 =	sshll.u32 @p0 s6, $0xE  }
0x27: {  	s6 =	sadd.s32 @p0 $0x11B8D, s6;
	s7 =	sshll.u32 @p0 s5, $0x11  }
0x28: {  	s6 =	sor.u32 @p0 s7, s6  }
0x29: {  	[sflag:s6] =	ssyncadd.remote.s32 @p0 $0x1;
	_ =	sdelay $0x1  }
0x2a: {  	s6 =	simm.s32 @p0 $0x1B8D  }
0x2b: {  	_ =	swait.eq @p0 [sflag:s6], $0x1  }
0x2c: {  	[sflag:s6] =	ssyncadd.s32 @p0 $0xFFFFFFFF  }
0x2d: {  	s7 =	sshll.u32 @!p0 s1, $0xE  }
0x2e: {  	s7 =	sor.u32 @!p0 $0x4000, s7;
	s6 =	simm.s32 @!p0 $0x1B8D  }
0x2f: {  	s5 =	sshll.u32 @!p0 s5, $0x11;
	s7 =	sadd.s32 @!p0 $0x11B8D, s7;
	_ =	swait.eq @!p0 [sflag:s6], $0x1  }
0x30: {  	s5 =	sor.u32 @!p0 s5, s7;
	[sflag:s6] =	ssyncadd.s32 @!p0 $0xFFFFFFFF  }
0x31: {  	s26 =	simm.s32 $0x1B8E;
	s25 =	sld [smem:$0x3FFE];
	[sflag:s5] =	ssyncadd.remote.s32 @!p0 $0x1  }
0x32: {  	s27 =	simm.s32 $execute0_lowered;
	[smem:$0x3FD2] =	sst s26  }
0x33: {  	s6 =	sshll.u32 s27, $0x1;
	_ =	strace $0x8000004C;
	[dreg:$0x1] =	wrdreg $0xFFFFFFFF  }
0x34: {  	s28 =	simm.s32 $_size_execute0_lowered;
	s4 =	sadd.s32 s4, s6;
	[dreg:$0x0] =	wrdreg $0x0  }
0x35: {  	s6 =	sshll.u32 s28, $0x1;
	[dreg:$0x2] =	wrdreg s4  }
0x36: {  	[dreg:$0x3] =	wrdreg s6  }
0x37: {  	[dreg:$0x4] =	wrdreg $0xC0  }
0x38: {  	_ =	task [dreg:s23], $0x5FFFF  }
0x39: {  	[dreg:$0x1] =	wrdreg $0xFFFFFFFF  }
0x3a: {  	[dreg:$0x0] =	wrdreg $0x60  }
0x3b: {  	[dreg:$0x2] =	wrdreg s25  }
0x3c: {  	[dreg:$0x3] =	wrdreg s18  }
0x3d: {  	[dreg:$0x4] =	wrdreg $0x9  }
0x3e: {  	_ =	task.clear_ibuf [dreg:s23], $0x5FFFF;
	_ =	strace $0x9000004C  }
0x3f: {  	s29 =	simm.s32 $0x9;
	_ =	strace $0x8000004E  }
0x40: {  	_ =	swait.ge [sflag:s29], $0x1  }
0x41: {  	[sflag:s29] =	ssyncadd.s32 $0xFFFFFFFF  }
0x42: {  	_ =	strace $0x9000004E  }
0x43: {  	_ =	sfence  }
0x44: {  	s30 =	sld [smem:$0x0];
	_ =	sdelay $0x2  }
0x45: {  	s31 =	sshll.u32 s1, $0xD;
	s1 =	sshrl.u32 s1, $0x2  }
0x46: {  	s4 =	sand.u32 $0x4000, s31;
	s1 =	sadd.s32 s1, s30  }
0x47: {  	s0 =	sor.u32 s4, s0;
	s1 =	sshll.u32 s1, $0x11  }
0x48: {  	s0 =	sor.u32 s1, s0  }
0x49: {  	s0 =	sadd.s32 $0x8F2B, s0  }
0x4a: {  	[sflag:s0] =	ssyncadd.remote.s32 $0x1  }
0x4b: {  	_ =	sfence.sel $0xFFFF  }
0x4c: {  	[dreg:$0x0] =	wrdreg $0xFFFFFFFF;
	(pc) =	sbr.abs _section_cstart, $3  }
0x4d: {  	[dreg:$0x1] =	wrdreg $0xFFFFFFFF  }
0x4e: {  	_ =	task.clear_ibuf [dreg:s23], $0x2FFFF;
	_ =	strace $0x9FFFFFFF  }
0x4f: {  	(tm) =	ssettm $0x7FFFFFFF  }
tec
execute0_lowered:
.L_overlay_start_1:
0x0: {  	(tag) =	ssettag $0x1  }
0x1: {  	s0 =	srdreg.scid  }
0x2: {  	s1 =	sshll.u32 s0, $0x4  }
0x3: {  	s4 =	rddreg [dreg:$0x0];
	s0 =	stileid.u32;
	s1 =	sand.u32 $0x10, s1  }
0x4: {  	s2 =	rddreg [dreg:$0x1];
	s7 =	simm.s32 $0x1;
	s1 =	sor.u32 s0, s1  }
0x5: {  	s8 =	simm.s32 $0x2;
	s11 =	simm.s32 $0x0;
	s3 =	sshll.u32 s1, $0x7  }
0x6: {  	s10 =	simm.s32 $0x0;
	s4 =	sadd.s32 $0x1000, s4;
	s6 =	ssub.s32 $0x20000, s3  }
.Ltmp0:
0x7: {  	s1 =	rddreg [dreg:$0x2];
	s5 =	sand.u32 $0xF80, s6;
	(pc) =	sbr.rel .LBB1_1-.Ltmp0, $4  }
0x8: {  	_ =	strace $0x8000004D;
	s9 =	smov.u32 s3;
	p0 =	sne.s32 s5, $0x0  }
0x9: {  	s6 =	sshrl.u32 s6, $0xC;
	s5 =	simm.s32 $0x1;
	s7 =	simm.s32 @!p0 $0x0  }
0xa: {  	[sflag:s5] =	ssyncpa.u1 $0x0;
	p0 =	por $0x0, $0x0;
	s6 =	sadd.s32 s7, s6  }
0xb: {  	[sflag:s8] =	ssyncpa.u1 $0x0;
	s8 =	simm.s32 $0x100000;
	s7 =	sadd.s32 $0x1, s6  }
.LBB1_4:
0xc: {  	s14 =	sshll.u32 s11, $0x3  }
0xd: {  	s15 =	sand.u32 $0x78, s11;
	s14 =	sand.u32 $0x1FC00, s14  }
0xe: {  	[tilespmem:s13+$0x810 ss:$0x81] =	vst.msk $0xffff, v2;
	s29 =	sand.u32 $0xFC000, s11;
	s30 =	sand.u32 $0x7, s11;
	s14 =	sor.u32 s15, s14  }
0xf: {  	[tilespmem:s13+$0x1020 ss:$0x81] =	vst.msk $0xffff, v0;
	s11 =	sshll.u32 s30, $0x12;
	s15 =	sadd.s32 s2, s29;
	s14 =	sshrl.u32 s14, $0x3  }
0x10: {  	[tilespmem:s13+$0x0 ss:$0x81] =	vst.msk $0xffff, v1;
	s11 =	sor.u32 $0x400, s11;
	s31 =	sadd.s32 s14, s15  }
0x11: {  	[hbm4b:s31+s11] =	stream.strided.scatter [tilespmem:s12], [sflag:$0x2], $0x2000, s8, s11, $0x20;
	[tilespmem:$0x8080] =	vst v63  }
.LBB1_5:
0x12: {  	s13 =	sadd.s32 $0x1000, s9  }
0x13: {  	p2 =	sgt.s32 s13, $0x1FFFF  }
0x14: {  	s13 =	smov.u32 @p2 s3;
	p2 =	sne.s32 s10, s7  }
.Ltmp1:
0x15: {  	p1 =	slt.u32 s10, $0x2;
	(pc) =	sbr.rel @!p2 .LBB1_6-.Ltmp1, $4  }
0x16: {  	s12 =	simm.s32 @!p1 $0x2  }
0x17: {  	s14 =	sadd.s32 $0x1, s10;
	_ =	swait.ge @!p1 [sflag:s12], $0x2000  }
0x18: {  	s11 =	smov.u32 s9;
	p0 =	por !p0, !p0;
	[sflag:s12] =	ssyncset.done @!p1 $0x0  }
0x19: {  	s10 =	smov.u32 s14;
	s9 =	smov.u32 s13;
	[sflag:s12] =	ssyncadd.s32 @!p1 $0xFFFFE000  }
.LBB1_1:
0x1a: {  	p1 =	sge.u32 s10, s6  }
0x1b: {  	s31 =	sadd.s32 $0xFFFFFFFF, s10;
	s12 =	sxor.u32 @!p1 $0xFFFFFFFF, s10;
	s13 =	sshll.u32 @!p1 s9, $0x4  }
0x1c: {  	s14 =	simm.s32 @!p1 $0x40;
	s12 =	sshll.u32 @!p1 s12, $0xD;
	s13 =	sand.u32 @!p1 $0x1FFFF0, s13  }
0x1d: {  	s15 =	simm.s32 @!p1 $0x80;
	s12 =	sand.u32 @!p1 $0x2000, s12;
	s13 =	sadd.s32 @!p1 s4, s13  }
0x1e: {  	[tilespmem:s12], [sflag:$0x1] =	stream.strided.gather @!p1 [hbm4b:s13+s14], $0x2000, s15, s14, $0x38;
	[tilespmem:$0x8080] =	vst v63  }
0x1f: {  	p1 =	sge.u32 s31, s6  }
.Ltmp2:
0x20: {  	_ = 	snop;
	(pc) =	sbr.rel @p1 .LBB1_5-.Ltmp2, $1  }
0x21: {  	_ =	sdelay $0x3  }
0x22: {  	s12 =	simm.s32 $0x1  }
0x23: {  	_ =	swait.ge [sflag:s5], $0x2000;
	s12 =	simm.s32 @!p0 $0x0  }
0x24: {  	[sflag:s5] =	ssyncset.done $0x0;
	s13 =	sshll.u32 s12, $0xD  }
0x25: {  	[sflag:s5] =	ssyncadd.s32 $0xFFFFE000;
	s16 =	sor.u32 $0x20, s13  }
0x26: {  	s12 =	smul.u32 $0x8100, s12;
	v3 =	vld [tilespmem:s16+$0x10]  }
0x27: {  	s30 =	sand.u32 $0x1, s10;
	v2 =	vld [tilespmem:s16+$0xFFFFFFF0]  }
0x28: {  	s13 =	smul.u32 $0x8100, s30;
	s12 =	sshrl.u32 s12, $0x2;
	v0 =	vld [tilespmem:s16+$0x0]  }
0x29: {  	v1 =	vld [tilespmem:s16+$0xFFFFFFE0];
	s14 =	sor.u32 $0x4000, s12  }
0x2a: {  	s31 =	sshrl.u32 s13, $0x2;
	s13 =	sadd.s32 $0x0, s14  }
0x2b: {  	s15 =	simm.s32 $0x4;
	s16 =	sadd.s32 $0x40, s16;
	s12 =	sor.u32 $0x4000, s31;
	[tilespmem:s13+$0x1830 ss:$0x81] =	vst.msk $0xffff, v3  }
.LBB1_3:
0x2c: {  	v3 =	vld [tilespmem:s16+$0x10];
	p1 =	sne.s32 s15, $0x1FC;
	[tilespmem:s13+$0x810 ss:$0x81] =	vst.msk $0xffff, v2;
	s17 =	smov.u32 s15;
	s15 =	sadd.s32 $0x4, s15  }
.Ltmp3:
0x2d: {  	v2 =	vld [tilespmem:s16+$0xFFFFFFF0];
	[tilespmem:s13+$0x1020 ss:$0x81] =	vst.msk $0xffff, v0;
	(pc) =	sbr.rel @p1 .LBB1_3-.Ltmp3, $4  }
0x2e: {  	v0 =	vld [tilespmem:s16+$0x0];
	[tilespmem:s13+$0x0 ss:$0x81] =	vst.msk $0xffff, v1  }
0x2f: {  	s13 =	sshra.s32 s17, $0x2;
	v1 =	vld [tilespmem:s16+$0xFFFFFFE0]  }
0x30: {  	s13 =	sadd.s32 s13, s14  }
0x31: {  	s16 =	sadd.s32 $0x40, s16;
	[tilespmem:s13+$0x1830 ss:$0x81] =	vst.msk $0xffff, v3  }
.Ltmp4:
0x32: {  	_ = 	snop;
	(pc) =	sbr.rel .LBB1_4-.Ltmp4, $1  }
0x33: {  	_ =	sdelay $0x3  }
.LBB1_6:
0x34: {  	_ =	sfence.sel $0x180000  }
0x35: {  	s2 =	simm.s32 $0x1;
	[bflag:$0x0] =	sbarrier.arrive $0xFFFF  }
0x36: {  	s31 =	simm.s32 $0x2;
	[sflag:s2] =	ssyncpa.u1 $0x1  }
0x37: {  	[sflag:s31] =	ssyncpa.u1 $0x1  }
0x38: {  	p0 =	sne.s32 s0, $0x0;
	_ =	strace $0x9000004D  }
0x39: {  	s0 =	sadd.s32 @!p0 $0x100000, s1;
	[bflag:$0x2] =	sbarrier.arrive $0xFFFF  }
0x3a: {  	[sflag:s0] =	ssyncadd.tile.s32 @!p0 $0x1;
	_ =	shalt  }
.Lfunc_end1:
_tile_overlayer_lowered:
.L_overlay_start_2:
0x3b: {  	(tag) =	ssettag $0x2  }
0x3c: {  	s0 =	rddreg [dreg:$0x0];
	s2 =	stileid.u32  }
0x3d: {  	s1 =	rddreg [dreg:$0x1];
	p0 =	sne.s32 s2, $0x0  }
0x3e: {  	s3 =	rddreg [dreg:$0x2];
	[bflag:$0x3] =	sbarrier.arrive $0xFFFF;
	s2 =	simm.s32 @!p0 $0x1C01  }
0x3f: {  	[timem:s3], [sflag:s2] =	dma.local @!p0 [hbm:s0], s1  }
0x40: {  	s0 =	simm.s32 @!p0 $0x1  }
0x41: {  	_ =	swait.ge @!p0 [sflag:s0], s1  }
0x42: {  	s1 =	ssub.s32 @!p0 $0x0, s1;
	[sflag:s0] =	ssyncset.done @!p0 $0x0  }
0x43: {  	[sflag:s0] =	ssyncadd.s32 @!p0 s1  }
0x44: {  	[bflag:$0x3] =	sbarrier.arrive $0xFFFF  }
0x45: {  	_ =	shalt  }

// kernel: sparse-core-data-format-call.cloned.1.call-start
scs
called_computation_lowered:
.L_overlay_start_0:
0x0: {  	s2 =	sld [smem:$0x3FD9]  }
0x1: {  	s3 =	sld [smem:$0x3FFE];
	_ =	sdelay $0x1  }
0x2: {  	s1 =	srdreg.scid  }
0x3: {  	s0 =	sand.u32 $0x1, s1  }
0x4: {  	s16 =	sshll.u32 s0, $0xA;
	s2 =	sadd.s32 s3, s2  }
0x5: {  	s2 =	sadd.s32 s2, s16  }
0x6: {  	[smem:$0x3FC5] =	sst s2  }
0x7: {  	_ = 	snop  }
0x8: {  	s2 =	sld [smem:$0x3FD0];
	_ =	sdelay $0x2  }
0x9: {  	s17 =	simm.s32 $0xB;
	s4 =	simm.s32 $0x10  }
0xa: {  	[smem:s4], [sflag:s17] =	dma.local [hbm:s2], $0x1  }
0xb: {  	_ =	swait.eq [sflag:s17], $0x1  }
0xc: {  	[sflag:s17] =	ssyncset.done $0x0  }
0xd: {  	[sflag:s17] =	ssyncadd.s32 $0xFFFFFFFF  }
0xe: {  	s18 =	sld [smem:$0x11];
	(tm) =	ssettm $0x1  }
0xf: {  	s19 =	sld [smem:$0x3FFB];
	_ =	sdelay $0x3  }
0x10: {  	_ =	strace s19  }
0x11: {  	s2 =	sld [smem:$0x3FFC];
	_ =	sdelay $0x3  }
0x12: {  	_ =	strace s2  }
0x13: {  	s2 =	sld [smem:$0x3FFD];
	_ =	sdelay $0x3  }
0x14: {  	_ =	strace s2  }
0x15: {  	_ =	strace $0x8FFFFFFF  }
0x16: {  	s20 =	sld [smem:$0x3FDB];
	_ =	sdelay $0x1  }
0x17: {  	s21 =	simm.s32 $_scs_section_size  }
0x18: {  	s5 =	simm.s32 $_size__tile_overlayer_lowered;
	s6 =	simm.s32 $_tile_overlayer_lowered  }
0x19: {  	s7 =	simm.s32 $0x1BFF;
	s22 =	sshll.u32 s6, $0x1;
	s4 =	sadd.s32 s21, s20  }
0x1a: {  	s23 =	simm.s32 $0x0;
	s5 =	sshll.u32 s5, $0x1;
	s6 =	sadd.s32 s22, s4  }
0x1b: {  	[timem:s23], [sflag:s7] =	dma.local [hbm:s6], s5  }
0x1c: {  	_ =	swait.ge [sflag:s7], s5  }
0x1d: {  	s5 =	ssub.s32 $0x0, s5;
	[sflag:s7] =	ssyncset.done $0x0  }
0x1e: {  	[sflag:s7] =	ssyncadd.s32 s5;
	_ =	sdelay $0x1  }
0x1f: {  	s24 =	simm.s32 $0x1B8B  }
0x20: {  	_ =	swait.ge [sflag:s24], $0x1  }
0x21: {  	[sflag:s24] =	ssyncset.done $0x0  }
0x22: {  	[sflag:s24] =	ssyncadd.s32 $0xFFFFFFFF  }
0x23: {  	s5 =	sld [smem:$0x0]  }
0x24: {  	s6 =	sand.u32 $0xFFFFFFFE, s1  }
0x25: {  	p0 =	sne.s32 s1, s6  }
0x26: {  	s6 =	sshll.u32 @p0 s6, $0xE  }
0x27: {  	s6 =	sadd.s32 @p0 $0x11B8D, s6;
	s7 =	sshll.u32 @p0 s5, $0x11  }
0x28: {  	s6 =	sor.u32 @p0 s7, s6  }
0x29: {  	[sflag:s6] =	ssyncadd.remote.s32 @p0 $0x1;
	_ =	sdelay $0x1  }
0x2a: {  	s6 =	simm.s32 @p0 $0x1B8D  }
0x2b: {  	_ =	swait.eq @p0 [sflag:s6], $0x1  }
0x2c: {  	[sflag:s6] =	ssyncadd.s32 @p0 $0xFFFFFFFF  }
0x2d: {  	s7 =	sshll.u32 @!p0 s1, $0xE  }
0x2e: {  	s7 =	sor.u32 @!p0 $0x4000, s7;
	s6 =	simm.s32 @!p0 $0x1B8D  }
0x2f: {  	s5 =	sshll.u32 @!p0 s5, $0x11;
	s7 =	sadd.s32 @!p0 $0x11B8D, s7;
	_ =	swait.eq @!p0 [sflag:s6], $0x1  }
0x30: {  	s5 =	sor.u32 @!p0 s5, s7;
	[sflag:s6] =	ssyncadd.s32 @!p0 $0xFFFFFFFF  }
0x31: {  	s26 =	simm.s32 $0x1B8E;
	s25 =	sld [smem:$0x3FFE];
	[sflag:s5] =	ssyncadd.remote.s32 @!p0 $0x1  }
0x32: {  	s27 =	simm.s32 $execute0_lowered;
	[smem:$0x3FD2] =	sst s26  }
0x33: {  	s6 =	sshll.u32 s27, $0x1;
	_ =	strace $0x8000004F;
	[dreg:$0x1] =	wrdreg $0xFFFFFFFF  }
0x34: {  	s28 =	simm.s32 $_size_execute0_lowered;
	s4 =	sadd.s32 s4, s6;
	[dreg:$0x0] =	wrdreg $0x0  }
0x35: {  	s6 =	sshll.u32 s28, $0x1;
	[dreg:$0x2] =	wrdreg s4  }
0x36: {  	[dreg:$0x3] =	wrdreg s6  }
0x37: {  	[dreg:$0x4] =	wrdreg $0xC0  }
0x38: {  	_ =	task [dreg:s23], $0x5FFFF  }
0x39: {  	[dreg:$0x1] =	wrdreg $0xFFFFFFFF  }
0x3a: {  	[dreg:$0x0] =	wrdreg $0x60  }
0x3b: {  	[dreg:$0x2] =	wrdreg s25  }
0x3c: {  	[dreg:$0x3] =	wrdreg s18  }
0x3d: {  	[dreg:$0x4] =	wrdreg $0xA  }
0x3e: {  	_ =	task.clear_ibuf [dreg:s23], $0x5FFFF;
	_ =	strace $0x9000004F  }
0x3f: {  	s29 =	simm.s32 $0xA;
	_ =	strace $0x80000051  }
0x40: {  	_ =	swait.ge [sflag:s29], $0x1  }
0x41: {  	[sflag:s29] =	ssyncadd.s32 $0xFFFFFFFF  }
0x42: {  	_ =	strace $0x90000051  }
0x43: {  	_ =	sfence  }
0x44: {  	s30 =	sld [smem:$0x0];
	_ =	sdelay $0x2  }
0x45: {  	s31 =	sshll.u32 s1, $0xD;
	s1 =	sshrl.u32 s1, $0x2  }
0x46: {  	s4 =	sand.u32 $0x4000, s31;
	s1 =	sadd.s32 s1, s30  }
0x47: {  	s0 =	sor.u32 s4, s0;
	s1 =	sshll.u32 s1, $0x11  }
0x48: {  	s0 =	sor.u32 s1, s0  }
0x49: {  	s0 =	sadd.s32 $0x8F2B, s0  }
0x4a: {  	[sflag:s0] =	ssyncadd.remote.s32 $0x1  }
0x4b: {  	_ =	sfence.sel $0xFFFF  }
0x4c: {  	[dreg:$0x0] =	wrdreg $0xFFFFFFFF;
	(pc) =	sbr.abs _section_cstart, $3  }
0x4d: {  	[dreg:$0x1] =	wrdreg $0xFFFFFFFF  }
0x4e: {  	_ =	task.clear_ibuf [dreg:s23], $0x2FFFF;
	_ =	strace $0x9FFFFFFF  }
0x4f: {  	(tm) =	ssettm $0x7FFFFFFF  }
tec
execute0_lowered:
.L_overlay_start_1:
0x0: {  	(tag) =	ssettag $0x1  }
0x1: {  	s4 =	rddreg [dreg:$0x0]  }
0x2: {  	s0 =	srdreg.scid;
	s2 =	rddreg [dreg:$0x1]  }
0x3: {  	s1 =	stileid.u32;
	s5 =	simm.s32 $0x1;
	s0 =	sshll.u32 s0, $0x4  }
0x4: {  	s7 =	simm.s32 $0x2;
	s11 =	simm.s32 $0x0;
	s3 =	sand.u32 $0x10, s0  }
.Ltmp0:
0x5: {  	p0 =	por $0x0, $0x0;
	s3 =	sor.u32 s1, s3;
	(pc) =	sbr.rel .LBB1_1-.Ltmp0, $4  }
0x6: {  	s8 =	simm.s32 $0x7A1400;
	s10 =	simm.s32 $0x0;
	s3 =	sshll.u32 s3, $0x7  }
0x7: {  	s0 =	rddreg [dreg:$0x2];
	_ =	strace $0x80000050;
	s6 =	ssub.s32 $0xF4200, s3  }
0x8: {  	s4 =	sadd.s32 $0xAA2200, s4;
	[sflag:s5] =	ssyncpa.u1 $0x0;
	s6 =	sshrl.u32 s6, $0xC  }
0x9: {  	[sflag:s7] =	ssyncpa.u1 $0x0;
	s9 =	smov.u32 s3;
	s7 =	sadd.s32 $0x2, s6  }
.LBB1_5:
0xa: {  	s13 =	sadd.s32 $0x1000, s9  }
0xb: {  	p2 =	sgt.s32 s13, $0xF423F  }
0xc: {  	s13 =	smov.u32 @p2 s3;
	p2 =	sne.s32 s10, s7  }
.Ltmp1:
0xd: {  	p1 =	slt.u32 s10, $0x2;
	(pc) =	sbr.rel @!p2 .LBB1_6-.Ltmp1, $4  }
0xe: {  	s12 =	simm.s32 @!p1 $0x2  }
0xf: {  	s14 =	sadd.s32 $0x1, s10;
	_ =	swait.ge @!p1 [sflag:s12], $0x2000  }
0x10: {  	s11 =	smov.u32 s9;
	p0 =	por !p0, !p0;
	[sflag:s12] =	ssyncset.done @!p1 $0x0  }
0x11: {  	s10 =	smov.u32 s14;
	s9 =	smov.u32 s13;
	[sflag:s12] =	ssyncadd.s32 @!p1 $0xFFFFE000  }
.LBB1_1:
0x12: {  	p1 =	sgt.u32 s10, s6  }
0x13: {  	s13 =	smov.u32 s9;
	p2 =	sgt.s32 @!p1 s9, $0xF41C0  }
0x14: {  	s12 =	sand.u32 @!p1 $0x1FFFFFF, s9;
	s14 =	sshra.s32 @!p1 s9, $0x1F;
	p2 =	por !p2, p1  }
0x15: {  	s15 =	smulhi.u32 @!p1 $0x218DEF5, s12;
	s14 =	sand.u32 @!p1 s14, s9;
	s13 =	simm.s32 @p2 $0xF41C0  }
0x16: {  	s13 =	ssub.s32 @!p1 s13, s14  }
0x17: {  	s14 =	sshrl.u32 @!p1 s15, $0xD;
	s13 =	sadd.s32 @!p1 $0xFFF0BE40, s13  }
0x18: {  	s15 =	sxor.u32 @!p1 $0xFFFFFFFF, s10;
	s14 =	smul.u32 @!p1 $0xF4240, s14;
	s16 =	sshll.u32 @!p1 s13, $0x8  }
0x19: {  	s15 =	sshll.u32 @!p1 s15, $0xD;
	p2 =	sgt.s32 @!p1 s13, $0x7F;
	s13 =	ssub.s32 @!p1 $0x8000, s16  }
0x1a: {  	s12 =	ssub.s32 @!p1 s12, s14;
	p2 =	por !p2, p1;
	s14 =	sand.u32 @!p1 $0x2000, s15  }
0x1b: {  	s15 =	simm.s32 @!p1 $0x40;
	s13 =	sshrl.u32 @!p1 s13, $0x2;
	s12 =	sshll.u32 @!p1 s12, $0x4  }
0x1c: {  	s16 =	simm.s32 @!p1 $0x80;
	s13 =	simm.s32 @!p2 $0x0;
	s12 =	sadd.s32 @!p1 s4, s12  }
0x1d: {  	[tilespmem:s14], [sflag:$0x1] =	stream.strided.gather @!p1 [hbm4b:s12+s15], s13, s16, s15, $0x38;
	[tilespmem:$0x8080] =	vst v63  }
0x1e: {  	p1 =	seq.s32 s10, $0x0  }
0x1f: {  	p2 =	sge.u32 @!p1 s10, s7  }
0x20: {  	p1 =	por p1, p2  }
.Ltmp2:
0x21: {  	_ = 	snop;
	(pc) =	sbr.rel @p1 .LBB1_5-.Ltmp2, $1  }
0x22: {  	_ =	sdelay $0x3  }
0x23: {  	p1 =	sgt.s32 s11, $0xF41C0;
	s12 =	smov.u32 s11;
	s13 =	sshra.s32 s11, $0x1F  }
0x24: {  	s12 =	simm.s32 @!p1 $0xF41C0;
	s13 =	sand.u32 s13, s11  }
0x25: {  	s12 =	ssub.s32 s12, s13  }
0x26: {  	s12 =	sadd.s32 $0xFFF0BE40, s12  }
0x27: {  	s28 =	sshll.u32 s12, $0x8  }
0x28: {  	s13 =	ssub.s32 $0x8000, s28  }
0x29: {  	p1 =	sgt.s32 s12, $0x7F;
	s12 =	sshrl.u32 s13, $0x2  }
0x2a: {  	s13 =	simm.s32 $0x1;
	s12 =	simm.s32 @p1 $0x0  }
0x2b: {  	s13 =	simm.s32 @!p0 $0x0;
	_ =	swait.ge [sflag:s5], s12  }
0x2c: {  	s14 =	sshll.u32 s13, $0xD;
	s12 =	ssub.s32 $0x0, s12;
	[sflag:s5] =	ssyncset.done $0x0  }
0x2d: {  	s16 =	sor.u32 $0x20, s14;
	[sflag:s5] =	ssyncadd.s32 s12  }
0x2e: {  	s29 =	smul.u32 $0x8100, s13;
	v3 =	vld [tilespmem:s16+$0x10]  }
0x2f: {  	s30 =	sand.u32 $0x1, s10;
	v2 =	vld [tilespmem:s16+$0xFFFFFFF0]  }
0x30: {  	s13 =	smul.u32 $0x8100, s30;
	s12 =	sshrl.u32 s29, $0x2;
	v0 =	vld [tilespmem:s16+$0x0]  }
0x31: {  	s14 =	sor.u32 $0x4000, s12;
	v1 =	vld [tilespmem:s16+$0xFFFFFFE0]  }
0x32: {  	s31 =	sshrl.u32 s13, $0x2;
	s13 =	sadd.s32 $0x0, s14  }
0x33: {  	s15 =	simm.s32 $0x4;
	s12 =	sor.u32 $0x4000, s31;
	s16 =	sadd.s32 $0x40, s16;
	[tilespmem:s13+$0x1830 ss:$0x81] =	vst.msk $0xffff, v3  }
.LBB1_3:
0x34: {  	v3 =	vld [tilespmem:s16+$0x10];
	p1 =	sne.s32 s15, $0x1FC;
	[tilespmem:s13+$0x810 ss:$0x81] =	vst.msk $0xffff, v2;
	s17 =	smov.u32 s15;
	s15 =	sadd.s32 $0x4, s15  }
.Ltmp3:
0x35: {  	v2 =	vld [tilespmem:s16+$0xFFFFFFF0];
	[tilespmem:s13+$0x1020 ss:$0x81] =	vst.msk $0xffff, v0;
	(pc) =	sbr.rel @p1 .LBB1_3-.Ltmp3, $4  }
0x36: {  	v0 =	vld [tilespmem:s16+$0x0];
	[tilespmem:s13+$0x0 ss:$0x81] =	vst.msk $0xffff, v1  }
0x37: {  	s13 =	sshra.s32 s17, $0x2;
	v1 =	vld [tilespmem:s16+$0xFFFFFFE0]  }
0x38: {  	s13 =	sadd.s32 s13, s14  }
0x39: {  	s16 =	sadd.s32 $0x40, s16;
	[tilespmem:s13+$0x1830 ss:$0x81] =	vst.msk $0xffff, v3  }
0x3a: {  	s14 =	sshll.u32 s11, $0x3  }
0x3b: {  	s30 =	sand.u32 $0x7F, s11;
	s14 =	sand.u32 $0xFFFFFC00, s14  }
0x3c: {  	s11 =	sor.u32 s30, s14  }
0x3d: {  	s15 =	smulhi.u32 $0x218D6287, s11;
	_ =	sdelay $0x1  }
0x3e: {  	s14 =	smulhi.u32 $0x218D6287, s14;
	s15 =	sshrl.u32 s15, $0x11  }
0x3f: {  	s15 =	smul.u32 $0xF4280, s15  }
0x40: {  	s14 =	sshrl.u32 s14, $0x11  }
.Ltmp4:
0x41: {  	s14 =	sand.u32 $0x3F, s14;
	s11 =	ssub.s32 s11, s15;
	(pc) =	sbr.rel .LBB1_5-.Ltmp4, $4  }
0x42: {  	[tilespmem:s13+$0x810 ss:$0x81] =	vst.msk $0xffff, v2;
	s14 =	smul.u32 $0x1E850, s14;
	s15 =	sshrl.u32 s11, $0x3;
	s11 =	sand.u32 $0x7, s11  }
0x43: {  	[tilespmem:s13+$0x1020 ss:$0x81] =	vst.msk $0xffff, v0;
	s15 =	sadd.s32 s2, s15;
	s11 =	sshll.u32 s11, $0x12  }
0x44: {  	[tilespmem:s13+$0x0 ss:$0x81] =	vst.msk $0xffff, v1;
	s31 =	sadd.s32 s14, s15;
	s11 =	sor.u32 $0x400, s11  }
0x45: {  	[hbm4b:s31+s11] =	stream.strided.scatter [tilespmem:s12], [sflag:$0x2], $0x2000, s8, s11, $0x20;
	[tilespmem:$0x8080] =	vst v63  }
.LBB1_6:
0x46: {  	_ =	sfence.sel $0x180000  }
0x47: {  	s2 =	simm.s32 $0x1;
	[bflag:$0x0] =	sbarrier.arrive $0xFFFF  }
0x48: {  	s31 =	simm.s32 $0x2;
	[sflag:s2] =	ssyncpa.u1 $0x1  }
0x49: {  	[sflag:s31] =	ssyncpa.u1 $0x1  }
0x4a: {  	p0 =	sne.s32 s1, $0x0;
	_ =	strace $0x90000050  }
0x4b: {  	s0 =	sadd.s32 @!p0 $0x100000, s0;
	[bflag:$0x2] =	sbarrier.arrive $0xFFFF  }
0x4c: {  	[sflag:s0] =	ssyncadd.tile.s32 @!p0 $0x1;
	_ =	shalt  }
.Lfunc_end1:
_tile_overlayer_lowered:
.L_overlay_start_2:
0x4d: {  	(tag) =	ssettag $0x2  }
0x4e: {  	s0 =	rddreg [dreg:$0x0];
	s2 =	stileid.u32  }
0x4f: {  	s1 =	rddreg [dreg:$0x1];
	p0 =	sne.s32 s2, $0x0  }
0x50: {  	s3 =	rddreg [dreg:$0x2];
	[bflag:$0x3] =	sbarrier.arrive $0xFFFF;
	s2 =	simm.s32 @!p0 $0x1C01  }
0x51: {  	[timem:s3], [sflag:s2] =	dma.local @!p0 [hbm:s0], s1  }
0x52: {  	s0 =	simm.s32 @!p0 $0x1  }
0x53: {  	_ =	swait.ge @!p0 [sflag:s0], s1  }
0x54: {  	s1 =	ssub.s32 @!p0 $0x0, s1;
	[sflag:s0] =	ssyncset.done @!p0 $0x0  }
0x55: {  	[sflag:s0] =	ssyncadd.s32 @!p0 s1  }
0x56: {  	[bflag:$0x3] =	sbarrier.arrive $0xFFFF  }
0x57: {  	_ =	shalt  }

</sc_bundles>
